<compile_context>
chip_gen: v7x
topology: tpu7x:2x2x1
jax: 0.10.2.dev20260603
libtpu: 0.0.44.dev20260713+nightly
codegen_flags: <defaults>
</compile_context>

<pallas_src>
import jax
import jax.numpy as jnp
from jax import lax
from jax.experimental import pallas as pl
from jax.experimental.pallas import tpu as pltpu
from jax.experimental.pallas import tpu_sc as plsc

C_DIM = 24
HID = 128
K = 20
NB = 5

Q = 256
NPAD = 10240
NY = 2048

SC_NC = 2
SC_NS = 16
SC_NW = SC_NC * SC_NS
SC_CH = 128


def _knn_kernel(pt_ref, pc_ref, idx_ref):
    f32 = jnp.float32
    b = pl.program_id(0)
    pt3 = pt_ref[0]
    pc3 = pc_ref[0]

    pn = jnp.sum(pt3 * pt3, axis=0, keepdims=True)
    pcn = jnp.sum(pc3 * pc3, axis=1, keepdims=True)
    mm = jax.lax.dot(pc3, pt3, preferred_element_type=f32)
    d2 = (pcn + pn) - 2.0 * mm

    iota = jax.lax.broadcasted_iota(jnp.int32, (NY, Q), 0).astype(f32)
    fny = f32(NY)

    rows = []
    for _ in range(K):
        m = jnp.min(d2, axis=0, keepdims=True)
        ii = jnp.where(d2 == m, iota, fny)
        j = jnp.min(ii, axis=0, keepdims=True)
        d2 = jnp.where(d2 == m, jnp.inf, d2)
        rows.append(j)
    idx = jnp.concatenate(rows, axis=0).astype(jnp.int32)
    idx_ref[0, 0] = idx + b * NY


def _tab_conv1_kernel(tab_ref, w1t_ref, t1_ref):
    t1_ref[0] = jax.lax.dot(tab_ref[0], w1t_ref[...],
                            preferred_element_type=jnp.float32)


SC_NBUF = 5


def _sc_gather(tab_hbm, idx_hbm, out_hbm, idx_v, rows_v, gsem, wsem):
    wid = lax.axis_index("s") * SC_NC + lax.axis_index("c")
    n_rows = out_hbm.shape[0]
    b_per_w = n_rows // SC_NW
    base = wid * b_per_w

    pltpu.sync_copy(idx_hbm.at[pl.ds(base, b_per_w)], idx_v)

    grp = SC_NBUF * SC_CH

    @pl.loop(0, b_per_w // grp)
    def _group(g):
        off = g * grp
        hs = [
            pltpu.async_copy(
                tab_hbm.at[idx_v.at[pl.ds(off + b * SC_CH, SC_CH)]],
                rows_v.at[b], gsem)
            for b in range(SC_NBUF)
        ]
        for h in hs:
            h.wait()
        ws = [
            pltpu.async_copy(
                rows_v.at[b],
                out_hbm.at[pl.ds(base + off + b * SC_CH, SC_CH)], wsem)
            for b in range(SC_NBUF)
        ]
        for w in ws:
            w.wait()


def _decode_kernel(g_ref, p_ref,
                   wp1_ref, b1_ref,
                   w2_ref, b2_ref, w3_ref, b3_ref,
                   fcp_w_ref, fcp_b_ref,
                   fcc_w_ref, fcc_b_ref,
                   fc0_w_ref, fc0_b_ref,
                   fc1_w_ref, fc1_b_ref,
                   fcout_w_ref, fcout_b_ref,
                   out_ref):
    f32 = jnp.float32
    p3 = p_ref[0]
    w2 = w2_ref[...]
    b2 = b2_ref[...]
    w3 = w3_ref[...]
    b3 = b3_ref[...]

    pterm = jax.lax.dot(p3, wp1_ref[...], preferred_element_type=f32) \
        + b1_ref[...]

    def lrelu(x):
        return jnp.where(x >= 0, x, 0.2 * x)

    c = jnp.full((Q, C_DIM), -jnp.inf, dtype=f32)
    for r in range(K):
        h = lrelu(g_ref[r] + pterm)
        h = lrelu(jax.lax.dot(h, w2, preferred_element_type=f32) + b2)
        h = lrelu(jax.lax.dot(h, w3, preferred_element_type=f32) + b3)
        c = jnp.maximum(c, h)

    net = jax.lax.dot(p3, fcp_w_ref[...], preferred_element_type=f32) \
        + fcp_b_ref[...]
    for i in range(NB):
        net = net + jax.lax.dot(c, fcc_w_ref[i],
                                preferred_element_type=f32) + fcc_b_ref[i]
        hmid = jax.lax.dot(jax.nn.relu(net), fc0_w_ref[i],
                           preferred_element_type=f32) + fc0_b_ref[i]
        dx = jax.lax.dot(jax.nn.relu(hmid), fc1_w_ref[i],
                         preferred_element_type=f32) + fc1_b_ref[i]
        net = net + dx
    occ = jnp.sum(jax.nn.relu(net) * fcout_w_ref[...], axis=1,
                  keepdims=True) + fcout_b_ref[...]
    out_ref[0, 0] = occ


CHUNK_NBLK = (4, 16, 16, 4)


@jax.jit
def kernel(p, pc, feat, params):
    f32 = jnp.float32
    P = params
    bs, nx, _ = p.shape

    p_pad = jnp.zeros((bs, NPAD, 3), f32).at[:, :nx].set(p)
    p_t = jnp.transpose(p_pad, (0, 2, 1))

    def bn_scale_shift(name):
        s = P[name + "_gamma"] / jnp.sqrt(P[name + "_var"] + 1e-5)
        t = P[name + "_beta"] - P[name + "_mean"] * s
        return s, t

    s1, tb1 = bn_scale_shift("bn1")
    s2, t2 = bn_scale_shift("bn2")
    s3, t3 = bn_scale_shift("bn3")

    w1 = P["conv1_W"].T * s1[None, :]
    w1y, w1x, w1f = w1[0:3], w1[3:6], w1[6:30]
    w1t = jnp.zeros((32, HID), f32).at[0:3].set(w1y).at[3:27].set(w1f)
    wp1 = w1x - w1y
    b1 = tb1[None, :]
    w2 = P["conv2_W"].T * s2[None, :]
    b2 = t2[None, :]
    w3 = P["conv3_W"].T * s3[None, :]
    b3 = t3[None, :]

    tab = jnp.zeros((bs, NY, 32), f32)
    tab = tab.at[:, :, 0:3].set(pc).at[:, :, 3:27].set(feat)
    t1_all = pl.pallas_call(
        _tab_conv1_kernel,
        grid=(bs,),
        in_specs=[
            pl.BlockSpec((1, NY, 32), lambda b: (b, 0, 0)),
            pl.BlockSpec((32, HID), lambda b: (0, 0)),
        ],
        out_specs=pl.BlockSpec((1, NY, HID), lambda b: (b, 0, 0)),
        out_shape=jax.ShapeDtypeStruct((bs, NY, HID), f32),
    )(tab, w1t)
    tab_flat = t1_all.reshape(bs * NY, HID)

    mesh = plsc.VectorSubcoreMesh(core_axis_name="c", subcore_axis_name="s",
                                  num_cores=SC_NC, num_subcores=SC_NS)

    def whole(shape):
        n = len(shape)
        return pl.BlockSpec(shape, lambda b, i: (0,) * n)

    outs = []
    qoff = 0
    for nblk in CHUNK_NBLK:
        npc = nblk * Q
        n_edges = bs * npc * K
        p_t_c = lax.slice_in_dim(p_t, qoff, qoff + npc, axis=2)
        idx = pl.pallas_call(
            _knn_kernel,
            grid=(bs, nblk),
            in_specs=[
                pl.BlockSpec((1, 3, Q), lambda b, i: (b, 0, i)),
                pl.BlockSpec((1, NY, 3), lambda b, i: (b, 0, 0)),
            ],
            out_specs=pl.BlockSpec((1, 1, K, Q), lambda b, i: (b, i, 0, 0)),
            out_shape=jax.ShapeDtypeStruct((bs, nblk, K, Q), jnp.int32),
        )(p_t_c, pc)

        gathered = pl.kernel(
            _sc_gather,
            out_type=jax.ShapeDtypeStruct((n_edges, HID), f32),
            mesh=mesh,
            scratch_types=[
                pltpu.VMEM((n_edges // SC_NW,), jnp.int32),
                pltpu.VMEM((SC_NBUF, SC_CH, HID), f32),
                pltpu.SemaphoreType.DMA,
                pltpu.SemaphoreType.DMA,
            ],
        )(tab_flat, idx.reshape(n_edges))
        g4 = gathered.reshape(bs * nblk * K, Q, HID)
        p_pad_c = lax.slice_in_dim(p_pad, qoff, qoff + npc, axis=1)

        nb = nblk
        out_c = pl.pallas_call(
            _decode_kernel,
            grid=(bs, nblk),
            in_specs=[
                pl.BlockSpec((K, Q, HID),
                             lambda b, i, nb=nb: (b * nb + i, 0, 0)),
                pl.BlockSpec((1, Q, 3), lambda b, i: (b, i, 0)),
                whole((3, HID)), whole((1, HID)),
                whole((HID, HID)), whole((1, HID)),
                whole((HID, C_DIM)), whole((1, C_DIM)),
                whole((3, HID)), whole((1, HID)),
                whole((NB, C_DIM, HID)), whole((NB, 1, HID)),
                whole((NB, HID, HID)), whole((NB, 1, HID)),
                whole((NB, HID, HID)), whole((NB, 1, HID)),
                whole((1, HID)), whole((1, 1)),
            ],
            out_specs=pl.BlockSpec((1, 1, Q, 1), lambda b, i: (b, i, 0, 0)),
            out_shape=jax.ShapeDtypeStruct((bs, nblk, Q, 1), f32),
        )(
            g4, p_pad_c,
            wp1, b1, w2, b2, w3, b3,
            P["fcp_W"], P["fcp_b"][None, :],
            P["fcc_W"], P["fcc_b"][:, None, :],
            P["fc0_W"], P["fc0_b"][:, None, :],
            P["fc1_W"], P["fc1_b"][:, None, :],
            P["fcout_W"].T, P["fcout_b"][None, :],
        )
        outs.append(out_c.reshape(bs, npc))
        qoff += npc

    return jnp.concatenate(outs, axis=1)[:, :nx]

# --- scband reference (transcript-rebuilt; emitter-appended) ---
"""Pipeline reference for scband-dgcnndecoder-46127948759241 (READ-ONLY COPY).

The authoritative reference and input builder live on the scoring server;
editing this copy changes nothing except your own understanding.
"""

import jax, jax.numpy as jnp
import numpy as np

C_DIM = 24
HID = 128
K = 20
NB = 5
BS = 2
NX = 10000
NY = 2048


def _init_params(key):
    keys = jax.random.split(key, 16)

    def nrm(k, shape, scale=0.05):
        return jax.random.normal(k, shape, dtype=jnp.float32) * scale

    P = {}
    P["conv1_W"] = nrm(keys[0], (HID, 6 + C_DIM))
    P["conv2_W"] = nrm(keys[1], (HID, HID))
    P["conv3_W"] = nrm(keys[2], (C_DIM, HID))
    for name, dim in (("bn1", HID), ("bn2", HID), ("bn3", C_DIM)):
        P[name + "_gamma"] = jnp.ones((dim,), dtype=jnp.float32)
        P[name + "_beta"] = jnp.zeros((dim,), dtype=jnp.float32)
        P[name + "_mean"] = jnp.zeros((dim,), dtype=jnp.float32)
        P[name + "_var"] = jnp.ones((dim,), dtype=jnp.float32)
    P["fcp_W"] = nrm(keys[3], (3, HID))
    P["fcp_b"] = jnp.zeros((HID,), dtype=jnp.float32)
    P["fcc_W"] = nrm(keys[4], (NB, C_DIM, HID))
    P["fcc_b"] = jnp.zeros((NB, HID), dtype=jnp.float32)
    P["fc0_W"] = nrm(keys[5], (NB, HID, HID))
    P["fc0_b"] = jnp.zeros((NB, HID), dtype=jnp.float32)
    P["fc1_W"] = nrm(keys[6], (NB, HID, HID))
    P["fc1_b"] = jnp.zeros((NB, HID), dtype=jnp.float32)
    P["fcout_W"] = nrm(keys[7], (HID, 1))
    P["fcout_b"] = jnp.zeros((1,), dtype=jnp.float32)
    return P


def setup_inputs(seed: int = 0):
    key = jax.random.key(seed)
    k1, k2, k3, k4 = jax.random.split(key, 4)
    p = jax.random.normal(k1, (BS, NX, 3), dtype=jnp.float32)
    pc = jax.random.normal(k2, (BS, NY, 3), dtype=jnp.float32)
    feat = jax.random.normal(k3, (BS, NY, C_DIM), dtype=jnp.float32)
    params = _init_params(k4)
    return {"p": p, "pc": pc, "feat": feat, "params": params}


def _bn(h, P, name, eps=1e-5):
    # BatchNorm2d in eval mode over the channel (last) axis
    return (h - P[name + "_mean"]) / jnp.sqrt(P[name + "_var"] + eps) * P[name + "_gamma"] + P[name + "_beta"]


def _lrelu(x):
    return jnp.where(x >= 0, x, 0.2 * x)


def _forward(p, pc, feat, P):
    # _graph_feats: for each query point in p, K nearest code points in pc (per batch, brute force)
    d2 = (jnp.sum(p * p, -1)[:, :, None]
          + jnp.sum(pc * pc, -1)[:, None, :]
          - 2.0 * jnp.einsum("bnd,bmd->bnm", p, pc))
    idx = jax.lax.top_k(-d2, K)[1]  # [BS, NX, K] indices into pc per batch
    gather = jax.vmap(lambda tab, ib: jnp.take(tab, ib, axis=0))
    y_nb = gather(pc, idx)    # [BS, NX, K, 3]
    f_nb = gather(feat, idx)  # [BS, NX, K, C_DIM]
    edge = y_nb - p[:, :, None, :]
    x_nb = jnp.broadcast_to(p[:, :, None, :], edge.shape)
    # cat([edge, x, yfeat]) along channel -> 1x1 conv stacks (channel-last equivalent)
    h = jnp.concatenate([edge, x_nb, f_nb], axis=-1)  # [BS, NX, K, 6+C_DIM]
    h = _lrelu(_bn(h @ P["conv1_W"].T, P, "bn1"))
    h = _lrelu(_bn(h @ P["conv2_W"].T, P, "bn2"))
    h = _lrelu(_bn(h @ P["conv3_W"].T, P, "bn3"))
    c = jnp.max(h, axis=2)  # max over neighbors -> [BS, NX, C_DIM]
    net = p @ P["fcp_W"] + P["fcp_b"]
    for i in range(NB):
        net = net + c @ P["fcc_W"][i] + P["fcc_b"][i]
        # ResnetBlockFC: x + fc1(relu(fc0(relu(x)))) with identity shortcut
        hmid = jax.nn.relu(net) @ P["fc0_W"][i] + P["fc0_b"][i]
        dx = jax.nn.relu(hmid) @ P["fc1_W"][i] + P["fc1_b"][i]
        net = net + dx
    occ = jax.nn.relu(net) @ P["fcout_W"] + P["fcout_b"]
    return occ[..., 0]  # [BS, NX] (eval mode: no scatter_add branch)


def reference(p, pc, feat, params):
    return _forward(p, pc, feat, params)

if __name__ == "__main__":
    import jax
    _d = setup_inputs()
    print(jax.jit(kernel)(*tuple(_d.values())))

</pallas_src>

<mosaic_0001>
#map = affine_map<(d0, d1) -> (0, 0)>
#map1 = affine_map<(d0, d1) -> (0)>
module attributes {stable_mosaic.version = 14 : i64} {
  func.func @_sc_gather(%arg0: i32, %arg1: i32, %arg2: memref<4096x128xf32, #tpu.memory_space<hbm>>, %arg3: memref<163840xi32, #tpu.memory_space<hbm>>, %arg4: memref<163840x128xf32, #tpu.memory_space<hbm>>, %arg5: memref<5120xi32, #tpu.memory_space<vmem>>, %arg6: memref<5x128x128xf32, #tpu.memory_space<vmem>>, %arg7: memref<!tpu.dma_semaphore, #tpu.memory_space<semaphore_mem>>, %arg8: memref<!tpu.dma_semaphore, #tpu.memory_space<semaphore_mem>>) attributes {dimension_semantics = [#tpu.dimension_semantics<core_parallel>, #tpu.dimension_semantics<subcore_parallel>], iteration_bounds = array<i64: 2, 16>, scalar_prefetch = 0 : i64, scratch_operands = 4 : i64, tpu.core_type = #tpu.core_type<sc_vector_subcore>, window_params = [{transform_indices = #map}, {transform_indices = #map1}, {transform_indices = #map}]} {
    %mul3A = arith.constant 2 : i32
    %mul3A_0 = arith.muli %arg1, %mul3A : i32
    %add3A = arith.addi %mul3A_0, %arg0 : i32
    %mul3A_1 = arith.constant 5120 : i32
    %mul3A_2 = arith.muli %add3A, %mul3A_1 : i32
    "tpu.region"() ({
      %run_scoped3A = tpu.sem_alloc : memref<!tpu.dma_semaphore, #tpu.memory_space<semaphore_mem>>
      %dma_start3A = tpu.memref_slice %arg3[%mul3A_2] : memref<163840xi32, #tpu.memory_space<hbm>> -> memref<5120xi32, #tpu.memory_space<hbm>>
      %dma_start3A_7 = tpu.memref_slice %arg3[%mul3A_2] : memref<163840xi32, #tpu.memory_space<hbm>> -> memref<5120xi32, #tpu.memory_space<hbm>>
      tpu.enqueue_dma source(%dma_start3A_7 : memref<5120xi32, #tpu.memory_space<hbm>>) target(%arg5 : memref<5120xi32, #tpu.memory_space<vmem>>) target_semaphore(%run_scoped3A : memref<!tpu.dma_semaphore, #tpu.memory_space<semaphore_mem>>)
      %dma_wait3A = tpu.memref_slice %arg3[%mul3A_2] : memref<163840xi32, #tpu.memory_space<hbm>> -> memref<5120xi32, #tpu.memory_space<hbm>>
      %dma_wait3A_8 = tpu.memref_slice %arg3[%mul3A_2] : memref<163840xi32, #tpu.memory_space<hbm>> -> memref<5120xi32, #tpu.memory_space<hbm>>
      tpu.wait_dma2 semaphore(%run_scoped3A : memref<!tpu.dma_semaphore, #tpu.memory_space<semaphore_mem>>) src(%dma_wait3A_8 : memref<5120xi32, #tpu.memory_space<hbm>>) dst(%arg5 : memref<5120xi32, #tpu.memory_space<vmem>>)
      tpu.yield
    }) : () -> ()
    %scan3A = arith.constant 0 : i32
    %scan3A_3 = arith.constant 8 : i32
    %scan3A_4 = arith.addi %scan3A, %scan3A_3 : i32
    %scan3A_5 = arith.constant 1 : i32
    scf.for %scan3A_7 = %scan3A to %scan3A_4 step %scan3A_5  : i32 {
      %mul3A_8 = arith.constant 1 : i32
      %mul3A_9 = arith.muli %scan3A_7, %mul3A_8 : i32
      %add3A_10 = arith.constant 0 : i32
      %add3A_11 = arith.addi %add3A_10, %mul3A_9 : i32
      %mul3A_12 = arith.constant 640 : i32
      %mul3A_13 = arith.muli %add3A_11, %mul3A_12 : i32
      %add3A_14 = arith.constant 0 : i32
      %add3A_15 = arith.addi %mul3A_13, %add3A_14 : i32
      %dma_start3A = arith.constant 0 : i32
      %dma_start3A_16 = arith.constant 0 : i32
      %dma_start3A_17 = arith.constant 0 : i32
      %dma_start3A_18 = tpu.memref_slice %arg6[%dma_start3A, %dma_start3A_16, %dma_start3A_17] : memref<5x128x128xf32, #tpu.memory_space<vmem>> -> memref<1x128x128xf32, #tpu.memory_space<vmem>>
      %dma_start3A_19 = tpu.memref_squeeze %dma_start3A_18 : memref<1x128x128xf32, #tpu.memory_space<vmem>> -> memref<128x128xf32, #tpu.memory_space<vmem>>
      %dma_start3A_20 = tpu.memref_slice %arg5[%add3A_15] : memref<5120xi32, #tpu.memory_space<vmem>> -> memref<128xi32, #tpu.memory_space<vmem>>
      %dma_start3A_21 = arith.constant 0 : i32
      %dma_start3A_22 = arith.constant 0 : i32
      %dma_start3A_23 = tpu.memref_slice %arg2[%dma_start3A_21, %dma_start3A_22] : memref<4096x128xf32, #tpu.memory_space<hbm>> -> memref<4096x128xf32, #tpu.memory_space<hbm>>
      tpu.enqueue_indirect_dma source(%dma_start3A_23 : memref<4096x128xf32, #tpu.memory_space<hbm>>) target(%dma_start3A_19 : memref<128x128xf32, #tpu.memory_space<vmem>>) offsets(%dma_start3A_20 : memref<128xi32, #tpu.memory_space<vmem>>) semaphore(%arg7 : memref<!tpu.dma_semaphore, #tpu.memory_space<semaphore_mem>>)
      %add3A_24 = arith.constant 128 : i32
      %add3A_25 = arith.addi %mul3A_13, %add3A_24 : i32
      %dma_start3A_26 = arith.constant 1 : i32
      %dma_start3A_27 = arith.constant 0 : i32
      %dma_start3A_28 = arith.constant 0 : i32
      %dma_start3A_29 = tpu.memref_slice %arg6[%dma_start3A_26, %dma_start3A_27, %dma_start3A_28] : memref<5x128x128xf32, #tpu.memory_space<vmem>> -> memref<1x128x128xf32, #tpu.memory_space<vmem>>
      %dma_start3A_30 = tpu.memref_squeeze %dma_start3A_29 : memref<1x128x128xf32, #tpu.memory_space<vmem>> -> memref<128x128xf32, #tpu.memory_space<vmem>>
      %dma_start3A_31 = tpu.memref_slice %arg5[%add3A_25] : memref<5120xi32, #tpu.memory_space<vmem>> -> memref<128xi32, #tpu.memory_space<vmem>>
      %dma_start3A_32 = arith.constant 0 : i32
      %dma_start3A_33 = arith.constant 0 : i32
      %dma_start3A_34 = tpu.memref_slice %arg2[%dma_start3A_32, %dma_start3A_33] : memref<4096x128xf32, #tpu.memory_space<hbm>> -> memref<4096x128xf32, #tpu.memory_space<hbm>>
      tpu.enqueue_indirect_dma source(%dma_start3A_34 : memref<4096x128xf32, #tpu.memory_space<hbm>>) target(%dma_start3A_30 : memref<128x128xf32, #tpu.memory_space<vmem>>) offsets(%dma_start3A_31 : memref<128xi32, #tpu.memory_space<vmem>>) semaphore(%arg7 : memref<!tpu.dma_semaphore, #tpu.memory_space<semaphore_mem>>)
      %add3A_35 = arith.constant 256 : i32
      %add3A_36 = arith.addi %mul3A_13, %add3A_35 : i32
      %dma_start3A_37 = arith.constant 2 : i32
      %dma_start3A_38 = arith.constant 0 : i32
      %dma_start3A_39 = arith.constant 0 : i32
      %dma_start3A_40 = tpu.memref_slice %arg6[%dma_start3A_37, %dma_start3A_38, %dma_start3A_39] : memref<5x128x128xf32, #tpu.memory_space<vmem>> -> memref<1x128x128xf32, #tpu.memory_space<vmem>>
      %dma_start3A_41 = tpu.memref_squeeze %dma_start3A_40 : memref<1x128x128xf32, #tpu.memory_space<vmem>> -> memref<128x128xf32, #tpu.memory_space<vmem>>
      %dma_start3A_42 = tpu.memref_slice %arg5[%add3A_36] : memref<5120xi32, #tpu.memory_space<vmem>> -> memref<128xi32, #tpu.memory_space<vmem>>
      %dma_start3A_43 = arith.constant 0 : i32
      %dma_start3A_44 = arith.constant 0 : i32
      %dma_start3A_45 = tpu.memref_slice %arg2[%dma_start3A_43, %dma_start3A_44] : memref<4096x128xf32, #tpu.memory_space<hbm>> -> memref<4096x128xf32, #tpu.memory_space<hbm>>
      tpu.enqueue_indirect_dma source(%dma_start3A_45 : memref<4096x128xf32, #tpu.memory_space<hbm>>) target(%dma_start3A_41 : memref<128x128xf32, #tpu.memory_space<vmem>>) offsets(%dma_start3A_42 : memref<128xi32, #tpu.memory_space<vmem>>) semaphore(%arg7 : memref<!tpu.dma_semaphore, #tpu.memory_space<semaphore_mem>>)
      %add3A_46 = arith.constant 384 : i32
      %add3A_47 = arith.addi %mul3A_13, %add3A_46 : i32
      %dma_start3A_48 = arith.constant 3 : i32
      %dma_start3A_49 = arith.constant 0 : i32
      %dma_start3A_50 = arith.constant 0 : i32
      %dma_start3A_51 = tpu.memref_slice %arg6[%dma_start3A_48, %dma_start3A_49, %dma_start3A_50] : memref<5x128x128xf32, #tpu.memory_space<vmem>> -> memref<1x128x128xf32, #tpu.memory_space<vmem>>
      %dma_start3A_52 = tpu.memref_squeeze %dma_start3A_51 : memref<1x128x128xf32, #tpu.memory_space<vmem>> -> memref<128x128xf32, #tpu.memory_space<vmem>>
      %dma_start3A_53 = tpu.memref_slice %arg5[%add3A_47] : memref<5120xi32, #tpu.memory_space<vmem>> -> memref<128xi32, #tpu.memory_space<vmem>>
      %dma_start3A_54 = arith.constant 0 : i32
      %dma_start3A_55 = arith.constant 0 : i32
      %dma_start3A_56 = tpu.memref_slice %arg2[%dma_start3A_54, %dma_start3A_55] : memref<4096x128xf32, #tpu.memory_space<hbm>> -> memref<4096x128xf32, #tpu.memory_space<hbm>>
      tpu.enqueue_indirect_dma source(%dma_start3A_56 : memref<4096x128xf32, #tpu.memory_space<hbm>>) target(%dma_start3A_52 : memref<128x128xf32, #tpu.memory_space<vmem>>) offsets(%dma_start3A_53 : memref<128xi32, #tpu.memory_space<vmem>>) semaphore(%arg7 : memref<!tpu.dma_semaphore, #tpu.memory_space<semaphore_mem>>)
      %add3A_57 = arith.constant 512 : i32
      %add3A_58 = arith.addi %mul3A_13, %add3A_57 : i32
      %dma_start3A_59 = arith.constant 4 : i32
      %dma_start3A_60 = arith.constant 0 : i32
      %dma_start3A_61 = arith.constant 0 : i32
      %dma_start3A_62 = tpu.memref_slice %arg6[%dma_start3A_59, %dma_start3A_60, %dma_start3A_61] : memref<5x128x128xf32, #tpu.memory_space<vmem>> -> memref<1x128x128xf32, #tpu.memory_space<vmem>>
      %dma_start3A_63 = tpu.memref_squeeze %dma_start3A_62 : memref<1x128x128xf32, #tpu.memory_space<vmem>> -> memref<128x128xf32, #tpu.memory_space<vmem>>
      %dma_start3A_64 = tpu.memref_slice %arg5[%add3A_58] : memref<5120xi32, #tpu.memory_space<vmem>> -> memref<128xi32, #tpu.memory_space<vmem>>
      %dma_start3A_65 = arith.constant 0 : i32
      %dma_start3A_66 = arith.constant 0 : i32
      %dma_start3A_67 = tpu.memref_slice %arg2[%dma_start3A_65, %dma_start3A_66] : memref<4096x128xf32, #tpu.memory_space<hbm>> -> memref<4096x128xf32, #tpu.memory_space<hbm>>
      tpu.enqueue_indirect_dma source(%dma_start3A_67 : memref<4096x128xf32, #tpu.memory_space<hbm>>) target(%dma_start3A_63 : memref<128x128xf32, #tpu.memory_space<vmem>>) offsets(%dma_start3A_64 : memref<128xi32, #tpu.memory_space<vmem>>) semaphore(%arg7 : memref<!tpu.dma_semaphore, #tpu.memory_space<semaphore_mem>>)
      %dma_wait3A = arith.constant 0 : i32
      %dma_wait3A_68 = arith.constant 0 : i32
      %dma_wait3A_69 = arith.constant 0 : i32
      %dma_wait3A_70 = tpu.memref_slice %arg6[%dma_wait3A, %dma_wait3A_68, %dma_wait3A_69] : memref<5x128x128xf32, #tpu.memory_space<vmem>> -> memref<1x128x128xf32, #tpu.memory_space<vmem>>
      %dma_wait3A_71 = tpu.memref_squeeze %dma_wait3A_70 : memref<1x128x128xf32, #tpu.memory_space<vmem>> -> memref<128x128xf32, #tpu.memory_space<vmem>>
      %dma_wait3A_72 = tpu.memref_slice %arg5[%add3A_15] : memref<5120xi32, #tpu.memory_space<vmem>> -> memref<128xi32, #tpu.memory_space<vmem>>
      %dma_wait3A_73 = arith.constant 0 : i32
      %dma_wait3A_74 = arith.constant 0 : i32
      %dma_wait3A_75 = tpu.memref_slice %arg2[%dma_wait3A_73, %dma_wait3A_74] : memref<4096x128xf32, #tpu.memory_space<hbm>> -> memref<4096x128xf32, #tpu.memory_space<hbm>>
      tpu.wait_indirect_dma semaphore(%arg7 : memref<!tpu.dma_semaphore, #tpu.memory_space<semaphore_mem>>) src(%dma_wait3A_75 : memref<4096x128xf32, #tpu.memory_space<hbm>>) dst(%dma_wait3A_71 : memref<128x128xf32, #tpu.memory_space<vmem>>)
      %dma_wait3A_76 = arith.constant 1 : i32
      %dma_wait3A_77 = arith.constant 0 : i32
      %dma_wait3A_78 = arith.constant 0 : i32
      %dma_wait3A_79 = tpu.memref_slice %arg6[%dma_wait3A_76, %dma_wait3A_77, %dma_wait3A_78] : memref<5x128x128xf32, #tpu.memory_space<vmem>> -> memref<1x128x128xf32, #tpu.memory_space<vmem>>
      %dma_wait3A_80 = tpu.memref_squeeze %dma_wait3A_79 : memref<1x128x128xf32, #tpu.memory_space<vmem>> -> memref<128x128xf32, #tpu.memory_space<vmem>>
      %dma_wait3A_81 = tpu.memref_slice %arg5[%add3A_25] : memref<5120xi32, #tpu.memory_space<vmem>> -> memref<128xi32, #tpu.memory_space<vmem>>
      %dma_wait3A_82 = arith.constant 0 : i32
      %dma_wait3A_83 = arith.constant 0 : i32
      %dma_wait3A_84 = tpu.memref_slice %arg2[%dma_wait3A_82, %dma_wait3A_83] : memref<4096x128xf32, #tpu.memory_space<hbm>> -> memref<4096x128xf32, #tpu.memory_space<hbm>>
      tpu.wait_indirect_dma semaphore(%arg7 : memref<!tpu.dma_semaphore, #tpu.memory_space<semaphore_mem>>) src(%dma_wait3A_84 : memref<4096x128xf32, #tpu.memory_space<hbm>>) dst(%dma_wait3A_80 : memref<128x128xf32, #tpu.memory_space<vmem>>)
      %dma_wait3A_85 = arith.constant 2 : i32
      %dma_wait3A_86 = arith.constant 0 : i32
      %dma_wait3A_87 = arith.constant 0 : i32
      %dma_wait3A_88 = tpu.memref_slice %arg6[%dma_wait3A_85, %dma_wait3A_86, %dma_wait3A_87] : memref<5x128x128xf32, #tpu.memory_space<vmem>> -> memref<1x128x128xf32, #tpu.memory_space<vmem>>
      %dma_wait3A_89 = tpu.memref_squeeze %dma_wait3A_88 : memref<1x128x128xf32, #tpu.memory_space<vmem>> -> memref<128x128xf32, #tpu.memory_space<vmem>>
      %dma_wait3A_90 = tpu.memref_slice %arg5[%add3A_36] : memref<5120xi32, #tpu.memory_space<vmem>> -> memref<128xi32, #tpu.memory_space<vmem>>
      %dma_wait3A_91 = arith.constant 0 : i32
      %dma_wait3A_92 = arith.constant 0 : i32
      %dma_wait3A_93 = tpu.memref_slice %arg2[%dma_wait3A_91, %dma_wait3A_92] : memref<4096x128xf32, #tpu.memory_space<hbm>> -> memref<4096x128xf32, #tpu.memory_space<hbm>>
      tpu.wait_indirect_dma semaphore(%arg7 : memref<!tpu.dma_semaphore, #tpu.memory_space<semaphore_mem>>) src(%dma_wait3A_93 : memref<4096x128xf32, #tpu.memory_space<hbm>>) dst(%dma_wait3A_89 : memref<128x128xf32, #tpu.memory_space<vmem>>)
      %dma_wait3A_94 = arith.constant 3 : i32
      %dma_wait3A_95 = arith.constant 0 : i32
      %dma_wait3A_96 = arith.constant 0 : i32
      %dma_wait3A_97 = tpu.memref_slice %arg6[%dma_wait3A_94, %dma_wait3A_95, %dma_wait3A_96] : memref<5x128x128xf32, #tpu.memory_space<vmem>> -> memref<1x128x128xf32, #tpu.memory_space<vmem>>
      %dma_wait3A_98 = tpu.memref_squeeze %dma_wait3A_97 : memref<1x128x128xf32, #tpu.memory_space<vmem>> -> memref<128x128xf32, #tpu.memory_space<vmem>>
      %dma_wait3A_99 = tpu.memref_slice %arg5[%add3A_47] : memref<5120xi32, #tpu.memory_space<vmem>> -> memref<128xi32, #tpu.memory_space<vmem>>
      %dma_wait3A_100 = arith.constant 0 : i32
      %dma_wait3A_101 = arith.constant 0 : i32
      %dma_wait3A_102 = tpu.memref_slice %arg2[%dma_wait3A_100, %dma_wait3A_101] : memref<4096x128xf32, #tpu.memory_space<hbm>> -> memref<4096x128xf32, #tpu.memory_space<hbm>>
      tpu.wait_indirect_dma semaphore(%arg7 : memref<!tpu.dma_semaphore, #tpu.memory_space<semaphore_mem>>) src(%dma_wait3A_102 : memref<4096x128xf32, #tpu.memory_space<hbm>>) dst(%dma_wait3A_98 : memref<128x128xf32, #tpu.memory_space<vmem>>)
      %dma_wait3A_103 = arith.constant 4 : i32
      %dma_wait3A_104 = arith.constant 0 : i32
      %dma_wait3A_105 = arith.constant 0 : i32
      %dma_wait3A_106 = tpu.memref_slice %arg6[%dma_wait3A_103, %dma_wait3A_104, %dma_wait3A_105] : memref<5x128x128xf32, #tpu.memory_space<vmem>> -> memref<1x128x128xf32, #tpu.memory_space<vmem>>
      %dma_wait3A_107 = tpu.memref_squeeze %dma_wait3A_106 : memref<1x128x128xf32, #tpu.memory_space<vmem>> -> memref<128x128xf32, #tpu.memory_space<vmem>>
      %dma_wait3A_108 = tpu.memref_slice %arg5[%add3A_58] : memref<5120xi32, #tpu.memory_space<vmem>> -> memref<128xi32, #tpu.memory_space<vmem>>
      %dma_wait3A_109 = arith.constant 0 : i32
      %dma_wait3A_110 = arith.constant 0 : i32
      %dma_wait3A_111 = tpu.memref_slice %arg2[%dma_wait3A_109, %dma_wait3A_110] : memref<4096x128xf32, #tpu.memory_space<hbm>> -> memref<4096x128xf32, #tpu.memory_space<hbm>>
      tpu.wait_indirect_dma semaphore(%arg7 : memref<!tpu.dma_semaphore, #tpu.memory_space<semaphore_mem>>) src(%dma_wait3A_111 : memref<4096x128xf32, #tpu.memory_space<hbm>>) dst(%dma_wait3A_107 : memref<128x128xf32, #tpu.memory_space<vmem>>)
      %add3A_112 = arith.addi %mul3A_2, %mul3A_13 : i32
      %add3A_113 = arith.constant 0 : i32
      %add3A_114 = arith.addi %add3A_112, %add3A_113 : i32
      %dma_start3A_115 = arith.constant 0 : i32
      %dma_start3A_116 = arith.constant 0 : i32
      %dma_start3A_117 = arith.constant 0 : i32
      %dma_start3A_118 = tpu.memref_slice %arg6[%dma_start3A_115, %dma_start3A_116, %dma_start3A_117] : memref<5x128x128xf32, #tpu.memory_space<vmem>> -> memref<1x128x128xf32, #tpu.memory_space<vmem>>
      %dma_start3A_119 = tpu.memref_squeeze %dma_start3A_118 : memref<1x128x128xf32, #tpu.memory_space<vmem>> -> memref<128x128xf32, #tpu.memory_space<vmem>>
      %dma_start3A_120 = arith.constant 0 : i32
      %dma_start3A_121 = tpu.memref_slice %arg4[%add3A_114, %dma_start3A_120] : memref<163840x128xf32, #tpu.memory_space<hbm>> -> memref<128x128xf32, #tpu.memory_space<hbm>>
      %dma_start3A_122 = arith.constant 0 : i32
      %dma_start3A_123 = tpu.memref_slice %arg4[%add3A_114, %dma_start3A_122] : memref<163840x128xf32, #tpu.memory_space<hbm>> -> memref<128x128xf32, #tpu.memory_space<hbm>>
      %dma_start3A_124 = arith.constant 0 : i32
      %dma_start3A_125 = arith.constant 0 : i32
      %dma_start3A_126 = tpu.memref_slice %arg6[%dma_start3A_115, %dma_start3A_124, %dma_start3A_125] : memref<5x128x128xf32, #tpu.memory_space<vmem>> -> memref<1x128x128xf32, #tpu.memory_space<vmem>>
      %dma_start3A_127 = tpu.memref_squeeze %dma_start3A_126 : memref<1x128x128xf32, #tpu.memory_space<vmem>> -> memref<128x128xf32, #tpu.memory_space<vmem>>
      tpu.enqueue_dma source(%dma_start3A_127 : memref<128x128xf32, #tpu.memory_space<vmem>>) target(%dma_start3A_123 : memref<128x128xf32, #tpu.memory_space<hbm>>) target_semaphore(%arg8 : memref<!tpu.dma_semaphore, #tpu.memory_space<semaphore_mem>>)
      %add3A_128 = arith.addi %mul3A_2, %mul3A_13 : i32
      %add3A_129 = arith.constant 128 : i32
      %add3A_130 = arith.addi %add3A_128, %add3A_129 : i32
      %dma_start3A_131 = arith.constant 1 : i32
      %dma_start3A_132 = arith.constant 0 : i32
      %dma_start3A_133 = arith.constant 0 : i32
      %dma_start3A_134 = tpu.memref_slice %arg6[%dma_start3A_131, %dma_start3A_132, %dma_start3A_133] : memref<5x128x128xf32, #tpu.memory_space<vmem>> -> memref<1x128x128xf32, #tpu.memory_space<vmem>>
      %dma_start3A_135 = tpu.memref_squeeze %dma_start3A_134 : memref<1x128x128xf32, #tpu.memory_space<vmem>> -> memref<128x128xf32, #tpu.memory_space<vmem>>
      %dma_start3A_136 = arith.constant 0 : i32
      %dma_start3A_137 = tpu.memref_slice %arg4[%add3A_130, %dma_start3A_136] : memref<163840x128xf32, #tpu.memory_space<hbm>> -> memref<128x128xf32, #tpu.memory_space<hbm>>
      %dma_start3A_138 = arith.constant 0 : i32
      %dma_start3A_139 = tpu.memref_slice %arg4[%add3A_130, %dma_start3A_138] : memref<163840x128xf32, #tpu.memory_space<hbm>> -> memref<128x128xf32, #tpu.memory_space<hbm>>
      %dma_start3A_140 = arith.constant 0 : i32
      %dma_start3A_141 = arith.constant 0 : i32
      %dma_start3A_142 = tpu.memref_slice %arg6[%dma_start3A_131, %dma_start3A_140, %dma_start3A_141] : memref<5x128x128xf32, #tpu.memory_space<vmem>> -> memref<1x128x128xf32, #tpu.memory_space<vmem>>
      %dma_start3A_143 = tpu.memref_squeeze %dma_start3A_142 : memref<1x128x128xf32, #tpu.memory_space<vmem>> -> memref<128x128xf32, #tpu.memory_space<vmem>>
      tpu.enqueue_dma source(%dma_start3A_143 : memref<128x128xf32, #tpu.memory_space<vmem>>) target(%dma_start3A_139 : memref<128x128xf32, #tpu.memory_space<hbm>>) target_semaphore(%arg8 : memref<!tpu.dma_semaphore, #tpu.memory_space<semaphore_mem>>)
      %add3A_144 = arith.addi %mul3A_2, %mul3A_13 : i32
      %add3A_145 = arith.constant 256 : i32
      %add3A_146 = arith.addi %add3A_144, %add3A_145 : i32
      %dma_start3A_147 = arith.constant 2 : i32
      %dma_start3A_148 = arith.constant 0 : i32
      %dma_start3A_149 = arith.constant 0 : i32
      %dma_start3A_150 = tpu.memref_slice %arg6[%dma_start3A_147, %dma_start3A_148, %dma_start3A_149] : memref<5x128x128xf32, #tpu.memory_space<vmem>> -> memref<1x128x128xf32, #tpu.memory_space<vmem>>
      %dma_start3A_151 = tpu.memref_squeeze %dma_start3A_150 : memref<1x128x128xf32, #tpu.memory_space<vmem>> -> memref<128x128xf32, #tpu.memory_space<vmem>>
      %dma_start3A_152 = arith.constant 0 : i32
      %dma_start3A_153 = tpu.memref_slice %arg4[%add3A_146, %dma_start3A_152] : memref<163840x128xf32, #tpu.memory_space<hbm>> -> memref<128x128xf32, #tpu.memory_space<hbm>>
      %dma_start3A_154 = arith.constant 0 : i32
      %dma_start3A_155 = tpu.memref_slice %arg4[%add3A_146, %dma_start3A_154] : memref<163840x128xf32, #tpu.memory_space<hbm>> -> memref<128x128xf32, #tpu.memory_space<hbm>>
      %dma_start3A_156 = arith.constant 0 : i32
      %dma_start3A_157 = arith.constant 0 : i32
      %dma_start3A_158 = tpu.memref_slice %arg6[%dma_start3A_147, %dma_start3A_156, %dma_start3A_157] : memref<5x128x128xf32, #tpu.memory_space<vmem>> -> memref<1x128x128xf32, #tpu.memory_space<vmem>>
      %dma_start3A_159 = tpu.memref_squeeze %dma_start3A_158 : memref<1x128x128xf32, #tpu.memory_space<vmem>> -> memref<128x128xf32, #tpu.memory_space<vmem>>
      tpu.enqueue_dma source(%dma_start3A_159 : memref<128x128xf32, #tpu.memory_space<vmem>>) target(%dma_start3A_155 : memref<128x128xf32, #tpu.memory_space<hbm>>) target_semaphore(%arg8 : memref<!tpu.dma_semaphore, #tpu.memory_space<semaphore_mem>>)
      %add3A_160 = arith.addi %mul3A_2, %mul3A_13 : i32
      %add3A_161 = arith.constant 384 : i32
      %add3A_162 = arith.addi %add3A_160, %add3A_161 : i32
      %dma_start3A_163 = arith.constant 3 : i32
      %dma_start3A_164 = arith.constant 0 : i32
      %dma_start3A_165 = arith.constant 0 : i32
      %dma_start3A_166 = tpu.memref_slice %arg6[%dma_start3A_163, %dma_start3A_164, %dma_start3A_165] : memref<5x128x128xf32, #tpu.memory_space<vmem>> -> memref<1x128x128xf32, #tpu.memory_space<vmem>>
      %dma_start3A_167 = tpu.memref_squeeze %dma_start3A_166 : memref<1x128x128xf32, #tpu.memory_space<vmem>> -> memref<128x128xf32, #tpu.memory_space<vmem>>
      %dma_start3A_168 = arith.constant 0 : i32
      %dma_start3A_169 = tpu.memref_slice %arg4[%add3A_162, %dma_start3A_168] : memref<163840x128xf32, #tpu.memory_space<hbm>> -> memref<128x128xf32, #tpu.memory_space<hbm>>
      %dma_start3A_170 = arith.constant 0 : i32
      %dma_start3A_171 = tpu.memref_slice %arg4[%add3A_162, %dma_start3A_170] : memref<163840x128xf32, #tpu.memory_space<hbm>> -> memref<128x128xf32, #tpu.memory_space<hbm>>
      %dma_start3A_172 = arith.constant 0 : i32
      %dma_start3A_173 = arith.constant 0 : i32
      %dma_start3A_174 = tpu.memref_slice %arg6[%dma_start3A_163, %dma_start3A_172, %dma_start3A_173] : memref<5x128x128xf32, #tpu.memory_space<vmem>> -> memref<1x128x128xf32, #tpu.memory_space<vmem>>
      %dma_start3A_175 = tpu.memref_squeeze %dma_start3A_174 : memref<1x128x128xf32, #tpu.memory_space<vmem>> -> memref<128x128xf32, #tpu.memory_space<vmem>>
      tpu.enqueue_dma source(%dma_start3A_175 : memref<128x128xf32, #tpu.memory_space<vmem>>) target(%dma_start3A_171 : memref<128x128xf32, #tpu.memory_space<hbm>>) target_semaphore(%arg8 : memref<!tpu.dma_semaphore, #tpu.memory_space<semaphore_mem>>)
      %add3A_176 = arith.addi %mul3A_2, %mul3A_13 : i32
      %add3A_177 = arith.constant 512 : i32
      %add3A_178 = arith.addi %add3A_176, %add3A_177 : i32
      %dma_start3A_179 = arith.constant 4 : i32
      %dma_start3A_180 = arith.constant 0 : i32
      %dma_start3A_181 = arith.constant 0 : i32
      %dma_start3A_182 = tpu.memref_slice %arg6[%dma_start3A_179, %dma_start3A_180, %dma_start3A_181] : memref<5x128x128xf32, #tpu.memory_space<vmem>> -> memref<1x128x128xf32, #tpu.memory_space<vmem>>
      %dma_start3A_183 = tpu.memref_squeeze %dma_start3A_182 : memref<1x128x128xf32, #tpu.memory_space<vmem>> -> memref<128x128xf32, #tpu.memory_space<vmem>>
      %dma_start3A_184 = arith.constant 0 : i32
      %dma_start3A_185 = tpu.memref_slice %arg4[%add3A_178, %dma_start3A_184] : memref<163840x128xf32, #tpu.memory_space<hbm>> -> memref<128x128xf32, #tpu.memory_space<hbm>>
      %dma_start3A_186 = arith.constant 0 : i32
      %dma_start3A_187 = tpu.memref_slice %arg4[%add3A_178, %dma_start3A_186] : memref<163840x128xf32, #tpu.memory_space<hbm>> -> memref<128x128xf32, #tpu.memory_space<hbm>>
      %dma_start3A_188 = arith.constant 0 : i32
      %dma_start3A_189 = arith.constant 0 : i32
      %dma_start3A_190 = tpu.memref_slice %arg6[%dma_start3A_179, %dma_start3A_188, %dma_start3A_189] : memref<5x128x128xf32, #tpu.memory_space<vmem>> -> memref<1x128x128xf32, #tpu.memory_space<vmem>>
      %dma_start3A_191 = tpu.memref_squeeze %dma_start3A_190 : memref<1x128x128xf32, #tpu.memory_space<vmem>> -> memref<128x128xf32, #tpu.memory_space<vmem>>
      tpu.enqueue_dma source(%dma_start3A_191 : memref<128x128xf32, #tpu.memory_space<vmem>>) target(%dma_start3A_187 : memref<128x128xf32, #tpu.memory_space<hbm>>) target_semaphore(%arg8 : memref<!tpu.dma_semaphore, #tpu.memory_space<semaphore_mem>>)
      %dma_wait3A_192 = arith.constant 0 : i32
      %dma_wait3A_193 = arith.constant 0 : i32
      %dma_wait3A_194 = arith.constant 0 : i32
      %dma_wait3A_195 = tpu.memref_slice %arg6[%dma_wait3A_192, %dma_wait3A_193, %dma_wait3A_194] : memref<5x128x128xf32, #tpu.memory_space<vmem>> -> memref<1x128x128xf32, #tpu.memory_space<vmem>>
      %dma_wait3A_196 = tpu.memref_squeeze %dma_wait3A_195 : memref<1x128x128xf32, #tpu.memory_space<vmem>> -> memref<128x128xf32, #tpu.memory_space<vmem>>
      %dma_wait3A_197 = arith.constant 0 : i32
      %dma_wait3A_198 = tpu.memref_slice %arg4[%add3A_114, %dma_wait3A_197] : memref<163840x128xf32, #tpu.memory_space<hbm>> -> memref<128x128xf32, #tpu.memory_space<hbm>>
      %dma_wait3A_199 = arith.constant 0 : i32
      %dma_wait3A_200 = tpu.memref_slice %arg4[%add3A_114, %dma_wait3A_199] : memref<163840x128xf32, #tpu.memory_space<hbm>> -> memref<128x128xf32, #tpu.memory_space<hbm>>
      %dma_wait3A_201 = arith.constant 0 : i32
      %dma_wait3A_202 = arith.constant 0 : i32
      %dma_wait3A_203 = tpu.memref_slice %arg6[%dma_wait3A_192, %dma_wait3A_201, %dma_wait3A_202] : memref<5x128x128xf32, #tpu.memory_space<vmem>> -> memref<1x128x128xf32, #tpu.memory_space<vmem>>
      %dma_wait3A_204 = tpu.memref_squeeze %dma_wait3A_203 : memref<1x128x128xf32, #tpu.memory_space<vmem>> -> memref<128x128xf32, #tpu.memory_space<vmem>>
      tpu.wait_dma2 semaphore(%arg8 : memref<!tpu.dma_semaphore, #tpu.memory_space<semaphore_mem>>) src(%dma_wait3A_204 : memref<128x128xf32, #tpu.memory_space<vmem>>) dst(%dma_wait3A_200 : memref<128x128xf32, #tpu.memory_space<hbm>>)
      %dma_wait3A_205 = arith.constant 1 : i32
      %dma_wait3A_206 = arith.constant 0 : i32
      %dma_wait3A_207 = arith.constant 0 : i32
      %dma_wait3A_208 = tpu.memref_slice %arg6[%dma_wait3A_205, %dma_wait3A_206, %dma_wait3A_207] : memref<5x128x128xf32, #tpu.memory_space<vmem>> -> memref<1x128x128xf32, #tpu.memory_space<vmem>>
      %dma_wait3A_209 = tpu.memref_squeeze %dma_wait3A_208 : memref<1x128x128xf32, #tpu.memory_space<vmem>> -> memref<128x128xf32, #tpu.memory_space<vmem>>
      %dma_wait3A_210 = arith.constant 0 : i32
      %dma_wait3A_211 = tpu.memref_slice %arg4[%add3A_130, %dma_wait3A_210] : memref<163840x128xf32, #tpu.memory_space<hbm>> -> memref<128x128xf32, #tpu.memory_space<hbm>>
      %dma_wait3A_212 = arith.constant 0 : i32
      %dma_wait3A_213 = tpu.memref_slice %arg4[%add3A_130, %dma_wait3A_212] : memref<163840x128xf32, #tpu.memory_space<hbm>> -> memref<128x128xf32, #tpu.memory_space<hbm>>
      %dma_wait3A_214 = arith.constant 0 : i32
      %dma_wait3A_215 = arith.constant 0 : i32
      %dma_wait3A_216 = tpu.memref_slice %arg6[%dma_wait3A_205, %dma_wait3A_214, %dma_wait3A_215] : memref<5x128x128xf32, #tpu.memory_space<vmem>> -> memref<1x128x128xf32, #tpu.memory_space<vmem>>
      %dma_wait3A_217 = tpu.memref_squeeze %dma_wait3A_216 : memref<1x128x128xf32, #tpu.memory_space<vmem>> -> memref<128x128xf32, #tpu.memory_space<vmem>>
      tpu.wait_dma2 semaphore(%arg8 : memref<!tpu.dma_semaphore, #tpu.memory_space<semaphore_mem>>) src(%dma_wait3A_217 : memref<128x128xf32, #tpu.memory_space<vmem>>) dst(%dma_wait3A_213 : memref<128x128xf32, #tpu.memory_space<hbm>>)
      %dma_wait3A_218 = arith.constant 2 : i32
      %dma_wait3A_219 = arith.constant 0 : i32
      %dma_wait3A_220 = arith.constant 0 : i32
      %dma_wait3A_221 = tpu.memref_slice %arg6[%dma_wait3A_218, %dma_wait3A_219, %dma_wait3A_220] : memref<5x128x128xf32, #tpu.memory_space<vmem>> -> memref<1x128x128xf32, #tpu.memory_space<vmem>>
      %dma_wait3A_222 = tpu.memref_squeeze %dma_wait3A_221 : memref<1x128x128xf32, #tpu.memory_space<vmem>> -> memref<128x128xf32, #tpu.memory_space<vmem>>
      %dma_wait3A_223 = arith.constant 0 : i32
      %dma_wait3A_224 = tpu.memref_slice %arg4[%add3A_146, %dma_wait3A_223] : memref<163840x128xf32, #tpu.memory_space<hbm>> -> memref<128x128xf32, #tpu.memory_space<hbm>>
      %dma_wait3A_225 = arith.constant 0 : i32
      %dma_wait3A_226 = tpu.memref_slice %arg4[%add3A_146, %dma_wait3A_225] : memref<163840x128xf32, #tpu.memory_space<hbm>> -> memref<128x128xf32, #tpu.memory_space<hbm>>
      %dma_wait3A_227 = arith.constant 0 : i32
      %dma_wait3A_228 = arith.constant 0 : i32
      %dma_wait3A_229 = tpu.memref_slice %arg6[%dma_wait3A_218, %dma_wait3A_227, %dma_wait3A_228] : memref<5x128x128xf32, #tpu.memory_space<vmem>> -> memref<1x128x128xf32, #tpu.memory_space<vmem>>
      %dma_wait3A_230 = tpu.memref_squeeze %dma_wait3A_229 : memref<1x128x128xf32, #tpu.memory_space<vmem>> -> memref<128x128xf32, #tpu.memory_space<vmem>>
      tpu.wait_dma2 semaphore(%arg8 : memref<!tpu.dma_semaphore, #tpu.memory_space<semaphore_mem>>) src(%dma_wait3A_230 : memref<128x128xf32, #tpu.memory_space<vmem>>) dst(%dma_wait3A_226 : memref<128x128xf32, #tpu.memory_space<hbm>>)
      %dma_wait3A_231 = arith.constant 3 : i32
      %dma_wait3A_232 = arith.constant 0 : i32
      %dma_wait3A_233 = arith.constant 0 : i32
      %dma_wait3A_234 = tpu.memref_slice %arg6[%dma_wait3A_231, %dma_wait3A_232, %dma_wait3A_233] : memref<5x128x128xf32, #tpu.memory_space<vmem>> -> memref<1x128x128xf32, #tpu.memory_space<vmem>>
      %dma_wait3A_235 = tpu.memref_squeeze %dma_wait3A_234 : memref<1x128x128xf32, #tpu.memory_space<vmem>> -> memref<128x128xf32, #tpu.memory_space<vmem>>
      %dma_wait3A_236 = arith.constant 0 : i32
      %dma_wait3A_237 = tpu.memref_slice %arg4[%add3A_162, %dma_wait3A_236] : memref<163840x128xf32, #tpu.memory_space<hbm>> -> memref<128x128xf32, #tpu.memory_space<hbm>>
      %dma_wait3A_238 = arith.constant 0 : i32
      %dma_wait3A_239 = tpu.memref_slice %arg4[%add3A_162, %dma_wait3A_238] : memref<163840x128xf32, #tpu.memory_space<hbm>> -> memref<128x128xf32, #tpu.memory_space<hbm>>
      %dma_wait3A_240 = arith.constant 0 : i32
      %dma_wait3A_241 = arith.constant 0 : i32
      %dma_wait3A_242 = tpu.memref_slice %arg6[%dma_wait3A_231, %dma_wait3A_240, %dma_wait3A_241] : memref<5x128x128xf32, #tpu.memory_space<vmem>> -> memref<1x128x128xf32, #tpu.memory_space<vmem>>
      %dma_wait3A_243 = tpu.memref_squeeze %dma_wait3A_242 : memref<1x128x128xf32, #tpu.memory_space<vmem>> -> memref<128x128xf32, #tpu.memory_space<vmem>>
      tpu.wait_dma2 semaphore(%arg8 : memref<!tpu.dma_semaphore, #tpu.memory_space<semaphore_mem>>) src(%dma_wait3A_243 : memref<128x128xf32, #tpu.memory_space<vmem>>) dst(%dma_wait3A_239 : memref<128x128xf32, #tpu.memory_space<hbm>>)
      %dma_wait3A_244 = arith.constant 4 : i32
      %dma_wait3A_245 = arith.constant 0 : i32
      %dma_wait3A_246 = arith.constant 0 : i32
      %dma_wait3A_247 = tpu.memref_slice %arg6[%dma_wait3A_244, %dma_wait3A_245, %dma_wait3A_246] : memref<5x128x128xf32, #tpu.memory_space<vmem>> -> memref<1x128x128xf32, #tpu.memory_space<vmem>>
      %dma_wait3A_248 = tpu.memref_squeeze %dma_wait3A_247 : memref<1x128x128xf32, #tpu.memory_space<vmem>> -> memref<128x128xf32, #tpu.memory_space<vmem>>
      %dma_wait3A_249 = arith.constant 0 : i32
      %dma_wait3A_250 = tpu.memref_slice %arg4[%add3A_178, %dma_wait3A_249] : memref<163840x128xf32, #tpu.memory_space<hbm>> -> memref<128x128xf32, #tpu.memory_space<hbm>>
      %dma_wait3A_251 = arith.constant 0 : i32
      %dma_wait3A_252 = tpu.memref_slice %arg4[%add3A_178, %dma_wait3A_251] : memref<163840x128xf32, #tpu.memory_space<hbm>> -> memref<128x128xf32, #tpu.memory_space<hbm>>
      %dma_wait3A_253 = arith.constant 0 : i32
      %dma_wait3A_254 = arith.constant 0 : i32
      %dma_wait3A_255 = tpu.memref_slice %arg6[%dma_wait3A_244, %dma_wait3A_253, %dma_wait3A_254] : memref<5x128x128xf32, #tpu.memory_space<vmem>> -> memref<1x128x128xf32, #tpu.memory_space<vmem>>
      %dma_wait3A_256 = tpu.memref_squeeze %dma_wait3A_255 : memref<1x128x128xf32, #tpu.memory_space<vmem>> -> memref<128x128xf32, #tpu.memory_space<vmem>>
      tpu.wait_dma2 semaphore(%arg8 : memref<!tpu.dma_semaphore, #tpu.memory_space<semaphore_mem>>) src(%dma_wait3A_256 : memref<128x128xf32, #tpu.memory_space<vmem>>) dst(%dma_wait3A_252 : memref<128x128xf32, #tpu.memory_space<hbm>>)
    }
    %scan3A_6 = arith.constant 8 : i32
    return
  }
}

#map = affine_map<(d0, d1) -> (0, 0)>
#map1 = affine_map<(d0, d1) -> (0)>
module attributes {stable_mosaic.version = 14 : i64} {
  func.func @_sc_gather(%arg0: i32, %arg1: i32, %arg2: memref<4096x128xf32, #tpu.memory_space<hbm>>, %arg3: memref<40960xi32, #tpu.memory_space<hbm>>, %arg4: memref<40960x128xf32, #tpu.memory_space<hbm>>, %arg5: memref<1280xi32, #tpu.memory_space<vmem>>, %arg6: memref<5x128x128xf32, #tpu.memory_space<vmem>>, %arg7: memref<!tpu.dma_semaphore, #tpu.memory_space<semaphore_mem>>, %arg8: memref<!tpu.dma_semaphore, #tpu.memory_space<semaphore_mem>>) attributes {dimension_semantics = [#tpu.dimension_semantics<core_parallel>, #tpu.dimension_semantics<subcore_parallel>], iteration_bounds = array<i64: 2, 16>, scalar_prefetch = 0 : i64, scratch_operands = 4 : i64, tpu.core_type = #tpu.core_type<sc_vector_subcore>, window_params = [{transform_indices = #map}, {transform_indices = #map1}, {transform_indices = #map}]} {
    %mul3A = arith.constant 2 : i32
    %mul3A_0 = arith.muli %arg1, %mul3A : i32
    %add3A = arith.addi %mul3A_0, %arg0 : i32
    %mul3A_1 = arith.constant 1280 : i32
    %mul3A_2 = arith.muli %add3A, %mul3A_1 : i32
    "tpu.region"() ({
      %run_scoped3A = tpu.sem_alloc : memref<!tpu.dma_semaphore, #tpu.memory_space<semaphore_mem>>
      %dma_start3A = tpu.memref_slice %arg3[%mul3A_2] : memref<40960xi32, #tpu.memory_space<hbm>> -> memref<1280xi32, #tpu.memory_space<hbm>>
      %dma_start3A_7 = tpu.memref_slice %arg3[%mul3A_2] : memref<40960xi32, #tpu.memory_space<hbm>> -> memref<1280xi32, #tpu.memory_space<hbm>>
      tpu.enqueue_dma source(%dma_start3A_7 : memref<1280xi32, #tpu.memory_space<hbm>>) target(%arg5 : memref<1280xi32, #tpu.memory_space<vmem>>) target_semaphore(%run_scoped3A : memref<!tpu.dma_semaphore, #tpu.memory_space<semaphore_mem>>)
      %dma_wait3A = tpu.memref_slice %arg3[%mul3A_2] : memref<40960xi32, #tpu.memory_space<hbm>> -> memref<1280xi32, #tpu.memory_space<hbm>>
      %dma_wait3A_8 = tpu.memref_slice %arg3[%mul3A_2] : memref<40960xi32, #tpu.memory_space<hbm>> -> memref<1280xi32, #tpu.memory_space<hbm>>
      tpu.wait_dma2 semaphore(%run_scoped3A : memref<!tpu.dma_semaphore, #tpu.memory_space<semaphore_mem>>) src(%dma_wait3A_8 : memref<1280xi32, #tpu.memory_space<hbm>>) dst(%arg5 : memref<1280xi32, #tpu.memory_space<vmem>>)
      tpu.yield
    }) : () -> ()
    %scan3A = arith.constant 0 : i32
    %scan3A_3 = arith.constant 2 : i32
    %scan3A_4 = arith.addi %scan3A, %scan3A_3 : i32
    %scan3A_5 = arith.constant 1 : i32
    scf.for %scan3A_7 = %scan3A to %scan3A_4 step %scan3A_5  : i32 {
      %mul3A_8 = arith.constant 1 : i32
      %mul3A_9 = arith.muli %scan3A_7, %mul3A_8 : i32
      %add3A_10 = arith.constant 0 : i32
      %add3A_11 = arith.addi %add3A_10, %mul3A_9 : i32
      %mul3A_12 = arith.constant 640 : i32
      %mul3A_13 = arith.muli %add3A_11, %mul3A_12 : i32
      %add3A_14 = arith.constant 0 : i32
      %add3A_15 = arith.addi %mul3A_13, %add3A_14 : i32
      %dma_start3A = arith.constant 0 : i32
      %dma_start3A_16 = arith.constant 0 : i32
      %dma_start3A_17 = arith.constant 0 : i32
      %dma_start3A_18 = tpu.memref_slice %arg6[%dma_start3A, %dma_start3A_16, %dma_start3A_17] : memref<5x128x128xf32, #tpu.memory_space<vmem>> -> memref<1x128x128xf32, #tpu.memory_space<vmem>>
      %dma_start3A_19 = tpu.memref_squeeze %dma_start3A_18 : memref<1x128x128xf32, #tpu.memory_space<vmem>> -> memref<128x128xf32, #tpu.memory_space<vmem>>
      %dma_start3A_20 = tpu.memref_slice %arg5[%add3A_15] : memref<1280xi32, #tpu.memory_space<vmem>> -> memref<128xi32, #tpu.memory_space<vmem>>
      %dma_start3A_21 = arith.constant 0 : i32
      %dma_start3A_22 = arith.constant 0 : i32
      %dma_start3A_23 = tpu.memref_slice %arg2[%dma_start3A_21, %dma_start3A_22] : memref<4096x128xf32, #tpu.memory_space<hbm>> -> memref<4096x128xf32, #tpu.memory_space<hbm>>
      tpu.enqueue_indirect_dma source(%dma_start3A_23 : memref<4096x128xf32, #tpu.memory_space<hbm>>) target(%dma_start3A_19 : memref<128x128xf32, #tpu.memory_space<vmem>>) offsets(%dma_start3A_20 : memref<128xi32, #tpu.memory_space<vmem>>) semaphore(%arg7 : memref<!tpu.dma_semaphore, #tpu.memory_space<semaphore_mem>>)
      %add3A_24 = arith.constant 128 : i32
      %add3A_25 = arith.addi %mul3A_13, %add3A_24 : i32
      %dma_start3A_26 = arith.constant 1 : i32
      %dma_start3A_27 = arith.constant 0 : i32
      %dma_start3A_28 = arith.constant 0 : i32
      %dma_start3A_29 = tpu.memref_slice %arg6[%dma_start3A_26, %dma_start3A_27, %dma_start3A_28] : memref<5x128x128xf32, #tpu.memory_space<vmem>> -> memref<1x128x128xf32, #tpu.memory_space<vmem>>
      %dma_start3A_30 = tpu.memref_squeeze %dma_start3A_29 : memref<1x128x128xf32, #tpu.memory_space<vmem>> -> memref<128x128xf32, #tpu.memory_space<vmem>>
      %dma_start3A_31 = tpu.memref_slice %arg5[%add3A_25] : memref<1280xi32, #tpu.memory_space<vmem>> -> memref<128xi32, #tpu.memory_space<vmem>>
      %dma_start3A_32 = arith.constant 0 : i32
      %dma_start3A_33 = arith.constant 0 : i32
      %dma_start3A_34 = tpu.memref_slice %arg2[%dma_start3A_32, %dma_start3A_33] : memref<4096x128xf32, #tpu.memory_space<hbm>> -> memref<4096x128xf32, #tpu.memory_space<hbm>>
      tpu.enqueue_indirect_dma source(%dma_start3A_34 : memref<4096x128xf32, #tpu.memory_space<hbm>>) target(%dma_start3A_30 : memref<128x128xf32, #tpu.memory_space<vmem>>) offsets(%dma_start3A_31 : memref<128xi32, #tpu.memory_space<vmem>>) semaphore(%arg7 : memref<!tpu.dma_semaphore, #tpu.memory_space<semaphore_mem>>)
      %add3A_35 = arith.constant 256 : i32
      %add3A_36 = arith.addi %mul3A_13, %add3A_35 : i32
      %dma_start3A_37 = arith.constant 2 : i32
      %dma_start3A_38 = arith.constant 0 : i32
      %dma_start3A_39 = arith.constant 0 : i32
      %dma_start3A_40 = tpu.memref_slice %arg6[%dma_start3A_37, %dma_start3A_38, %dma_start3A_39] : memref<5x128x128xf32, #tpu.memory_space<vmem>> -> memref<1x128x128xf32, #tpu.memory_space<vmem>>
      %dma_start3A_41 = tpu.memref_squeeze %dma_start3A_40 : memref<1x128x128xf32, #tpu.memory_space<vmem>> -> memref<128x128xf32, #tpu.memory_space<vmem>>
      %dma_start3A_42 = tpu.memref_slice %arg5[%add3A_36] : memref<1280xi32, #tpu.memory_space<vmem>> -> memref<128xi32, #tpu.memory_space<vmem>>
      %dma_start3A_43 = arith.constant 0 : i32
      %dma_start3A_44 = arith.constant 0 : i32
      %dma_start3A_45 = tpu.memref_slice %arg2[%dma_start3A_43, %dma_start3A_44] : memref<4096x128xf32, #tpu.memory_space<hbm>> -> memref<4096x128xf32, #tpu.memory_space<hbm>>
      tpu.enqueue_indirect_dma source(%dma_start3A_45 : memref<4096x128xf32, #tpu.memory_space<hbm>>) target(%dma_start3A_41 : memref<128x128xf32, #tpu.memory_space<vmem>>) offsets(%dma_start3A_42 : memref<128xi32, #tpu.memory_space<vmem>>) semaphore(%arg7 : memref<!tpu.dma_semaphore, #tpu.memory_space<semaphore_mem>>)
      %add3A_46 = arith.constant 384 : i32
      %add3A_47 = arith.addi %mul3A_13, %add3A_46 : i32
      %dma_start3A_48 = arith.constant 3 : i32
      %dma_start3A_49 = arith.constant 0 : i32
      %dma_start3A_50 = arith.constant 0 : i32
      %dma_start3A_51 = tpu.memref_slice %arg6[%dma_start3A_48, %dma_start3A_49, %dma_start3A_50] : memref<5x128x128xf32, #tpu.memory_space<vmem>> -> memref<1x128x128xf32, #tpu.memory_space<vmem>>
      %dma_start3A_52 = tpu.memref_squeeze %dma_start3A_51 : memref<1x128x128xf32, #tpu.memory_space<vmem>> -> memref<128x128xf32, #tpu.memory_space<vmem>>
      %dma_start3A_53 = tpu.memref_slice %arg5[%add3A_47] : memref<1280xi32, #tpu.memory_space<vmem>> -> memref<128xi32, #tpu.memory_space<vmem>>
      %dma_start3A_54 = arith.constant 0 : i32
      %dma_start3A_55 = arith.constant 0 : i32
      %dma_start3A_56 = tpu.memref_slice %arg2[%dma_start3A_54, %dma_start3A_55] : memref<4096x128xf32, #tpu.memory_space<hbm>> -> memref<4096x128xf32, #tpu.memory_space<hbm>>
      tpu.enqueue_indirect_dma source(%dma_start3A_56 : memref<4096x128xf32, #tpu.memory_space<hbm>>) target(%dma_start3A_52 : memref<128x128xf32, #tpu.memory_space<vmem>>) offsets(%dma_start3A_53 : memref<128xi32, #tpu.memory_space<vmem>>) semaphore(%arg7 : memref<!tpu.dma_semaphore, #tpu.memory_space<semaphore_mem>>)
      %add3A_57 = arith.constant 512 : i32
      %add3A_58 = arith.addi %mul3A_13, %add3A_57 : i32
      %dma_start3A_59 = arith.constant 4 : i32
      %dma_start3A_60 = arith.constant 0 : i32
      %dma_start3A_61 = arith.constant 0 : i32
      %dma_start3A_62 = tpu.memref_slice %arg6[%dma_start3A_59, %dma_start3A_60, %dma_start3A_61] : memref<5x128x128xf32, #tpu.memory_space<vmem>> -> memref<1x128x128xf32, #tpu.memory_space<vmem>>
      %dma_start3A_63 = tpu.memref_squeeze %dma_start3A_62 : memref<1x128x128xf32, #tpu.memory_space<vmem>> -> memref<128x128xf32, #tpu.memory_space<vmem>>
      %dma_start3A_64 = tpu.memref_slice %arg5[%add3A_58] : memref<1280xi32, #tpu.memory_space<vmem>> -> memref<128xi32, #tpu.memory_space<vmem>>
      %dma_start3A_65 = arith.constant 0 : i32
      %dma_start3A_66 = arith.constant 0 : i32
      %dma_start3A_67 = tpu.memref_slice %arg2[%dma_start3A_65, %dma_start3A_66] : memref<4096x128xf32, #tpu.memory_space<hbm>> -> memref<4096x128xf32, #tpu.memory_space<hbm>>
      tpu.enqueue_indirect_dma source(%dma_start3A_67 : memref<4096x128xf32, #tpu.memory_space<hbm>>) target(%dma_start3A_63 : memref<128x128xf32, #tpu.memory_space<vmem>>) offsets(%dma_start3A_64 : memref<128xi32, #tpu.memory_space<vmem>>) semaphore(%arg7 : memref<!tpu.dma_semaphore, #tpu.memory_space<semaphore_mem>>)
      %dma_wait3A = arith.constant 0 : i32
      %dma_wait3A_68 = arith.constant 0 : i32
      %dma_wait3A_69 = arith.constant 0 : i32
      %dma_wait3A_70 = tpu.memref_slice %arg6[%dma_wait3A, %dma_wait3A_68, %dma_wait3A_69] : memref<5x128x128xf32, #tpu.memory_space<vmem>> -> memref<1x128x128xf32, #tpu.memory_space<vmem>>
      %dma_wait3A_71 = tpu.memref_squeeze %dma_wait3A_70 : memref<1x128x128xf32, #tpu.memory_space<vmem>> -> memref<128x128xf32, #tpu.memory_space<vmem>>
      %dma_wait3A_72 = tpu.memref_slice %arg5[%add3A_15] : memref<1280xi32, #tpu.memory_space<vmem>> -> memref<128xi32, #tpu.memory_space<vmem>>
      %dma_wait3A_73 = arith.constant 0 : i32
      %dma_wait3A_74 = arith.constant 0 : i32
      %dma_wait3A_75 = tpu.memref_slice %arg2[%dma_wait3A_73, %dma_wait3A_74] : memref<4096x128xf32, #tpu.memory_space<hbm>> -> memref<4096x128xf32, #tpu.memory_space<hbm>>
      tpu.wait_indirect_dma semaphore(%arg7 : memref<!tpu.dma_semaphore, #tpu.memory_space<semaphore_mem>>) src(%dma_wait3A_75 : memref<4096x128xf32, #tpu.memory_space<hbm>>) dst(%dma_wait3A_71 : memref<128x128xf32, #tpu.memory_space<vmem>>)
      %dma_wait3A_76 = arith.constant 1 : i32
      %dma_wait3A_77 = arith.constant 0 : i32
      %dma_wait3A_78 = arith.constant 0 : i32
      %dma_wait3A_79 = tpu.memref_slice %arg6[%dma_wait3A_76, %dma_wait3A_77, %dma_wait3A_78] : memref<5x128x128xf32, #tpu.memory_space<vmem>> -> memref<1x128x128xf32, #tpu.memory_space<vmem>>
      %dma_wait3A_80 = tpu.memref_squeeze %dma_wait3A_79 : memref<1x128x128xf32, #tpu.memory_space<vmem>> -> memref<128x128xf32, #tpu.memory_space<vmem>>
      %dma_wait3A_81 = tpu.memref_slice %arg5[%add3A_25] : memref<1280xi32, #tpu.memory_space<vmem>> -> memref<128xi32, #tpu.memory_space<vmem>>
      %dma_wait3A_82 = arith.constant 0 : i32
      %dma_wait3A_83 = arith.constant 0 : i32
      %dma_wait3A_84 = tpu.memref_slice %arg2[%dma_wait3A_82, %dma_wait3A_83] : memref<4096x128xf32, #tpu.memory_space<hbm>> -> memref<4096x128xf32, #tpu.memory_space<hbm>>
      tpu.wait_indirect_dma semaphore(%arg7 : memref<!tpu.dma_semaphore, #tpu.memory_space<semaphore_mem>>) src(%dma_wait3A_84 : memref<4096x128xf32, #tpu.memory_space<hbm>>) dst(%dma_wait3A_80 : memref<128x128xf32, #tpu.memory_space<vmem>>)
      %dma_wait3A_85 = arith.constant 2 : i32
      %dma_wait3A_86 = arith.constant 0 : i32
      %dma_wait3A_87 = arith.constant 0 : i32
      %dma_wait3A_88 = tpu.memref_slice %arg6[%dma_wait3A_85, %dma_wait3A_86, %dma_wait3A_87] : memref<5x128x128xf32, #tpu.memory_space<vmem>> -> memref<1x128x128xf32, #tpu.memory_space<vmem>>
      %dma_wait3A_89 = tpu.memref_squeeze %dma_wait3A_88 : memref<1x128x128xf32, #tpu.memory_space<vmem>> -> memref<128x128xf32, #tpu.memory_space<vmem>>
      %dma_wait3A_90 = tpu.memref_slice %arg5[%add3A_36] : memref<1280xi32, #tpu.memory_space<vmem>> -> memref<128xi32, #tpu.memory_space<vmem>>
      %dma_wait3A_91 = arith.constant 0 : i32
      %dma_wait3A_92 = arith.constant 0 : i32
      %dma_wait3A_93 = tpu.memref_slice %arg2[%dma_wait3A_91, %dma_wait3A_92] : memref<4096x128xf32, #tpu.memory_space<hbm>> -> memref<4096x128xf32, #tpu.memory_space<hbm>>
      tpu.wait_indirect_dma semaphore(%arg7 : memref<!tpu.dma_semaphore, #tpu.memory_space<semaphore_mem>>) src(%dma_wait3A_93 : memref<4096x128xf32, #tpu.memory_space<hbm>>) dst(%dma_wait3A_89 : memref<128x128xf32, #tpu.memory_space<vmem>>)
      %dma_wait3A_94 = arith.constant 3 : i32
      %dma_wait3A_95 = arith.constant 0 : i32
      %dma_wait3A_96 = arith.constant 0 : i32
      %dma_wait3A_97 = tpu.memref_slice %arg6[%dma_wait3A_94, %dma_wait3A_95, %dma_wait3A_96] : memref<5x128x128xf32, #tpu.memory_space<vmem>> -> memref<1x128x128xf32, #tpu.memory_space<vmem>>
      %dma_wait3A_98 = tpu.memref_squeeze %dma_wait3A_97 : memref<1x128x128xf32, #tpu.memory_space<vmem>> -> memref<128x128xf32, #tpu.memory_space<vmem>>
      %dma_wait3A_99 = tpu.memref_slice %arg5[%add3A_47] : memref<1280xi32, #tpu.memory_space<vmem>> -> memref<128xi32, #tpu.memory_space<vmem>>
      %dma_wait3A_100 = arith.constant 0 : i32
      %dma_wait3A_101 = arith.constant 0 : i32
      %dma_wait3A_102 = tpu.memref_slice %arg2[%dma_wait3A_100, %dma_wait3A_101] : memref<4096x128xf32, #tpu.memory_space<hbm>> -> memref<4096x128xf32, #tpu.memory_space<hbm>>
      tpu.wait_indirect_dma semaphore(%arg7 : memref<!tpu.dma_semaphore, #tpu.memory_space<semaphore_mem>>) src(%dma_wait3A_102 : memref<4096x128xf32, #tpu.memory_space<hbm>>) dst(%dma_wait3A_98 : memref<128x128xf32, #tpu.memory_space<vmem>>)
      %dma_wait3A_103 = arith.constant 4 : i32
      %dma_wait3A_104 = arith.constant 0 : i32
      %dma_wait3A_105 = arith.constant 0 : i32
      %dma_wait3A_106 = tpu.memref_slice %arg6[%dma_wait3A_103, %dma_wait3A_104, %dma_wait3A_105] : memref<5x128x128xf32, #tpu.memory_space<vmem>> -> memref<1x128x128xf32, #tpu.memory_space<vmem>>
      %dma_wait3A_107 = tpu.memref_squeeze %dma_wait3A_106 : memref<1x128x128xf32, #tpu.memory_space<vmem>> -> memref<128x128xf32, #tpu.memory_space<vmem>>
      %dma_wait3A_108 = tpu.memref_slice %arg5[%add3A_58] : memref<1280xi32, #tpu.memory_space<vmem>> -> memref<128xi32, #tpu.memory_space<vmem>>
      %dma_wait3A_109 = arith.constant 0 : i32
      %dma_wait3A_110 = arith.constant 0 : i32
      %dma_wait3A_111 = tpu.memref_slice %arg2[%dma_wait3A_109, %dma_wait3A_110] : memref<4096x128xf32, #tpu.memory_space<hbm>> -> memref<4096x128xf32, #tpu.memory_space<hbm>>
      tpu.wait_indirect_dma semaphore(%arg7 : memref<!tpu.dma_semaphore, #tpu.memory_space<semaphore_mem>>) src(%dma_wait3A_111 : memref<4096x128xf32, #tpu.memory_space<hbm>>) dst(%dma_wait3A_107 : memref<128x128xf32, #tpu.memory_space<vmem>>)
      %add3A_112 = arith.addi %mul3A_2, %mul3A_13 : i32
      %add3A_113 = arith.constant 0 : i32
      %add3A_114 = arith.addi %add3A_112, %add3A_113 : i32
      %dma_start3A_115 = arith.constant 0 : i32
      %dma_start3A_116 = arith.constant 0 : i32
      %dma_start3A_117 = arith.constant 0 : i32
      %dma_start3A_118 = tpu.memref_slice %arg6[%dma_start3A_115, %dma_start3A_116, %dma_start3A_117] : memref<5x128x128xf32, #tpu.memory_space<vmem>> -> memref<1x128x128xf32, #tpu.memory_space<vmem>>
      %dma_start3A_119 = tpu.memref_squeeze %dma_start3A_118 : memref<1x128x128xf32, #tpu.memory_space<vmem>> -> memref<128x128xf32, #tpu.memory_space<vmem>>
      %dma_start3A_120 = arith.constant 0 : i32
      %dma_start3A_121 = tpu.memref_slice %arg4[%add3A_114, %dma_start3A_120] : memref<40960x128xf32, #tpu.memory_space<hbm>> -> memref<128x128xf32, #tpu.memory_space<hbm>>
      %dma_start3A_122 = arith.constant 0 : i32
      %dma_start3A_123 = tpu.memref_slice %arg4[%add3A_114, %dma_start3A_122] : memref<40960x128xf32, #tpu.memory_space<hbm>> -> memref<128x128xf32, #tpu.memory_space<hbm>>
      %dma_start3A_124 = arith.constant 0 : i32
      %dma_start3A_125 = arith.constant 0 : i32
      %dma_start3A_126 = tpu.memref_slice %arg6[%dma_start3A_115, %dma_start3A_124, %dma_start3A_125] : memref<5x128x128xf32, #tpu.memory_space<vmem>> -> memref<1x128x128xf32, #tpu.memory_space<vmem>>
      %dma_start3A_127 = tpu.memref_squeeze %dma_start3A_126 : memref<1x128x128xf32, #tpu.memory_space<vmem>> -> memref<128x128xf32, #tpu.memory_space<vmem>>
      tpu.enqueue_dma source(%dma_start3A_127 : memref<128x128xf32, #tpu.memory_space<vmem>>) target(%dma_start3A_123 : memref<128x128xf32, #tpu.memory_space<hbm>>) target_semaphore(%arg8 : memref<!tpu.dma_semaphore, #tpu.memory_space<semaphore_mem>>)
      %add3A_128 = arith.addi %mul3A_2, %mul3A_13 : i32
      %add3A_129 = arith.constant 128 : i32
      %add3A_130 = arith.addi %add3A_128, %add3A_129 : i32
      %dma_start3A_131 = arith.constant 1 : i32
      %dma_start3A_132 = arith.constant 0 : i32
      %dma_start3A_133 = arith.constant 0 : i32
      %dma_start3A_134 = tpu.memref_slice %arg6[%dma_start3A_131, %dma_start3A_132, %dma_start3A_133] : memref<5x128x128xf32, #tpu.memory_space<vmem>> -> memref<1x128x128xf32, #tpu.memory_space<vmem>>
      %dma_start3A_135 = tpu.memref_squeeze %dma_start3A_134 : memref<1x128x128xf32, #tpu.memory_space<vmem>> -> memref<128x128xf32, #tpu.memory_space<vmem>>
      %dma_start3A_136 = arith.constant 0 : i32
      %dma_start3A_137 = tpu.memref_slice %arg4[%add3A_130, %dma_start3A_136] : memref<40960x128xf32, #tpu.memory_space<hbm>> -> memref<128x128xf32, #tpu.memory_space<hbm>>
      %dma_start3A_138 = arith.constant 0 : i32
      %dma_start3A_139 = tpu.memref_slice %arg4[%add3A_130, %dma_start3A_138] : memref<40960x128xf32, #tpu.memory_space<hbm>> -> memref<128x128xf32, #tpu.memory_space<hbm>>
      %dma_start3A_140 = arith.constant 0 : i32
      %dma_start3A_141 = arith.constant 0 : i32
      %dma_start3A_142 = tpu.memref_slice %arg6[%dma_start3A_131, %dma_start3A_140, %dma_start3A_141] : memref<5x128x128xf32, #tpu.memory_space<vmem>> -> memref<1x128x128xf32, #tpu.memory_space<vmem>>
      %dma_start3A_143 = tpu.memref_squeeze %dma_start3A_142 : memref<1x128x128xf32, #tpu.memory_space<vmem>> -> memref<128x128xf32, #tpu.memory_space<vmem>>
      tpu.enqueue_dma source(%dma_start3A_143 : memref<128x128xf32, #tpu.memory_space<vmem>>) target(%dma_start3A_139 : memref<128x128xf32, #tpu.memory_space<hbm>>) target_semaphore(%arg8 : memref<!tpu.dma_semaphore, #tpu.memory_space<semaphore_mem>>)
      %add3A_144 = arith.addi %mul3A_2, %mul3A_13 : i32
      %add3A_145 = arith.constant 256 : i32
      %add3A_146 = arith.addi %add3A_144, %add3A_145 : i32
      %dma_start3A_147 = arith.constant 2 : i32
      %dma_start3A_148 = arith.constant 0 : i32
      %dma_start3A_149 = arith.constant 0 : i32
      %dma_start3A_150 = tpu.memref_slice %arg6[%dma_start3A_147, %dma_start3A_148, %dma_start3A_149] : memref<5x128x128xf32, #tpu.memory_space<vmem>> -> memref<1x128x128xf32, #tpu.memory_space<vmem>>
      %dma_start3A_151 = tpu.memref_squeeze %dma_start3A_150 : memref<1x128x128xf32, #tpu.memory_space<vmem>> -> memref<128x128xf32, #tpu.memory_space<vmem>>
      %dma_start3A_152 = arith.constant 0 : i32
      %dma_start3A_153 = tpu.memref_slice %arg4[%add3A_146, %dma_start3A_152] : memref<40960x128xf32, #tpu.memory_space<hbm>> -> memref<128x128xf32, #tpu.memory_space<hbm>>
      %dma_start3A_154 = arith.constant 0 : i32
      %dma_start3A_155 = tpu.memref_slice %arg4[%add3A_146, %dma_start3A_154] : memref<40960x128xf32, #tpu.memory_space<hbm>> -> memref<128x128xf32, #tpu.memory_space<hbm>>
      %dma_start3A_156 = arith.constant 0 : i32
      %dma_start3A_157 = arith.constant 0 : i32
      %dma_start3A_158 = tpu.memref_slice %arg6[%dma_start3A_147, %dma_start3A_156, %dma_start3A_157] : memref<5x128x128xf32, #tpu.memory_space<vmem>> -> memref<1x128x128xf32, #tpu.memory_space<vmem>>
      %dma_start3A_159 = tpu.memref_squeeze %dma_start3A_158 : memref<1x128x128xf32, #tpu.memory_space<vmem>> -> memref<128x128xf32, #tpu.memory_space<vmem>>
      tpu.enqueue_dma source(%dma_start3A_159 : memref<128x128xf32, #tpu.memory_space<vmem>>) target(%dma_start3A_155 : memref<128x128xf32, #tpu.memory_space<hbm>>) target_semaphore(%arg8 : memref<!tpu.dma_semaphore, #tpu.memory_space<semaphore_mem>>)
      %add3A_160 = arith.addi %mul3A_2, %mul3A_13 : i32
      %add3A_161 = arith.constant 384 : i32
      %add3A_162 = arith.addi %add3A_160, %add3A_161 : i32
      %dma_start3A_163 = arith.constant 3 : i32
      %dma_start3A_164 = arith.constant 0 : i32
      %dma_start3A_165 = arith.constant 0 : i32
      %dma_start3A_166 = tpu.memref_slice %arg6[%dma_start3A_163, %dma_start3A_164, %dma_start3A_165] : memref<5x128x128xf32, #tpu.memory_space<vmem>> -> memref<1x128x128xf32, #tpu.memory_space<vmem>>
      %dma_start3A_167 = tpu.memref_squeeze %dma_start3A_166 : memref<1x128x128xf32, #tpu.memory_space<vmem>> -> memref<128x128xf32, #tpu.memory_space<vmem>>
      %dma_start3A_168 = arith.constant 0 : i32
      %dma_start3A_169 = tpu.memref_slice %arg4[%add3A_162, %dma_start3A_168] : memref<40960x128xf32, #tpu.memory_space<hbm>> -> memref<128x128xf32, #tpu.memory_space<hbm>>
      %dma_start3A_170 = arith.constant 0 : i32
      %dma_start3A_171 = tpu.memref_slice %arg4[%add3A_162, %dma_start3A_170] : memref<40960x128xf32, #tpu.memory_space<hbm>> -> memref<128x128xf32, #tpu.memory_space<hbm>>
      %dma_start3A_172 = arith.constant 0 : i32
      %dma_start3A_173 = arith.constant 0 : i32
      %dma_start3A_174 = tpu.memref_slice %arg6[%dma_start3A_163, %dma_start3A_172, %dma_start3A_173] : memref<5x128x128xf32, #tpu.memory_space<vmem>> -> memref<1x128x128xf32, #tpu.memory_space<vmem>>
      %dma_start3A_175 = tpu.memref_squeeze %dma_start3A_174 : memref<1x128x128xf32, #tpu.memory_space<vmem>> -> memref<128x128xf32, #tpu.memory_space<vmem>>
      tpu.enqueue_dma source(%dma_start3A_175 : memref<128x128xf32, #tpu.memory_space<vmem>>) target(%dma_start3A_171 : memref<128x128xf32, #tpu.memory_space<hbm>>) target_semaphore(%arg8 : memref<!tpu.dma_semaphore, #tpu.memory_space<semaphore_mem>>)
      %add3A_176 = arith.addi %mul3A_2, %mul3A_13 : i32
      %add3A_177 = arith.constant 512 : i32
      %add3A_178 = arith.addi %add3A_176, %add3A_177 : i32
      %dma_start3A_179 = arith.constant 4 : i32
      %dma_start3A_180 = arith.constant 0 : i32
      %dma_start3A_181 = arith.constant 0 : i32
      %dma_start3A_182 = tpu.memref_slice %arg6[%dma_start3A_179, %dma_start3A_180, %dma_start3A_181] : memref<5x128x128xf32, #tpu.memory_space<vmem>> -> memref<1x128x128xf32, #tpu.memory_space<vmem>>
      %dma_start3A_183 = tpu.memref_squeeze %dma_start3A_182 : memref<1x128x128xf32, #tpu.memory_space<vmem>> -> memref<128x128xf32, #tpu.memory_space<vmem>>
      %dma_start3A_184 = arith.constant 0 : i32
      %dma_start3A_185 = tpu.memref_slice %arg4[%add3A_178, %dma_start3A_184] : memref<40960x128xf32, #tpu.memory_space<hbm>> -> memref<128x128xf32, #tpu.memory_space<hbm>>
      %dma_start3A_186 = arith.constant 0 : i32
      %dma_start3A_187 = tpu.memref_slice %arg4[%add3A_178, %dma_start3A_186] : memref<40960x128xf32, #tpu.memory_space<hbm>> -> memref<128x128xf32, #tpu.memory_space<hbm>>
      %dma_start3A_188 = arith.constant 0 : i32
      %dma_start3A_189 = arith.constant 0 : i32
      %dma_start3A_190 = tpu.memref_slice %arg6[%dma_start3A_179, %dma_start3A_188, %dma_start3A_189] : memref<5x128x128xf32, #tpu.memory_space<vmem>> -> memref<1x128x128xf32, #tpu.memory_space<vmem>>
      %dma_start3A_191 = tpu.memref_squeeze %dma_start3A_190 : memref<1x128x128xf32, #tpu.memory_space<vmem>> -> memref<128x128xf32, #tpu.memory_space<vmem>>
      tpu.enqueue_dma source(%dma_start3A_191 : memref<128x128xf32, #tpu.memory_space<vmem>>) target(%dma_start3A_187 : memref<128x128xf32, #tpu.memory_space<hbm>>) target_semaphore(%arg8 : memref<!tpu.dma_semaphore, #tpu.memory_space<semaphore_mem>>)
      %dma_wait3A_192 = arith.constant 0 : i32
      %dma_wait3A_193 = arith.constant 0 : i32
      %dma_wait3A_194 = arith.constant 0 : i32
      %dma_wait3A_195 = tpu.memref_slice %arg6[%dma_wait3A_192, %dma_wait3A_193, %dma_wait3A_194] : memref<5x128x128xf32, #tpu.memory_space<vmem>> -> memref<1x128x128xf32, #tpu.memory_space<vmem>>
      %dma_wait3A_196 = tpu.memref_squeeze %dma_wait3A_195 : memref<1x128x128xf32, #tpu.memory_space<vmem>> -> memref<128x128xf32, #tpu.memory_space<vmem>>
      %dma_wait3A_197 = arith.constant 0 : i32
      %dma_wait3A_198 = tpu.memref_slice %arg4[%add3A_114, %dma_wait3A_197] : memref<40960x128xf32, #tpu.memory_space<hbm>> -> memref<128x128xf32, #tpu.memory_space<hbm>>
      %dma_wait3A_199 = arith.constant 0 : i32
      %dma_wait3A_200 = tpu.memref_slice %arg4[%add3A_114, %dma_wait3A_199] : memref<40960x128xf32, #tpu.memory_space<hbm>> -> memref<128x128xf32, #tpu.memory_space<hbm>>
      %dma_wait3A_201 = arith.constant 0 : i32
      %dma_wait3A_202 = arith.constant 0 : i32
      %dma_wait3A_203 = tpu.memref_slice %arg6[%dma_wait3A_192, %dma_wait3A_201, %dma_wait3A_202] : memref<5x128x128xf32, #tpu.memory_space<vmem>> -> memref<1x128x128xf32, #tpu.memory_space<vmem>>
      %dma_wait3A_204 = tpu.memref_squeeze %dma_wait3A_203 : memref<1x128x128xf32, #tpu.memory_space<vmem>> -> memref<128x128xf32, #tpu.memory_space<vmem>>
      tpu.wait_dma2 semaphore(%arg8 : memref<!tpu.dma_semaphore, #tpu.memory_space<semaphore_mem>>) src(%dma_wait3A_204 : memref<128x128xf32, #tpu.memory_space<vmem>>) dst(%dma_wait3A_200 : memref<128x128xf32, #tpu.memory_space<hbm>>)
      %dma_wait3A_205 = arith.constant 1 : i32
      %dma_wait3A_206 = arith.constant 0 : i32
      %dma_wait3A_207 = arith.constant 0 : i32
      %dma_wait3A_208 = tpu.memref_slice %arg6[%dma_wait3A_205, %dma_wait3A_206, %dma_wait3A_207] : memref<5x128x128xf32, #tpu.memory_space<vmem>> -> memref<1x128x128xf32, #tpu.memory_space<vmem>>
      %dma_wait3A_209 = tpu.memref_squeeze %dma_wait3A_208 : memref<1x128x128xf32, #tpu.memory_space<vmem>> -> memref<128x128xf32, #tpu.memory_space<vmem>>
      %dma_wait3A_210 = arith.constant 0 : i32
      %dma_wait3A_211 = tpu.memref_slice %arg4[%add3A_130, %dma_wait3A_210] : memref<40960x128xf32, #tpu.memory_space<hbm>> -> memref<128x128xf32, #tpu.memory_space<hbm>>
      %dma_wait3A_212 = arith.constant 0 : i32
      %dma_wait3A_213 = tpu.memref_slice %arg4[%add3A_130, %dma_wait3A_212] : memref<40960x128xf32, #tpu.memory_space<hbm>> -> memref<128x128xf32, #tpu.memory_space<hbm>>
      %dma_wait3A_214 = arith.constant 0 : i32
      %dma_wait3A_215 = arith.constant 0 : i32
      %dma_wait3A_216 = tpu.memref_slice %arg6[%dma_wait3A_205, %dma_wait3A_214, %dma_wait3A_215] : memref<5x128x128xf32, #tpu.memory_space<vmem>> -> memref<1x128x128xf32, #tpu.memory_space<vmem>>
      %dma_wait3A_217 = tpu.memref_squeeze %dma_wait3A_216 : memref<1x128x128xf32, #tpu.memory_space<vmem>> -> memref<128x128xf32, #tpu.memory_space<vmem>>
      tpu.wait_dma2 semaphore(%arg8 : memref<!tpu.dma_semaphore, #tpu.memory_space<semaphore_mem>>) src(%dma_wait3A_217 : memref<128x128xf32, #tpu.memory_space<vmem>>) dst(%dma_wait3A_213 : memref<128x128xf32, #tpu.memory_space<hbm>>)
      %dma_wait3A_218 = arith.constant 2 : i32
      %dma_wait3A_219 = arith.constant 0 : i32
      %dma_wait3A_220 = arith.constant 0 : i32
      %dma_wait3A_221 = tpu.memref_slice %arg6[%dma_wait3A_218, %dma_wait3A_219, %dma_wait3A_220] : memref<5x128x128xf32, #tpu.memory_space<vmem>> -> memref<1x128x128xf32, #tpu.memory_space<vmem>>
      %dma_wait3A_222 = tpu.memref_squeeze %dma_wait3A_221 : memref<1x128x128xf32, #tpu.memory_space<vmem>> -> memref<128x128xf32, #tpu.memory_space<vmem>>
      %dma_wait3A_223 = arith.constant 0 : i32
      %dma_wait3A_224 = tpu.memref_slice %arg4[%add3A_146, %dma_wait3A_223] : memref<40960x128xf32, #tpu.memory_space<hbm>> -> memref<128x128xf32, #tpu.memory_space<hbm>>
      %dma_wait3A_225 = arith.constant 0 : i32
      %dma_wait3A_226 = tpu.memref_slice %arg4[%add3A_146, %dma_wait3A_225] : memref<40960x128xf32, #tpu.memory_space<hbm>> -> memref<128x128xf32, #tpu.memory_space<hbm>>
      %dma_wait3A_227 = arith.constant 0 : i32
      %dma_wait3A_228 = arith.constant 0 : i32
      %dma_wait3A_229 = tpu.memref_slice %arg6[%dma_wait3A_218, %dma_wait3A_227, %dma_wait3A_228] : memref<5x128x128xf32, #tpu.memory_space<vmem>> -> memref<1x128x128xf32, #tpu.memory_space<vmem>>
      %dma_wait3A_230 = tpu.memref_squeeze %dma_wait3A_229 : memref<1x128x128xf32, #tpu.memory_space<vmem>> -> memref<128x128xf32, #tpu.memory_space<vmem>>
      tpu.wait_dma2 semaphore(%arg8 : memref<!tpu.dma_semaphore, #tpu.memory_space<semaphore_mem>>) src(%dma_wait3A_230 : memref<128x128xf32, #tpu.memory_space<vmem>>) dst(%dma_wait3A_226 : memref<128x128xf32, #tpu.memory_space<hbm>>)
      %dma_wait3A_231 = arith.constant 3 : i32
      %dma_wait3A_232 = arith.constant 0 : i32
      %dma_wait3A_233 = arith.constant 0 : i32
      %dma_wait3A_234 = tpu.memref_slice %arg6[%dma_wait3A_231, %dma_wait3A_232, %dma_wait3A_233] : memref<5x128x128xf32, #tpu.memory_space<vmem>> -> memref<1x128x128xf32, #tpu.memory_space<vmem>>
      %dma_wait3A_235 = tpu.memref_squeeze %dma_wait3A_234 : memref<1x128x128xf32, #tpu.memory_space<vmem>> -> memref<128x128xf32, #tpu.memory_space<vmem>>
      %dma_wait3A_236 = arith.constant 0 : i32
      %dma_wait3A_237 = tpu.memref_slice %arg4[%add3A_162, %dma_wait3A_236] : memref<40960x128xf32, #tpu.memory_space<hbm>> -> memref<128x128xf32, #tpu.memory_space<hbm>>
      %dma_wait3A_238 = arith.constant 0 : i32
      %dma_wait3A_239 = tpu.memref_slice %arg4[%add3A_162, %dma_wait3A_238] : memref<40960x128xf32, #tpu.memory_space<hbm>> -> memref<128x128xf32, #tpu.memory_space<hbm>>
      %dma_wait3A_240 = arith.constant 0 : i32
      %dma_wait3A_241 = arith.constant 0 : i32
      %dma_wait3A_242 = tpu.memref_slice %arg6[%dma_wait3A_231, %dma_wait3A_240, %dma_wait3A_241] : memref<5x128x128xf32, #tpu.memory_space<vmem>> -> memref<1x128x128xf32, #tpu.memory_space<vmem>>
      %dma_wait3A_243 = tpu.memref_squeeze %dma_wait3A_242 : memref<1x128x128xf32, #tpu.memory_space<vmem>> -> memref<128x128xf32, #tpu.memory_space<vmem>>
      tpu.wait_dma2 semaphore(%arg8 : memref<!tpu.dma_semaphore, #tpu.memory_space<semaphore_mem>>) src(%dma_wait3A_243 : memref<128x128xf32, #tpu.memory_space<vmem>>) dst(%dma_wait3A_239 : memref<128x128xf32, #tpu.memory_space<hbm>>)
      %dma_wait3A_244 = arith.constant 4 : i32
      %dma_wait3A_245 = arith.constant 0 : i32
      %dma_wait3A_246 = arith.constant 0 : i32
      %dma_wait3A_247 = tpu.memref_slice %arg6[%dma_wait3A_244, %dma_wait3A_245, %dma_wait3A_246] : memref<5x128x128xf32, #tpu.memory_space<vmem>> -> memref<1x128x128xf32, #tpu.memory_space<vmem>>
      %dma_wait3A_248 = tpu.memref_squeeze %dma_wait3A_247 : memref<1x128x128xf32, #tpu.memory_space<vmem>> -> memref<128x128xf32, #tpu.memory_space<vmem>>
      %dma_wait3A_249 = arith.constant 0 : i32
      %dma_wait3A_250 = tpu.memref_slice %arg4[%add3A_178, %dma_wait3A_249] : memref<40960x128xf32, #tpu.memory_space<hbm>> -> memref<128x128xf32, #tpu.memory_space<hbm>>
      %dma_wait3A_251 = arith.constant 0 : i32
      %dma_wait3A_252 = tpu.memref_slice %arg4[%add3A_178, %dma_wait3A_251] : memref<40960x128xf32, #tpu.memory_space<hbm>> -> memref<128x128xf32, #tpu.memory_space<hbm>>
      %dma_wait3A_253 = arith.constant 0 : i32
      %dma_wait3A_254 = arith.constant 0 : i32
      %dma_wait3A_255 = tpu.memref_slice %arg6[%dma_wait3A_244, %dma_wait3A_253, %dma_wait3A_254] : memref<5x128x128xf32, #tpu.memory_space<vmem>> -> memref<1x128x128xf32, #tpu.memory_space<vmem>>
      %dma_wait3A_256 = tpu.memref_squeeze %dma_wait3A_255 : memref<1x128x128xf32, #tpu.memory_space<vmem>> -> memref<128x128xf32, #tpu.memory_space<vmem>>
      tpu.wait_dma2 semaphore(%arg8 : memref<!tpu.dma_semaphore, #tpu.memory_space<semaphore_mem>>) src(%dma_wait3A_256 : memref<128x128xf32, #tpu.memory_space<vmem>>) dst(%dma_wait3A_252 : memref<128x128xf32, #tpu.memory_space<hbm>>)
    }
    %scan3A_6 = arith.constant 2 : i32
    return
  }
}

#map = affine_map<(d0, d1) -> (0, 0)>
#map1 = affine_map<(d0, d1) -> (0)>
module attributes {stable_mosaic.version = 14 : i64} {
  func.func @_sc_gather(%arg0: i32, %arg1: i32, %arg2: memref<4096x128xf32, #tpu.memory_space<hbm>>, %arg3: memref<40960xi32, #tpu.memory_space<hbm>>, %arg4: memref<40960x128xf32, #tpu.memory_space<hbm>>, %arg5: memref<1280xi32, #tpu.memory_space<vmem>>, %arg6: memref<5x128x128xf32, #tpu.memory_space<vmem>>, %arg7: memref<!tpu.dma_semaphore, #tpu.memory_space<semaphore_mem>>, %arg8: memref<!tpu.dma_semaphore, #tpu.memory_space<semaphore_mem>>) attributes {dimension_semantics = [#tpu.dimension_semantics<core_parallel>, #tpu.dimension_semantics<subcore_parallel>], iteration_bounds = array<i64: 2, 16>, scalar_prefetch = 0 : i64, scratch_operands = 4 : i64, tpu.core_type = #tpu.core_type<sc_vector_subcore>, window_params = [{transform_indices = #map}, {transform_indices = #map1}, {transform_indices = #map}]} {
    %mul3A = arith.constant 2 : i32
    %mul3A_0 = arith.muli %arg1, %mul3A : i32
    %add3A = arith.addi %mul3A_0, %arg0 : i32
    %mul3A_1 = arith.constant 1280 : i32
    %mul3A_2 = arith.muli %add3A, %mul3A_1 : i32
    "tpu.region"() ({
      %run_scoped3A = tpu.sem_alloc : memref<!tpu.dma_semaphore, #tpu.memory_space<semaphore_mem>>
      %dma_start3A = tpu.memref_slice %arg3[%mul3A_2] : memref<40960xi32, #tpu.memory_space<hbm>> -> memref<1280xi32, #tpu.memory_space<hbm>>
      %dma_start3A_7 = tpu.memref_slice %arg3[%mul3A_2] : memref<40960xi32, #tpu.memory_space<hbm>> -> memref<1280xi32, #tpu.memory_space<hbm>>
      tpu.enqueue_dma source(%dma_start3A_7 : memref<1280xi32, #tpu.memory_space<hbm>>) target(%arg5 : memref<1280xi32, #tpu.memory_space<vmem>>) target_semaphore(%run_scoped3A : memref<!tpu.dma_semaphore, #tpu.memory_space<semaphore_mem>>)
      %dma_wait3A = tpu.memref_slice %arg3[%mul3A_2] : memref<40960xi32, #tpu.memory_space<hbm>> -> memref<1280xi32, #tpu.memory_space<hbm>>
      %dma_wait3A_8 = tpu.memref_slice %arg3[%mul3A_2] : memref<40960xi32, #tpu.memory_space<hbm>> -> memref<1280xi32, #tpu.memory_space<hbm>>
      tpu.wait_dma2 semaphore(%run_scoped3A : memref<!tpu.dma_semaphore, #tpu.memory_space<semaphore_mem>>) src(%dma_wait3A_8 : memref<1280xi32, #tpu.memory_space<hbm>>) dst(%arg5 : memref<1280xi32, #tpu.memory_space<vmem>>)
      tpu.yield
    }) : () -> ()
    %scan3A = arith.constant 0 : i32
    %scan3A_3 = arith.constant 2 : i32
    %scan3A_4 = arith.addi %scan3A, %scan3A_3 : i32
    %scan3A_5 = arith.constant 1 : i32
    scf.for %scan3A_7 = %scan3A to %scan3A_4 step %scan3A_5  : i32 {
      %mul3A_8 = arith.constant 1 : i32
      %mul3A_9 = arith.muli %scan3A_7, %mul3A_8 : i32
      %add3A_10 = arith.constant 0 : i32
      %add3A_11 = arith.addi %add3A_10, %mul3A_9 : i32
      %mul3A_12 = arith.constant 640 : i32
      %mul3A_13 = arith.muli %add3A_11, %mul3A_12 : i32
      %add3A_14 = arith.constant 0 : i32
      %add3A_15 = arith.addi %mul3A_13, %add3A_14 : i32
      %dma_start3A = arith.constant 0 : i32
      %dma_start3A_16 = arith.constant 0 : i32
      %dma_start3A_17 = arith.constant 0 : i32
      %dma_start3A_18 = tpu.memref_slice %arg6[%dma_start3A, %dma_start3A_16, %dma_start3A_17] : memref<5x128x128xf32, #tpu.memory_space<vmem>> -> memref<1x128x128xf32, #tpu.memory_space<vmem>>
      %dma_start3A_19 = tpu.memref_squeeze %dma_start3A_18 : memref<1x128x128xf32, #tpu.memory_space<vmem>> -> memref<128x128xf32, #tpu.memory_space<vmem>>
      %dma_start3A_20 = tpu.memref_slice %arg5[%add3A_15] : memref<1280xi32, #tpu.memory_space<vmem>> -> memref<128xi32, #tpu.memory_space<vmem>>
      %dma_start3A_21 = arith.constant 0 : i32
      %dma_start3A_22 = arith.constant 0 : i32
      %dma_start3A_23 = tpu.memref_slice %arg2[%dma_start3A_21, %dma_start3A_22] : memref<4096x128xf32, #tpu.memory_space<hbm>> -> memref<4096x128xf32, #tpu.memory_space<hbm>>
      tpu.enqueue_indirect_dma source(%dma_start3A_23 : memref<4096x128xf32, #tpu.memory_space<hbm>>) target(%dma_start3A_19 : memref<128x128xf32, #tpu.memory_space<vmem>>) offsets(%dma_start3A_20 : memref<128xi32, #tpu.memory_space<vmem>>) semaphore(%arg7 : memref<!tpu.dma_semaphore, #tpu.memory_space<semaphore_mem>>)
      %add3A_24 = arith.constant 128 : i32
      %add3A_25 = arith.addi %mul3A_13, %add3A_24 : i32
      %dma_start3A_26 = arith.constant 1 : i32
      %dma_start3A_27 = arith.constant 0 : i32
      %dma_start3A_28 = arith.constant 0 : i32
      %dma_start3A_29 = tpu.memref_slice %arg6[%dma_start3A_26, %dma_start3A_27, %dma_start3A_28] : memref<5x128x128xf32, #tpu.memory_space<vmem>> -> memref<1x128x128xf32, #tpu.memory_space<vmem>>
      %dma_start3A_30 = tpu.memref_squeeze %dma_start3A_29 : memref<1x128x128xf32, #tpu.memory_space<vmem>> -> memref<128x128xf32, #tpu.memory_space<vmem>>
      %dma_start3A_31 = tpu.memref_slice %arg5[%add3A_25] : memref<1280xi32, #tpu.memory_space<vmem>> -> memref<128xi32, #tpu.memory_space<vmem>>
      %dma_start3A_32 = arith.constant 0 : i32
      %dma_start3A_33 = arith.constant 0 : i32
      %dma_start3A_34 = tpu.memref_slice %arg2[%dma_start3A_32, %dma_start3A_33] : memref<4096x128xf32, #tpu.memory_space<hbm>> -> memref<4096x128xf32, #tpu.memory_space<hbm>>
      tpu.enqueue_indirect_dma source(%dma_start3A_34 : memref<4096x128xf32, #tpu.memory_space<hbm>>) target(%dma_start3A_30 : memref<128x128xf32, #tpu.memory_space<vmem>>) offsets(%dma_start3A_31 : memref<128xi32, #tpu.memory_space<vmem>>) semaphore(%arg7 : memref<!tpu.dma_semaphore, #tpu.memory_space<semaphore_mem>>)
      %add3A_35 = arith.constant 256 : i32
      %add3A_36 = arith.addi %mul3A_13, %add3A_35 : i32
      %dma_start3A_37 = arith.constant 2 : i32
      %dma_start3A_38 = arith.constant 0 : i32
      %dma_start3A_39 = arith.constant 0 : i32
      %dma_start3A_40 = tpu.memref_slice %arg6[%dma_start3A_37, %dma_start3A_38, %dma_start3A_39] : memref<5x128x128xf32, #tpu.memory_space<vmem>> -> memref<1x128x128xf32, #tpu.memory_space<vmem>>
      %dma_start3A_41 = tpu.memref_squeeze %dma_start3A_40 : memref<1x128x128xf32, #tpu.memory_space<vmem>> -> memref<128x128xf32, #tpu.memory_space<vmem>>
      %dma_start3A_42 = tpu.memref_slice %arg5[%add3A_36] : memref<1280xi32, #tpu.memory_space<vmem>> -> memref<128xi32, #tpu.memory_space<vmem>>
      %dma_start3A_43 = arith.constant 0 : i32
      %dma_start3A_44 = arith.constant 0 : i32
      %dma_start3A_45 = tpu.memref_slice %arg2[%dma_start3A_43, %dma_start3A_44] : memref<4096x128xf32, #tpu.memory_space<hbm>> -> memref<4096x128xf32, #tpu.memory_space<hbm>>
      tpu.enqueue_indirect_dma source(%dma_start3A_45 : memref<4096x128xf32, #tpu.memory_space<hbm>>) target(%dma_start3A_41 : memref<128x128xf32, #tpu.memory_space<vmem>>) offsets(%dma_start3A_42 : memref<128xi32, #tpu.memory_space<vmem>>) semaphore(%arg7 : memref<!tpu.dma_semaphore, #tpu.memory_space<semaphore_mem>>)
      %add3A_46 = arith.constant 384 : i32
      %add3A_47 = arith.addi %mul3A_13, %add3A_46 : i32
      %dma_start3A_48 = arith.constant 3 : i32
      %dma_start3A_49 = arith.constant 0 : i32
      %dma_start3A_50 = arith.constant 0 : i32
      %dma_start3A_51 = tpu.memref_slice %arg6[%dma_start3A_48, %dma_start3A_49, %dma_start3A_50] : memref<5x128x128xf32, #tpu.memory_space<vmem>> -> memref<1x128x128xf32, #tpu.memory_space<vmem>>
      %dma_start3A_52 = tpu.memref_squeeze %dma_start3A_51 : memref<1x128x128xf32, #tpu.memory_space<vmem>> -> memref<128x128xf32, #tpu.memory_space<vmem>>
      %dma_start3A_53 = tpu.memref_slice %arg5[%add3A_47] : memref<1280xi32, #tpu.memory_space<vmem>> -> memref<128xi32, #tpu.memory_space<vmem>>
      %dma_start3A_54 = arith.constant 0 : i32
      %dma_start3A_55 = arith.constant 0 : i32
      %dma_start3A_56 = tpu.memref_slice %arg2[%dma_start3A_54, %dma_start3A_55] : memref<4096x128xf32, #tpu.memory_space<hbm>> -> memref<4096x128xf32, #tpu.memory_space<hbm>>
      tpu.enqueue_indirect_dma source(%dma_start3A_56 : memref<4096x128xf32, #tpu.memory_space<hbm>>) target(%dma_start3A_52 : memref<128x128xf32, #tpu.memory_space<vmem>>) offsets(%dma_start3A_53 : memref<128xi32, #tpu.memory_space<vmem>>) semaphore(%arg7 : memref<!tpu.dma_semaphore, #tpu.memory_space<semaphore_mem>>)
      %add3A_57 = arith.constant 512 : i32
      %add3A_58 = arith.addi %mul3A_13, %add3A_57 : i32
      %dma_start3A_59 = arith.constant 4 : i32
      %dma_start3A_60 = arith.constant 0 : i32
      %dma_start3A_61 = arith.constant 0 : i32
      %dma_start3A_62 = tpu.memref_slice %arg6[%dma_start3A_59, %dma_start3A_60, %dma_start3A_61] : memref<5x128x128xf32, #tpu.memory_space<vmem>> -> memref<1x128x128xf32, #tpu.memory_space<vmem>>
      %dma_start3A_63 = tpu.memref_squeeze %dma_start3A_62 : memref<1x128x128xf32, #tpu.memory_space<vmem>> -> memref<128x128xf32, #tpu.memory_space<vmem>>
      %dma_start3A_64 = tpu.memref_slice %arg5[%add3A_58] : memref<1280xi32, #tpu.memory_space<vmem>> -> memref<128xi32, #tpu.memory_space<vmem>>
      %dma_start3A_65 = arith.constant 0 : i32
      %dma_start3A_66 = arith.constant 0 : i32
      %dma_start3A_67 = tpu.memref_slice %arg2[%dma_start3A_65, %dma_start3A_66] : memref<4096x128xf32, #tpu.memory_space<hbm>> -> memref<4096x128xf32, #tpu.memory_space<hbm>>
      tpu.enqueue_indirect_dma source(%dma_start3A_67 : memref<4096x128xf32, #tpu.memory_space<hbm>>) target(%dma_start3A_63 : memref<128x128xf32, #tpu.memory_space<vmem>>) offsets(%dma_start3A_64 : memref<128xi32, #tpu.memory_space<vmem>>) semaphore(%arg7 : memref<!tpu.dma_semaphore, #tpu.memory_space<semaphore_mem>>)
      %dma_wait3A = arith.constant 0 : i32
      %dma_wait3A_68 = arith.constant 0 : i32
      %dma_wait3A_69 = arith.constant 0 : i32
      %dma_wait3A_70 = tpu.memref_slice %arg6[%dma_wait3A, %dma_wait3A_68, %dma_wait3A_69] : memref<5x128x128xf32, #tpu.memory_space<vmem>> -> memref<1x128x128xf32, #tpu.memory_space<vmem>>
      %dma_wait3A_71 = tpu.memref_squeeze %dma_wait3A_70 : memref<1x128x128xf32, #tpu.memory_space<vmem>> -> memref<128x128xf32, #tpu.memory_space<vmem>>
      %dma_wait3A_72 = tpu.memref_slice %arg5[%add3A_15] : memref<1280xi32, #tpu.memory_space<vmem>> -> memref<128xi32, #tpu.memory_space<vmem>>
      %dma_wait3A_73 = arith.constant 0 : i32
      %dma_wait3A_74 = arith.constant 0 : i32
      %dma_wait3A_75 = tpu.memref_slice %arg2[%dma_wait3A_73, %dma_wait3A_74] : memref<4096x128xf32, #tpu.memory_space<hbm>> -> memref<4096x128xf32, #tpu.memory_space<hbm>>
      tpu.wait_indirect_dma semaphore(%arg7 : memref<!tpu.dma_semaphore, #tpu.memory_space<semaphore_mem>>) src(%dma_wait3A_75 : memref<4096x128xf32, #tpu.memory_space<hbm>>) dst(%dma_wait3A_71 : memref<128x128xf32, #tpu.memory_space<vmem>>)
      %dma_wait3A_76 = arith.constant 1 : i32
      %dma_wait3A_77 = arith.constant 0 : i32
      %dma_wait3A_78 = arith.constant 0 : i32
      %dma_wait3A_79 = tpu.memref_slice %arg6[%dma_wait3A_76, %dma_wait3A_77, %dma_wait3A_78] : memref<5x128x128xf32, #tpu.memory_space<vmem>> -> memref<1x128x128xf32, #tpu.memory_space<vmem>>
      %dma_wait3A_80 = tpu.memref_squeeze %dma_wait3A_79 : memref<1x128x128xf32, #tpu.memory_space<vmem>> -> memref<128x128xf32, #tpu.memory_space<vmem>>
      %dma_wait3A_81 = tpu.memref_slice %arg5[%add3A_25] : memref<1280xi32, #tpu.memory_space<vmem>> -> memref<128xi32, #tpu.memory_space<vmem>>
      %dma_wait3A_82 = arith.constant 0 : i32
      %dma_wait3A_83 = arith.constant 0 : i32
      %dma_wait3A_84 = tpu.memref_slice %arg2[%dma_wait3A_82, %dma_wait3A_83] : memref<4096x128xf32, #tpu.memory_space<hbm>> -> memref<4096x128xf32, #tpu.memory_space<hbm>>
      tpu.wait_indirect_dma semaphore(%arg7 : memref<!tpu.dma_semaphore, #tpu.memory_space<semaphore_mem>>) src(%dma_wait3A_84 : memref<4096x128xf32, #tpu.memory_space<hbm>>) dst(%dma_wait3A_80 : memref<128x128xf32, #tpu.memory_space<vmem>>)
      %dma_wait3A_85 = arith.constant 2 : i32
      %dma_wait3A_86 = arith.constant 0 : i32
      %dma_wait3A_87 = arith.constant 0 : i32
      %dma_wait3A_88 = tpu.memref_slice %arg6[%dma_wait3A_85, %dma_wait3A_86, %dma_wait3A_87] : memref<5x128x128xf32, #tpu.memory_space<vmem>> -> memref<1x128x128xf32, #tpu.memory_space<vmem>>
      %dma_wait3A_89 = tpu.memref_squeeze %dma_wait3A_88 : memref<1x128x128xf32, #tpu.memory_space<vmem>> -> memref<128x128xf32, #tpu.memory_space<vmem>>
      %dma_wait3A_90 = tpu.memref_slice %arg5[%add3A_36] : memref<1280xi32, #tpu.memory_space<vmem>> -> memref<128xi32, #tpu.memory_space<vmem>>
      %dma_wait3A_91 = arith.constant 0 : i32
      %dma_wait3A_92 = arith.constant 0 : i32
      %dma_wait3A_93 = tpu.memref_slice %arg2[%dma_wait3A_91, %dma_wait3A_92] : memref<4096x128xf32, #tpu.memory_space<hbm>> -> memref<4096x128xf32, #tpu.memory_space<hbm>>
      tpu.wait_indirect_dma semaphore(%arg7 : memref<!tpu.dma_semaphore, #tpu.memory_space<semaphore_mem>>) src(%dma_wait3A_93 : memref<4096x128xf32, #tpu.memory_space<hbm>>) dst(%dma_wait3A_89 : memref<128x128xf32, #tpu.memory_space<vmem>>)
      %dma_wait3A_94 = arith.constant 3 : i32
      %dma_wait3A_95 = arith.constant 0 : i32
      %dma_wait3A_96 = arith.constant 0 : i32
      %dma_wait3A_97 = tpu.memref_slice %arg6[%dma_wait3A_94, %dma_wait3A_95, %dma_wait3A_96] : memref<5x128x128xf32, #tpu.memory_space<vmem>> -> memref<1x128x128xf32, #tpu.memory_space<vmem>>
      %dma_wait3A_98 = tpu.memref_squeeze %dma_wait3A_97 : memref<1x128x128xf32, #tpu.memory_space<vmem>> -> memref<128x128xf32, #tpu.memory_space<vmem>>
      %dma_wait3A_99 = tpu.memref_slice %arg5[%add3A_47] : memref<1280xi32, #tpu.memory_space<vmem>> -> memref<128xi32, #tpu.memory_space<vmem>>
      %dma_wait3A_100 = arith.constant 0 : i32
      %dma_wait3A_101 = arith.constant 0 : i32
      %dma_wait3A_102 = tpu.memref_slice %arg2[%dma_wait3A_100, %dma_wait3A_101] : memref<4096x128xf32, #tpu.memory_space<hbm>> -> memref<4096x128xf32, #tpu.memory_space<hbm>>
      tpu.wait_indirect_dma semaphore(%arg7 : memref<!tpu.dma_semaphore, #tpu.memory_space<semaphore_mem>>) src(%dma_wait3A_102 : memref<4096x128xf32, #tpu.memory_space<hbm>>) dst(%dma_wait3A_98 : memref<128x128xf32, #tpu.memory_space<vmem>>)
      %dma_wait3A_103 = arith.constant 4 : i32
      %dma_wait3A_104 = arith.constant 0 : i32
      %dma_wait3A_105 = arith.constant 0 : i32
      %dma_wait3A_106 = tpu.memref_slice %arg6[%dma_wait3A_103, %dma_wait3A_104, %dma_wait3A_105] : memref<5x128x128xf32, #tpu.memory_space<vmem>> -> memref<1x128x128xf32, #tpu.memory_space<vmem>>
      %dma_wait3A_107 = tpu.memref_squeeze %dma_wait3A_106 : memref<1x128x128xf32, #tpu.memory_space<vmem>> -> memref<128x128xf32, #tpu.memory_space<vmem>>
      %dma_wait3A_108 = tpu.memref_slice %arg5[%add3A_58] : memref<1280xi32, #tpu.memory_space<vmem>> -> memref<128xi32, #tpu.memory_space<vmem>>
      %dma_wait3A_109 = arith.constant 0 : i32
      %dma_wait3A_110 = arith.constant 0 : i32
      %dma_wait3A_111 = tpu.memref_slice %arg2[%dma_wait3A_109, %dma_wait3A_110] : memref<4096x128xf32, #tpu.memory_space<hbm>> -> memref<4096x128xf32, #tpu.memory_space<hbm>>
      tpu.wait_indirect_dma semaphore(%arg7 : memref<!tpu.dma_semaphore, #tpu.memory_space<semaphore_mem>>) src(%dma_wait3A_111 : memref<4096x128xf32, #tpu.memory_space<hbm>>) dst(%dma_wait3A_107 : memref<128x128xf32, #tpu.memory_space<vmem>>)
      %add3A_112 = arith.addi %mul3A_2, %mul3A_13 : i32
      %add3A_113 = arith.constant 0 : i32
      %add3A_114 = arith.addi %add3A_112, %add3A_113 : i32
      %dma_start3A_115 = arith.constant 0 : i32
      %dma_start3A_116 = arith.constant 0 : i32
      %dma_start3A_117 = arith.constant 0 : i32
      %dma_start3A_118 = tpu.memref_slice %arg6[%dma_start3A_115, %dma_start3A_116, %dma_start3A_117] : memref<5x128x128xf32, #tpu.memory_space<vmem>> -> memref<1x128x128xf32, #tpu.memory_space<vmem>>
      %dma_start3A_119 = tpu.memref_squeeze %dma_start3A_118 : memref<1x128x128xf32, #tpu.memory_space<vmem>> -> memref<128x128xf32, #tpu.memory_space<vmem>>
      %dma_start3A_120 = arith.constant 0 : i32
      %dma_start3A_121 = tpu.memref_slice %arg4[%add3A_114, %dma_start3A_120] : memref<40960x128xf32, #tpu.memory_space<hbm>> -> memref<128x128xf32, #tpu.memory_space<hbm>>
      %dma_start3A_122 = arith.constant 0 : i32
      %dma_start3A_123 = tpu.memref_slice %arg4[%add3A_114, %dma_start3A_122] : memref<40960x128xf32, #tpu.memory_space<hbm>> -> memref<128x128xf32, #tpu.memory_space<hbm>>
      %dma_start3A_124 = arith.constant 0 : i32
      %dma_start3A_125 = arith.constant 0 : i32
      %dma_start3A_126 = tpu.memref_slice %arg6[%dma_start3A_115, %dma_start3A_124, %dma_start3A_125] : memref<5x128x128xf32, #tpu.memory_space<vmem>> -> memref<1x128x128xf32, #tpu.memory_space<vmem>>
      %dma_start3A_127 = tpu.memref_squeeze %dma_start3A_126 : memref<1x128x128xf32, #tpu.memory_space<vmem>> -> memref<128x128xf32, #tpu.memory_space<vmem>>
      tpu.enqueue_dma source(%dma_start3A_127 : memref<128x128xf32, #tpu.memory_space<vmem>>) target(%dma_start3A_123 : memref<128x128xf32, #tpu.memory_space<hbm>>) target_semaphore(%arg8 : memref<!tpu.dma_semaphore, #tpu.memory_space<semaphore_mem>>)
      %add3A_128 = arith.addi %mul3A_2, %mul3A_13 : i32
      %add3A_129 = arith.constant 128 : i32
      %add3A_130 = arith.addi %add3A_128, %add3A_129 : i32
      %dma_start3A_131 = arith.constant 1 : i32
      %dma_start3A_132 = arith.constant 0 : i32
      %dma_start3A_133 = arith.constant 0 : i32
      %dma_start3A_134 = tpu.memref_slice %arg6[%dma_start3A_131, %dma_start3A_132, %dma_start3A_133] : memref<5x128x128xf32, #tpu.memory_space<vmem>> -> memref<1x128x128xf32, #tpu.memory_space<vmem>>
      %dma_start3A_135 = tpu.memref_squeeze %dma_start3A_134 : memref<1x128x128xf32, #tpu.memory_space<vmem>> -> memref<128x128xf32, #tpu.memory_space<vmem>>
      %dma_start3A_136 = arith.constant 0 : i32
      %dma_start3A_137 = tpu.memref_slice %arg4[%add3A_130, %dma_start3A_136] : memref<40960x128xf32, #tpu.memory_space<hbm>> -> memref<128x128xf32, #tpu.memory_space<hbm>>
      %dma_start3A_138 = arith.constant 0 : i32
      %dma_start3A_139 = tpu.memref_slice %arg4[%add3A_130, %dma_start3A_138] : memref<40960x128xf32, #tpu.memory_space<hbm>> -> memref<128x128xf32, #tpu.memory_space<hbm>>
      %dma_start3A_140 = arith.constant 0 : i32
      %dma_start3A_141 = arith.constant 0 : i32
      %dma_start3A_142 = tpu.memref_slice %arg6[%dma_start3A_131, %dma_start3A_140, %dma_start3A_141] : memref<5x128x128xf32, #tpu.memory_space<vmem>> -> memref<1x128x128xf32, #tpu.memory_space<vmem>>
      %dma_start3A_143 = tpu.memref_squeeze %dma_start3A_142 : memref<1x128x128xf32, #tpu.memory_space<vmem>> -> memref<128x128xf32, #tpu.memory_space<vmem>>
      tpu.enqueue_dma source(%dma_start3A_143 : memref<128x128xf32, #tpu.memory_space<vmem>>) target(%dma_start3A_139 : memref<128x128xf32, #tpu.memory_space<hbm>>) target_semaphore(%arg8 : memref<!tpu.dma_semaphore, #tpu.memory_space<semaphore_mem>>)
      %add3A_144 = arith.addi %mul3A_2, %mul3A_13 : i32
      %add3A_145 = arith.constant 256 : i32
      %add3A_146 = arith.addi %add3A_144, %add3A_145 : i32
      %dma_start3A_147 = arith.constant 2 : i32
      %dma_start3A_148 = arith.constant 0 : i32
      %dma_start3A_149 = arith.constant 0 : i32
      %dma_start3A_150 = tpu.memref_slice %arg6[%dma_start3A_147, %dma_start3A_148, %dma_start3A_149] : memref<5x128x128xf32, #tpu.memory_space<vmem>> -> memref<1x128x128xf32, #tpu.memory_space<vmem>>
      %dma_start3A_151 = tpu.memref_squeeze %dma_start3A_150 : memref<1x128x128xf32, #tpu.memory_space<vmem>> -> memref<128x128xf32, #tpu.memory_space<vmem>>
      %dma_start3A_152 = arith.constant 0 : i32
      %dma_start3A_153 = tpu.memref_slice %arg4[%add3A_146, %dma_start3A_152] : memref<40960x128xf32, #tpu.memory_space<hbm>> -> memref<128x128xf32, #tpu.memory_space<hbm>>
      %dma_start3A_154 = arith.constant 0 : i32
      %dma_start3A_155 = tpu.memref_slice %arg4[%add3A_146, %dma_start3A_154] : memref<40960x128xf32, #tpu.memory_space<hbm>> -> memref<128x128xf32, #tpu.memory_space<hbm>>
      %dma_start3A_156 = arith.constant 0 : i32
      %dma_start3A_157 = arith.constant 0 : i32
      %dma_start3A_158 = tpu.memref_slice %arg6[%dma_start3A_147, %dma_start3A_156, %dma_start3A_157] : memref<5x128x128xf32, #tpu.memory_space<vmem>> -> memref<1x128x128xf32, #tpu.memory_space<vmem>>
      %dma_start3A_159 = tpu.memref_squeeze %dma_start3A_158 : memref<1x128x128xf32, #tpu.memory_space<vmem>> -> memref<128x128xf32, #tpu.memory_space<vmem>>
      tpu.enqueue_dma source(%dma_start3A_159 : memref<128x128xf32, #tpu.memory_space<vmem>>) target(%dma_start3A_155 : memref<128x128xf32, #tpu.memory_space<hbm>>) target_semaphore(%arg8 : memref<!tpu.dma_semaphore, #tpu.memory_space<semaphore_mem>>)
      %add3A_160 = arith.addi %mul3A_2, %mul3A_13 : i32
      %add3A_161 = arith.constant 384 : i32
      %add3A_162 = arith.addi %add3A_160, %add3A_161 : i32
      %dma_start3A_163 = arith.constant 3 : i32
      %dma_start3A_164 = arith.constant 0 : i32
      %dma_start3A_165 = arith.constant 0 : i32
      %dma_start3A_166 = tpu.memref_slice %arg6[%dma_start3A_163, %dma_start3A_164, %dma_start3A_165] : memref<5x128x128xf32, #tpu.memory_space<vmem>> -> memref<1x128x128xf32, #tpu.memory_space<vmem>>
      %dma_start3A_167 = tpu.memref_squeeze %dma_start3A_166 : memref<1x128x128xf32, #tpu.memory_space<vmem>> -> memref<128x128xf32, #tpu.memory_space<vmem>>
      %dma_start3A_168 = arith.constant 0 : i32
      %dma_start3A_169 = tpu.memref_slice %arg4[%add3A_162, %dma_start3A_168] : memref<40960x128xf32, #tpu.memory_space<hbm>> -> memref<128x128xf32, #tpu.memory_space<hbm>>
      %dma_start3A_170 = arith.constant 0 : i32
      %dma_start3A_171 = tpu.memref_slice %arg4[%add3A_162, %dma_start3A_170] : memref<40960x128xf32, #tpu.memory_space<hbm>> -> memref<128x128xf32, #tpu.memory_space<hbm>>
      %dma_start3A_172 = arith.constant 0 : i32
      %dma_start3A_173 = arith.constant 0 : i32
      %dma_start3A_174 = tpu.memref_slice %arg6[%dma_start3A_163, %dma_start3A_172, %dma_start3A_173] : memref<5x128x128xf32, #tpu.memory_space<vmem>> -> memref<1x128x128xf32, #tpu.memory_space<vmem>>
      %dma_start3A_175 = tpu.memref_squeeze %dma_start3A_174 : memref<1x128x128xf32, #tpu.memory_space<vmem>> -> memref<128x128xf32, #tpu.memory_space<vmem>>
      tpu.enqueue_dma source(%dma_start3A_175 : memref<128x128xf32, #tpu.memory_space<vmem>>) target(%dma_start3A_171 : memref<128x128xf32, #tpu.memory_space<hbm>>) target_semaphore(%arg8 : memref<!tpu.dma_semaphore, #tpu.memory_space<semaphore_mem>>)
      %add3A_176 = arith.addi %mul3A_2, %mul3A_13 : i32
      %add3A_177 = arith.constant 512 : i32
      %add3A_178 = arith.addi %add3A_176, %add3A_177 : i32
      %dma_start3A_179 = arith.constant 4 : i32
      %dma_start3A_180 = arith.constant 0 : i32
      %dma_start3A_181 = arith.constant 0 : i32
      %dma_start3A_182 = tpu.memref_slice %arg6[%dma_start3A_179, %dma_start3A_180, %dma_start3A_181] : memref<5x128x128xf32, #tpu.memory_space<vmem>> -> memref<1x128x128xf32, #tpu.memory_space<vmem>>
      %dma_start3A_183 = tpu.memref_squeeze %dma_start3A_182 : memref<1x128x128xf32, #tpu.memory_space<vmem>> -> memref<128x128xf32, #tpu.memory_space<vmem>>
      %dma_start3A_184 = arith.constant 0 : i32
      %dma_start3A_185 = tpu.memref_slice %arg4[%add3A_178, %dma_start3A_184] : memref<40960x128xf32, #tpu.memory_space<hbm>> -> memref<128x128xf32, #tpu.memory_space<hbm>>
      %dma_start3A_186 = arith.constant 0 : i32
      %dma_start3A_187 = tpu.memref_slice %arg4[%add3A_178, %dma_start3A_186] : memref<40960x128xf32, #tpu.memory_space<hbm>> -> memref<128x128xf32, #tpu.memory_space<hbm>>
      %dma_start3A_188 = arith.constant 0 : i32
      %dma_start3A_189 = arith.constant 0 : i32
      %dma_start3A_190 = tpu.memref_slice %arg6[%dma_start3A_179, %dma_start3A_188, %dma_start3A_189] : memref<5x128x128xf32, #tpu.memory_space<vmem>> -> memref<1x128x128xf32, #tpu.memory_space<vmem>>
      %dma_start3A_191 = tpu.memref_squeeze %dma_start3A_190 : memref<1x128x128xf32, #tpu.memory_space<vmem>> -> memref<128x128xf32, #tpu.memory_space<vmem>>
      tpu.enqueue_dma source(%dma_start3A_191 : memref<128x128xf32, #tpu.memory_space<vmem>>) target(%dma_start3A_187 : memref<128x128xf32, #tpu.memory_space<hbm>>) target_semaphore(%arg8 : memref<!tpu.dma_semaphore, #tpu.memory_space<semaphore_mem>>)
      %dma_wait3A_192 = arith.constant 0 : i32
      %dma_wait3A_193 = arith.constant 0 : i32
      %dma_wait3A_194 = arith.constant 0 : i32
      %dma_wait3A_195 = tpu.memref_slice %arg6[%dma_wait3A_192, %dma_wait3A_193, %dma_wait3A_194] : memref<5x128x128xf32, #tpu.memory_space<vmem>> -> memref<1x128x128xf32, #tpu.memory_space<vmem>>
      %dma_wait3A_196 = tpu.memref_squeeze %dma_wait3A_195 : memref<1x128x128xf32, #tpu.memory_space<vmem>> -> memref<128x128xf32, #tpu.memory_space<vmem>>
      %dma_wait3A_197 = arith.constant 0 : i32
      %dma_wait3A_198 = tpu.memref_slice %arg4[%add3A_114, %dma_wait3A_197] : memref<40960x128xf32, #tpu.memory_space<hbm>> -> memref<128x128xf32, #tpu.memory_space<hbm>>
      %dma_wait3A_199 = arith.constant 0 : i32
      %dma_wait3A_200 = tpu.memref_slice %arg4[%add3A_114, %dma_wait3A_199] : memref<40960x128xf32, #tpu.memory_space<hbm>> -> memref<128x128xf32, #tpu.memory_space<hbm>>
      %dma_wait3A_201 = arith.constant 0 : i32
      %dma_wait3A_202 = arith.constant 0 : i32
      %dma_wait3A_203 = tpu.memref_slice %arg6[%dma_wait3A_192, %dma_wait3A_201, %dma_wait3A_202] : memref<5x128x128xf32, #tpu.memory_space<vmem>> -> memref<1x128x128xf32, #tpu.memory_space<vmem>>
      %dma_wait3A_204 = tpu.memref_squeeze %dma_wait3A_203 : memref<1x128x128xf32, #tpu.memory_space<vmem>> -> memref<128x128xf32, #tpu.memory_space<vmem>>
      tpu.wait_dma2 semaphore(%arg8 : memref<!tpu.dma_semaphore, #tpu.memory_space<semaphore_mem>>) src(%dma_wait3A_204 : memref<128x128xf32, #tpu.memory_space<vmem>>) dst(%dma_wait3A_200 : memref<128x128xf32, #tpu.memory_space<hbm>>)
      %dma_wait3A_205 = arith.constant 1 : i32
      %dma_wait3A_206 = arith.constant 0 : i32
      %dma_wait3A_207 = arith.constant 0 : i32
      %dma_wait3A_208 = tpu.memref_slice %arg6[%dma_wait3A_205, %dma_wait3A_206, %dma_wait3A_207] : memref<5x128x128xf32, #tpu.memory_space<vmem>> -> memref<1x128x128xf32, #tpu.memory_space<vmem>>
      %dma_wait3A_209 = tpu.memref_squeeze %dma_wait3A_208 : memref<1x128x128xf32, #tpu.memory_space<vmem>> -> memref<128x128xf32, #tpu.memory_space<vmem>>
      %dma_wait3A_210 = arith.constant 0 : i32
      %dma_wait3A_211 = tpu.memref_slice %arg4[%add3A_130, %dma_wait3A_210] : memref<40960x128xf32, #tpu.memory_space<hbm>> -> memref<128x128xf32, #tpu.memory_space<hbm>>
      %dma_wait3A_212 = arith.constant 0 : i32
      %dma_wait3A_213 = tpu.memref_slice %arg4[%add3A_130, %dma_wait3A_212] : memref<40960x128xf32, #tpu.memory_space<hbm>> -> memref<128x128xf32, #tpu.memory_space<hbm>>
      %dma_wait3A_214 = arith.constant 0 : i32
      %dma_wait3A_215 = arith.constant 0 : i32
      %dma_wait3A_216 = tpu.memref_slice %arg6[%dma_wait3A_205, %dma_wait3A_214, %dma_wait3A_215] : memref<5x128x128xf32, #tpu.memory_space<vmem>> -> memref<1x128x128xf32, #tpu.memory_space<vmem>>
      %dma_wait3A_217 = tpu.memref_squeeze %dma_wait3A_216 : memref<1x128x128xf32, #tpu.memory_space<vmem>> -> memref<128x128xf32, #tpu.memory_space<vmem>>
      tpu.wait_dma2 semaphore(%arg8 : memref<!tpu.dma_semaphore, #tpu.memory_space<semaphore_mem>>) src(%dma_wait3A_217 : memref<128x128xf32, #tpu.memory_space<vmem>>) dst(%dma_wait3A_213 : memref<128x128xf32, #tpu.memory_space<hbm>>)
      %dma_wait3A_218 = arith.constant 2 : i32
      %dma_wait3A_219 = arith.constant 0 : i32
      %dma_wait3A_220 = arith.constant 0 : i32
      %dma_wait3A_221 = tpu.memref_slice %arg6[%dma_wait3A_218, %dma_wait3A_219, %dma_wait3A_220] : memref<5x128x128xf32, #tpu.memory_space<vmem>> -> memref<1x128x128xf32, #tpu.memory_space<vmem>>
      %dma_wait3A_222 = tpu.memref_squeeze %dma_wait3A_221 : memref<1x128x128xf32, #tpu.memory_space<vmem>> -> memref<128x128xf32, #tpu.memory_space<vmem>>
      %dma_wait3A_223 = arith.constant 0 : i32
      %dma_wait3A_224 = tpu.memref_slice %arg4[%add3A_146, %dma_wait3A_223] : memref<40960x128xf32, #tpu.memory_space<hbm>> -> memref<128x128xf32, #tpu.memory_space<hbm>>
      %dma_wait3A_225 = arith.constant 0 : i32
      %dma_wait3A_226 = tpu.memref_slice %arg4[%add3A_146, %dma_wait3A_225] : memref<40960x128xf32, #tpu.memory_space<hbm>> -> memref<128x128xf32, #tpu.memory_space<hbm>>
      %dma_wait3A_227 = arith.constant 0 : i32
      %dma_wait3A_228 = arith.constant 0 : i32
      %dma_wait3A_229 = tpu.memref_slice %arg6[%dma_wait3A_218, %dma_wait3A_227, %dma_wait3A_228] : memref<5x128x128xf32, #tpu.memory_space<vmem>> -> memref<1x128x128xf32, #tpu.memory_space<vmem>>
      %dma_wait3A_230 = tpu.memref_squeeze %dma_wait3A_229 : memref<1x128x128xf32, #tpu.memory_space<vmem>> -> memref<128x128xf32, #tpu.memory_space<vmem>>
      tpu.wait_dma2 semaphore(%arg8 : memref<!tpu.dma_semaphore, #tpu.memory_space<semaphore_mem>>) src(%dma_wait3A_230 : memref<128x128xf32, #tpu.memory_space<vmem>>) dst(%dma_wait3A_226 : memref<128x128xf32, #tpu.memory_space<hbm>>)
      %dma_wait3A_231 = arith.constant 3 : i32
      %dma_wait3A_232 = arith.constant 0 : i32
      %dma_wait3A_233 = arith.constant 0 : i32
      %dma_wait3A_234 = tpu.memref_slice %arg6[%dma_wait3A_231, %dma_wait3A_232, %dma_wait3A_233] : memref<5x128x128xf32, #tpu.memory_space<vmem>> -> memref<1x128x128xf32, #tpu.memory_space<vmem>>
      %dma_wait3A_235 = tpu.memref_squeeze %dma_wait3A_234 : memref<1x128x128xf32, #tpu.memory_space<vmem>> -> memref<128x128xf32, #tpu.memory_space<vmem>>
      %dma_wait3A_236 = arith.constant 0 : i32
      %dma_wait3A_237 = tpu.memref_slice %arg4[%add3A_162, %dma_wait3A_236] : memref<40960x128xf32, #tpu.memory_space<hbm>> -> memref<128x128xf32, #tpu.memory_space<hbm>>
      %dma_wait3A_238 = arith.constant 0 : i32
      %dma_wait3A_239 = tpu.memref_slice %arg4[%add3A_162, %dma_wait3A_238] : memref<40960x128xf32, #tpu.memory_space<hbm>> -> memref<128x128xf32, #tpu.memory_space<hbm>>
      %dma_wait3A_240 = arith.constant 0 : i32
      %dma_wait3A_241 = arith.constant 0 : i32
      %dma_wait3A_242 = tpu.memref_slice %arg6[%dma_wait3A_231, %dma_wait3A_240, %dma_wait3A_241] : memref<5x128x128xf32, #tpu.memory_space<vmem>> -> memref<1x128x128xf32, #tpu.memory_space<vmem>>
      %dma_wait3A_243 = tpu.memref_squeeze %dma_wait3A_242 : memref<1x128x128xf32, #tpu.memory_space<vmem>> -> memref<128x128xf32, #tpu.memory_space<vmem>>
      tpu.wait_dma2 semaphore(%arg8 : memref<!tpu.dma_semaphore, #tpu.memory_space<semaphore_mem>>) src(%dma_wait3A_243 : memref<128x128xf32, #tpu.memory_space<vmem>>) dst(%dma_wait3A_239 : memref<128x128xf32, #tpu.memory_space<hbm>>)
      %dma_wait3A_244 = arith.constant 4 : i32
      %dma_wait3A_245 = arith.constant 0 : i32
      %dma_wait3A_246 = arith.constant 0 : i32
      %dma_wait3A_247 = tpu.memref_slice %arg6[%dma_wait3A_244, %dma_wait3A_245, %dma_wait3A_246] : memref<5x128x128xf32, #tpu.memory_space<vmem>> -> memref<1x128x128xf32, #tpu.memory_space<vmem>>
      %dma_wait3A_248 = tpu.memref_squeeze %dma_wait3A_247 : memref<1x128x128xf32, #tpu.memory_space<vmem>> -> memref<128x128xf32, #tpu.memory_space<vmem>>
      %dma_wait3A_249 = arith.constant 0 : i32
      %dma_wait3A_250 = tpu.memref_slice %arg4[%add3A_178, %dma_wait3A_249] : memref<40960x128xf32, #tpu.memory_space<hbm>> -> memref<128x128xf32, #tpu.memory_space<hbm>>
      %dma_wait3A_251 = arith.constant 0 : i32
      %dma_wait3A_252 = tpu.memref_slice %arg4[%add3A_178, %dma_wait3A_251] : memref<40960x128xf32, #tpu.memory_space<hbm>> -> memref<128x128xf32, #tpu.memory_space<hbm>>
      %dma_wait3A_253 = arith.constant 0 : i32
      %dma_wait3A_254 = arith.constant 0 : i32
      %dma_wait3A_255 = tpu.memref_slice %arg6[%dma_wait3A_244, %dma_wait3A_253, %dma_wait3A_254] : memref<5x128x128xf32, #tpu.memory_space<vmem>> -> memref<1x128x128xf32, #tpu.memory_space<vmem>>
      %dma_wait3A_256 = tpu.memref_squeeze %dma_wait3A_255 : memref<1x128x128xf32, #tpu.memory_space<vmem>> -> memref<128x128xf32, #tpu.memory_space<vmem>>
      tpu.wait_dma2 semaphore(%arg8 : memref<!tpu.dma_semaphore, #tpu.memory_space<semaphore_mem>>) src(%dma_wait3A_256 : memref<128x128xf32, #tpu.memory_space<vmem>>) dst(%dma_wait3A_252 : memref<128x128xf32, #tpu.memory_space<hbm>>)
    }
    %scan3A_6 = arith.constant 2 : i32
    return
  }
}

#map = affine_map<(d0, d1) -> (0, 0)>
#map1 = affine_map<(d0, d1) -> (0)>
module attributes {stable_mosaic.version = 14 : i64} {
  func.func @_sc_gather(%arg0: i32, %arg1: i32, %arg2: memref<4096x128xf32, #tpu.memory_space<hbm>>, %arg3: memref<163840xi32, #tpu.memory_space<hbm>>, %arg4: memref<163840x128xf32, #tpu.memory_space<hbm>>, %arg5: memref<5120xi32, #tpu.memory_space<vmem>>, %arg6: memref<5x128x128xf32, #tpu.memory_space<vmem>>, %arg7: memref<!tpu.dma_semaphore, #tpu.memory_space<semaphore_mem>>, %arg8: memref<!tpu.dma_semaphore, #tpu.memory_space<semaphore_mem>>) attributes {dimension_semantics = [#tpu.dimension_semantics<core_parallel>, #tpu.dimension_semantics<subcore_parallel>], iteration_bounds = array<i64: 2, 16>, scalar_prefetch = 0 : i64, scratch_operands = 4 : i64, tpu.core_type = #tpu.core_type<sc_vector_subcore>, window_params = [{transform_indices = #map}, {transform_indices = #map1}, {transform_indices = #map}]} {
    %mul3A = arith.constant 2 : i32
    %mul3A_0 = arith.muli %arg1, %mul3A : i32
    %add3A = arith.addi %mul3A_0, %arg0 : i32
    %mul3A_1 = arith.constant 5120 : i32
    %mul3A_2 = arith.muli %add3A, %mul3A_1 : i32
    "tpu.region"() ({
      %run_scoped3A = tpu.sem_alloc : memref<!tpu.dma_semaphore, #tpu.memory_space<semaphore_mem>>
      %dma_start3A = tpu.memref_slice %arg3[%mul3A_2] : memref<163840xi32, #tpu.memory_space<hbm>> -> memref<5120xi32, #tpu.memory_space<hbm>>
      %dma_start3A_7 = tpu.memref_slice %arg3[%mul3A_2] : memref<163840xi32, #tpu.memory_space<hbm>> -> memref<5120xi32, #tpu.memory_space<hbm>>
      tpu.enqueue_dma source(%dma_start3A_7 : memref<5120xi32, #tpu.memory_space<hbm>>) target(%arg5 : memref<5120xi32, #tpu.memory_space<vmem>>) target_semaphore(%run_scoped3A : memref<!tpu.dma_semaphore, #tpu.memory_space<semaphore_mem>>)
      %dma_wait3A = tpu.memref_slice %arg3[%mul3A_2] : memref<163840xi32, #tpu.memory_space<hbm>> -> memref<5120xi32, #tpu.memory_space<hbm>>
      %dma_wait3A_8 = tpu.memref_slice %arg3[%mul3A_2] : memref<163840xi32, #tpu.memory_space<hbm>> -> memref<5120xi32, #tpu.memory_space<hbm>>
      tpu.wait_dma2 semaphore(%run_scoped3A : memref<!tpu.dma_semaphore, #tpu.memory_space<semaphore_mem>>) src(%dma_wait3A_8 : memref<5120xi32, #tpu.memory_space<hbm>>) dst(%arg5 : memref<5120xi32, #tpu.memory_space<vmem>>)
      tpu.yield
    }) : () -> ()
    %scan3A = arith.constant 0 : i32
    %scan3A_3 = arith.constant 8 : i32
    %scan3A_4 = arith.addi %scan3A, %scan3A_3 : i32
    %scan3A_5 = arith.constant 1 : i32
    scf.for %scan3A_7 = %scan3A to %scan3A_4 step %scan3A_5  : i32 {
      %mul3A_8 = arith.constant 1 : i32
      %mul3A_9 = arith.muli %scan3A_7, %mul3A_8 : i32
      %add3A_10 = arith.constant 0 : i32
      %add3A_11 = arith.addi %add3A_10, %mul3A_9 : i32
      %mul3A_12 = arith.constant 640 : i32
      %mul3A_13 = arith.muli %add3A_11, %mul3A_12 : i32
      %add3A_14 = arith.constant 0 : i32
      %add3A_15 = arith.addi %mul3A_13, %add3A_14 : i32
      %dma_start3A = arith.constant 0 : i32
      %dma_start3A_16 = arith.constant 0 : i32
      %dma_start3A_17 = arith.constant 0 : i32
      %dma_start3A_18 = tpu.memref_slice %arg6[%dma_start3A, %dma_start3A_16, %dma_start3A_17] : memref<5x128x128xf32, #tpu.memory_space<vmem>> -> memref<1x128x128xf32, #tpu.memory_space<vmem>>
      %dma_start3A_19 = tpu.memref_squeeze %dma_start3A_18 : memref<1x128x128xf32, #tpu.memory_space<vmem>> -> memref<128x128xf32, #tpu.memory_space<vmem>>
      %dma_start3A_20 = tpu.memref_slice %arg5[%add3A_15] : memref<5120xi32, #tpu.memory_space<vmem>> -> memref<128xi32, #tpu.memory_space<vmem>>
      %dma_start3A_21 = arith.constant 0 : i32
      %dma_start3A_22 = arith.constant 0 : i32
      %dma_start3A_23 = tpu.memref_slice %arg2[%dma_start3A_21, %dma_start3A_22] : memref<4096x128xf32, #tpu.memory_space<hbm>> -> memref<4096x128xf32, #tpu.memory_space<hbm>>
      tpu.enqueue_indirect_dma source(%dma_start3A_23 : memref<4096x128xf32, #tpu.memory_space<hbm>>) target(%dma_start3A_19 : memref<128x128xf32, #tpu.memory_space<vmem>>) offsets(%dma_start3A_20 : memref<128xi32, #tpu.memory_space<vmem>>) semaphore(%arg7 : memref<!tpu.dma_semaphore, #tpu.memory_space<semaphore_mem>>)
      %add3A_24 = arith.constant 128 : i32
      %add3A_25 = arith.addi %mul3A_13, %add3A_24 : i32
      %dma_start3A_26 = arith.constant 1 : i32
      %dma_start3A_27 = arith.constant 0 : i32
      %dma_start3A_28 = arith.constant 0 : i32
      %dma_start3A_29 = tpu.memref_slice %arg6[%dma_start3A_26, %dma_start3A_27, %dma_start3A_28] : memref<5x128x128xf32, #tpu.memory_space<vmem>> -> memref<1x128x128xf32, #tpu.memory_space<vmem>>
      %dma_start3A_30 = tpu.memref_squeeze %dma_start3A_29 : memref<1x128x128xf32, #tpu.memory_space<vmem>> -> memref<128x128xf32, #tpu.memory_space<vmem>>
      %dma_start3A_31 = tpu.memref_slice %arg5[%add3A_25] : memref<5120xi32, #tpu.memory_space<vmem>> -> memref<128xi32, #tpu.memory_space<vmem>>
      %dma_start3A_32 = arith.constant 0 : i32
      %dma_start3A_33 = arith.constant 0 : i32
      %dma_start3A_34 = tpu.memref_slice %arg2[%dma_start3A_32, %dma_start3A_33] : memref<4096x128xf32, #tpu.memory_space<hbm>> -> memref<4096x128xf32, #tpu.memory_space<hbm>>
      tpu.enqueue_indirect_dma source(%dma_start3A_34 : memref<4096x128xf32, #tpu.memory_space<hbm>>) target(%dma_start3A_30 : memref<128x128xf32, #tpu.memory_space<vmem>>) offsets(%dma_start3A_31 : memref<128xi32, #tpu.memory_space<vmem>>) semaphore(%arg7 : memref<!tpu.dma_semaphore, #tpu.memory_space<semaphore_mem>>)
      %add3A_35 = arith.constant 256 : i32
      %add3A_36 = arith.addi %mul3A_13, %add3A_35 : i32
      %dma_start3A_37 = arith.constant 2 : i32
      %dma_start3A_38 = arith.constant 0 : i32
      %dma_start3A_39 = arith.constant 0 : i32
      %dma_start3A_40 = tpu.memref_slice %arg6[%dma_start3A_37, %dma_start3A_38, %dma_start3A_39] : memref<5x128x128xf32, #tpu.memory_space<vmem>> -> memref<1x128x128xf32, #tpu.memory_space<vmem>>
      %dma_start3A_41 = tpu.memref_squeeze %dma_start3A_40 : memref<1x128x128xf32, #tpu.memory_space<vmem>> -> memref<128x128xf32, #tpu.memory_space<vmem>>
      %dma_start3A_42 = tpu.memref_slice %arg5[%add3A_36] : memref<5120xi32, #tpu.memory_space<vmem>> -> memref<128xi32, #tpu.memory_space<vmem>>
      %dma_start3A_43 = arith.constant 0 : i32
      %dma_start3A_44 = arith.constant 0 : i32
      %dma_start3A_45 = tpu.memref_slice %arg2[%dma_start3A_43, %dma_start3A_44] : memref<4096x128xf32, #tpu.memory_space<hbm>> -> memref<4096x128xf32, #tpu.memory_space<hbm>>
      tpu.enqueue_indirect_dma source(%dma_start3A_45 : memref<4096x128xf32, #tpu.memory_space<hbm>>) target(%dma_start3A_41 : memref<128x128xf32, #tpu.memory_space<vmem>>) offsets(%dma_start3A_42 : memref<128xi32, #tpu.memory_space<vmem>>) semaphore(%arg7 : memref<!tpu.dma_semaphore, #tpu.memory_space<semaphore_mem>>)
      %add3A_46 = arith.constant 384 : i32
      %add3A_47 = arith.addi %mul3A_13, %add3A_46 : i32
      %dma_start3A_48 = arith.constant 3 : i32
      %dma_start3A_49 = arith.constant 0 : i32
      %dma_start3A_50 = arith.constant 0 : i32
      %dma_start3A_51 = tpu.memref_slice %arg6[%dma_start3A_48, %dma_start3A_49, %dma_start3A_50] : memref<5x128x128xf32, #tpu.memory_space<vmem>> -> memref<1x128x128xf32, #tpu.memory_space<vmem>>
      %dma_start3A_52 = tpu.memref_squeeze %dma_start3A_51 : memref<1x128x128xf32, #tpu.memory_space<vmem>> -> memref<128x128xf32, #tpu.memory_space<vmem>>
      %dma_start3A_53 = tpu.memref_slice %arg5[%add3A_47] : memref<5120xi32, #tpu.memory_space<vmem>> -> memref<128xi32, #tpu.memory_space<vmem>>
      %dma_start3A_54 = arith.constant 0 : i32
      %dma_start3A_55 = arith.constant 0 : i32
      %dma_start3A_56 = tpu.memref_slice %arg2[%dma_start3A_54, %dma_start3A_55] : memref<4096x128xf32, #tpu.memory_space<hbm>> -> memref<4096x128xf32, #tpu.memory_space<hbm>>
      tpu.enqueue_indirect_dma source(%dma_start3A_56 : memref<4096x128xf32, #tpu.memory_space<hbm>>) target(%dma_start3A_52 : memref<128x128xf32, #tpu.memory_space<vmem>>) offsets(%dma_start3A_53 : memref<128xi32, #tpu.memory_space<vmem>>) semaphore(%arg7 : memref<!tpu.dma_semaphore, #tpu.memory_space<semaphore_mem>>)
      %add3A_57 = arith.constant 512 : i32
      %add3A_58 = arith.addi %mul3A_13, %add3A_57 : i32
      %dma_start3A_59 = arith.constant 4 : i32
      %dma_start3A_60 = arith.constant 0 : i32
      %dma_start3A_61 = arith.constant 0 : i32
      %dma_start3A_62 = tpu.memref_slice %arg6[%dma_start3A_59, %dma_start3A_60, %dma_start3A_61] : memref<5x128x128xf32, #tpu.memory_space<vmem>> -> memref<1x128x128xf32, #tpu.memory_space<vmem>>
      %dma_start3A_63 = tpu.memref_squeeze %dma_start3A_62 : memref<1x128x128xf32, #tpu.memory_space<vmem>> -> memref<128x128xf32, #tpu.memory_space<vmem>>
      %dma_start3A_64 = tpu.memref_slice %arg5[%add3A_58] : memref<5120xi32, #tpu.memory_space<vmem>> -> memref<128xi32, #tpu.memory_space<vmem>>
      %dma_start3A_65 = arith.constant 0 : i32
      %dma_start3A_66 = arith.constant 0 : i32
      %dma_start3A_67 = tpu.memref_slice %arg2[%dma_start3A_65, %dma_start3A_66] : memref<4096x128xf32, #tpu.memory_space<hbm>> -> memref<4096x128xf32, #tpu.memory_space<hbm>>
      tpu.enqueue_indirect_dma source(%dma_start3A_67 : memref<4096x128xf32, #tpu.memory_space<hbm>>) target(%dma_start3A_63 : memref<128x128xf32, #tpu.memory_space<vmem>>) offsets(%dma_start3A_64 : memref<128xi32, #tpu.memory_space<vmem>>) semaphore(%arg7 : memref<!tpu.dma_semaphore, #tpu.memory_space<semaphore_mem>>)
      %dma_wait3A = arith.constant 0 : i32
      %dma_wait3A_68 = arith.constant 0 : i32
      %dma_wait3A_69 = arith.constant 0 : i32
      %dma_wait3A_70 = tpu.memref_slice %arg6[%dma_wait3A, %dma_wait3A_68, %dma_wait3A_69] : memref<5x128x128xf32, #tpu.memory_space<vmem>> -> memref<1x128x128xf32, #tpu.memory_space<vmem>>
      %dma_wait3A_71 = tpu.memref_squeeze %dma_wait3A_70 : memref<1x128x128xf32, #tpu.memory_space<vmem>> -> memref<128x128xf32, #tpu.memory_space<vmem>>
      %dma_wait3A_72 = tpu.memref_slice %arg5[%add3A_15] : memref<5120xi32, #tpu.memory_space<vmem>> -> memref<128xi32, #tpu.memory_space<vmem>>
      %dma_wait3A_73 = arith.constant 0 : i32
      %dma_wait3A_74 = arith.constant 0 : i32
      %dma_wait3A_75 = tpu.memref_slice %arg2[%dma_wait3A_73, %dma_wait3A_74] : memref<4096x128xf32, #tpu.memory_space<hbm>> -> memref<4096x128xf32, #tpu.memory_space<hbm>>
      tpu.wait_indirect_dma semaphore(%arg7 : memref<!tpu.dma_semaphore, #tpu.memory_space<semaphore_mem>>) src(%dma_wait3A_75 : memref<4096x128xf32, #tpu.memory_space<hbm>>) dst(%dma_wait3A_71 : memref<128x128xf32, #tpu.memory_space<vmem>>)
      %dma_wait3A_76 = arith.constant 1 : i32
      %dma_wait3A_77 = arith.constant 0 : i32
      %dma_wait3A_78 = arith.constant 0 : i32
      %dma_wait3A_79 = tpu.memref_slice %arg6[%dma_wait3A_76, %dma_wait3A_77, %dma_wait3A_78] : memref<5x128x128xf32, #tpu.memory_space<vmem>> -> memref<1x128x128xf32, #tpu.memory_space<vmem>>
      %dma_wait3A_80 = tpu.memref_squeeze %dma_wait3A_79 : memref<1x128x128xf32, #tpu.memory_space<vmem>> -> memref<128x128xf32, #tpu.memory_space<vmem>>
      %dma_wait3A_81 = tpu.memref_slice %arg5[%add3A_25] : memref<5120xi32, #tpu.memory_space<vmem>> -> memref<128xi32, #tpu.memory_space<vmem>>
      %dma_wait3A_82 = arith.constant 0 : i32
      %dma_wait3A_83 = arith.constant 0 : i32
      %dma_wait3A_84 = tpu.memref_slice %arg2[%dma_wait3A_82, %dma_wait3A_83] : memref<4096x128xf32, #tpu.memory_space<hbm>> -> memref<4096x128xf32, #tpu.memory_space<hbm>>
      tpu.wait_indirect_dma semaphore(%arg7 : memref<!tpu.dma_semaphore, #tpu.memory_space<semaphore_mem>>) src(%dma_wait3A_84 : memref<4096x128xf32, #tpu.memory_space<hbm>>) dst(%dma_wait3A_80 : memref<128x128xf32, #tpu.memory_space<vmem>>)
      %dma_wait3A_85 = arith.constant 2 : i32
      %dma_wait3A_86 = arith.constant 0 : i32
      %dma_wait3A_87 = arith.constant 0 : i32
      %dma_wait3A_88 = tpu.memref_slice %arg6[%dma_wait3A_85, %dma_wait3A_86, %dma_wait3A_87] : memref<5x128x128xf32, #tpu.memory_space<vmem>> -> memref<1x128x128xf32, #tpu.memory_space<vmem>>
      %dma_wait3A_89 = tpu.memref_squeeze %dma_wait3A_88 : memref<1x128x128xf32, #tpu.memory_space<vmem>> -> memref<128x128xf32, #tpu.memory_space<vmem>>
      %dma_wait3A_90 = tpu.memref_slice %arg5[%add3A_36] : memref<5120xi32, #tpu.memory_space<vmem>> -> memref<128xi32, #tpu.memory_space<vmem>>
      %dma_wait3A_91 = arith.constant 0 : i32
      %dma_wait3A_92 = arith.constant 0 : i32
      %dma_wait3A_93 = tpu.memref_slice %arg2[%dma_wait3A_91, %dma_wait3A_92] : memref<4096x128xf32, #tpu.memory_space<hbm>> -> memref<4096x128xf32, #tpu.memory_space<hbm>>
      tpu.wait_indirect_dma semaphore(%arg7 : memref<!tpu.dma_semaphore, #tpu.memory_space<semaphore_mem>>) src(%dma_wait3A_93 : memref<4096x128xf32, #tpu.memory_space<hbm>>) dst(%dma_wait3A_89 : memref<128x128xf32, #tpu.memory_space<vmem>>)
      %dma_wait3A_94 = arith.constant 3 : i32
      %dma_wait3A_95 = arith.constant 0 : i32
      %dma_wait3A_96 = arith.constant 0 : i32
      %dma_wait3A_97 = tpu.memref_slice %arg6[%dma_wait3A_94, %dma_wait3A_95, %dma_wait3A_96] : memref<5x128x128xf32, #tpu.memory_space<vmem>> -> memref<1x128x128xf32, #tpu.memory_space<vmem>>
      %dma_wait3A_98 = tpu.memref_squeeze %dma_wait3A_97 : memref<1x128x128xf32, #tpu.memory_space<vmem>> -> memref<128x128xf32, #tpu.memory_space<vmem>>
      %dma_wait3A_99 = tpu.memref_slice %arg5[%add3A_47] : memref<5120xi32, #tpu.memory_space<vmem>> -> memref<128xi32, #tpu.memory_space<vmem>>
      %dma_wait3A_100 = arith.constant 0 : i32
      %dma_wait3A_101 = arith.constant 0 : i32
      %dma_wait3A_102 = tpu.memref_slice %arg2[%dma_wait3A_100, %dma_wait3A_101] : memref<4096x128xf32, #tpu.memory_space<hbm>> -> memref<4096x128xf32, #tpu.memory_space<hbm>>
      tpu.wait_indirect_dma semaphore(%arg7 : memref<!tpu.dma_semaphore, #tpu.memory_space<semaphore_mem>>) src(%dma_wait3A_102 : memref<4096x128xf32, #tpu.memory_space<hbm>>) dst(%dma_wait3A_98 : memref<128x128xf32, #tpu.memory_space<vmem>>)
      %dma_wait3A_103 = arith.constant 4 : i32
      %dma_wait3A_104 = arith.constant 0 : i32
      %dma_wait3A_105 = arith.constant 0 : i32
      %dma_wait3A_106 = tpu.memref_slice %arg6[%dma_wait3A_103, %dma_wait3A_104, %dma_wait3A_105] : memref<5x128x128xf32, #tpu.memory_space<vmem>> -> memref<1x128x128xf32, #tpu.memory_space<vmem>>
      %dma_wait3A_107 = tpu.memref_squeeze %dma_wait3A_106 : memref<1x128x128xf32, #tpu.memory_space<vmem>> -> memref<128x128xf32, #tpu.memory_space<vmem>>
      %dma_wait3A_108 = tpu.memref_slice %arg5[%add3A_58] : memref<5120xi32, #tpu.memory_space<vmem>> -> memref<128xi32, #tpu.memory_space<vmem>>
      %dma_wait3A_109 = arith.constant 0 : i32
      %dma_wait3A_110 = arith.constant 0 : i32
      %dma_wait3A_111 = tpu.memref_slice %arg2[%dma_wait3A_109, %dma_wait3A_110] : memref<4096x128xf32, #tpu.memory_space<hbm>> -> memref<4096x128xf32, #tpu.memory_space<hbm>>
      tpu.wait_indirect_dma semaphore(%arg7 : memref<!tpu.dma_semaphore, #tpu.memory_space<semaphore_mem>>) src(%dma_wait3A_111 : memref<4096x128xf32, #tpu.memory_space<hbm>>) dst(%dma_wait3A_107 : memref<128x128xf32, #tpu.memory_space<vmem>>)
      %add3A_112 = arith.addi %mul3A_2, %mul3A_13 : i32
      %add3A_113 = arith.constant 0 : i32
      %add3A_114 = arith.addi %add3A_112, %add3A_113 : i32
      %dma_start3A_115 = arith.constant 0 : i32
      %dma_start3A_116 = arith.constant 0 : i32
      %dma_start3A_117 = arith.constant 0 : i32
      %dma_start3A_118 = tpu.memref_slice %arg6[%dma_start3A_115, %dma_start3A_116, %dma_start3A_117] : memref<5x128x128xf32, #tpu.memory_space<vmem>> -> memref<1x128x128xf32, #tpu.memory_space<vmem>>
      %dma_start3A_119 = tpu.memref_squeeze %dma_start3A_118 : memref<1x128x128xf32, #tpu.memory_space<vmem>> -> memref<128x128xf32, #tpu.memory_space<vmem>>
      %dma_start3A_120 = arith.constant 0 : i32
      %dma_start3A_121 = tpu.memref_slice %arg4[%add3A_114, %dma_start3A_120] : memref<163840x128xf32, #tpu.memory_space<hbm>> -> memref<128x128xf32, #tpu.memory_space<hbm>>
      %dma_start3A_122 = arith.constant 0 : i32
      %dma_start3A_123 = tpu.memref_slice %arg4[%add3A_114, %dma_start3A_122] : memref<163840x128xf32, #tpu.memory_space<hbm>> -> memref<128x128xf32, #tpu.memory_space<hbm>>
      %dma_start3A_124 = arith.constant 0 : i32
      %dma_start3A_125 = arith.constant 0 : i32
      %dma_start3A_126 = tpu.memref_slice %arg6[%dma_start3A_115, %dma_start3A_124, %dma_start3A_125] : memref<5x128x128xf32, #tpu.memory_space<vmem>> -> memref<1x128x128xf32, #tpu.memory_space<vmem>>
      %dma_start3A_127 = tpu.memref_squeeze %dma_start3A_126 : memref<1x128x128xf32, #tpu.memory_space<vmem>> -> memref<128x128xf32, #tpu.memory_space<vmem>>
      tpu.enqueue_dma source(%dma_start3A_127 : memref<128x128xf32, #tpu.memory_space<vmem>>) target(%dma_start3A_123 : memref<128x128xf32, #tpu.memory_space<hbm>>) target_semaphore(%arg8 : memref<!tpu.dma_semaphore, #tpu.memory_space<semaphore_mem>>)
      %add3A_128 = arith.addi %mul3A_2, %mul3A_13 : i32
      %add3A_129 = arith.constant 128 : i32
      %add3A_130 = arith.addi %add3A_128, %add3A_129 : i32
      %dma_start3A_131 = arith.constant 1 : i32
      %dma_start3A_132 = arith.constant 0 : i32
      %dma_start3A_133 = arith.constant 0 : i32
      %dma_start3A_134 = tpu.memref_slice %arg6[%dma_start3A_131, %dma_start3A_132, %dma_start3A_133] : memref<5x128x128xf32, #tpu.memory_space<vmem>> -> memref<1x128x128xf32, #tpu.memory_space<vmem>>
      %dma_start3A_135 = tpu.memref_squeeze %dma_start3A_134 : memref<1x128x128xf32, #tpu.memory_space<vmem>> -> memref<128x128xf32, #tpu.memory_space<vmem>>
      %dma_start3A_136 = arith.constant 0 : i32
      %dma_start3A_137 = tpu.memref_slice %arg4[%add3A_130, %dma_start3A_136] : memref<163840x128xf32, #tpu.memory_space<hbm>> -> memref<128x128xf32, #tpu.memory_space<hbm>>
      %dma_start3A_138 = arith.constant 0 : i32
      %dma_start3A_139 = tpu.memref_slice %arg4[%add3A_130, %dma_start3A_138] : memref<163840x128xf32, #tpu.memory_space<hbm>> -> memref<128x128xf32, #tpu.memory_space<hbm>>
      %dma_start3A_140 = arith.constant 0 : i32
      %dma_start3A_141 = arith.constant 0 : i32
      %dma_start3A_142 = tpu.memref_slice %arg6[%dma_start3A_131, %dma_start3A_140, %dma_start3A_141] : memref<5x128x128xf32, #tpu.memory_space<vmem>> -> memref<1x128x128xf32, #tpu.memory_space<vmem>>
      %dma_start3A_143 = tpu.memref_squeeze %dma_start3A_142 : memref<1x128x128xf32, #tpu.memory_space<vmem>> -> memref<128x128xf32, #tpu.memory_space<vmem>>
      tpu.enqueue_dma source(%dma_start3A_143 : memref<128x128xf32, #tpu.memory_space<vmem>>) target(%dma_start3A_139 : memref<128x128xf32, #tpu.memory_space<hbm>>) target_semaphore(%arg8 : memref<!tpu.dma_semaphore, #tpu.memory_space<semaphore_mem>>)
      %add3A_144 = arith.addi %mul3A_2, %mul3A_13 : i32
      %add3A_145 = arith.constant 256 : i32
      %add3A_146 = arith.addi %add3A_144, %add3A_145 : i32
      %dma_start3A_147 = arith.constant 2 : i32
      %dma_start3A_148 = arith.constant 0 : i32
      %dma_start3A_149 = arith.constant 0 : i32
      %dma_start3A_150 = tpu.memref_slice %arg6[%dma_start3A_147, %dma_start3A_148, %dma_start3A_149] : memref<5x128x128xf32, #tpu.memory_space<vmem>> -> memref<1x128x128xf32, #tpu.memory_space<vmem>>
      %dma_start3A_151 = tpu.memref_squeeze %dma_start3A_150 : memref<1x128x128xf32, #tpu.memory_space<vmem>> -> memref<128x128xf32, #tpu.memory_space<vmem>>
      %dma_start3A_152 = arith.constant 0 : i32
      %dma_start3A_153 = tpu.memref_slice %arg4[%add3A_146, %dma_start3A_152] : memref<163840x128xf32, #tpu.memory_space<hbm>> -> memref<128x128xf32, #tpu.memory_space<hbm>>
      %dma_start3A_154 = arith.constant 0 : i32
      %dma_start3A_155 = tpu.memref_slice %arg4[%add3A_146, %dma_start3A_154] : memref<163840x128xf32, #tpu.memory_space<hbm>> -> memref<128x128xf32, #tpu.memory_space<hbm>>
      %dma_start3A_156 = arith.constant 0 : i32
      %dma_start3A_157 = arith.constant 0 : i32
      %dma_start3A_158 = tpu.memref_slice %arg6[%dma_start3A_147, %dma_start3A_156, %dma_start3A_157] : memref<5x128x128xf32, #tpu.memory_space<vmem>> -> memref<1x128x128xf32, #tpu.memory_space<vmem>>
      %dma_start3A_159 = tpu.memref_squeeze %dma_start3A_158 : memref<1x128x128xf32, #tpu.memory_space<vmem>> -> memref<128x128xf32, #tpu.memory_space<vmem>>
      tpu.enqueue_dma source(%dma_start3A_159 : memref<128x128xf32, #tpu.memory_space<vmem>>) target(%dma_start3A_155 : memref<128x128xf32, #tpu.memory_space<hbm>>) target_semaphore(%arg8 : memref<!tpu.dma_semaphore, #tpu.memory_space<semaphore_mem>>)
      %add3A_160 = arith.addi %mul3A_2, %mul3A_13 : i32
      %add3A_161 = arith.constant 384 : i32
      %add3A_162 = arith.addi %add3A_160, %add3A_161 : i32
      %dma_start3A_163 = arith.constant 3 : i32
      %dma_start3A_164 = arith.constant 0 : i32
      %dma_start3A_165 = arith.constant 0 : i32
      %dma_start3A_166 = tpu.memref_slice %arg6[%dma_start3A_163, %dma_start3A_164, %dma_start3A_165] : memref<5x128x128xf32, #tpu.memory_space<vmem>> -> memref<1x128x128xf32, #tpu.memory_space<vmem>>
      %dma_start3A_167 = tpu.memref_squeeze %dma_start3A_166 : memref<1x128x128xf32, #tpu.memory_space<vmem>> -> memref<128x128xf32, #tpu.memory_space<vmem>>
      %dma_start3A_168 = arith.constant 0 : i32
      %dma_start3A_169 = tpu.memref_slice %arg4[%add3A_162, %dma_start3A_168] : memref<163840x128xf32, #tpu.memory_space<hbm>> -> memref<128x128xf32, #tpu.memory_space<hbm>>
      %dma_start3A_170 = arith.constant 0 : i32
      %dma_start3A_171 = tpu.memref_slice %arg4[%add3A_162, %dma_start3A_170] : memref<163840x128xf32, #tpu.memory_space<hbm>> -> memref<128x128xf32, #tpu.memory_space<hbm>>
      %dma_start3A_172 = arith.constant 0 : i32
      %dma_start3A_173 = arith.constant 0 : i32
      %dma_start3A_174 = tpu.memref_slice %arg6[%dma_start3A_163, %dma_start3A_172, %dma_start3A_173] : memref<5x128x128xf32, #tpu.memory_space<vmem>> -> memref<1x128x128xf32, #tpu.memory_space<vmem>>
      %dma_start3A_175 = tpu.memref_squeeze %dma_start3A_174 : memref<1x128x128xf32, #tpu.memory_space<vmem>> -> memref<128x128xf32, #tpu.memory_space<vmem>>
      tpu.enqueue_dma source(%dma_start3A_175 : memref<128x128xf32, #tpu.memory_space<vmem>>) target(%dma_start3A_171 : memref<128x128xf32, #tpu.memory_space<hbm>>) target_semaphore(%arg8 : memref<!tpu.dma_semaphore, #tpu.memory_space<semaphore_mem>>)
      %add3A_176 = arith.addi %mul3A_2, %mul3A_13 : i32
      %add3A_177 = arith.constant 512 : i32
      %add3A_178 = arith.addi %add3A_176, %add3A_177 : i32
      %dma_start3A_179 = arith.constant 4 : i32
      %dma_start3A_180 = arith.constant 0 : i32
      %dma_start3A_181 = arith.constant 0 : i32
      %dma_start3A_182 = tpu.memref_slice %arg6[%dma_start3A_179, %dma_start3A_180, %dma_start3A_181] : memref<5x128x128xf32, #tpu.memory_space<vmem>> -> memref<1x128x128xf32, #tpu.memory_space<vmem>>
      %dma_start3A_183 = tpu.memref_squeeze %dma_start3A_182 : memref<1x128x128xf32, #tpu.memory_space<vmem>> -> memref<128x128xf32, #tpu.memory_space<vmem>>
      %dma_start3A_184 = arith.constant 0 : i32
      %dma_start3A_185 = tpu.memref_slice %arg4[%add3A_178, %dma_start3A_184] : memref<163840x128xf32, #tpu.memory_space<hbm>> -> memref<128x128xf32, #tpu.memory_space<hbm>>
      %dma_start3A_186 = arith.constant 0 : i32
      %dma_start3A_187 = tpu.memref_slice %arg4[%add3A_178, %dma_start3A_186] : memref<163840x128xf32, #tpu.memory_space<hbm>> -> memref<128x128xf32, #tpu.memory_space<hbm>>
      %dma_start3A_188 = arith.constant 0 : i32
      %dma_start3A_189 = arith.constant 0 : i32
      %dma_start3A_190 = tpu.memref_slice %arg6[%dma_start3A_179, %dma_start3A_188, %dma_start3A_189] : memref<5x128x128xf32, #tpu.memory_space<vmem>> -> memref<1x128x128xf32, #tpu.memory_space<vmem>>
      %dma_start3A_191 = tpu.memref_squeeze %dma_start3A_190 : memref<1x128x128xf32, #tpu.memory_space<vmem>> -> memref<128x128xf32, #tpu.memory_space<vmem>>
      tpu.enqueue_dma source(%dma_start3A_191 : memref<128x128xf32, #tpu.memory_space<vmem>>) target(%dma_start3A_187 : memref<128x128xf32, #tpu.memory_space<hbm>>) target_semaphore(%arg8 : memref<!tpu.dma_semaphore, #tpu.memory_space<semaphore_mem>>)
      %dma_wait3A_192 = arith.constant 0 : i32
      %dma_wait3A_193 = arith.constant 0 : i32
      %dma_wait3A_194 = arith.constant 0 : i32
      %dma_wait3A_195 = tpu.memref_slice %arg6[%dma_wait3A_192, %dma_wait3A_193, %dma_wait3A_194] : memref<5x128x128xf32, #tpu.memory_space<vmem>> -> memref<1x128x128xf32, #tpu.memory_space<vmem>>
      %dma_wait3A_196 = tpu.memref_squeeze %dma_wait3A_195 : memref<1x128x128xf32, #tpu.memory_space<vmem>> -> memref<128x128xf32, #tpu.memory_space<vmem>>
      %dma_wait3A_197 = arith.constant 0 : i32
      %dma_wait3A_198 = tpu.memref_slice %arg4[%add3A_114, %dma_wait3A_197] : memref<163840x128xf32, #tpu.memory_space<hbm>> -> memref<128x128xf32, #tpu.memory_space<hbm>>
      %dma_wait3A_199 = arith.constant 0 : i32
      %dma_wait3A_200 = tpu.memref_slice %arg4[%add3A_114, %dma_wait3A_199] : memref<163840x128xf32, #tpu.memory_space<hbm>> -> memref<128x128xf32, #tpu.memory_space<hbm>>
      %dma_wait3A_201 = arith.constant 0 : i32
      %dma_wait3A_202 = arith.constant 0 : i32
      %dma_wait3A_203 = tpu.memref_slice %arg6[%dma_wait3A_192, %dma_wait3A_201, %dma_wait3A_202] : memref<5x128x128xf32, #tpu.memory_space<vmem>> -> memref<1x128x128xf32, #tpu.memory_space<vmem>>
      %dma_wait3A_204 = tpu.memref_squeeze %dma_wait3A_203 : memref<1x128x128xf32, #tpu.memory_space<vmem>> -> memref<128x128xf32, #tpu.memory_space<vmem>>
      tpu.wait_dma2 semaphore(%arg8 : memref<!tpu.dma_semaphore, #tpu.memory_space<semaphore_mem>>) src(%dma_wait3A_204 : memref<128x128xf32, #tpu.memory_space<vmem>>) dst(%dma_wait3A_200 : memref<128x128xf32, #tpu.memory_space<hbm>>)
      %dma_wait3A_205 = arith.constant 1 : i32
      %dma_wait3A_206 = arith.constant 0 : i32
      %dma_wait3A_207 = arith.constant 0 : i32
      %dma_wait3A_208 = tpu.memref_slice %arg6[%dma_wait3A_205, %dma_wait3A_206, %dma_wait3A_207] : memref<5x128x128xf32, #tpu.memory_space<vmem>> -> memref<1x128x128xf32, #tpu.memory_space<vmem>>
      %dma_wait3A_209 = tpu.memref_squeeze %dma_wait3A_208 : memref<1x128x128xf32, #tpu.memory_space<vmem>> -> memref<128x128xf32, #tpu.memory_space<vmem>>
      %dma_wait3A_210 = arith.constant 0 : i32
      %dma_wait3A_211 = tpu.memref_slice %arg4[%add3A_130, %dma_wait3A_210] : memref<163840x128xf32, #tpu.memory_space<hbm>> -> memref<128x128xf32, #tpu.memory_space<hbm>>
      %dma_wait3A_212 = arith.constant 0 : i32
      %dma_wait3A_213 = tpu.memref_slice %arg4[%add3A_130, %dma_wait3A_212] : memref<163840x128xf32, #tpu.memory_space<hbm>> -> memref<128x128xf32, #tpu.memory_space<hbm>>
      %dma_wait3A_214 = arith.constant 0 : i32
      %dma_wait3A_215 = arith.constant 0 : i32
      %dma_wait3A_216 = tpu.memref_slice %arg6[%dma_wait3A_205, %dma_wait3A_214, %dma_wait3A_215] : memref<5x128x128xf32, #tpu.memory_space<vmem>> -> memref<1x128x128xf32, #tpu.memory_space<vmem>>
      %dma_wait3A_217 = tpu.memref_squeeze %dma_wait3A_216 : memref<1x128x128xf32, #tpu.memory_space<vmem>> -> memref<128x128xf32, #tpu.memory_space<vmem>>
      tpu.wait_dma2 semaphore(%arg8 : memref<!tpu.dma_semaphore, #tpu.memory_space<semaphore_mem>>) src(%dma_wait3A_217 : memref<128x128xf32, #tpu.memory_space<vmem>>) dst(%dma_wait3A_213 : memref<128x128xf32, #tpu.memory_space<hbm>>)
      %dma_wait3A_218 = arith.constant 2 : i32
      %dma_wait3A_219 = arith.constant 0 : i32
      %dma_wait3A_220 = arith.constant 0 : i32
      %dma_wait3A_221 = tpu.memref_slice %arg6[%dma_wait3A_218, %dma_wait3A_219, %dma_wait3A_220] : memref<5x128x128xf32, #tpu.memory_space<vmem>> -> memref<1x128x128xf32, #tpu.memory_space<vmem>>
      %dma_wait3A_222 = tpu.memref_squeeze %dma_wait3A_221 : memref<1x128x128xf32, #tpu.memory_space<vmem>> -> memref<128x128xf32, #tpu.memory_space<vmem>>
      %dma_wait3A_223 = arith.constant 0 : i32
      %dma_wait3A_224 = tpu.memref_slice %arg4[%add3A_146, %dma_wait3A_223] : memref<163840x128xf32, #tpu.memory_space<hbm>> -> memref<128x128xf32, #tpu.memory_space<hbm>>
      %dma_wait3A_225 = arith.constant 0 : i32
      %dma_wait3A_226 = tpu.memref_slice %arg4[%add3A_146, %dma_wait3A_225] : memref<163840x128xf32, #tpu.memory_space<hbm>> -> memref<128x128xf32, #tpu.memory_space<hbm>>
      %dma_wait3A_227 = arith.constant 0 : i32
      %dma_wait3A_228 = arith.constant 0 : i32
      %dma_wait3A_229 = tpu.memref_slice %arg6[%dma_wait3A_218, %dma_wait3A_227, %dma_wait3A_228] : memref<5x128x128xf32, #tpu.memory_space<vmem>> -> memref<1x128x128xf32, #tpu.memory_space<vmem>>
      %dma_wait3A_230 = tpu.memref_squeeze %dma_wait3A_229 : memref<1x128x128xf32, #tpu.memory_space<vmem>> -> memref<128x128xf32, #tpu.memory_space<vmem>>
      tpu.wait_dma2 semaphore(%arg8 : memref<!tpu.dma_semaphore, #tpu.memory_space<semaphore_mem>>) src(%dma_wait3A_230 : memref<128x128xf32, #tpu.memory_space<vmem>>) dst(%dma_wait3A_226 : memref<128x128xf32, #tpu.memory_space<hbm>>)
      %dma_wait3A_231 = arith.constant 3 : i32
      %dma_wait3A_232 = arith.constant 0 : i32
      %dma_wait3A_233 = arith.constant 0 : i32
      %dma_wait3A_234 = tpu.memref_slice %arg6[%dma_wait3A_231, %dma_wait3A_232, %dma_wait3A_233] : memref<5x128x128xf32, #tpu.memory_space<vmem>> -> memref<1x128x128xf32, #tpu.memory_space<vmem>>
      %dma_wait3A_235 = tpu.memref_squeeze %dma_wait3A_234 : memref<1x128x128xf32, #tpu.memory_space<vmem>> -> memref<128x128xf32, #tpu.memory_space<vmem>>
      %dma_wait3A_236 = arith.constant 0 : i32
      %dma_wait3A_237 = tpu.memref_slice %arg4[%add3A_162, %dma_wait3A_236] : memref<163840x128xf32, #tpu.memory_space<hbm>> -> memref<128x128xf32, #tpu.memory_space<hbm>>
      %dma_wait3A_238 = arith.constant 0 : i32
      %dma_wait3A_239 = tpu.memref_slice %arg4[%add3A_162, %dma_wait3A_238] : memref<163840x128xf32, #tpu.memory_space<hbm>> -> memref<128x128xf32, #tpu.memory_space<hbm>>
      %dma_wait3A_240 = arith.constant 0 : i32
      %dma_wait3A_241 = arith.constant 0 : i32
      %dma_wait3A_242 = tpu.memref_slice %arg6[%dma_wait3A_231, %dma_wait3A_240, %dma_wait3A_241] : memref<5x128x128xf32, #tpu.memory_space<vmem>> -> memref<1x128x128xf32, #tpu.memory_space<vmem>>
      %dma_wait3A_243 = tpu.memref_squeeze %dma_wait3A_242 : memref<1x128x128xf32, #tpu.memory_space<vmem>> -> memref<128x128xf32, #tpu.memory_space<vmem>>
      tpu.wait_dma2 semaphore(%arg8 : memref<!tpu.dma_semaphore, #tpu.memory_space<semaphore_mem>>) src(%dma_wait3A_243 : memref<128x128xf32, #tpu.memory_space<vmem>>) dst(%dma_wait3A_239 : memref<128x128xf32, #tpu.memory_space<hbm>>)
      %dma_wait3A_244 = arith.constant 4 : i32
      %dma_wait3A_245 = arith.constant 0 : i32
      %dma_wait3A_246 = arith.constant 0 : i32
      %dma_wait3A_247 = tpu.memref_slice %arg6[%dma_wait3A_244, %dma_wait3A_245, %dma_wait3A_246] : memref<5x128x128xf32, #tpu.memory_space<vmem>> -> memref<1x128x128xf32, #tpu.memory_space<vmem>>
      %dma_wait3A_248 = tpu.memref_squeeze %dma_wait3A_247 : memref<1x128x128xf32, #tpu.memory_space<vmem>> -> memref<128x128xf32, #tpu.memory_space<vmem>>
      %dma_wait3A_249 = arith.constant 0 : i32
      %dma_wait3A_250 = tpu.memref_slice %arg4[%add3A_178, %dma_wait3A_249] : memref<163840x128xf32, #tpu.memory_space<hbm>> -> memref<128x128xf32, #tpu.memory_space<hbm>>
      %dma_wait3A_251 = arith.constant 0 : i32
      %dma_wait3A_252 = tpu.memref_slice %arg4[%add3A_178, %dma_wait3A_251] : memref<163840x128xf32, #tpu.memory_space<hbm>> -> memref<128x128xf32, #tpu.memory_space<hbm>>
      %dma_wait3A_253 = arith.constant 0 : i32
      %dma_wait3A_254 = arith.constant 0 : i32
      %dma_wait3A_255 = tpu.memref_slice %arg6[%dma_wait3A_244, %dma_wait3A_253, %dma_wait3A_254] : memref<5x128x128xf32, #tpu.memory_space<vmem>> -> memref<1x128x128xf32, #tpu.memory_space<vmem>>
      %dma_wait3A_256 = tpu.memref_squeeze %dma_wait3A_255 : memref<1x128x128xf32, #tpu.memory_space<vmem>> -> memref<128x128xf32, #tpu.memory_space<vmem>>
      tpu.wait_dma2 semaphore(%arg8 : memref<!tpu.dma_semaphore, #tpu.memory_space<semaphore_mem>>) src(%dma_wait3A_256 : memref<128x128xf32, #tpu.memory_space<vmem>>) dst(%dma_wait3A_252 : memref<128x128xf32, #tpu.memory_space<hbm>>)
    }
    %scan3A_6 = arith.constant 8 : i32
    return
  }
}

module attributes {stable_mosaic.version = 14 : i64} {
  func.func @_knn_kernel(%arg0: i32, %arg1: i32, %arg2: memref<1x3x256xf32, #tpu.memory_space<vmem>>, %arg3: memref<1x2048x3xf32, #tpu.memory_space<vmem>>, %arg4: memref<1x1x20x256xi32, #tpu.memory_space<vmem>>) attributes {dimension_semantics = [#tpu.dimension_semantics<arbitrary>, #tpu.dimension_semantics<arbitrary>], iteration_bounds = array<i64: 2, 4>, scalar_prefetch = 0 : i64, scratch_operands = 0 : i64, tpu.core_type = #tpu.core_type<tc>, window_params = [{transform_indices = @transform_0, window_bounds = array<i64: 1, 3, 256>}, {transform_indices = @transform_1, window_bounds = array<i64: 1, 2048, 3>}, {transform_indices = @transform_2, window_bounds = array<i64: 1, 1, 20, 256>}]} {
    %get3A = arith.constant 0 : index
    %get3A_0 = arith.constant 0 : index
    %get3A_1 = arith.constant 0 : index
    %get3A_2 = vector.load %arg2[%get3A, %get3A_0, %get3A_1] : memref<1x3x256xf32, #tpu.memory_space<vmem>>, vector<1x3x256xf32>
    %get3A_3 = vector.shape_cast %get3A_2 : vector<1x3x256xf32> to vector<3x256xf32>
    %get3A_4 = arith.constant 0 : index
    %get3A_5 = arith.constant 0 : index
    %get3A_6 = arith.constant 0 : index
    %get3A_7 = vector.load %arg3[%get3A_4, %get3A_5, %get3A_6] : memref<1x2048x3xf32, #tpu.memory_space<vmem>>, vector<1x2048x3xf32>
    %get3A_8 = vector.shape_cast %get3A_7 : vector<1x2048x3xf32> to vector<2048x3xf32>
    %mul3A = arith.mulf %get3A_3, %get3A_3 : vector<3x256xf32>
    %reduce_sum3A = arith.constant dense<0.000000e+00> : vector<256xf32>
    %reduce_sum3A_9 = vector.multi_reduction <add>, %mul3A, %reduce_sum3A [0] : vector<3x256xf32> to vector<256xf32>
    %broadcast_in_dim3A = vector.shape_cast %reduce_sum3A_9 : vector<256xf32> to vector<1x256xf32>
    %mul3A_10 = arith.mulf %get3A_8, %get3A_8 : vector<2048x3xf32>
    %reduce_sum3A_11 = arith.constant dense<0.000000e+00> : vector<2048xf32>
    %reduce_sum3A_12 = vector.multi_reduction <add>, %mul3A_10, %reduce_sum3A_11 [1] : vector<2048x3xf32> to vector<2048xf32>
    %broadcast_in_dim3A_13 = vector.shape_cast %reduce_sum3A_12 : vector<2048xf32> to vector<2048x1xf32>
    %dot_general3A = arith.constant dense<0.000000e+00> : vector<2048x256xf32>
    %dot_general3A_14 = tpu.matmul %get3A_8, %get3A_3, %dot_general3A {dimension_numbers = #tpu.dot_dimension_numbers<[1], [0], [0], [1], [0, 0, 1, 1], [], []>, transpose_lhs_hint = false} : vector<2048x3xf32>, vector<3x256xf32>, vector<2048x256xf32> -> vector<2048x256xf32>
    %add3A = vector.broadcast %broadcast_in_dim3A_13 : vector<2048x1xf32> to vector<2048x256xf32>
    %add3A_15 = vector.broadcast %broadcast_in_dim3A : vector<1x256xf32> to vector<2048x256xf32>
    %add3A_16 = arith.addf %add3A, %add3A_15 : vector<2048x256xf32>
    %mul3A_17 = arith.constant 2.000000e+00 : f32
    %mul3A_18 = vector.broadcast %mul3A_17 : f32 to vector<2048x256xf32>
    %mul3A_19 = arith.mulf %mul3A_18, %dot_general3A_14 : vector<2048x256xf32>
    %sub3A = arith.subf %add3A_16, %mul3A_19 : vector<2048x256xf32>
    %iota3A = tpu.iota {dimensions = array<i32: 0>} : vector<2048x256xi32>
    %convert_element_type3A = arith.sitofp %iota3A : vector<2048x256xi32> to vector<2048x256xf32>
    %reduce_min3A = arith.constant dense<0x7F800000> : vector<256xf32>
    %reduce_min3A_20 = vector.multi_reduction <minimumf>, %sub3A, %reduce_min3A [0] : vector<2048x256xf32> to vector<256xf32>
    %broadcast_in_dim3A_21 = vector.shape_cast %reduce_min3A_20 : vector<256xf32> to vector<1x256xf32>
    %eq3A = vector.broadcast %broadcast_in_dim3A_21 : vector<1x256xf32> to vector<2048x256xf32>
    %eq3A_22 = arith.cmpf oeq, %sub3A, %eq3A : vector<2048x256xf32>
    %jit3A = arith.constant 2.048000e+03 : f32
    %broadcast_in_dim3A_23 = vector.broadcast %jit3A : f32 to vector<2048x256xf32>
    %select_n3A = arith.select %eq3A_22, %convert_element_type3A, %broadcast_in_dim3A_23 : vector<2048x256xi1>, vector<2048x256xf32>
    %reduce_min3A_24 = arith.constant dense<0x7F800000> : vector<256xf32>
    %reduce_min3A_25 = vector.multi_reduction <minimumf>, %select_n3A, %reduce_min3A_24 [0] : vector<2048x256xf32> to vector<256xf32>
    %broadcast_in_dim3A_26 = vector.shape_cast %reduce_min3A_25 : vector<256xf32> to vector<1x256xf32>
    %eq3A_27 = vector.broadcast %broadcast_in_dim3A_21 : vector<1x256xf32> to vector<2048x256xf32>
    %eq3A_28 = arith.cmpf oeq, %sub3A, %eq3A_27 : vector<2048x256xf32>
    %jit3A_29 = arith.constant 0x7F800000 : f32
    %broadcast_in_dim3A_30 = vector.broadcast %jit3A_29 : f32 to vector<2048x256xf32>
    %select_n3A_31 = arith.select %eq3A_28, %broadcast_in_dim3A_30, %sub3A : vector<2048x256xi1>, vector<2048x256xf32>
    %reduce_min3A_32 = arith.constant dense<0x7F800000> : vector<256xf32>
    %reduce_min3A_33 = vector.multi_reduction <minimumf>, %select_n3A_31, %reduce_min3A_32 [0] : vector<2048x256xf32> to vector<256xf32>
    %broadcast_in_dim3A_34 = vector.shape_cast %reduce_min3A_33 : vector<256xf32> to vector<1x256xf32>
    %eq3A_35 = vector.broadcast %broadcast_in_dim3A_34 : vector<1x256xf32> to vector<2048x256xf32>
    %eq3A_36 = arith.cmpf oeq, %select_n3A_31, %eq3A_35 : vector<2048x256xf32>
    %jit3A_37 = arith.constant 2.048000e+03 : f32
    %broadcast_in_dim3A_38 = vector.broadcast %jit3A_37 : f32 to vector<2048x256xf32>
    %select_n3A_39 = arith.select %eq3A_36, %convert_element_type3A, %broadcast_in_dim3A_38 : vector<2048x256xi1>, vector<2048x256xf32>
    %reduce_min3A_40 = arith.constant dense<0x7F800000> : vector<256xf32>
    %reduce_min3A_41 = vector.multi_reduction <minimumf>, %select_n3A_39, %reduce_min3A_40 [0] : vector<2048x256xf32> to vector<256xf32>
    %broadcast_in_dim3A_42 = vector.shape_cast %reduce_min3A_41 : vector<256xf32> to vector<1x256xf32>
    %eq3A_43 = vector.broadcast %broadcast_in_dim3A_34 : vector<1x256xf32> to vector<2048x256xf32>
    %eq3A_44 = arith.cmpf oeq, %select_n3A_31, %eq3A_43 : vector<2048x256xf32>
    %jit3A_45 = arith.constant 0x7F800000 : f32
    %broadcast_in_dim3A_46 = vector.broadcast %jit3A_45 : f32 to vector<2048x256xf32>
    %select_n3A_47 = arith.select %eq3A_44, %broadcast_in_dim3A_46, %select_n3A_31 : vector<2048x256xi1>, vector<2048x256xf32>
    %reduce_min3A_48 = arith.constant dense<0x7F800000> : vector<256xf32>
    %reduce_min3A_49 = vector.multi_reduction <minimumf>, %select_n3A_47, %reduce_min3A_48 [0] : vector<2048x256xf32> to vector<256xf32>
    %broadcast_in_dim3A_50 = vector.shape_cast %reduce_min3A_49 : vector<256xf32> to vector<1x256xf32>
    %eq3A_51 = vector.broadcast %broadcast_in_dim3A_50 : vector<1x256xf32> to vector<2048x256xf32>
    %eq3A_52 = arith.cmpf oeq, %select_n3A_47, %eq3A_51 : vector<2048x256xf32>
    %jit3A_53 = arith.constant 2.048000e+03 : f32
    %broadcast_in_dim3A_54 = vector.broadcast %jit3A_53 : f32 to vector<2048x256xf32>
    %select_n3A_55 = arith.select %eq3A_52, %convert_element_type3A, %broadcast_in_dim3A_54 : vector<2048x256xi1>, vector<2048x256xf32>
    %reduce_min3A_56 = arith.constant dense<0x7F800000> : vector<256xf32>
    %reduce_min3A_57 = vector.multi_reduction <minimumf>, %select_n3A_55, %reduce_min3A_56 [0] : vector<2048x256xf32> to vector<256xf32>
    %broadcast_in_dim3A_58 = vector.shape_cast %reduce_min3A_57 : vector<256xf32> to vector<1x256xf32>
    %eq3A_59 = vector.broadcast %broadcast_in_dim3A_50 : vector<1x256xf32> to vector<2048x256xf32>
    %eq3A_60 = arith.cmpf oeq, %select_n3A_47, %eq3A_59 : vector<2048x256xf32>
    %jit3A_61 = arith.constant 0x7F800000 : f32
    %broadcast_in_dim3A_62 = vector.broadcast %jit3A_61 : f32 to vector<2048x256xf32>
    %select_n3A_63 = arith.select %eq3A_60, %broadcast_in_dim3A_62, %select_n3A_47 : vector<2048x256xi1>, vector<2048x256xf32>
    %reduce_min3A_64 = arith.constant dense<0x7F800000> : vector<256xf32>
    %reduce_min3A_65 = vector.multi_reduction <minimumf>, %select_n3A_63, %reduce_min3A_64 [0] : vector<2048x256xf32> to vector<256xf32>
    %broadcast_in_dim3A_66 = vector.shape_cast %reduce_min3A_65 : vector<256xf32> to vector<1x256xf32>
    %eq3A_67 = vector.broadcast %broadcast_in_dim3A_66 : vector<1x256xf32> to vector<2048x256xf32>
    %eq3A_68 = arith.cmpf oeq, %select_n3A_63, %eq3A_67 : vector<2048x256xf32>
    %jit3A_69 = arith.constant 2.048000e+03 : f32
    %broadcast_in_dim3A_70 = vector.broadcast %jit3A_69 : f32 to vector<2048x256xf32>
    %select_n3A_71 = arith.select %eq3A_68, %convert_element_type3A, %broadcast_in_dim3A_70 : vector<2048x256xi1>, vector<2048x256xf32>
    %reduce_min3A_72 = arith.constant dense<0x7F800000> : vector<256xf32>
    %reduce_min3A_73 = vector.multi_reduction <minimumf>, %select_n3A_71, %reduce_min3A_72 [0] : vector<2048x256xf32> to vector<256xf32>
    %broadcast_in_dim3A_74 = vector.shape_cast %reduce_min3A_73 : vector<256xf32> to vector<1x256xf32>
    %eq3A_75 = vector.broadcast %broadcast_in_dim3A_66 : vector<1x256xf32> to vector<2048x256xf32>
    %eq3A_76 = arith.cmpf oeq, %select_n3A_63, %eq3A_75 : vector<2048x256xf32>
    %jit3A_77 = arith.constant 0x7F800000 : f32
    %broadcast_in_dim3A_78 = vector.broadcast %jit3A_77 : f32 to vector<2048x256xf32>
    %select_n3A_79 = arith.select %eq3A_76, %broadcast_in_dim3A_78, %select_n3A_63 : vector<2048x256xi1>, vector<2048x256xf32>
    %reduce_min3A_80 = arith.constant dense<0x7F800000> : vector<256xf32>
    %reduce_min3A_81 = vector.multi_reduction <minimumf>, %select_n3A_79, %reduce_min3A_80 [0] : vector<2048x256xf32> to vector<256xf32>
    %broadcast_in_dim3A_82 = vector.shape_cast %reduce_min3A_81 : vector<256xf32> to vector<1x256xf32>
    %eq3A_83 = vector.broadcast %broadcast_in_dim3A_82 : vector<1x256xf32> to vector<2048x256xf32>
    %eq3A_84 = arith.cmpf oeq, %select_n3A_79, %eq3A_83 : vector<2048x256xf32>
    %jit3A_85 = arith.constant 2.048000e+03 : f32
    %broadcast_in_dim3A_86 = vector.broadcast %jit3A_85 : f32 to vector<2048x256xf32>
    %select_n3A_87 = arith.select %eq3A_84, %convert_element_type3A, %broadcast_in_dim3A_86 : vector<2048x256xi1>, vector<2048x256xf32>
    %reduce_min3A_88 = arith.constant dense<0x7F800000> : vector<256xf32>
    %reduce_min3A_89 = vector.multi_reduction <minimumf>, %select_n3A_87, %reduce_min3A_88 [0] : vector<2048x256xf32> to vector<256xf32>
    %broadcast_in_dim3A_90 = vector.shape_cast %reduce_min3A_89 : vector<256xf32> to vector<1x256xf32>
    %eq3A_91 = vector.broadcast %broadcast_in_dim3A_82 : vector<1x256xf32> to vector<2048x256xf32>
    %eq3A_92 = arith.cmpf oeq, %select_n3A_79, %eq3A_91 : vector<2048x256xf32>
    %jit3A_93 = arith.constant 0x7F800000 : f32
    %broadcast_in_dim3A_94 = vector.broadcast %jit3A_93 : f32 to vector<2048x256xf32>
    %select_n3A_95 = arith.select %eq3A_92, %broadcast_in_dim3A_94, %select_n3A_79 : vector<2048x256xi1>, vector<2048x256xf32>
    %reduce_min3A_96 = arith.constant dense<0x7F800000> : vector<256xf32>
    %reduce_min3A_97 = vector.multi_reduction <minimumf>, %select_n3A_95, %reduce_min3A_96 [0] : vector<2048x256xf32> to vector<256xf32>
    %broadcast_in_dim3A_98 = vector.shape_cast %reduce_min3A_97 : vector<256xf32> to vector<1x256xf32>
    %eq3A_99 = vector.broadcast %broadcast_in_dim3A_98 : vector<1x256xf32> to vector<2048x256xf32>
    %eq3A_100 = arith.cmpf oeq, %select_n3A_95, %eq3A_99 : vector<2048x256xf32>
    %jit3A_101 = arith.constant 2.048000e+03 : f32
    %broadcast_in_dim3A_102 = vector.broadcast %jit3A_101 : f32 to vector<2048x256xf32>
    %select_n3A_103 = arith.select %eq3A_100, %convert_element_type3A, %broadcast_in_dim3A_102 : vector<2048x256xi1>, vector<2048x256xf32>
    %reduce_min3A_104 = arith.constant dense<0x7F800000> : vector<256xf32>
    %reduce_min3A_105 = vector.multi_reduction <minimumf>, %select_n3A_103, %reduce_min3A_104 [0] : vector<2048x256xf32> to vector<256xf32>
    %broadcast_in_dim3A_106 = vector.shape_cast %reduce_min3A_105 : vector<256xf32> to vector<1x256xf32>
    %eq3A_107 = vector.broadcast %broadcast_in_dim3A_98 : vector<1x256xf32> to vector<2048x256xf32>
    %eq3A_108 = arith.cmpf oeq, %select_n3A_95, %eq3A_107 : vector<2048x256xf32>
    %jit3A_109 = arith.constant 0x7F800000 : f32
    %broadcast_in_dim3A_110 = vector.broadcast %jit3A_109 : f32 to vector<2048x256xf32>
    %select_n3A_111 = arith.select %eq3A_108, %broadcast_in_dim3A_110, %select_n3A_95 : vector<2048x256xi1>, vector<2048x256xf32>
    %reduce_min3A_112 = arith.constant dense<0x7F800000> : vector<256xf32>
    %reduce_min3A_113 = vector.multi_reduction <minimumf>, %select_n3A_111, %reduce_min3A_112 [0] : vector<2048x256xf32> to vector<256xf32>
    %broadcast_in_dim3A_114 = vector.shape_cast %reduce_min3A_113 : vector<256xf32> to vector<1x256xf32>
    %eq3A_115 = vector.broadcast %broadcast_in_dim3A_114 : vector<1x256xf32> to vector<2048x256xf32>
    %eq3A_116 = arith.cmpf oeq, %select_n3A_111, %eq3A_115 : vector<2048x256xf32>
    %jit3A_117 = arith.constant 2.048000e+03 : f32
    %broadcast_in_dim3A_118 = vector.broadcast %jit3A_117 : f32 to vector<2048x256xf32>
    %select_n3A_119 = arith.select %eq3A_116, %convert_element_type3A, %broadcast_in_dim3A_118 : vector<2048x256xi1>, vector<2048x256xf32>
    %reduce_min3A_120 = arith.constant dense<0x7F800000> : vector<256xf32>
    %reduce_min3A_121 = vector.multi_reduction <minimumf>, %select_n3A_119, %reduce_min3A_120 [0] : vector<2048x256xf32> to vector<256xf32>
    %broadcast_in_dim3A_122 = vector.shape_cast %reduce_min3A_121 : vector<256xf32> to vector<1x256xf32>
    %eq3A_123 = vector.broadcast %broadcast_in_dim3A_114 : vector<1x256xf32> to vector<2048x256xf32>
    %eq3A_124 = arith.cmpf oeq, %select_n3A_111, %eq3A_123 : vector<2048x256xf32>
    %jit3A_125 = arith.constant 0x7F800000 : f32
    %broadcast_in_dim3A_126 = vector.broadcast %jit3A_125 : f32 to vector<2048x256xf32>
    %select_n3A_127 = arith.select %eq3A_124, %broadcast_in_dim3A_126, %select_n3A_111 : vector<2048x256xi1>, vector<2048x256xf32>
    %reduce_min3A_128 = arith.constant dense<0x7F800000> : vector<256xf32>
    %reduce_min3A_129 = vector.multi_reduction <minimumf>, %select_n3A_127, %reduce_min3A_128 [0] : vector<2048x256xf32> to vector<256xf32>
    %broadcast_in_dim3A_130 = vector.shape_cast %reduce_min3A_129 : vector<256xf32> to vector<1x256xf32>
    %eq3A_131 = vector.broadcast %broadcast_in_dim3A_130 : vector<1x256xf32> to vector<2048x256xf32>
    %eq3A_132 = arith.cmpf oeq, %select_n3A_127, %eq3A_131 : vector<2048x256xf32>
    %jit3A_133 = arith.constant 2.048000e+03 : f32
    %broadcast_in_dim3A_134 = vector.broadcast %jit3A_133 : f32 to vector<2048x256xf32>
    %select_n3A_135 = arith.select %eq3A_132, %convert_element_type3A, %broadcast_in_dim3A_134 : vector<2048x256xi1>, vector<2048x256xf32>
    %reduce_min3A_136 = arith.constant dense<0x7F800000> : vector<256xf32>
    %reduce_min3A_137 = vector.multi_reduction <minimumf>, %select_n3A_135, %reduce_min3A_136 [0] : vector<2048x256xf32> to vector<256xf32>
    %broadcast_in_dim3A_138 = vector.shape_cast %reduce_min3A_137 : vector<256xf32> to vector<1x256xf32>
    %eq3A_139 = vector.broadcast %broadcast_in_dim3A_130 : vector<1x256xf32> to vector<2048x256xf32>
    %eq3A_140 = arith.cmpf oeq, %select_n3A_127, %eq3A_139 : vector<2048x256xf32>
    %jit3A_141 = arith.constant 0x7F800000 : f32
    %broadcast_in_dim3A_142 = vector.broadcast %jit3A_141 : f32 to vector<2048x256xf32>
    %select_n3A_143 = arith.select %eq3A_140, %broadcast_in_dim3A_142, %select_n3A_127 : vector<2048x256xi1>, vector<2048x256xf32>
    %reduce_min3A_144 = arith.constant dense<0x7F800000> : vector<256xf32>
    %reduce_min3A_145 = vector.multi_reduction <minimumf>, %select_n3A_143, %reduce_min3A_144 [0] : vector<2048x256xf32> to vector<256xf32>
    %broadcast_in_dim3A_146 = vector.shape_cast %reduce_min3A_145 : vector<256xf32> to vector<1x256xf32>
    %eq3A_147 = vector.broadcast %broadcast_in_dim3A_146 : vector<1x256xf32> to vector<2048x256xf32>
    %eq3A_148 = arith.cmpf oeq, %select_n3A_143, %eq3A_147 : vector<2048x256xf32>
    %jit3A_149 = arith.constant 2.048000e+03 : f32
    %broadcast_in_dim3A_150 = vector.broadcast %jit3A_149 : f32 to vector<2048x256xf32>
    %select_n3A_151 = arith.select %eq3A_148, %convert_element_type3A, %broadcast_in_dim3A_150 : vector<2048x256xi1>, vector<2048x256xf32>
    %reduce_min3A_152 = arith.constant dense<0x7F800000> : vector<256xf32>
    %reduce_min3A_153 = vector.multi_reduction <minimumf>, %select_n3A_151, %reduce_min3A_152 [0] : vector<2048x256xf32> to vector<256xf32>
    %broadcast_in_dim3A_154 = vector.shape_cast %reduce_min3A_153 : vector<256xf32> to vector<1x256xf32>
    %eq3A_155 = vector.broadcast %broadcast_in_dim3A_146 : vector<1x256xf32> to vector<2048x256xf32>
    %eq3A_156 = arith.cmpf oeq, %select_n3A_143, %eq3A_155 : vector<2048x256xf32>
    %jit3A_157 = arith.constant 0x7F800000 : f32
    %broadcast_in_dim3A_158 = vector.broadcast %jit3A_157 : f32 to vector<2048x256xf32>
    %select_n3A_159 = arith.select %eq3A_156, %broadcast_in_dim3A_158, %select_n3A_143 : vector<2048x256xi1>, vector<2048x256xf32>
    %reduce_min3A_160 = arith.constant dense<0x7F800000> : vector<256xf32>
    %reduce_min3A_161 = vector.multi_reduction <minimumf>, %select_n3A_159, %reduce_min3A_160 [0] : vector<2048x256xf32> to vector<256xf32>
    %broadcast_in_dim3A_162 = vector.shape_cast %reduce_min3A_161 : vector<256xf32> to vector<1x256xf32>
    %eq3A_163 = vector.broadcast %broadcast_in_dim3A_162 : vector<1x256xf32> to vector<2048x256xf32>
    %eq3A_164 = arith.cmpf oeq, %select_n3A_159, %eq3A_163 : vector<2048x256xf32>
    %jit3A_165 = arith.constant 2.048000e+03 : f32
    %broadcast_in_dim3A_166 = vector.broadcast %jit3A_165 : f32 to vector<2048x256xf32>
    %select_n3A_167 = arith.select %eq3A_164, %convert_element_type3A, %broadcast_in_dim3A_166 : vector<2048x256xi1>, vector<2048x256xf32>
    %reduce_min3A_168 = arith.constant dense<0x7F800000> : vector<256xf32>
    %reduce_min3A_169 = vector.multi_reduction <minimumf>, %select_n3A_167, %reduce_min3A_168 [0] : vector<2048x256xf32> to vector<256xf32>
    %broadcast_in_dim3A_170 = vector.shape_cast %reduce_min3A_169 : vector<256xf32> to vector<1x256xf32>
    %eq3A_171 = vector.broadcast %broadcast_in_dim3A_162 : vector<1x256xf32> to vector<2048x256xf32>
    %eq3A_172 = arith.cmpf oeq, %select_n3A_159, %eq3A_171 : vector<2048x256xf32>
    %jit3A_173 = arith.constant 0x7F800000 : f32
    %broadcast_in_dim3A_174 = vector.broadcast %jit3A_173 : f32 to vector<2048x256xf32>
    %select_n3A_175 = arith.select %eq3A_172, %broadcast_in_dim3A_174, %select_n3A_159 : vector<2048x256xi1>, vector<2048x256xf32>
    %reduce_min3A_176 = arith.constant dense<0x7F800000> : vector<256xf32>
    %reduce_min3A_177 = vector.multi_reduction <minimumf>, %select_n3A_175, %reduce_min3A_176 [0] : vector<2048x256xf32> to vector<256xf32>
    %broadcast_in_dim3A_178 = vector.shape_cast %reduce_min3A_177 : vector<256xf32> to vector<1x256xf32>
    %eq3A_179 = vector.broadcast %broadcast_in_dim3A_178 : vector<1x256xf32> to vector<2048x256xf32>
    %eq3A_180 = arith.cmpf oeq, %select_n3A_175, %eq3A_179 : vector<2048x256xf32>
    %jit3A_181 = arith.constant 2.048000e+03 : f32
    %broadcast_in_dim3A_182 = vector.broadcast %jit3A_181 : f32 to vector<2048x256xf32>
    %select_n3A_183 = arith.select %eq3A_180, %convert_element_type3A, %broadcast_in_dim3A_182 : vector<2048x256xi1>, vector<2048x256xf32>
    %reduce_min3A_184 = arith.constant dense<0x7F800000> : vector<256xf32>
    %reduce_min3A_185 = vector.multi_reduction <minimumf>, %select_n3A_183, %reduce_min3A_184 [0] : vector<2048x256xf32> to vector<256xf32>
    %broadcast_in_dim3A_186 = vector.shape_cast %reduce_min3A_185 : vector<256xf32> to vector<1x256xf32>
    %eq3A_187 = vector.broadcast %broadcast_in_dim3A_178 : vector<1x256xf32> to vector<2048x256xf32>
    %eq3A_188 = arith.cmpf oeq, %select_n3A_175, %eq3A_187 : vector<2048x256xf32>
    %jit3A_189 = arith.constant 0x7F800000 : f32
    %broadcast_in_dim3A_190 = vector.broadcast %jit3A_189 : f32 to vector<2048x256xf32>
    %select_n3A_191 = arith.select %eq3A_188, %broadcast_in_dim3A_190, %select_n3A_175 : vector<2048x256xi1>, vector<2048x256xf32>
    %reduce_min3A_192 = arith.constant dense<0x7F800000> : vector<256xf32>
    %reduce_min3A_193 = vector.multi_reduction <minimumf>, %select_n3A_191, %reduce_min3A_192 [0] : vector<2048x256xf32> to vector<256xf32>
    %broadcast_in_dim3A_194 = vector.shape_cast %reduce_min3A_193 : vector<256xf32> to vector<1x256xf32>
    %eq3A_195 = vector.broadcast %broadcast_in_dim3A_194 : vector<1x256xf32> to vector<2048x256xf32>
    %eq3A_196 = arith.cmpf oeq, %select_n3A_191, %eq3A_195 : vector<2048x256xf32>
    %jit3A_197 = arith.constant 2.048000e+03 : f32
    %broadcast_in_dim3A_198 = vector.broadcast %jit3A_197 : f32 to vector<2048x256xf32>
    %select_n3A_199 = arith.select %eq3A_196, %convert_element_type3A, %broadcast_in_dim3A_198 : vector<2048x256xi1>, vector<2048x256xf32>
    %reduce_min3A_200 = arith.constant dense<0x7F800000> : vector<256xf32>
    %reduce_min3A_201 = vector.multi_reduction <minimumf>, %select_n3A_199, %reduce_min3A_200 [0] : vector<2048x256xf32> to vector<256xf32>
    %broadcast_in_dim3A_202 = vector.shape_cast %reduce_min3A_201 : vector<256xf32> to vector<1x256xf32>
    %eq3A_203 = vector.broadcast %broadcast_in_dim3A_194 : vector<1x256xf32> to vector<2048x256xf32>
    %eq3A_204 = arith.cmpf oeq, %select_n3A_191, %eq3A_203 : vector<2048x256xf32>
    %jit3A_205 = arith.constant 0x7F800000 : f32
    %broadcast_in_dim3A_206 = vector.broadcast %jit3A_205 : f32 to vector<2048x256xf32>
    %select_n3A_207 = arith.select %eq3A_204, %broadcast_in_dim3A_206, %select_n3A_191 : vector<2048x256xi1>, vector<2048x256xf32>
    %reduce_min3A_208 = arith.constant dense<0x7F800000> : vector<256xf32>
    %reduce_min3A_209 = vector.multi_reduction <minimumf>, %select_n3A_207, %reduce_min3A_208 [0] : vector<2048x256xf32> to vector<256xf32>
    %broadcast_in_dim3A_210 = vector.shape_cast %reduce_min3A_209 : vector<256xf32> to vector<1x256xf32>
    %eq3A_211 = vector.broadcast %broadcast_in_dim3A_210 : vector<1x256xf32> to vector<2048x256xf32>
    %eq3A_212 = arith.cmpf oeq, %select_n3A_207, %eq3A_211 : vector<2048x256xf32>
    %jit3A_213 = arith.constant 2.048000e+03 : f32
    %broadcast_in_dim3A_214 = vector.broadcast %jit3A_213 : f32 to vector<2048x256xf32>
    %select_n3A_215 = arith.select %eq3A_212, %convert_element_type3A, %broadcast_in_dim3A_214 : vector<2048x256xi1>, vector<2048x256xf32>
    %reduce_min3A_216 = arith.constant dense<0x7F800000> : vector<256xf32>
    %reduce_min3A_217 = vector.multi_reduction <minimumf>, %select_n3A_215, %reduce_min3A_216 [0] : vector<2048x256xf32> to vector<256xf32>
    %broadcast_in_dim3A_218 = vector.shape_cast %reduce_min3A_217 : vector<256xf32> to vector<1x256xf32>
    %eq3A_219 = vector.broadcast %broadcast_in_dim3A_210 : vector<1x256xf32> to vector<2048x256xf32>
    %eq3A_220 = arith.cmpf oeq, %select_n3A_207, %eq3A_219 : vector<2048x256xf32>
    %jit3A_221 = arith.constant 0x7F800000 : f32
    %broadcast_in_dim3A_222 = vector.broadcast %jit3A_221 : f32 to vector<2048x256xf32>
    %select_n3A_223 = arith.select %eq3A_220, %broadcast_in_dim3A_222, %select_n3A_207 : vector<2048x256xi1>, vector<2048x256xf32>
    %reduce_min3A_224 = arith.constant dense<0x7F800000> : vector<256xf32>
    %reduce_min3A_225 = vector.multi_reduction <minimumf>, %select_n3A_223, %reduce_min3A_224 [0] : vector<2048x256xf32> to vector<256xf32>
    %broadcast_in_dim3A_226 = vector.shape_cast %reduce_min3A_225 : vector<256xf32> to vector<1x256xf32>
    %eq3A_227 = vector.broadcast %broadcast_in_dim3A_226 : vector<1x256xf32> to vector<2048x256xf32>
    %eq3A_228 = arith.cmpf oeq, %select_n3A_223, %eq3A_227 : vector<2048x256xf32>
    %jit3A_229 = arith.constant 2.048000e+03 : f32
    %broadcast_in_dim3A_230 = vector.broadcast %jit3A_229 : f32 to vector<2048x256xf32>
    %select_n3A_231 = arith.select %eq3A_228, %convert_element_type3A, %broadcast_in_dim3A_230 : vector<2048x256xi1>, vector<2048x256xf32>
    %reduce_min3A_232 = arith.constant dense<0x7F800000> : vector<256xf32>
    %reduce_min3A_233 = vector.multi_reduction <minimumf>, %select_n3A_231, %reduce_min3A_232 [0] : vector<2048x256xf32> to vector<256xf32>
    %broadcast_in_dim3A_234 = vector.shape_cast %reduce_min3A_233 : vector<256xf32> to vector<1x256xf32>
    %eq3A_235 = vector.broadcast %broadcast_in_dim3A_226 : vector<1x256xf32> to vector<2048x256xf32>
    %eq3A_236 = arith.cmpf oeq, %select_n3A_223, %eq3A_235 : vector<2048x256xf32>
    %jit3A_237 = arith.constant 0x7F800000 : f32
    %broadcast_in_dim3A_238 = vector.broadcast %jit3A_237 : f32 to vector<2048x256xf32>
    %select_n3A_239 = arith.select %eq3A_236, %broadcast_in_dim3A_238, %select_n3A_223 : vector<2048x256xi1>, vector<2048x256xf32>
    %reduce_min3A_240 = arith.constant dense<0x7F800000> : vector<256xf32>
    %reduce_min3A_241 = vector.multi_reduction <minimumf>, %select_n3A_239, %reduce_min3A_240 [0] : vector<2048x256xf32> to vector<256xf32>
    %broadcast_in_dim3A_242 = vector.shape_cast %reduce_min3A_241 : vector<256xf32> to vector<1x256xf32>
    %eq3A_243 = vector.broadcast %broadcast_in_dim3A_242 : vector<1x256xf32> to vector<2048x256xf32>
    %eq3A_244 = arith.cmpf oeq, %select_n3A_239, %eq3A_243 : vector<2048x256xf32>
    %jit3A_245 = arith.constant 2.048000e+03 : f32
    %broadcast_in_dim3A_246 = vector.broadcast %jit3A_245 : f32 to vector<2048x256xf32>
    %select_n3A_247 = arith.select %eq3A_244, %convert_element_type3A, %broadcast_in_dim3A_246 : vector<2048x256xi1>, vector<2048x256xf32>
    %reduce_min3A_248 = arith.constant dense<0x7F800000> : vector<256xf32>
    %reduce_min3A_249 = vector.multi_reduction <minimumf>, %select_n3A_247, %reduce_min3A_248 [0] : vector<2048x256xf32> to vector<256xf32>
    %broadcast_in_dim3A_250 = vector.shape_cast %reduce_min3A_249 : vector<256xf32> to vector<1x256xf32>
    %eq3A_251 = vector.broadcast %broadcast_in_dim3A_242 : vector<1x256xf32> to vector<2048x256xf32>
    %eq3A_252 = arith.cmpf oeq, %select_n3A_239, %eq3A_251 : vector<2048x256xf32>
    %jit3A_253 = arith.constant 0x7F800000 : f32
    %broadcast_in_dim3A_254 = vector.broadcast %jit3A_253 : f32 to vector<2048x256xf32>
    %select_n3A_255 = arith.select %eq3A_252, %broadcast_in_dim3A_254, %select_n3A_239 : vector<2048x256xi1>, vector<2048x256xf32>
    %reduce_min3A_256 = arith.constant dense<0x7F800000> : vector<256xf32>
    %reduce_min3A_257 = vector.multi_reduction <minimumf>, %select_n3A_255, %reduce_min3A_256 [0] : vector<2048x256xf32> to vector<256xf32>
    %broadcast_in_dim3A_258 = vector.shape_cast %reduce_min3A_257 : vector<256xf32> to vector<1x256xf32>
    %eq3A_259 = vector.broadcast %broadcast_in_dim3A_258 : vector<1x256xf32> to vector<2048x256xf32>
    %eq3A_260 = arith.cmpf oeq, %select_n3A_255, %eq3A_259 : vector<2048x256xf32>
    %jit3A_261 = arith.constant 2.048000e+03 : f32
    %broadcast_in_dim3A_262 = vector.broadcast %jit3A_261 : f32 to vector<2048x256xf32>
    %select_n3A_263 = arith.select %eq3A_260, %convert_element_type3A, %broadcast_in_dim3A_262 : vector<2048x256xi1>, vector<2048x256xf32>
    %reduce_min3A_264 = arith.constant dense<0x7F800000> : vector<256xf32>
    %reduce_min3A_265 = vector.multi_reduction <minimumf>, %select_n3A_263, %reduce_min3A_264 [0] : vector<2048x256xf32> to vector<256xf32>
    %broadcast_in_dim3A_266 = vector.shape_cast %reduce_min3A_265 : vector<256xf32> to vector<1x256xf32>
    %eq3A_267 = vector.broadcast %broadcast_in_dim3A_258 : vector<1x256xf32> to vector<2048x256xf32>
    %eq3A_268 = arith.cmpf oeq, %select_n3A_255, %eq3A_267 : vector<2048x256xf32>
    %jit3A_269 = arith.constant 0x7F800000 : f32
    %broadcast_in_dim3A_270 = vector.broadcast %jit3A_269 : f32 to vector<2048x256xf32>
    %select_n3A_271 = arith.select %eq3A_268, %broadcast_in_dim3A_270, %select_n3A_255 : vector<2048x256xi1>, vector<2048x256xf32>
    %reduce_min3A_272 = arith.constant dense<0x7F800000> : vector<256xf32>
    %reduce_min3A_273 = vector.multi_reduction <minimumf>, %select_n3A_271, %reduce_min3A_272 [0] : vector<2048x256xf32> to vector<256xf32>
    %broadcast_in_dim3A_274 = vector.shape_cast %reduce_min3A_273 : vector<256xf32> to vector<1x256xf32>
    %eq3A_275 = vector.broadcast %broadcast_in_dim3A_274 : vector<1x256xf32> to vector<2048x256xf32>
    %eq3A_276 = arith.cmpf oeq, %select_n3A_271, %eq3A_275 : vector<2048x256xf32>
    %jit3A_277 = arith.constant 2.048000e+03 : f32
    %broadcast_in_dim3A_278 = vector.broadcast %jit3A_277 : f32 to vector<2048x256xf32>
    %select_n3A_279 = arith.select %eq3A_276, %convert_element_type3A, %broadcast_in_dim3A_278 : vector<2048x256xi1>, vector<2048x256xf32>
    %reduce_min3A_280 = arith.constant dense<0x7F800000> : vector<256xf32>
    %reduce_min3A_281 = vector.multi_reduction <minimumf>, %select_n3A_279, %reduce_min3A_280 [0] : vector<2048x256xf32> to vector<256xf32>
    %broadcast_in_dim3A_282 = vector.shape_cast %reduce_min3A_281 : vector<256xf32> to vector<1x256xf32>
    %eq3A_283 = vector.broadcast %broadcast_in_dim3A_274 : vector<1x256xf32> to vector<2048x256xf32>
    %eq3A_284 = arith.cmpf oeq, %select_n3A_271, %eq3A_283 : vector<2048x256xf32>
    %jit3A_285 = arith.constant 0x7F800000 : f32
    %broadcast_in_dim3A_286 = vector.broadcast %jit3A_285 : f32 to vector<2048x256xf32>
    %select_n3A_287 = arith.select %eq3A_284, %broadcast_in_dim3A_286, %select_n3A_271 : vector<2048x256xi1>, vector<2048x256xf32>
    %reduce_min3A_288 = arith.constant dense<0x7F800000> : vector<256xf32>
    %reduce_min3A_289 = vector.multi_reduction <minimumf>, %select_n3A_287, %reduce_min3A_288 [0] : vector<2048x256xf32> to vector<256xf32>
    %broadcast_in_dim3A_290 = vector.shape_cast %reduce_min3A_289 : vector<256xf32> to vector<1x256xf32>
    %eq3A_291 = vector.broadcast %broadcast_in_dim3A_290 : vector<1x256xf32> to vector<2048x256xf32>
    %eq3A_292 = arith.cmpf oeq, %select_n3A_287, %eq3A_291 : vector<2048x256xf32>
    %jit3A_293 = arith.constant 2.048000e+03 : f32
    %broadcast_in_dim3A_294 = vector.broadcast %jit3A_293 : f32 to vector<2048x256xf32>
    %select_n3A_295 = arith.select %eq3A_292, %convert_element_type3A, %broadcast_in_dim3A_294 : vector<2048x256xi1>, vector<2048x256xf32>
    %reduce_min3A_296 = arith.constant dense<0x7F800000> : vector<256xf32>
    %reduce_min3A_297 = vector.multi_reduction <minimumf>, %select_n3A_295, %reduce_min3A_296 [0] : vector<2048x256xf32> to vector<256xf32>
    %broadcast_in_dim3A_298 = vector.shape_cast %reduce_min3A_297 : vector<256xf32> to vector<1x256xf32>
    %eq3A_299 = vector.broadcast %broadcast_in_dim3A_290 : vector<1x256xf32> to vector<2048x256xf32>
    %eq3A_300 = arith.cmpf oeq, %select_n3A_287, %eq3A_299 : vector<2048x256xf32>
    %jit3A_301 = arith.constant 0x7F800000 : f32
    %broadcast_in_dim3A_302 = vector.broadcast %jit3A_301 : f32 to vector<2048x256xf32>
    %select_n3A_303 = arith.select %eq3A_300, %broadcast_in_dim3A_302, %select_n3A_287 : vector<2048x256xi1>, vector<2048x256xf32>
    %reduce_min3A_304 = arith.constant dense<0x7F800000> : vector<256xf32>
    %reduce_min3A_305 = vector.multi_reduction <minimumf>, %select_n3A_303, %reduce_min3A_304 [0] : vector<2048x256xf32> to vector<256xf32>
    %broadcast_in_dim3A_306 = vector.shape_cast %reduce_min3A_305 : vector<256xf32> to vector<1x256xf32>
    %eq3A_307 = vector.broadcast %broadcast_in_dim3A_306 : vector<1x256xf32> to vector<2048x256xf32>
    %eq3A_308 = arith.cmpf oeq, %select_n3A_303, %eq3A_307 : vector<2048x256xf32>
    %jit3A_309 = arith.constant 2.048000e+03 : f32
    %broadcast_in_dim3A_310 = vector.broadcast %jit3A_309 : f32 to vector<2048x256xf32>
    %select_n3A_311 = arith.select %eq3A_308, %convert_element_type3A, %broadcast_in_dim3A_310 : vector<2048x256xi1>, vector<2048x256xf32>
    %reduce_min3A_312 = arith.constant dense<0x7F800000> : vector<256xf32>
    %reduce_min3A_313 = vector.multi_reduction <minimumf>, %select_n3A_311, %reduce_min3A_312 [0] : vector<2048x256xf32> to vector<256xf32>
    %broadcast_in_dim3A_314 = vector.shape_cast %reduce_min3A_313 : vector<256xf32> to vector<1x256xf32>
    %eq3A_315 = vector.broadcast %broadcast_in_dim3A_306 : vector<1x256xf32> to vector<2048x256xf32>
    %eq3A_316 = arith.cmpf oeq, %select_n3A_303, %eq3A_315 : vector<2048x256xf32>
    %jit3A_317 = arith.constant 0x7F800000 : f32
    %broadcast_in_dim3A_318 = vector.broadcast %jit3A_317 : f32 to vector<2048x256xf32>
    %select_n3A_319 = arith.select %eq3A_316, %broadcast_in_dim3A_318, %select_n3A_303 : vector<2048x256xi1>, vector<2048x256xf32>
    %reduce_min3A_320 = arith.constant dense<0x7F800000> : vector<256xf32>
    %reduce_min3A_321 = vector.multi_reduction <minimumf>, %select_n3A_319, %reduce_min3A_320 [0] : vector<2048x256xf32> to vector<256xf32>
    %broadcast_in_dim3A_322 = vector.shape_cast %reduce_min3A_321 : vector<256xf32> to vector<1x256xf32>
    %eq3A_323 = vector.broadcast %broadcast_in_dim3A_322 : vector<1x256xf32> to vector<2048x256xf32>
    %eq3A_324 = arith.cmpf oeq, %select_n3A_319, %eq3A_323 : vector<2048x256xf32>
    %jit3A_325 = arith.constant 2.048000e+03 : f32
    %broadcast_in_dim3A_326 = vector.broadcast %jit3A_325 : f32 to vector<2048x256xf32>
    %select_n3A_327 = arith.select %eq3A_324, %convert_element_type3A, %broadcast_in_dim3A_326 : vector<2048x256xi1>, vector<2048x256xf32>
    %reduce_min3A_328 = arith.constant dense<0x7F800000> : vector<256xf32>
    %reduce_min3A_329 = vector.multi_reduction <minimumf>, %select_n3A_327, %reduce_min3A_328 [0] : vector<2048x256xf32> to vector<256xf32>
    %broadcast_in_dim3A_330 = vector.shape_cast %reduce_min3A_329 : vector<256xf32> to vector<1x256xf32>
    %concatenate3A = tpu.concatenate %broadcast_in_dim3A_26, %broadcast_in_dim3A_42, %broadcast_in_dim3A_58, %broadcast_in_dim3A_74, %broadcast_in_dim3A_90, %broadcast_in_dim3A_106, %broadcast_in_dim3A_122, %broadcast_in_dim3A_138, %broadcast_in_dim3A_154, %broadcast_in_dim3A_170, %broadcast_in_dim3A_186, %broadcast_in_dim3A_202, %broadcast_in_dim3A_218, %broadcast_in_dim3A_234, %broadcast_in_dim3A_250, %broadcast_in_dim3A_266, %broadcast_in_dim3A_282, %broadcast_in_dim3A_298, %broadcast_in_dim3A_314, %broadcast_in_dim3A_330 in 0 : vector<1x256xf32>, vector<1x256xf32>, vector<1x256xf32>, vector<1x256xf32>, vector<1x256xf32>, vector<1x256xf32>, vector<1x256xf32>, vector<1x256xf32>, vector<1x256xf32>, vector<1x256xf32>, vector<1x256xf32>, vector<1x256xf32>, vector<1x256xf32>, vector<1x256xf32>, vector<1x256xf32>, vector<1x256xf32>, vector<1x256xf32>, vector<1x256xf32>, vector<1x256xf32>, vector<1x256xf32> -> vector<20x256xf32>
    %convert_element_type3A_331 = arith.fptosi %concatenate3A : vector<20x256xf32> to vector<20x256xi32>
    %mul3A_332 = arith.constant 2048 : i32
    %mul3A_333 = arith.muli %arg0, %mul3A_332 : i32
    %add3A_334 = vector.broadcast %mul3A_333 : i32 to vector<20x256xi32>
    %add3A_335 = arith.addi %convert_element_type3A_331, %add3A_334 : vector<20x256xi32>
    %swap3A = arith.constant 0 : index
    %swap3A_336 = arith.constant 0 : index
    %swap3A_337 = arith.constant 0 : index
    %swap3A_338 = arith.constant 0 : index
    %swap3A_339 = vector.load %arg4[%swap3A, %swap3A_336, %swap3A_337, %swap3A_338] : memref<1x1x20x256xi32, #tpu.memory_space<vmem>>, vector<1x1x20x256xi32>
    %swap3A_340 = vector.shape_cast %swap3A_339 : vector<1x1x20x256xi32> to vector<20x256xi32>
    %swap3A_341 = vector.shape_cast %add3A_335 : vector<20x256xi32> to vector<1x1x20x256xi32>
    tpu.vector_store %arg4[%swap3A, %swap3A_336, %swap3A_337, %swap3A_338], %swap3A_341 {strides = array<i32>} : memref<1x1x20x256xi32, #tpu.memory_space<vmem>>, vector<1x1x20x256xi32>,
    return
  }
  func.func @transform_0(%arg0: i32, %arg1: i32) -> (i32, i32, i32) {
    %c0_i32 = arith.constant 0 : i32
    %c0_i32_0 = arith.constant 0 : i32
    return %arg0, %c0_i32, %arg1 : i32, i32, i32
  }
  func.func @transform_1(%arg0: i32, %arg1: i32) -> (i32, i32, i32) {
    %c0_i32 = arith.constant 0 : i32
    %c0_i32_0 = arith.constant 0 : i32
    %c0_i32_1 = arith.constant 0 : i32
    return %arg0, %c0_i32, %c0_i32_0 : i32, i32, i32
  }
  func.func @transform_2(%arg0: i32, %arg1: i32) -> (i32, i32, i32, i32) {
    %c0_i32 = arith.constant 0 : i32
    %c0_i32_0 = arith.constant 0 : i32
    %c0_i32_1 = arith.constant 0 : i32
    return %arg0, %arg1, %c0_i32, %c0_i32_0 : i32, i32, i32, i32
  }
}

module attributes {stable_mosaic.version = 14 : i64} {
  func.func @_tab_conv1_kernel(%arg0: i32, %arg1: memref<1x2048x32xf32, #tpu.memory_space<vmem>>, %arg2: memref<32x128xf32, #tpu.memory_space<vmem>>, %arg3: memref<1x2048x128xf32, #tpu.memory_space<vmem>>) attributes {dimension_semantics = [#tpu.dimension_semantics<arbitrary>], iteration_bounds = array<i64: 2>, scalar_prefetch = 0 : i64, scratch_operands = 0 : i64, tpu.core_type = #tpu.core_type<tc>, window_params = [{transform_indices = @transform_0, window_bounds = array<i64: 1, 2048, 32>}, {pipeline_mode = #tpu.pipeline_mode<synchronous>, transform_indices = @transform_1, window_bounds = array<i64: 32, 128>}, {transform_indices = @transform_2, window_bounds = array<i64: 1, 2048, 128>}]} {
    %get3A = arith.constant 0 : index
    %get3A_0 = arith.constant 0 : index
    %get3A_1 = arith.constant 0 : index
    %get3A_2 = vector.load %arg1[%get3A, %get3A_0, %get3A_1] : memref<1x2048x32xf32, #tpu.memory_space<vmem>>, vector<1x2048x32xf32>
    %get3A_3 = vector.shape_cast %get3A_2 : vector<1x2048x32xf32> to vector<2048x32xf32>
    %get3A_4 = arith.constant 0 : index
    %get3A_5 = arith.constant 0 : index
    %get3A_6 = vector.load %arg2[%get3A_4, %get3A_5] : memref<32x128xf32, #tpu.memory_space<vmem>>, vector<32x128xf32>
    %dot_general3A = arith.constant dense<0.000000e+00> : vector<2048x128xf32>
    %dot_general3A_7 = tpu.matmul %get3A_3, %get3A_6, %dot_general3A {dimension_numbers = #tpu.dot_dimension_numbers<[1], [0], [0], [1], [0, 0, 1, 1], [], []>, transpose_lhs_hint = false} : vector<2048x32xf32>, vector<32x128xf32>, vector<2048x128xf32> -> vector<2048x128xf32>
    %swap3A = arith.constant 0 : index
    %swap3A_8 = arith.constant 0 : index
    %swap3A_9 = arith.constant 0 : index
    %swap3A_10 = vector.load %arg3[%swap3A, %swap3A_8, %swap3A_9] : memref<1x2048x128xf32, #tpu.memory_space<vmem>>, vector<1x2048x128xf32>
    %swap3A_11 = vector.shape_cast %swap3A_10 : vector<1x2048x128xf32> to vector<2048x128xf32>
    %swap3A_12 = vector.shape_cast %dot_general3A_7 : vector<2048x128xf32> to vector<1x2048x128xf32>
    tpu.vector_store %arg3[%swap3A, %swap3A_8, %swap3A_9], %swap3A_12 {strides = array<i32>} : memref<1x2048x128xf32, #tpu.memory_space<vmem>>, vector<1x2048x128xf32>,
    return
  }
  func.func @transform_0(%arg0: i32) -> (i32, i32, i32) {
    %c0_i32 = arith.constant 0 : i32
    %c0_i32_0 = arith.constant 0 : i32
    %c0_i32_1 = arith.constant 0 : i32
    return %arg0, %c0_i32, %c0_i32_0 : i32, i32, i32
  }
  func.func @transform_1(%arg0: i32) -> (i32, i32) {
    %c0_i32 = arith.constant 0 : i32
    %c0_i32_0 = arith.constant 0 : i32
    %c0_i32_1 = arith.constant 0 : i32
    return %c0_i32, %c0_i32_0 : i32, i32
  }
  func.func @transform_2(%arg0: i32) -> (i32, i32, i32) {
    %c0_i32 = arith.constant 0 : i32
    %c0_i32_0 = arith.constant 0 : i32
    %c0_i32_1 = arith.constant 0 : i32
    return %arg0, %c0_i32, %c0_i32_0 : i32, i32, i32
  }
}

module attributes {stable_mosaic.version = 14 : i64} {
  func.func @_knn_kernel(%arg0: i32, %arg1: i32, %arg2: memref<1x3x256xf32, #tpu.memory_space<vmem>>, %arg3: memref<1x2048x3xf32, #tpu.memory_space<vmem>>, %arg4: memref<1x1x20x256xi32, #tpu.memory_space<vmem>>) attributes {dimension_semantics = [#tpu.dimension_semantics<arbitrary>, #tpu.dimension_semantics<arbitrary>], iteration_bounds = array<i64: 2, 16>, scalar_prefetch = 0 : i64, scratch_operands = 0 : i64, tpu.core_type = #tpu.core_type<tc>, window_params = [{transform_indices = @transform_0, window_bounds = array<i64: 1, 3, 256>}, {transform_indices = @transform_1, window_bounds = array<i64: 1, 2048, 3>}, {transform_indices = @transform_2, window_bounds = array<i64: 1, 1, 20, 256>}]} {
    %get3A = arith.constant 0 : index
    %get3A_0 = arith.constant 0 : index
    %get3A_1 = arith.constant 0 : index
    %get3A_2 = vector.load %arg2[%get3A, %get3A_0, %get3A_1] : memref<1x3x256xf32, #tpu.memory_space<vmem>>, vector<1x3x256xf32>
    %get3A_3 = vector.shape_cast %get3A_2 : vector<1x3x256xf32> to vector<3x256xf32>
    %get3A_4 = arith.constant 0 : index
    %get3A_5 = arith.constant 0 : index
    %get3A_6 = arith.constant 0 : index
    %get3A_7 = vector.load %arg3[%get3A_4, %get3A_5, %get3A_6] : memref<1x2048x3xf32, #tpu.memory_space<vmem>>, vector<1x2048x3xf32>
    %get3A_8 = vector.shape_cast %get3A_7 : vector<1x2048x3xf32> to vector<2048x3xf32>
    %mul3A = arith.mulf %get3A_3, %get3A_3 : vector<3x256xf32>
    %reduce_sum3A = arith.constant dense<0.000000e+00> : vector<256xf32>
    %reduce_sum3A_9 = vector.multi_reduction <add>, %mul3A, %reduce_sum3A [0] : vector<3x256xf32> to vector<256xf32>
    %broadcast_in_dim3A = vector.shape_cast %reduce_sum3A_9 : vector<256xf32> to vector<1x256xf32>
    %mul3A_10 = arith.mulf %get3A_8, %get3A_8 : vector<2048x3xf32>
    %reduce_sum3A_11 = arith.constant dense<0.000000e+00> : vector<2048xf32>
    %reduce_sum3A_12 = vector.multi_reduction <add>, %mul3A_10, %reduce_sum3A_11 [1] : vector<2048x3xf32> to vector<2048xf32>
    %broadcast_in_dim3A_13 = vector.shape_cast %reduce_sum3A_12 : vector<2048xf32> to vector<2048x1xf32>
    %dot_general3A = arith.constant dense<0.000000e+00> : vector<2048x256xf32>
    %dot_general3A_14 = tpu.matmul %get3A_8, %get3A_3, %dot_general3A {dimension_numbers = #tpu.dot_dimension_numbers<[1], [0], [0], [1], [0, 0, 1, 1], [], []>, transpose_lhs_hint = false} : vector<2048x3xf32>, vector<3x256xf32>, vector<2048x256xf32> -> vector<2048x256xf32>
    %add3A = vector.broadcast %broadcast_in_dim3A_13 : vector<2048x1xf32> to vector<2048x256xf32>
    %add3A_15 = vector.broadcast %broadcast_in_dim3A : vector<1x256xf32> to vector<2048x256xf32>
    %add3A_16 = arith.addf %add3A, %add3A_15 : vector<2048x256xf32>
    %mul3A_17 = arith.constant 2.000000e+00 : f32
    %mul3A_18 = vector.broadcast %mul3A_17 : f32 to vector<2048x256xf32>
    %mul3A_19 = arith.mulf %mul3A_18, %dot_general3A_14 : vector<2048x256xf32>
    %sub3A = arith.subf %add3A_16, %mul3A_19 : vector<2048x256xf32>
    %iota3A = tpu.iota {dimensions = array<i32: 0>} : vector<2048x256xi32>
    %convert_element_type3A = arith.sitofp %iota3A : vector<2048x256xi32> to vector<2048x256xf32>
    %reduce_min3A = arith.constant dense<0x7F800000> : vector<256xf32>
    %reduce_min3A_20 = vector.multi_reduction <minimumf>, %sub3A, %reduce_min3A [0] : vector<2048x256xf32> to vector<256xf32>
    %broadcast_in_dim3A_21 = vector.shape_cast %reduce_min3A_20 : vector<256xf32> to vector<1x256xf32>
    %eq3A = vector.broadcast %broadcast_in_dim3A_21 : vector<1x256xf32> to vector<2048x256xf32>
    %eq3A_22 = arith.cmpf oeq, %sub3A, %eq3A : vector<2048x256xf32>
    %jit3A = arith.constant 2.048000e+03 : f32
    %broadcast_in_dim3A_23 = vector.broadcast %jit3A : f32 to vector<2048x256xf32>
    %select_n3A = arith.select %eq3A_22, %convert_element_type3A, %broadcast_in_dim3A_23 : vector<2048x256xi1>, vector<2048x256xf32>
    %reduce_min3A_24 = arith.constant dense<0x7F800000> : vector<256xf32>
    %reduce_min3A_25 = vector.multi_reduction <minimumf>, %select_n3A, %reduce_min3A_24 [0] : vector<2048x256xf32> to vector<256xf32>
    %broadcast_in_dim3A_26 = vector.shape_cast %reduce_min3A_25 : vector<256xf32> to vector<1x256xf32>
    %eq3A_27 = vector.broadcast %broadcast_in_dim3A_21 : vector<1x256xf32> to vector<2048x256xf32>
    %eq3A_28 = arith.cmpf oeq, %sub3A, %eq3A_27 : vector<2048x256xf32>
    %jit3A_29 = arith.constant 0x7F800000 : f32
    %broadcast_in_dim3A_30 = vector.broadcast %jit3A_29 : f32 to vector<2048x256xf32>
    %select_n3A_31 = arith.select %eq3A_28, %broadcast_in_dim3A_30, %sub3A : vector<2048x256xi1>, vector<2048x256xf32>
    %reduce_min3A_32 = arith.constant dense<0x7F800000> : vector<256xf32>
    %reduce_min3A_33 = vector.multi_reduction <minimumf>, %select_n3A_31, %reduce_min3A_32 [0] : vector<2048x256xf32> to vector<256xf32>
    %broadcast_in_dim3A_34 = vector.shape_cast %reduce_min3A_33 : vector<256xf32> to vector<1x256xf32>
    %eq3A_35 = vector.broadcast %broadcast_in_dim3A_34 : vector<1x256xf32> to vector<2048x256xf32>
    %eq3A_36 = arith.cmpf oeq, %select_n3A_31, %eq3A_35 : vector<2048x256xf32>
    %jit3A_37 = arith.constant 2.048000e+03 : f32
    %broadcast_in_dim3A_38 = vector.broadcast %jit3A_37 : f32 to vector<2048x256xf32>
    %select_n3A_39 = arith.select %eq3A_36, %convert_element_type3A, %broadcast_in_dim3A_38 : vector<2048x256xi1>, vector<2048x256xf32>
    %reduce_min3A_40 = arith.constant dense<0x7F800000> : vector<256xf32>
    %reduce_min3A_41 = vector.multi_reduction <minimumf>, %select_n3A_39, %reduce_min3A_40 [0] : vector<2048x256xf32> to vector<256xf32>
    %broadcast_in_dim3A_42 = vector.shape_cast %reduce_min3A_41 : vector<256xf32> to vector<1x256xf32>
    %eq3A_43 = vector.broadcast %broadcast_in_dim3A_34 : vector<1x256xf32> to vector<2048x256xf32>
    %eq3A_44 = arith.cmpf oeq, %select_n3A_31, %eq3A_43 : vector<2048x256xf32>
    %jit3A_45 = arith.constant 0x7F800000 : f32
    %broadcast_in_dim3A_46 = vector.broadcast %jit3A_45 : f32 to vector<2048x256xf32>
    %select_n3A_47 = arith.select %eq3A_44, %broadcast_in_dim3A_46, %select_n3A_31 : vector<2048x256xi1>, vector<2048x256xf32>
    %reduce_min3A_48 = arith.constant dense<0x7F800000> : vector<256xf32>
    %reduce_min3A_49 = vector.multi_reduction <minimumf>, %select_n3A_47, %reduce_min3A_48 [0] : vector<2048x256xf32> to vector<256xf32>
    %broadcast_in_dim3A_50 = vector.shape_cast %reduce_min3A_49 : vector<256xf32> to vector<1x256xf32>
    %eq3A_51 = vector.broadcast %broadcast_in_dim3A_50 : vector<1x256xf32> to vector<2048x256xf32>
    %eq3A_52 = arith.cmpf oeq, %select_n3A_47, %eq3A_51 : vector<2048x256xf32>
    %jit3A_53 = arith.constant 2.048000e+03 : f32
    %broadcast_in_dim3A_54 = vector.broadcast %jit3A_53 : f32 to vector<2048x256xf32>
    %select_n3A_55 = arith.select %eq3A_52, %convert_element_type3A, %broadcast_in_dim3A_54 : vector<2048x256xi1>, vector<2048x256xf32>
    %reduce_min3A_56 = arith.constant dense<0x7F800000> : vector<256xf32>
    %reduce_min3A_57 = vector.multi_reduction <minimumf>, %select_n3A_55, %reduce_min3A_56 [0] : vector<2048x256xf32> to vector<256xf32>
    %broadcast_in_dim3A_58 = vector.shape_cast %reduce_min3A_57 : vector<256xf32> to vector<1x256xf32>
    %eq3A_59 = vector.broadcast %broadcast_in_dim3A_50 : vector<1x256xf32> to vector<2048x256xf32>
    %eq3A_60 = arith.cmpf oeq, %select_n3A_47, %eq3A_59 : vector<2048x256xf32>
    %jit3A_61 = arith.constant 0x7F800000 : f32
    %broadcast_in_dim3A_62 = vector.broadcast %jit3A_61 : f32 to vector<2048x256xf32>
    %select_n3A_63 = arith.select %eq3A_60, %broadcast_in_dim3A_62, %select_n3A_47 : vector<2048x256xi1>, vector<2048x256xf32>
    %reduce_min3A_64 = arith.constant dense<0x7F800000> : vector<256xf32>
    %reduce_min3A_65 = vector.multi_reduction <minimumf>, %select_n3A_63, %reduce_min3A_64 [0] : vector<2048x256xf32> to vector<256xf32>
    %broadcast_in_dim3A_66 = vector.shape_cast %reduce_min3A_65 : vector<256xf32> to vector<1x256xf32>
    %eq3A_67 = vector.broadcast %broadcast_in_dim3A_66 : vector<1x256xf32> to vector<2048x256xf32>
    %eq3A_68 = arith.cmpf oeq, %select_n3A_63, %eq3A_67 : vector<2048x256xf32>
    %jit3A_69 = arith.constant 2.048000e+03 : f32
    %broadcast_in_dim3A_70 = vector.broadcast %jit3A_69 : f32 to vector<2048x256xf32>
    %select_n3A_71 = arith.select %eq3A_68, %convert_element_type3A, %broadcast_in_dim3A_70 : vector<2048x256xi1>, vector<2048x256xf32>
    %reduce_min3A_72 = arith.constant dense<0x7F800000> : vector<256xf32>
    %reduce_min3A_73 = vector.multi_reduction <minimumf>, %select_n3A_71, %reduce_min3A_72 [0] : vector<2048x256xf32> to vector<256xf32>
    %broadcast_in_dim3A_74 = vector.shape_cast %reduce_min3A_73 : vector<256xf32> to vector<1x256xf32>
    %eq3A_75 = vector.broadcast %broadcast_in_dim3A_66 : vector<1x256xf32> to vector<2048x256xf32>
    %eq3A_76 = arith.cmpf oeq, %select_n3A_63, %eq3A_75 : vector<2048x256xf32>
    %jit3A_77 = arith.constant 0x7F800000 : f32
    %broadcast_in_dim3A_78 = vector.broadcast %jit3A_77 : f32 to vector<2048x256xf32>
    %select_n3A_79 = arith.select %eq3A_76, %broadcast_in_dim3A_78, %select_n3A_63 : vector<2048x256xi1>, vector<2048x256xf32>
    %reduce_min3A_80 = arith.constant dense<0x7F800000> : vector<256xf32>
    %reduce_min3A_81 = vector.multi_reduction <minimumf>, %select_n3A_79, %reduce_min3A_80 [0] : vector<2048x256xf32> to vector<256xf32>
    %broadcast_in_dim3A_82 = vector.shape_cast %reduce_min3A_81 : vector<256xf32> to vector<1x256xf32>
    %eq3A_83 = vector.broadcast %broadcast_in_dim3A_82 : vector<1x256xf32> to vector<2048x256xf32>
    %eq3A_84 = arith.cmpf oeq, %select_n3A_79, %eq3A_83 : vector<2048x256xf32>
    %jit3A_85 = arith.constant 2.048000e+03 : f32
    %broadcast_in_dim3A_86 = vector.broadcast %jit3A_85 : f32 to vector<2048x256xf32>
    %select_n3A_87 = arith.select %eq3A_84, %convert_element_type3A, %broadcast_in_dim3A_86 : vector<2048x256xi1>, vector<2048x256xf32>
    %reduce_min3A_88 = arith.constant dense<0x7F800000> : vector<256xf32>
    %reduce_min3A_89 = vector.multi_reduction <minimumf>, %select_n3A_87, %reduce_min3A_88 [0] : vector<2048x256xf32> to vector<256xf32>
    %broadcast_in_dim3A_90 = vector.shape_cast %reduce_min3A_89 : vector<256xf32> to vector<1x256xf32>
    %eq3A_91 = vector.broadcast %broadcast_in_dim3A_82 : vector<1x256xf32> to vector<2048x256xf32>
    %eq3A_92 = arith.cmpf oeq, %select_n3A_79, %eq3A_91 : vector<2048x256xf32>
    %jit3A_93 = arith.constant 0x7F800000 : f32
    %broadcast_in_dim3A_94 = vector.broadcast %jit3A_93 : f32 to vector<2048x256xf32>
    %select_n3A_95 = arith.select %eq3A_92, %broadcast_in_dim3A_94, %select_n3A_79 : vector<2048x256xi1>, vector<2048x256xf32>
    %reduce_min3A_96 = arith.constant dense<0x7F800000> : vector<256xf32>
    %reduce_min3A_97 = vector.multi_reduction <minimumf>, %select_n3A_95, %reduce_min3A_96 [0] : vector<2048x256xf32> to vector<256xf32>
    %broadcast_in_dim3A_98 = vector.shape_cast %reduce_min3A_97 : vector<256xf32> to vector<1x256xf32>
    %eq3A_99 = vector.broadcast %broadcast_in_dim3A_98 : vector<1x256xf32> to vector<2048x256xf32>
    %eq3A_100 = arith.cmpf oeq, %select_n3A_95, %eq3A_99 : vector<2048x256xf32>
    %jit3A_101 = arith.constant 2.048000e+03 : f32
    %broadcast_in_dim3A_102 = vector.broadcast %jit3A_101 : f32 to vector<2048x256xf32>
    %select_n3A_103 = arith.select %eq3A_100, %convert_element_type3A, %broadcast_in_dim3A_102 : vector<2048x256xi1>, vector<2048x256xf32>
    %reduce_min3A_104 = arith.constant dense<0x7F800000> : vector<256xf32>
    %reduce_min3A_105 = vector.multi_reduction <minimumf>, %select_n3A_103, %reduce_min3A_104 [0] : vector<2048x256xf32> to vector<256xf32>
    %broadcast_in_dim3A_106 = vector.shape_cast %reduce_min3A_105 : vector<256xf32> to vector<1x256xf32>
    %eq3A_107 = vector.broadcast %broadcast_in_dim3A_98 : vector<1x256xf32> to vector<2048x256xf32>
    %eq3A_108 = arith.cmpf oeq, %select_n3A_95, %eq3A_107 : vector<2048x256xf32>
    %jit3A_109 = arith.constant 0x7F800000 : f32
    %broadcast_in_dim3A_110 = vector.broadcast %jit3A_109 : f32 to vector<2048x256xf32>
    %select_n3A_111 = arith.select %eq3A_108, %broadcast_in_dim3A_110, %select_n3A_95 : vector<2048x256xi1>, vector<2048x256xf32>
    %reduce_min3A_112 = arith.constant dense<0x7F800000> : vector<256xf32>
    %reduce_min3A_113 = vector.multi_reduction <minimumf>, %select_n3A_111, %reduce_min3A_112 [0] : vector<2048x256xf32> to vector<256xf32>
    %broadcast_in_dim3A_114 = vector.shape_cast %reduce_min3A_113 : vector<256xf32> to vector<1x256xf32>
    %eq3A_115 = vector.broadcast %broadcast_in_dim3A_114 : vector<1x256xf32> to vector<2048x256xf32>
    %eq3A_116 = arith.cmpf oeq, %select_n3A_111, %eq3A_115 : vector<2048x256xf32>
    %jit3A_117 = arith.constant 2.048000e+03 : f32
    %broadcast_in_dim3A_118 = vector.broadcast %jit3A_117 : f32 to vector<2048x256xf32>
    %select_n3A_119 = arith.select %eq3A_116, %convert_element_type3A, %broadcast_in_dim3A_118 : vector<2048x256xi1>, vector<2048x256xf32>
    %reduce_min3A_120 = arith.constant dense<0x7F800000> : vector<256xf32>
    %reduce_min3A_121 = vector.multi_reduction <minimumf>, %select_n3A_119, %reduce_min3A_120 [0] : vector<2048x256xf32> to vector<256xf32>
    %broadcast_in_dim3A_122 = vector.shape_cast %reduce_min3A_121 : vector<256xf32> to vector<1x256xf32>
    %eq3A_123 = vector.broadcast %broadcast_in_dim3A_114 : vector<1x256xf32> to vector<2048x256xf32>
    %eq3A_124 = arith.cmpf oeq, %select_n3A_111, %eq3A_123 : vector<2048x256xf32>
    %jit3A_125 = arith.constant 0x7F800000 : f32
    %broadcast_in_dim3A_126 = vector.broadcast %jit3A_125 : f32 to vector<2048x256xf32>
    %select_n3A_127 = arith.select %eq3A_124, %broadcast_in_dim3A_126, %select_n3A_111 : vector<2048x256xi1>, vector<2048x256xf32>
    %reduce_min3A_128 = arith.constant dense<0x7F800000> : vector<256xf32>
    %reduce_min3A_129 = vector.multi_reduction <minimumf>, %select_n3A_127, %reduce_min3A_128 [0] : vector<2048x256xf32> to vector<256xf32>
    %broadcast_in_dim3A_130 = vector.shape_cast %reduce_min3A_129 : vector<256xf32> to vector<1x256xf32>
    %eq3A_131 = vector.broadcast %broadcast_in_dim3A_130 : vector<1x256xf32> to vector<2048x256xf32>
    %eq3A_132 = arith.cmpf oeq, %select_n3A_127, %eq3A_131 : vector<2048x256xf32>
    %jit3A_133 = arith.constant 2.048000e+03 : f32
    %broadcast_in_dim3A_134 = vector.broadcast %jit3A_133 : f32 to vector<2048x256xf32>
    %select_n3A_135 = arith.select %eq3A_132, %convert_element_type3A, %broadcast_in_dim3A_134 : vector<2048x256xi1>, vector<2048x256xf32>
    %reduce_min3A_136 = arith.constant dense<0x7F800000> : vector<256xf32>
    %reduce_min3A_137 = vector.multi_reduction <minimumf>, %select_n3A_135, %reduce_min3A_136 [0] : vector<2048x256xf32> to vector<256xf32>
    %broadcast_in_dim3A_138 = vector.shape_cast %reduce_min3A_137 : vector<256xf32> to vector<1x256xf32>
    %eq3A_139 = vector.broadcast %broadcast_in_dim3A_130 : vector<1x256xf32> to vector<2048x256xf32>
    %eq3A_140 = arith.cmpf oeq, %select_n3A_127, %eq3A_139 : vector<2048x256xf32>
    %jit3A_141 = arith.constant 0x7F800000 : f32
    %broadcast_in_dim3A_142 = vector.broadcast %jit3A_141 : f32 to vector<2048x256xf32>
    %select_n3A_143 = arith.select %eq3A_140, %broadcast_in_dim3A_142, %select_n3A_127 : vector<2048x256xi1>, vector<2048x256xf32>
    %reduce_min3A_144 = arith.constant dense<0x7F800000> : vector<256xf32>
    %reduce_min3A_145 = vector.multi_reduction <minimumf>, %select_n3A_143, %reduce_min3A_144 [0] : vector<2048x256xf32> to vector<256xf32>
    %broadcast_in_dim3A_146 = vector.shape_cast %reduce_min3A_145 : vector<256xf32> to vector<1x256xf32>
    %eq3A_147 = vector.broadcast %broadcast_in_dim3A_146 : vector<1x256xf32> to vector<2048x256xf32>
    %eq3A_148 = arith.cmpf oeq, %select_n3A_143, %eq3A_147 : vector<2048x256xf32>
    %jit3A_149 = arith.constant 2.048000e+03 : f32
    %broadcast_in_dim3A_150 = vector.broadcast %jit3A_149 : f32 to vector<2048x256xf32>
    %select_n3A_151 = arith.select %eq3A_148, %convert_element_type3A, %broadcast_in_dim3A_150 : vector<2048x256xi1>, vector<2048x256xf32>
    %reduce_min3A_152 = arith.constant dense<0x7F800000> : vector<256xf32>
    %reduce_min3A_153 = vector.multi_reduction <minimumf>, %select_n3A_151, %reduce_min3A_152 [0] : vector<2048x256xf32> to vector<256xf32>
    %broadcast_in_dim3A_154 = vector.shape_cast %reduce_min3A_153 : vector<256xf32> to vector<1x256xf32>
    %eq3A_155 = vector.broadcast %broadcast_in_dim3A_146 : vector<1x256xf32> to vector<2048x256xf32>
    %eq3A_156 = arith.cmpf oeq, %select_n3A_143, %eq3A_155 : vector<2048x256xf32>
    %jit3A_157 = arith.constant 0x7F800000 : f32
    %broadcast_in_dim3A_158 = vector.broadcast %jit3A_157 : f32 to vector<2048x256xf32>
    %select_n3A_159 = arith.select %eq3A_156, %broadcast_in_dim3A_158, %select_n3A_143 : vector<2048x256xi1>, vector<2048x256xf32>
    %reduce_min3A_160 = arith.constant dense<0x7F800000> : vector<256xf32>
    %reduce_min3A_161 = vector.multi_reduction <minimumf>, %select_n3A_159, %reduce_min3A_160 [0] : vector<2048x256xf32> to vector<256xf32>
    %broadcast_in_dim3A_162 = vector.shape_cast %reduce_min3A_161 : vector<256xf32> to vector<1x256xf32>
    %eq3A_163 = vector.broadcast %broadcast_in_dim3A_162 : vector<1x256xf32> to vector<2048x256xf32>
    %eq3A_164 = arith.cmpf oeq, %select_n3A_159, %eq3A_163 : vector<2048x256xf32>
    %jit3A_165 = arith.constant 2.048000e+03 : f32
    %broadcast_in_dim3A_166 = vector.broadcast %jit3A_165 : f32 to vector<2048x256xf32>
    %select_n3A_167 = arith.select %eq3A_164, %convert_element_type3A, %broadcast_in_dim3A_166 : vector<2048x256xi1>, vector<2048x256xf32>
    %reduce_min3A_168 = arith.constant dense<0x7F800000> : vector<256xf32>
    %reduce_min3A_169 = vector.multi_reduction <minimumf>, %select_n3A_167, %reduce_min3A_168 [0] : vector<2048x256xf32> to vector<256xf32>
    %broadcast_in_dim3A_170 = vector.shape_cast %reduce_min3A_169 : vector<256xf32> to vector<1x256xf32>
    %eq3A_171 = vector.broadcast %broadcast_in_dim3A_162 : vector<1x256xf32> to vector<2048x256xf32>
    %eq3A_172 = arith.cmpf oeq, %select_n3A_159, %eq3A_171 : vector<2048x256xf32>
    %jit3A_173 = arith.constant 0x7F800000 : f32
    %broadcast_in_dim3A_174 = vector.broadcast %jit3A_173 : f32 to vector<2048x256xf32>
    %select_n3A_175 = arith.select %eq3A_172, %broadcast_in_dim3A_174, %select_n3A_159 : vector<2048x256xi1>, vector<2048x256xf32>
    %reduce_min3A_176 = arith.constant dense<0x7F800000> : vector<256xf32>
    %reduce_min3A_177 = vector.multi_reduction <minimumf>, %select_n3A_175, %reduce_min3A_176 [0] : vector<2048x256xf32> to vector<256xf32>
    %broadcast_in_dim3A_178 = vector.shape_cast %reduce_min3A_177 : vector<256xf32> to vector<1x256xf32>
    %eq3A_179 = vector.broadcast %broadcast_in_dim3A_178 : vector<1x256xf32> to vector<2048x256xf32>
    %eq3A_180 = arith.cmpf oeq, %select_n3A_175, %eq3A_179 : vector<2048x256xf32>
    %jit3A_181 = arith.constant 2.048000e+03 : f32
    %broadcast_in_dim3A_182 = vector.broadcast %jit3A_181 : f32 to vector<2048x256xf32>
    %select_n3A_183 = arith.select %eq3A_180, %convert_element_type3A, %broadcast_in_dim3A_182 : vector<2048x256xi1>, vector<2048x256xf32>
    %reduce_min3A_184 = arith.constant dense<0x7F800000> : vector<256xf32>
    %reduce_min3A_185 = vector.multi_reduction <minimumf>, %select_n3A_183, %reduce_min3A_184 [0] : vector<2048x256xf32> to vector<256xf32>
    %broadcast_in_dim3A_186 = vector.shape_cast %reduce_min3A_185 : vector<256xf32> to vector<1x256xf32>
    %eq3A_187 = vector.broadcast %broadcast_in_dim3A_178 : vector<1x256xf32> to vector<2048x256xf32>
    %eq3A_188 = arith.cmpf oeq, %select_n3A_175, %eq3A_187 : vector<2048x256xf32>
    %jit3A_189 = arith.constant 0x7F800000 : f32
    %broadcast_in_dim3A_190 = vector.broadcast %jit3A_189 : f32 to vector<2048x256xf32>
    %select_n3A_191 = arith.select %eq3A_188, %broadcast_in_dim3A_190, %select_n3A_175 : vector<2048x256xi1>, vector<2048x256xf32>
    %reduce_min3A_192 = arith.constant dense<0x7F800000> : vector<256xf32>
    %reduce_min3A_193 = vector.multi_reduction <minimumf>, %select_n3A_191, %reduce_min3A_192 [0] : vector<2048x256xf32> to vector<256xf32>
    %broadcast_in_dim3A_194 = vector.shape_cast %reduce_min3A_193 : vector<256xf32> to vector<1x256xf32>
    %eq3A_195 = vector.broadcast %broadcast_in_dim3A_194 : vector<1x256xf32> to vector<2048x256xf32>
    %eq3A_196 = arith.cmpf oeq, %select_n3A_191, %eq3A_195 : vector<2048x256xf32>
    %jit3A_197 = arith.constant 2.048000e+03 : f32
    %broadcast_in_dim3A_198 = vector.broadcast %jit3A_197 : f32 to vector<2048x256xf32>
    %select_n3A_199 = arith.select %eq3A_196, %convert_element_type3A, %broadcast_in_dim3A_198 : vector<2048x256xi1>, vector<2048x256xf32>
    %reduce_min3A_200 = arith.constant dense<0x7F800000> : vector<256xf32>
    %reduce_min3A_201 = vector.multi_reduction <minimumf>, %select_n3A_199, %reduce_min3A_200 [0] : vector<2048x256xf32> to vector<256xf32>
    %broadcast_in_dim3A_202 = vector.shape_cast %reduce_min3A_201 : vector<256xf32> to vector<1x256xf32>
    %eq3A_203 = vector.broadcast %broadcast_in_dim3A_194 : vector<1x256xf32> to vector<2048x256xf32>
    %eq3A_204 = arith.cmpf oeq, %select_n3A_191, %eq3A_203 : vector<2048x256xf32>
    %jit3A_205 = arith.constant 0x7F800000 : f32
    %broadcast_in_dim3A_206 = vector.broadcast %jit3A_205 : f32 to vector<2048x256xf32>
    %select_n3A_207 = arith.select %eq3A_204, %broadcast_in_dim3A_206, %select_n3A_191 : vector<2048x256xi1>, vector<2048x256xf32>
    %reduce_min3A_208 = arith.constant dense<0x7F800000> : vector<256xf32>
    %reduce_min3A_209 = vector.multi_reduction <minimumf>, %select_n3A_207, %reduce_min3A_208 [0] : vector<2048x256xf32> to vector<256xf32>
    %broadcast_in_dim3A_210 = vector.shape_cast %reduce_min3A_209 : vector<256xf32> to vector<1x256xf32>
    %eq3A_211 = vector.broadcast %broadcast_in_dim3A_210 : vector<1x256xf32> to vector<2048x256xf32>
    %eq3A_212 = arith.cmpf oeq, %select_n3A_207, %eq3A_211 : vector<2048x256xf32>
    %jit3A_213 = arith.constant 2.048000e+03 : f32
    %broadcast_in_dim3A_214 = vector.broadcast %jit3A_213 : f32 to vector<2048x256xf32>
    %select_n3A_215 = arith.select %eq3A_212, %convert_element_type3A, %broadcast_in_dim3A_214 : vector<2048x256xi1>, vector<2048x256xf32>
    %reduce_min3A_216 = arith.constant dense<0x7F800000> : vector<256xf32>
    %reduce_min3A_217 = vector.multi_reduction <minimumf>, %select_n3A_215, %reduce_min3A_216 [0] : vector<2048x256xf32> to vector<256xf32>
    %broadcast_in_dim3A_218 = vector.shape_cast %reduce_min3A_217 : vector<256xf32> to vector<1x256xf32>
    %eq3A_219 = vector.broadcast %broadcast_in_dim3A_210 : vector<1x256xf32> to vector<2048x256xf32>
    %eq3A_220 = arith.cmpf oeq, %select_n3A_207, %eq3A_219 : vector<2048x256xf32>
    %jit3A_221 = arith.constant 0x7F800000 : f32
    %broadcast_in_dim3A_222 = vector.broadcast %jit3A_221 : f32 to vector<2048x256xf32>
    %select_n3A_223 = arith.select %eq3A_220, %broadcast_in_dim3A_222, %select_n3A_207 : vector<2048x256xi1>, vector<2048x256xf32>
    %reduce_min3A_224 = arith.constant dense<0x7F800000> : vector<256xf32>
    %reduce_min3A_225 = vector.multi_reduction <minimumf>, %select_n3A_223, %reduce_min3A_224 [0] : vector<2048x256xf32> to vector<256xf32>
    %broadcast_in_dim3A_226 = vector.shape_cast %reduce_min3A_225 : vector<256xf32> to vector<1x256xf32>
    %eq3A_227 = vector.broadcast %broadcast_in_dim3A_226 : vector<1x256xf32> to vector<2048x256xf32>
    %eq3A_228 = arith.cmpf oeq, %select_n3A_223, %eq3A_227 : vector<2048x256xf32>
    %jit3A_229 = arith.constant 2.048000e+03 : f32
    %broadcast_in_dim3A_230 = vector.broadcast %jit3A_229 : f32 to vector<2048x256xf32>
    %select_n3A_231 = arith.select %eq3A_228, %convert_element_type3A, %broadcast_in_dim3A_230 : vector<2048x256xi1>, vector<2048x256xf32>
    %reduce_min3A_232 = arith.constant dense<0x7F800000> : vector<256xf32>
    %reduce_min3A_233 = vector.multi_reduction <minimumf>, %select_n3A_231, %reduce_min3A_232 [0] : vector<2048x256xf32> to vector<256xf32>
    %broadcast_in_dim3A_234 = vector.shape_cast %reduce_min3A_233 : vector<256xf32> to vector<1x256xf32>
    %eq3A_235 = vector.broadcast %broadcast_in_dim3A_226 : vector<1x256xf32> to vector<2048x256xf32>
    %eq3A_236 = arith.cmpf oeq, %select_n3A_223, %eq3A_235 : vector<2048x256xf32>
    %jit3A_237 = arith.constant 0x7F800000 : f32
    %broadcast_in_dim3A_238 = vector.broadcast %jit3A_237 : f32 to vector<2048x256xf32>
    %select_n3A_239 = arith.select %eq3A_236, %broadcast_in_dim3A_238, %select_n3A_223 : vector<2048x256xi1>, vector<2048x256xf32>
    %reduce_min3A_240 = arith.constant dense<0x7F800000> : vector<256xf32>
    %reduce_min3A_241 = vector.multi_reduction <minimumf>, %select_n3A_239, %reduce_min3A_240 [0] : vector<2048x256xf32> to vector<256xf32>
    %broadcast_in_dim3A_242 = vector.shape_cast %reduce_min3A_241 : vector<256xf32> to vector<1x256xf32>
    %eq3A_243 = vector.broadcast %broadcast_in_dim3A_242 : vector<1x256xf32> to vector<2048x256xf32>
    %eq3A_244 = arith.cmpf oeq, %select_n3A_239, %eq3A_243 : vector<2048x256xf32>
    %jit3A_245 = arith.constant 2.048000e+03 : f32
    %broadcast_in_dim3A_246 = vector.broadcast %jit3A_245 : f32 to vector<2048x256xf32>
    %select_n3A_247 = arith.select %eq3A_244, %convert_element_type3A, %broadcast_in_dim3A_246 : vector<2048x256xi1>, vector<2048x256xf32>
    %reduce_min3A_248 = arith.constant dense<0x7F800000> : vector<256xf32>
    %reduce_min3A_249 = vector.multi_reduction <minimumf>, %select_n3A_247, %reduce_min3A_248 [0] : vector<2048x256xf32> to vector<256xf32>
    %broadcast_in_dim3A_250 = vector.shape_cast %reduce_min3A_249 : vector<256xf32> to vector<1x256xf32>
    %eq3A_251 = vector.broadcast %broadcast_in_dim3A_242 : vector<1x256xf32> to vector<2048x256xf32>
    %eq3A_252 = arith.cmpf oeq, %select_n3A_239, %eq3A_251 : vector<2048x256xf32>
    %jit3A_253 = arith.constant 0x7F800000 : f32
    %broadcast_in_dim3A_254 = vector.broadcast %jit3A_253 : f32 to vector<2048x256xf32>
    %select_n3A_255 = arith.select %eq3A_252, %broadcast_in_dim3A_254, %select_n3A_239 : vector<2048x256xi1>, vector<2048x256xf32>
    %reduce_min3A_256 = arith.constant dense<0x7F800000> : vector<256xf32>
    %reduce_min3A_257 = vector.multi_reduction <minimumf>, %select_n3A_255, %reduce_min3A_256 [0] : vector<2048x256xf32> to vector<256xf32>
    %broadcast_in_dim3A_258 = vector.shape_cast %reduce_min3A_257 : vector<256xf32> to vector<1x256xf32>
    %eq3A_259 = vector.broadcast %broadcast_in_dim3A_258 : vector<1x256xf32> to vector<2048x256xf32>
    %eq3A_260 = arith.cmpf oeq, %select_n3A_255, %eq3A_259 : vector<2048x256xf32>
    %jit3A_261 = arith.constant 2.048000e+03 : f32
    %broadcast_in_dim3A_262 = vector.broadcast %jit3A_261 : f32 to vector<2048x256xf32>
    %select_n3A_263 = arith.select %eq3A_260, %convert_element_type3A, %broadcast_in_dim3A_262 : vector<2048x256xi1>, vector<2048x256xf32>
    %reduce_min3A_264 = arith.constant dense<0x7F800000> : vector<256xf32>
    %reduce_min3A_265 = vector.multi_reduction <minimumf>, %select_n3A_263, %reduce_min3A_264 [0] : vector<2048x256xf32> to vector<256xf32>
    %broadcast_in_dim3A_266 = vector.shape_cast %reduce_min3A_265 : vector<256xf32> to vector<1x256xf32>
    %eq3A_267 = vector.broadcast %broadcast_in_dim3A_258 : vector<1x256xf32> to vector<2048x256xf32>
    %eq3A_268 = arith.cmpf oeq, %select_n3A_255, %eq3A_267 : vector<2048x256xf32>
    %jit3A_269 = arith.constant 0x7F800000 : f32
    %broadcast_in_dim3A_270 = vector.broadcast %jit3A_269 : f32 to vector<2048x256xf32>
    %select_n3A_271 = arith.select %eq3A_268, %broadcast_in_dim3A_270, %select_n3A_255 : vector<2048x256xi1>, vector<2048x256xf32>
    %reduce_min3A_272 = arith.constant dense<0x7F800000> : vector<256xf32>
    %reduce_min3A_273 = vector.multi_reduction <minimumf>, %select_n3A_271, %reduce_min3A_272 [0] : vector<2048x256xf32> to vector<256xf32>
    %broadcast_in_dim3A_274 = vector.shape_cast %reduce_min3A_273 : vector<256xf32> to vector<1x256xf32>
    %eq3A_275 = vector.broadcast %broadcast_in_dim3A_274 : vector<1x256xf32> to vector<2048x256xf32>
    %eq3A_276 = arith.cmpf oeq, %select_n3A_271, %eq3A_275 : vector<2048x256xf32>
    %jit3A_277 = arith.constant 2.048000e+03 : f32
    %broadcast_in_dim3A_278 = vector.broadcast %jit3A_277 : f32 to vector<2048x256xf32>
    %select_n3A_279 = arith.select %eq3A_276, %convert_element_type3A, %broadcast_in_dim3A_278 : vector<2048x256xi1>, vector<2048x256xf32>
    %reduce_min3A_280 = arith.constant dense<0x7F800000> : vector<256xf32>
    %reduce_min3A_281 = vector.multi_reduction <minimumf>, %select_n3A_279, %reduce_min3A_280 [0] : vector<2048x256xf32> to vector<256xf32>
    %broadcast_in_dim3A_282 = vector.shape_cast %reduce_min3A_281 : vector<256xf32> to vector<1x256xf32>
    %eq3A_283 = vector.broadcast %broadcast_in_dim3A_274 : vector<1x256xf32> to vector<2048x256xf32>
    %eq3A_284 = arith.cmpf oeq, %select_n3A_271, %eq3A_283 : vector<2048x256xf32>
    %jit3A_285 = arith.constant 0x7F800000 : f32
    %broadcast_in_dim3A_286 = vector.broadcast %jit3A_285 : f32 to vector<2048x256xf32>
    %select_n3A_287 = arith.select %eq3A_284, %broadcast_in_dim3A_286, %select_n3A_271 : vector<2048x256xi1>, vector<2048x256xf32>
    %reduce_min3A_288 = arith.constant dense<0x7F800000> : vector<256xf32>
    %reduce_min3A_289 = vector.multi_reduction <minimumf>, %select_n3A_287, %reduce_min3A_288 [0] : vector<2048x256xf32> to vector<256xf32>
    %broadcast_in_dim3A_290 = vector.shape_cast %reduce_min3A_289 : vector<256xf32> to vector<1x256xf32>
    %eq3A_291 = vector.broadcast %broadcast_in_dim3A_290 : vector<1x256xf32> to vector<2048x256xf32>
    %eq3A_292 = arith.cmpf oeq, %select_n3A_287, %eq3A_291 : vector<2048x256xf32>
    %jit3A_293 = arith.constant 2.048000e+03 : f32
    %broadcast_in_dim3A_294 = vector.broadcast %jit3A_293 : f32 to vector<2048x256xf32>
    %select_n3A_295 = arith.select %eq3A_292, %convert_element_type3A, %broadcast_in_dim3A_294 : vector<2048x256xi1>, vector<2048x256xf32>
    %reduce_min3A_296 = arith.constant dense<0x7F800000> : vector<256xf32>
    %reduce_min3A_297 = vector.multi_reduction <minimumf>, %select_n3A_295, %reduce_min3A_296 [0] : vector<2048x256xf32> to vector<256xf32>
    %broadcast_in_dim3A_298 = vector.shape_cast %reduce_min3A_297 : vector<256xf32> to vector<1x256xf32>
    %eq3A_299 = vector.broadcast %broadcast_in_dim3A_290 : vector<1x256xf32> to vector<2048x256xf32>
    %eq3A_300 = arith.cmpf oeq, %select_n3A_287, %eq3A_299 : vector<2048x256xf32>
    %jit3A_301 = arith.constant 0x7F800000 : f32
    %broadcast_in_dim3A_302 = vector.broadcast %jit3A_301 : f32 to vector<2048x256xf32>
    %select_n3A_303 = arith.select %eq3A_300, %broadcast_in_dim3A_302, %select_n3A_287 : vector<2048x256xi1>, vector<2048x256xf32>
    %reduce_min3A_304 = arith.constant dense<0x7F800000> : vector<256xf32>
    %reduce_min3A_305 = vector.multi_reduction <minimumf>, %select_n3A_303, %reduce_min3A_304 [0] : vector<2048x256xf32> to vector<256xf32>
    %broadcast_in_dim3A_306 = vector.shape_cast %reduce_min3A_305 : vector<256xf32> to vector<1x256xf32>
    %eq3A_307 = vector.broadcast %broadcast_in_dim3A_306 : vector<1x256xf32> to vector<2048x256xf32>
    %eq3A_308 = arith.cmpf oeq, %select_n3A_303, %eq3A_307 : vector<2048x256xf32>
    %jit3A_309 = arith.constant 2.048000e+03 : f32
    %broadcast_in_dim3A_310 = vector.broadcast %jit3A_309 : f32 to vector<2048x256xf32>
    %select_n3A_311 = arith.select %eq3A_308, %convert_element_type3A, %broadcast_in_dim3A_310 : vector<2048x256xi1>, vector<2048x256xf32>
    %reduce_min3A_312 = arith.constant dense<0x7F800000> : vector<256xf32>
    %reduce_min3A_313 = vector.multi_reduction <minimumf>, %select_n3A_311, %reduce_min3A_312 [0] : vector<2048x256xf32> to vector<256xf32>
    %broadcast_in_dim3A_314 = vector.shape_cast %reduce_min3A_313 : vector<256xf32> to vector<1x256xf32>
    %eq3A_315 = vector.broadcast %broadcast_in_dim3A_306 : vector<1x256xf32> to vector<2048x256xf32>
    %eq3A_316 = arith.cmpf oeq, %select_n3A_303, %eq3A_315 : vector<2048x256xf32>
    %jit3A_317 = arith.constant 0x7F800000 : f32
    %broadcast_in_dim3A_318 = vector.broadcast %jit3A_317 : f32 to vector<2048x256xf32>
    %select_n3A_319 = arith.select %eq3A_316, %broadcast_in_dim3A_318, %select_n3A_303 : vector<2048x256xi1>, vector<2048x256xf32>
    %reduce_min3A_320 = arith.constant dense<0x7F800000> : vector<256xf32>
    %reduce_min3A_321 = vector.multi_reduction <minimumf>, %select_n3A_319, %reduce_min3A_320 [0] : vector<2048x256xf32> to vector<256xf32>
    %broadcast_in_dim3A_322 = vector.shape_cast %reduce_min3A_321 : vector<256xf32> to vector<1x256xf32>
    %eq3A_323 = vector.broadcast %broadcast_in_dim3A_322 : vector<1x256xf32> to vector<2048x256xf32>
    %eq3A_324 = arith.cmpf oeq, %select_n3A_319, %eq3A_323 : vector<2048x256xf32>
    %jit3A_325 = arith.constant 2.048000e+03 : f32
    %broadcast_in_dim3A_326 = vector.broadcast %jit3A_325 : f32 to vector<2048x256xf32>
    %select_n3A_327 = arith.select %eq3A_324, %convert_element_type3A, %broadcast_in_dim3A_326 : vector<2048x256xi1>, vector<2048x256xf32>
    %reduce_min3A_328 = arith.constant dense<0x7F800000> : vector<256xf32>
    %reduce_min3A_329 = vector.multi_reduction <minimumf>, %select_n3A_327, %reduce_min3A_328 [0] : vector<2048x256xf32> to vector<256xf32>
    %broadcast_in_dim3A_330 = vector.shape_cast %reduce_min3A_329 : vector<256xf32> to vector<1x256xf32>
    %concatenate3A = tpu.concatenate %broadcast_in_dim3A_26, %broadcast_in_dim3A_42, %broadcast_in_dim3A_58, %broadcast_in_dim3A_74, %broadcast_in_dim3A_90, %broadcast_in_dim3A_106, %broadcast_in_dim3A_122, %broadcast_in_dim3A_138, %broadcast_in_dim3A_154, %broadcast_in_dim3A_170, %broadcast_in_dim3A_186, %broadcast_in_dim3A_202, %broadcast_in_dim3A_218, %broadcast_in_dim3A_234, %broadcast_in_dim3A_250, %broadcast_in_dim3A_266, %broadcast_in_dim3A_282, %broadcast_in_dim3A_298, %broadcast_in_dim3A_314, %broadcast_in_dim3A_330 in 0 : vector<1x256xf32>, vector<1x256xf32>, vector<1x256xf32>, vector<1x256xf32>, vector<1x256xf32>, vector<1x256xf32>, vector<1x256xf32>, vector<1x256xf32>, vector<1x256xf32>, vector<1x256xf32>, vector<1x256xf32>, vector<1x256xf32>, vector<1x256xf32>, vector<1x256xf32>, vector<1x256xf32>, vector<1x256xf32>, vector<1x256xf32>, vector<1x256xf32>, vector<1x256xf32>, vector<1x256xf32> -> vector<20x256xf32>
    %convert_element_type3A_331 = arith.fptosi %concatenate3A : vector<20x256xf32> to vector<20x256xi32>
    %mul3A_332 = arith.constant 2048 : i32
    %mul3A_333 = arith.muli %arg0, %mul3A_332 : i32
    %add3A_334 = vector.broadcast %mul3A_333 : i32 to vector<20x256xi32>
    %add3A_335 = arith.addi %convert_element_type3A_331, %add3A_334 : vector<20x256xi32>
    %swap3A = arith.constant 0 : index
    %swap3A_336 = arith.constant 0 : index
    %swap3A_337 = arith.constant 0 : index
    %swap3A_338 = arith.constant 0 : index
    %swap3A_339 = vector.load %arg4[%swap3A, %swap3A_336, %swap3A_337, %swap3A_338] : memref<1x1x20x256xi32, #tpu.memory_space<vmem>>, vector<1x1x20x256xi32>
    %swap3A_340 = vector.shape_cast %swap3A_339 : vector<1x1x20x256xi32> to vector<20x256xi32>
    %swap3A_341 = vector.shape_cast %add3A_335 : vector<20x256xi32> to vector<1x1x20x256xi32>
    tpu.vector_store %arg4[%swap3A, %swap3A_336, %swap3A_337, %swap3A_338], %swap3A_341 {strides = array<i32>} : memref<1x1x20x256xi32, #tpu.memory_space<vmem>>, vector<1x1x20x256xi32>,
    return
  }
  func.func @transform_0(%arg0: i32, %arg1: i32) -> (i32, i32, i32) {
    %c0_i32 = arith.constant 0 : i32
    %c0_i32_0 = arith.constant 0 : i32
    return %arg0, %c0_i32, %arg1 : i32, i32, i32
  }
  func.func @transform_1(%arg0: i32, %arg1: i32) -> (i32, i32, i32) {
    %c0_i32 = arith.constant 0 : i32
    %c0_i32_0 = arith.constant 0 : i32
    %c0_i32_1 = arith.constant 0 : i32
    return %arg0, %c0_i32, %c0_i32_0 : i32, i32, i32
  }
  func.func @transform_2(%arg0: i32, %arg1: i32) -> (i32, i32, i32, i32) {
    %c0_i32 = arith.constant 0 : i32
    %c0_i32_0 = arith.constant 0 : i32
    %c0_i32_1 = arith.constant 0 : i32
    return %arg0, %arg1, %c0_i32, %c0_i32_0 : i32, i32, i32, i32
  }
}

module attributes {stable_mosaic.version = 14 : i64} {
  func.func @_decode_kernel(%arg0: i32, %arg1: i32, %arg2: memref<20x256x128xf32, #tpu.memory_space<vmem>>, %arg3: memref<1x256x3xf32, #tpu.memory_space<vmem>>, %arg4: memref<3x128xf32, #tpu.memory_space<vmem>>, %arg5: memref<1x128xf32, #tpu.memory_space<vmem>>, %arg6: memref<128x128xf32, #tpu.memory_space<vmem>>, %arg7: memref<1x128xf32, #tpu.memory_space<vmem>>, %arg8: memref<128x24xf32, #tpu.memory_space<vmem>>, %arg9: memref<1x24xf32, #tpu.memory_space<vmem>>, %arg10: memref<3x128xf32, #tpu.memory_space<vmem>>, %arg11: memref<1x128xf32, #tpu.memory_space<vmem>>, %arg12: memref<5x24x128xf32, #tpu.memory_space<vmem>>, %arg13: memref<5x1x128xf32, #tpu.memory_space<vmem>>, %arg14: memref<5x128x128xf32, #tpu.memory_space<vmem>>, %arg15: memref<5x1x128xf32, #tpu.memory_space<vmem>>, %arg16: memref<5x128x128xf32, #tpu.memory_space<vmem>>, %arg17: memref<5x1x128xf32, #tpu.memory_space<vmem>>, %arg18: memref<1x128xf32, #tpu.memory_space<vmem>>, %arg19: memref<1x1xf32, #tpu.memory_space<vmem>>, %arg20: memref<1x1x256x1xf32, #tpu.memory_space<vmem>>) attributes {dimension_semantics = [#tpu.dimension_semantics<arbitrary>, #tpu.dimension_semantics<arbitrary>], iteration_bounds = array<i64: 2, 4>, scalar_prefetch = 0 : i64, scratch_operands = 0 : i64, tpu.core_type = #tpu.core_type<tc>, window_params = [{transform_indices = @transform_0, window_bounds = array<i64: 20, 256, 128>}, {transform_indices = @transform_1, window_bounds = array<i64: 1, 256, 3>}, {pipeline_mode = #tpu.pipeline_mode<synchronous>, transform_indices = @transform_2, window_bounds = array<i64: 3, 128>}, {pipeline_mode = #tpu.pipeline_mode<synchronous>, transform_indices = @transform_3, window_bounds = array<i64: 1, 128>}, {pipeline_mode = #tpu.pipeline_mode<synchronous>, transform_indices = @transform_4, window_bounds = array<i64: 128, 128>}, {pipeline_mode = #tpu.pipeline_mode<synchronous>, transform_indices = @transform_5, window_bounds = array<i64: 1, 128>}, {pipeline_mode = #tpu.pipeline_mode<synchronous>, transform_indices = @transform_6, window_bounds = array<i64: 128, 24>}, {pipeline_mode = #tpu.pipeline_mode<synchronous>, transform_indices = @transform_7, window_bounds = array<i64: 1, 24>}, {pipeline_mode = #tpu.pipeline_mode<synchronous>, transform_indices = @transform_8, window_bounds = array<i64: 3, 128>}, {pipeline_mode = #tpu.pipeline_mode<synchronous>, transform_indices = @transform_9, window_bounds = array<i64: 1, 128>}, {pipeline_mode = #tpu.pipeline_mode<synchronous>, transform_indices = @transform_10, window_bounds = array<i64: 5, 24, 128>}, {pipeline_mode = #tpu.pipeline_mode<synchronous>, transform_indices = @transform_11, window_bounds = array<i64: 5, 1, 128>}, {pipeline_mode = #tpu.pipeline_mode<synchronous>, transform_indices = @transform_12, window_bounds = array<i64: 5, 128, 128>}, {pipeline_mode = #tpu.pipeline_mode<synchronous>, transform_indices = @transform_13, window_bounds = array<i64: 5, 1, 128>}, {pipeline_mode = #tpu.pipeline_mode<synchronous>, transform_indices = @transform_14, window_bounds = array<i64: 5, 128, 128>}, {pipeline_mode = #tpu.pipeline_mode<synchronous>, transform_indices = @transform_15, window_bounds = array<i64: 5, 1, 128>}, {pipeline_mode = #tpu.pipeline_mode<synchronous>, transform_indices = @transform_16, window_bounds = array<i64: 1, 128>}, {pipeline_mode = #tpu.pipeline_mode<synchronous>, transform_indices = @transform_17, window_bounds = array<i64: 1, 1>}, {transform_indices = @transform_18, window_bounds = array<i64: 1, 1, 256, 1>}]} {
    %get3A = arith.constant 0 : index
    %get3A_0 = arith.constant 0 : index
    %get3A_1 = arith.constant 0 : index
    %get3A_2 = vector.load %arg3[%get3A, %get3A_0, %get3A_1] : memref<1x256x3xf32, #tpu.memory_space<vmem>>, vector<1x256x3xf32>
    %get3A_3 = vector.shape_cast %get3A_2 : vector<1x256x3xf32> to vector<256x3xf32>
    %get3A_4 = arith.constant 0 : index
    %get3A_5 = arith.constant 0 : index
    %get3A_6 = vector.load %arg6[%get3A_4, %get3A_5] : memref<128x128xf32, #tpu.memory_space<vmem>>, vector<128x128xf32>
    %get3A_7 = arith.constant 0 : index
    %get3A_8 = arith.constant 0 : index
    %get3A_9 = vector.load %arg7[%get3A_7, %get3A_8] : memref<1x128xf32, #tpu.memory_space<vmem>>, vector<1x128xf32>
    %get3A_10 = arith.constant 0 : index
    %get3A_11 = arith.constant 0 : index
    %get3A_12 = vector.load %arg8[%get3A_10, %get3A_11] : memref<128x24xf32, #tpu.memory_space<vmem>>, vector<128x24xf32>
    %get3A_13 = arith.constant 0 : index
    %get3A_14 = arith.constant 0 : index
    %get3A_15 = vector.load %arg9[%get3A_13, %get3A_14] : memref<1x24xf32, #tpu.memory_space<vmem>>, vector<1x24xf32>
    %get3A_16 = arith.constant 0 : index
    %get3A_17 = arith.constant 0 : index
    %get3A_18 = vector.load %arg4[%get3A_16, %get3A_17] : memref<3x128xf32, #tpu.memory_space<vmem>>, vector<3x128xf32>
    %dot_general3A = arith.constant dense<0.000000e+00> : vector<256x128xf32>
    %dot_general3A_19 = tpu.matmul %get3A_3, %get3A_18, %dot_general3A {dimension_numbers = #tpu.dot_dimension_numbers<[1], [0], [0], [1], [0, 0, 1, 1], [], []>, transpose_lhs_hint = false} : vector<256x3xf32>, vector<3x128xf32>, vector<256x128xf32> -> vector<256x128xf32>
    %get3A_20 = arith.constant 0 : index
    %get3A_21 = arith.constant 0 : index
    %get3A_22 = vector.load %arg5[%get3A_20, %get3A_21] : memref<1x128xf32, #tpu.memory_space<vmem>>, vector<1x128xf32>
    %add3A = vector.broadcast %get3A_22 : vector<1x128xf32> to vector<256x128xf32>
    %add3A_23 = arith.addf %dot_general3A_19, %add3A : vector<256x128xf32>
    %broadcast_in_dim3A = arith.constant 0xFF800000 : f32
    %broadcast_in_dim3A_24 = vector.broadcast %broadcast_in_dim3A : f32 to vector<256x24xf32>
    %get3A_25 = arith.constant 0 : index
    %get3A_26 = arith.constant 0 : index
    %get3A_27 = arith.constant 0 : index
    %get3A_28 = vector.load %arg2[%get3A_25, %get3A_26, %get3A_27] : memref<20x256x128xf32, #tpu.memory_space<vmem>>, vector<1x256x128xf32>
    %get3A_29 = vector.shape_cast %get3A_28 : vector<1x256x128xf32> to vector<256x128xf32>
    %add3A_30 = arith.addf %get3A_29, %add3A_23 : vector<256x128xf32>
    %ge3A = arith.constant 0.000000e+00 : f32
    %ge3A_31 = vector.broadcast %ge3A : f32 to vector<256x128xf32>
    %ge3A_32 = arith.cmpf oge, %add3A_30, %ge3A_31 : vector<256x128xf32>
    %mul3A = arith.constant 2.000000e-01 : f32
    %mul3A_33 = vector.broadcast %mul3A : f32 to vector<256x128xf32>
    %mul3A_34 = arith.mulf %mul3A_33, %add3A_30 : vector<256x128xf32>
    %select_n3A = arith.select %ge3A_32, %add3A_30, %mul3A_34 : vector<256x128xi1>, vector<256x128xf32>
    %dot_general3A_35 = arith.constant dense<0.000000e+00> : vector<256x128xf32>
    %dot_general3A_36 = tpu.matmul %select_n3A, %get3A_6, %dot_general3A_35 {dimension_numbers = #tpu.dot_dimension_numbers<[1], [0], [0], [1], [0, 0, 1, 1], [], []>, transpose_lhs_hint = false} : vector<256x128xf32>, vector<128x128xf32>, vector<256x128xf32> -> vector<256x128xf32>
    %add3A_37 = vector.broadcast %get3A_9 : vector<1x128xf32> to vector<256x128xf32>
    %add3A_38 = arith.addf %dot_general3A_36, %add3A_37 : vector<256x128xf32>
    %ge3A_39 = arith.constant 0.000000e+00 : f32
    %ge3A_40 = vector.broadcast %ge3A_39 : f32 to vector<256x128xf32>
    %ge3A_41 = arith.cmpf oge, %add3A_38, %ge3A_40 : vector<256x128xf32>
    %mul3A_42 = arith.constant 2.000000e-01 : f32
    %mul3A_43 = vector.broadcast %mul3A_42 : f32 to vector<256x128xf32>
    %mul3A_44 = arith.mulf %mul3A_43, %add3A_38 : vector<256x128xf32>
    %select_n3A_45 = arith.select %ge3A_41, %add3A_38, %mul3A_44 : vector<256x128xi1>, vector<256x128xf32>
    %dot_general3A_46 = arith.constant dense<0.000000e+00> : vector<256x24xf32>
    %dot_general3A_47 = tpu.matmul %select_n3A_45, %get3A_12, %dot_general3A_46 {dimension_numbers = #tpu.dot_dimension_numbers<[1], [0], [0], [1], [0, 0, 1, 1], [], []>, transpose_lhs_hint = false} : vector<256x128xf32>, vector<128x24xf32>, vector<256x24xf32> -> vector<256x24xf32>
    %add3A_48 = vector.broadcast %get3A_15 : vector<1x24xf32> to vector<256x24xf32>
    %add3A_49 = arith.addf %dot_general3A_47, %add3A_48 : vector<256x24xf32>
    %ge3A_50 = arith.constant 0.000000e+00 : f32
    %ge3A_51 = vector.broadcast %ge3A_50 : f32 to vector<256x24xf32>
    %ge3A_52 = arith.cmpf oge, %add3A_49, %ge3A_51 : vector<256x24xf32>
    %mul3A_53 = arith.constant 2.000000e-01 : f32
    %mul3A_54 = vector.broadcast %mul3A_53 : f32 to vector<256x24xf32>
    %mul3A_55 = arith.mulf %mul3A_54, %add3A_49 : vector<256x24xf32>
    %select_n3A_56 = arith.select %ge3A_52, %add3A_49, %mul3A_55 : vector<256x24xi1>, vector<256x24xf32>
    %max3A = arith.maximumf %broadcast_in_dim3A_24, %select_n3A_56 : vector<256x24xf32>
    %get3A_57 = arith.constant 1 : index
    %get3A_58 = arith.constant 0 : index
    %get3A_59 = arith.constant 0 : index
    %get3A_60 = vector.load %arg2[%get3A_57, %get3A_58, %get3A_59] : memref<20x256x128xf32, #tpu.memory_space<vmem>>, vector<1x256x128xf32>
    %get3A_61 = vector.shape_cast %get3A_60 : vector<1x256x128xf32> to vector<256x128xf32>
    %add3A_62 = arith.addf %get3A_61, %add3A_23 : vector<256x128xf32>
    %ge3A_63 = arith.constant 0.000000e+00 : f32
    %ge3A_64 = vector.broadcast %ge3A_63 : f32 to vector<256x128xf32>
    %ge3A_65 = arith.cmpf oge, %add3A_62, %ge3A_64 : vector<256x128xf32>
    %mul3A_66 = arith.constant 2.000000e-01 : f32
    %mul3A_67 = vector.broadcast %mul3A_66 : f32 to vector<256x128xf32>
    %mul3A_68 = arith.mulf %mul3A_67, %add3A_62 : vector<256x128xf32>
    %select_n3A_69 = arith.select %ge3A_65, %add3A_62, %mul3A_68 : vector<256x128xi1>, vector<256x128xf32>
    %dot_general3A_70 = arith.constant dense<0.000000e+00> : vector<256x128xf32>
    %dot_general3A_71 = tpu.matmul %select_n3A_69, %get3A_6, %dot_general3A_70 {dimension_numbers = #tpu.dot_dimension_numbers<[1], [0], [0], [1], [0, 0, 1, 1], [], []>, transpose_lhs_hint = false} : vector<256x128xf32>, vector<128x128xf32>, vector<256x128xf32> -> vector<256x128xf32>
    %add3A_72 = vector.broadcast %get3A_9 : vector<1x128xf32> to vector<256x128xf32>
    %add3A_73 = arith.addf %dot_general3A_71, %add3A_72 : vector<256x128xf32>
    %ge3A_74 = arith.constant 0.000000e+00 : f32
    %ge3A_75 = vector.broadcast %ge3A_74 : f32 to vector<256x128xf32>
    %ge3A_76 = arith.cmpf oge, %add3A_73, %ge3A_75 : vector<256x128xf32>
    %mul3A_77 = arith.constant 2.000000e-01 : f32
    %mul3A_78 = vector.broadcast %mul3A_77 : f32 to vector<256x128xf32>
    %mul3A_79 = arith.mulf %mul3A_78, %add3A_73 : vector<256x128xf32>
    %select_n3A_80 = arith.select %ge3A_76, %add3A_73, %mul3A_79 : vector<256x128xi1>, vector<256x128xf32>
    %dot_general3A_81 = arith.constant dense<0.000000e+00> : vector<256x24xf32>
    %dot_general3A_82 = tpu.matmul %select_n3A_80, %get3A_12, %dot_general3A_81 {dimension_numbers = #tpu.dot_dimension_numbers<[1], [0], [0], [1], [0, 0, 1, 1], [], []>, transpose_lhs_hint = false} : vector<256x128xf32>, vector<128x24xf32>, vector<256x24xf32> -> vector<256x24xf32>
    %add3A_83 = vector.broadcast %get3A_15 : vector<1x24xf32> to vector<256x24xf32>
    %add3A_84 = arith.addf %dot_general3A_82, %add3A_83 : vector<256x24xf32>
    %ge3A_85 = arith.constant 0.000000e+00 : f32
    %ge3A_86 = vector.broadcast %ge3A_85 : f32 to vector<256x24xf32>
    %ge3A_87 = arith.cmpf oge, %add3A_84, %ge3A_86 : vector<256x24xf32>
    %mul3A_88 = arith.constant 2.000000e-01 : f32
    %mul3A_89 = vector.broadcast %mul3A_88 : f32 to vector<256x24xf32>
    %mul3A_90 = arith.mulf %mul3A_89, %add3A_84 : vector<256x24xf32>
    %select_n3A_91 = arith.select %ge3A_87, %add3A_84, %mul3A_90 : vector<256x24xi1>, vector<256x24xf32>
    %max3A_92 = arith.maximumf %max3A, %select_n3A_91 : vector<256x24xf32>
    %get3A_93 = arith.constant 2 : index
    %get3A_94 = arith.constant 0 : index
    %get3A_95 = arith.constant 0 : index
    %get3A_96 = vector.load %arg2[%get3A_93, %get3A_94, %get3A_95] : memref<20x256x128xf32, #tpu.memory_space<vmem>>, vector<1x256x128xf32>
    %get3A_97 = vector.shape_cast %get3A_96 : vector<1x256x128xf32> to vector<256x128xf32>
    %add3A_98 = arith.addf %get3A_97, %add3A_23 : vector<256x128xf32>
    %ge3A_99 = arith.constant 0.000000e+00 : f32
    %ge3A_100 = vector.broadcast %ge3A_99 : f32 to vector<256x128xf32>
    %ge3A_101 = arith.cmpf oge, %add3A_98, %ge3A_100 : vector<256x128xf32>
    %mul3A_102 = arith.constant 2.000000e-01 : f32
    %mul3A_103 = vector.broadcast %mul3A_102 : f32 to vector<256x128xf32>
    %mul3A_104 = arith.mulf %mul3A_103, %add3A_98 : vector<256x128xf32>
    %select_n3A_105 = arith.select %ge3A_101, %add3A_98, %mul3A_104 : vector<256x128xi1>, vector<256x128xf32>
    %dot_general3A_106 = arith.constant dense<0.000000e+00> : vector<256x128xf32>
    %dot_general3A_107 = tpu.matmul %select_n3A_105, %get3A_6, %dot_general3A_106 {dimension_numbers = #tpu.dot_dimension_numbers<[1], [0], [0], [1], [0, 0, 1, 1], [], []>, transpose_lhs_hint = false} : vector<256x128xf32>, vector<128x128xf32>, vector<256x128xf32> -> vector<256x128xf32>
    %add3A_108 = vector.broadcast %get3A_9 : vector<1x128xf32> to vector<256x128xf32>
    %add3A_109 = arith.addf %dot_general3A_107, %add3A_108 : vector<256x128xf32>
    %ge3A_110 = arith.constant 0.000000e+00 : f32
    %ge3A_111 = vector.broadcast %ge3A_110 : f32 to vector<256x128xf32>
    %ge3A_112 = arith.cmpf oge, %add3A_109, %ge3A_111 : vector<256x128xf32>
    %mul3A_113 = arith.constant 2.000000e-01 : f32
    %mul3A_114 = vector.broadcast %mul3A_113 : f32 to vector<256x128xf32>
    %mul3A_115 = arith.mulf %mul3A_114, %add3A_109 : vector<256x128xf32>
    %select_n3A_116 = arith.select %ge3A_112, %add3A_109, %mul3A_115 : vector<256x128xi1>, vector<256x128xf32>
    %dot_general3A_117 = arith.constant dense<0.000000e+00> : vector<256x24xf32>
    %dot_general3A_118 = tpu.matmul %select_n3A_116, %get3A_12, %dot_general3A_117 {dimension_numbers = #tpu.dot_dimension_numbers<[1], [0], [0], [1], [0, 0, 1, 1], [], []>, transpose_lhs_hint = false} : vector<256x128xf32>, vector<128x24xf32>, vector<256x24xf32> -> vector<256x24xf32>
    %add3A_119 = vector.broadcast %get3A_15 : vector<1x24xf32> to vector<256x24xf32>
    %add3A_120 = arith.addf %dot_general3A_118, %add3A_119 : vector<256x24xf32>
    %ge3A_121 = arith.constant 0.000000e+00 : f32
    %ge3A_122 = vector.broadcast %ge3A_121 : f32 to vector<256x24xf32>
    %ge3A_123 = arith.cmpf oge, %add3A_120, %ge3A_122 : vector<256x24xf32>
    %mul3A_124 = arith.constant 2.000000e-01 : f32
    %mul3A_125 = vector.broadcast %mul3A_124 : f32 to vector<256x24xf32>
    %mul3A_126 = arith.mulf %mul3A_125, %add3A_120 : vector<256x24xf32>
    %select_n3A_127 = arith.select %ge3A_123, %add3A_120, %mul3A_126 : vector<256x24xi1>, vector<256x24xf32>
    %max3A_128 = arith.maximumf %max3A_92, %select_n3A_127 : vector<256x24xf32>
    %get3A_129 = arith.constant 3 : index
    %get3A_130 = arith.constant 0 : index
    %get3A_131 = arith.constant 0 : index
    %get3A_132 = vector.load %arg2[%get3A_129, %get3A_130, %get3A_131] : memref<20x256x128xf32, #tpu.memory_space<vmem>>, vector<1x256x128xf32>
    %get3A_133 = vector.shape_cast %get3A_132 : vector<1x256x128xf32> to vector<256x128xf32>
    %add3A_134 = arith.addf %get3A_133, %add3A_23 : vector<256x128xf32>
    %ge3A_135 = arith.constant 0.000000e+00 : f32
    %ge3A_136 = vector.broadcast %ge3A_135 : f32 to vector<256x128xf32>
    %ge3A_137 = arith.cmpf oge, %add3A_134, %ge3A_136 : vector<256x128xf32>
    %mul3A_138 = arith.constant 2.000000e-01 : f32
    %mul3A_139 = vector.broadcast %mul3A_138 : f32 to vector<256x128xf32>
    %mul3A_140 = arith.mulf %mul3A_139, %add3A_134 : vector<256x128xf32>
    %select_n3A_141 = arith.select %ge3A_137, %add3A_134, %mul3A_140 : vector<256x128xi1>, vector<256x128xf32>
    %dot_general3A_142 = arith.constant dense<0.000000e+00> : vector<256x128xf32>
    %dot_general3A_143 = tpu.matmul %select_n3A_141, %get3A_6, %dot_general3A_142 {dimension_numbers = #tpu.dot_dimension_numbers<[1], [0], [0], [1], [0, 0, 1, 1], [], []>, transpose_lhs_hint = false} : vector<256x128xf32>, vector<128x128xf32>, vector<256x128xf32> -> vector<256x128xf32>
    %add3A_144 = vector.broadcast %get3A_9 : vector<1x128xf32> to vector<256x128xf32>
    %add3A_145 = arith.addf %dot_general3A_143, %add3A_144 : vector<256x128xf32>
    %ge3A_146 = arith.constant 0.000000e+00 : f32
    %ge3A_147 = vector.broadcast %ge3A_146 : f32 to vector<256x128xf32>
    %ge3A_148 = arith.cmpf oge, %add3A_145, %ge3A_147 : vector<256x128xf32>
    %mul3A_149 = arith.constant 2.000000e-01 : f32
    %mul3A_150 = vector.broadcast %mul3A_149 : f32 to vector<256x128xf32>
    %mul3A_151 = arith.mulf %mul3A_150, %add3A_145 : vector<256x128xf32>
    %select_n3A_152 = arith.select %ge3A_148, %add3A_145, %mul3A_151 : vector<256x128xi1>, vector<256x128xf32>
    %dot_general3A_153 = arith.constant dense<0.000000e+00> : vector<256x24xf32>
    %dot_general3A_154 = tpu.matmul %select_n3A_152, %get3A_12, %dot_general3A_153 {dimension_numbers = #tpu.dot_dimension_numbers<[1], [0], [0], [1], [0, 0, 1, 1], [], []>, transpose_lhs_hint = false} : vector<256x128xf32>, vector<128x24xf32>, vector<256x24xf32> -> vector<256x24xf32>
    %add3A_155 = vector.broadcast %get3A_15 : vector<1x24xf32> to vector<256x24xf32>
    %add3A_156 = arith.addf %dot_general3A_154, %add3A_155 : vector<256x24xf32>
    %ge3A_157 = arith.constant 0.000000e+00 : f32
    %ge3A_158 = vector.broadcast %ge3A_157 : f32 to vector<256x24xf32>
    %ge3A_159 = arith.cmpf oge, %add3A_156, %ge3A_158 : vector<256x24xf32>
    %mul3A_160 = arith.constant 2.000000e-01 : f32
    %mul3A_161 = vector.broadcast %mul3A_160 : f32 to vector<256x24xf32>
    %mul3A_162 = arith.mulf %mul3A_161, %add3A_156 : vector<256x24xf32>
    %select_n3A_163 = arith.select %ge3A_159, %add3A_156, %mul3A_162 : vector<256x24xi1>, vector<256x24xf32>
    %max3A_164 = arith.maximumf %max3A_128, %select_n3A_163 : vector<256x24xf32>
    %get3A_165 = arith.constant 4 : index
    %get3A_166 = arith.constant 0 : index
    %get3A_167 = arith.constant 0 : index
    %get3A_168 = vector.load %arg2[%get3A_165, %get3A_166, %get3A_167] : memref<20x256x128xf32, #tpu.memory_space<vmem>>, vector<1x256x128xf32>
    %get3A_169 = vector.shape_cast %get3A_168 : vector<1x256x128xf32> to vector<256x128xf32>
    %add3A_170 = arith.addf %get3A_169, %add3A_23 : vector<256x128xf32>
    %ge3A_171 = arith.constant 0.000000e+00 : f32
    %ge3A_172 = vector.broadcast %ge3A_171 : f32 to vector<256x128xf32>
    %ge3A_173 = arith.cmpf oge, %add3A_170, %ge3A_172 : vector<256x128xf32>
    %mul3A_174 = arith.constant 2.000000e-01 : f32
    %mul3A_175 = vector.broadcast %mul3A_174 : f32 to vector<256x128xf32>
    %mul3A_176 = arith.mulf %mul3A_175, %add3A_170 : vector<256x128xf32>
    %select_n3A_177 = arith.select %ge3A_173, %add3A_170, %mul3A_176 : vector<256x128xi1>, vector<256x128xf32>
    %dot_general3A_178 = arith.constant dense<0.000000e+00> : vector<256x128xf32>
    %dot_general3A_179 = tpu.matmul %select_n3A_177, %get3A_6, %dot_general3A_178 {dimension_numbers = #tpu.dot_dimension_numbers<[1], [0], [0], [1], [0, 0, 1, 1], [], []>, transpose_lhs_hint = false} : vector<256x128xf32>, vector<128x128xf32>, vector<256x128xf32> -> vector<256x128xf32>
    %add3A_180 = vector.broadcast %get3A_9 : vector<1x128xf32> to vector<256x128xf32>
    %add3A_181 = arith.addf %dot_general3A_179, %add3A_180 : vector<256x128xf32>
    %ge3A_182 = arith.constant 0.000000e+00 : f32
    %ge3A_183 = vector.broadcast %ge3A_182 : f32 to vector<256x128xf32>
    %ge3A_184 = arith.cmpf oge, %add3A_181, %ge3A_183 : vector<256x128xf32>
    %mul3A_185 = arith.constant 2.000000e-01 : f32
    %mul3A_186 = vector.broadcast %mul3A_185 : f32 to vector<256x128xf32>
    %mul3A_187 = arith.mulf %mul3A_186, %add3A_181 : vector<256x128xf32>
    %select_n3A_188 = arith.select %ge3A_184, %add3A_181, %mul3A_187 : vector<256x128xi1>, vector<256x128xf32>
    %dot_general3A_189 = arith.constant dense<0.000000e+00> : vector<256x24xf32>
    %dot_general3A_190 = tpu.matmul %select_n3A_188, %get3A_12, %dot_general3A_189 {dimension_numbers = #tpu.dot_dimension_numbers<[1], [0], [0], [1], [0, 0, 1, 1], [], []>, transpose_lhs_hint = false} : vector<256x128xf32>, vector<128x24xf32>, vector<256x24xf32> -> vector<256x24xf32>
    %add3A_191 = vector.broadcast %get3A_15 : vector<1x24xf32> to vector<256x24xf32>
    %add3A_192 = arith.addf %dot_general3A_190, %add3A_191 : vector<256x24xf32>
    %ge3A_193 = arith.constant 0.000000e+00 : f32
    %ge3A_194 = vector.broadcast %ge3A_193 : f32 to vector<256x24xf32>
    %ge3A_195 = arith.cmpf oge, %add3A_192, %ge3A_194 : vector<256x24xf32>
    %mul3A_196 = arith.constant 2.000000e-01 : f32
    %mul3A_197 = vector.broadcast %mul3A_196 : f32 to vector<256x24xf32>
    %mul3A_198 = arith.mulf %mul3A_197, %add3A_192 : vector<256x24xf32>
    %select_n3A_199 = arith.select %ge3A_195, %add3A_192, %mul3A_198 : vector<256x24xi1>, vector<256x24xf32>
    %max3A_200 = arith.maximumf %max3A_164, %select_n3A_199 : vector<256x24xf32>
    %get3A_201 = arith.constant 5 : index
    %get3A_202 = arith.constant 0 : index
    %get3A_203 = arith.constant 0 : index
    %get3A_204 = vector.load %arg2[%get3A_201, %get3A_202, %get3A_203] : memref<20x256x128xf32, #tpu.memory_space<vmem>>, vector<1x256x128xf32>
    %get3A_205 = vector.shape_cast %get3A_204 : vector<1x256x128xf32> to vector<256x128xf32>
    %add3A_206 = arith.addf %get3A_205, %add3A_23 : vector<256x128xf32>
    %ge3A_207 = arith.constant 0.000000e+00 : f32
    %ge3A_208 = vector.broadcast %ge3A_207 : f32 to vector<256x128xf32>
    %ge3A_209 = arith.cmpf oge, %add3A_206, %ge3A_208 : vector<256x128xf32>
    %mul3A_210 = arith.constant 2.000000e-01 : f32
    %mul3A_211 = vector.broadcast %mul3A_210 : f32 to vector<256x128xf32>
    %mul3A_212 = arith.mulf %mul3A_211, %add3A_206 : vector<256x128xf32>
    %select_n3A_213 = arith.select %ge3A_209, %add3A_206, %mul3A_212 : vector<256x128xi1>, vector<256x128xf32>
    %dot_general3A_214 = arith.constant dense<0.000000e+00> : vector<256x128xf32>
    %dot_general3A_215 = tpu.matmul %select_n3A_213, %get3A_6, %dot_general3A_214 {dimension_numbers = #tpu.dot_dimension_numbers<[1], [0], [0], [1], [0, 0, 1, 1], [], []>, transpose_lhs_hint = false} : vector<256x128xf32>, vector<128x128xf32>, vector<256x128xf32> -> vector<256x128xf32>
    %add3A_216 = vector.broadcast %get3A_9 : vector<1x128xf32> to vector<256x128xf32>
    %add3A_217 = arith.addf %dot_general3A_215, %add3A_216 : vector<256x128xf32>
    %ge3A_218 = arith.constant 0.000000e+00 : f32
    %ge3A_219 = vector.broadcast %ge3A_218 : f32 to vector<256x128xf32>
    %ge3A_220 = arith.cmpf oge, %add3A_217, %ge3A_219 : vector<256x128xf32>
    %mul3A_221 = arith.constant 2.000000e-01 : f32
    %mul3A_222 = vector.broadcast %mul3A_221 : f32 to vector<256x128xf32>
    %mul3A_223 = arith.mulf %mul3A_222, %add3A_217 : vector<256x128xf32>
    %select_n3A_224 = arith.select %ge3A_220, %add3A_217, %mul3A_223 : vector<256x128xi1>, vector<256x128xf32>
    %dot_general3A_225 = arith.constant dense<0.000000e+00> : vector<256x24xf32>
    %dot_general3A_226 = tpu.matmul %select_n3A_224, %get3A_12, %dot_general3A_225 {dimension_numbers = #tpu.dot_dimension_numbers<[1], [0], [0], [1], [0, 0, 1, 1], [], []>, transpose_lhs_hint = false} : vector<256x128xf32>, vector<128x24xf32>, vector<256x24xf32> -> vector<256x24xf32>
    %add3A_227 = vector.broadcast %get3A_15 : vector<1x24xf32> to vector<256x24xf32>
    %add3A_228 = arith.addf %dot_general3A_226, %add3A_227 : vector<256x24xf32>
    %ge3A_229 = arith.constant 0.000000e+00 : f32
    %ge3A_230 = vector.broadcast %ge3A_229 : f32 to vector<256x24xf32>
    %ge3A_231 = arith.cmpf oge, %add3A_228, %ge3A_230 : vector<256x24xf32>
    %mul3A_232 = arith.constant 2.000000e-01 : f32
    %mul3A_233 = vector.broadcast %mul3A_232 : f32 to vector<256x24xf32>
    %mul3A_234 = arith.mulf %mul3A_233, %add3A_228 : vector<256x24xf32>
    %select_n3A_235 = arith.select %ge3A_231, %add3A_228, %mul3A_234 : vector<256x24xi1>, vector<256x24xf32>
    %max3A_236 = arith.maximumf %max3A_200, %select_n3A_235 : vector<256x24xf32>
    %get3A_237 = arith.constant 6 : index
    %get3A_238 = arith.constant 0 : index
    %get3A_239 = arith.constant 0 : index
    %get3A_240 = vector.load %arg2[%get3A_237, %get3A_238, %get3A_239] : memref<20x256x128xf32, #tpu.memory_space<vmem>>, vector<1x256x128xf32>
    %get3A_241 = vector.shape_cast %get3A_240 : vector<1x256x128xf32> to vector<256x128xf32>
    %add3A_242 = arith.addf %get3A_241, %add3A_23 : vector<256x128xf32>
    %ge3A_243 = arith.constant 0.000000e+00 : f32
    %ge3A_244 = vector.broadcast %ge3A_243 : f32 to vector<256x128xf32>
    %ge3A_245 = arith.cmpf oge, %add3A_242, %ge3A_244 : vector<256x128xf32>
    %mul3A_246 = arith.constant 2.000000e-01 : f32
    %mul3A_247 = vector.broadcast %mul3A_246 : f32 to vector<256x128xf32>
    %mul3A_248 = arith.mulf %mul3A_247, %add3A_242 : vector<256x128xf32>
    %select_n3A_249 = arith.select %ge3A_245, %add3A_242, %mul3A_248 : vector<256x128xi1>, vector<256x128xf32>
    %dot_general3A_250 = arith.constant dense<0.000000e+00> : vector<256x128xf32>
    %dot_general3A_251 = tpu.matmul %select_n3A_249, %get3A_6, %dot_general3A_250 {dimension_numbers = #tpu.dot_dimension_numbers<[1], [0], [0], [1], [0, 0, 1, 1], [], []>, transpose_lhs_hint = false} : vector<256x128xf32>, vector<128x128xf32>, vector<256x128xf32> -> vector<256x128xf32>
    %add3A_252 = vector.broadcast %get3A_9 : vector<1x128xf32> to vector<256x128xf32>
    %add3A_253 = arith.addf %dot_general3A_251, %add3A_252 : vector<256x128xf32>
    %ge3A_254 = arith.constant 0.000000e+00 : f32
    %ge3A_255 = vector.broadcast %ge3A_254 : f32 to vector<256x128xf32>
    %ge3A_256 = arith.cmpf oge, %add3A_253, %ge3A_255 : vector<256x128xf32>
    %mul3A_257 = arith.constant 2.000000e-01 : f32
    %mul3A_258 = vector.broadcast %mul3A_257 : f32 to vector<256x128xf32>
    %mul3A_259 = arith.mulf %mul3A_258, %add3A_253 : vector<256x128xf32>
    %select_n3A_260 = arith.select %ge3A_256, %add3A_253, %mul3A_259 : vector<256x128xi1>, vector<256x128xf32>
    %dot_general3A_261 = arith.constant dense<0.000000e+00> : vector<256x24xf32>
    %dot_general3A_262 = tpu.matmul %select_n3A_260, %get3A_12, %dot_general3A_261 {dimension_numbers = #tpu.dot_dimension_numbers<[1], [0], [0], [1], [0, 0, 1, 1], [], []>, transpose_lhs_hint = false} : vector<256x128xf32>, vector<128x24xf32>, vector<256x24xf32> -> vector<256x24xf32>
    %add3A_263 = vector.broadcast %get3A_15 : vector<1x24xf32> to vector<256x24xf32>
    %add3A_264 = arith.addf %dot_general3A_262, %add3A_263 : vector<256x24xf32>
    %ge3A_265 = arith.constant 0.000000e+00 : f32
    %ge3A_266 = vector.broadcast %ge3A_265 : f32 to vector<256x24xf32>
    %ge3A_267 = arith.cmpf oge, %add3A_264, %ge3A_266 : vector<256x24xf32>
    %mul3A_268 = arith.constant 2.000000e-01 : f32
    %mul3A_269 = vector.broadcast %mul3A_268 : f32 to vector<256x24xf32>
    %mul3A_270 = arith.mulf %mul3A_269, %add3A_264 : vector<256x24xf32>
    %select_n3A_271 = arith.select %ge3A_267, %add3A_264, %mul3A_270 : vector<256x24xi1>, vector<256x24xf32>
    %max3A_272 = arith.maximumf %max3A_236, %select_n3A_271 : vector<256x24xf32>
    %get3A_273 = arith.constant 7 : index
    %get3A_274 = arith.constant 0 : index
    %get3A_275 = arith.constant 0 : index
    %get3A_276 = vector.load %arg2[%get3A_273, %get3A_274, %get3A_275] : memref<20x256x128xf32, #tpu.memory_space<vmem>>, vector<1x256x128xf32>
    %get3A_277 = vector.shape_cast %get3A_276 : vector<1x256x128xf32> to vector<256x128xf32>
    %add3A_278 = arith.addf %get3A_277, %add3A_23 : vector<256x128xf32>
    %ge3A_279 = arith.constant 0.000000e+00 : f32
    %ge3A_280 = vector.broadcast %ge3A_279 : f32 to vector<256x128xf32>
    %ge3A_281 = arith.cmpf oge, %add3A_278, %ge3A_280 : vector<256x128xf32>
    %mul3A_282 = arith.constant 2.000000e-01 : f32
    %mul3A_283 = vector.broadcast %mul3A_282 : f32 to vector<256x128xf32>
    %mul3A_284 = arith.mulf %mul3A_283, %add3A_278 : vector<256x128xf32>
    %select_n3A_285 = arith.select %ge3A_281, %add3A_278, %mul3A_284 : vector<256x128xi1>, vector<256x128xf32>
    %dot_general3A_286 = arith.constant dense<0.000000e+00> : vector<256x128xf32>
    %dot_general3A_287 = tpu.matmul %select_n3A_285, %get3A_6, %dot_general3A_286 {dimension_numbers = #tpu.dot_dimension_numbers<[1], [0], [0], [1], [0, 0, 1, 1], [], []>, transpose_lhs_hint = false} : vector<256x128xf32>, vector<128x128xf32>, vector<256x128xf32> -> vector<256x128xf32>
    %add3A_288 = vector.broadcast %get3A_9 : vector<1x128xf32> to vector<256x128xf32>
    %add3A_289 = arith.addf %dot_general3A_287, %add3A_288 : vector<256x128xf32>
    %ge3A_290 = arith.constant 0.000000e+00 : f32
    %ge3A_291 = vector.broadcast %ge3A_290 : f32 to vector<256x128xf32>
    %ge3A_292 = arith.cmpf oge, %add3A_289, %ge3A_291 : vector<256x128xf32>
    %mul3A_293 = arith.constant 2.000000e-01 : f32
    %mul3A_294 = vector.broadcast %mul3A_293 : f32 to vector<256x128xf32>
    %mul3A_295 = arith.mulf %mul3A_294, %add3A_289 : vector<256x128xf32>
    %select_n3A_296 = arith.select %ge3A_292, %add3A_289, %mul3A_295 : vector<256x128xi1>, vector<256x128xf32>
    %dot_general3A_297 = arith.constant dense<0.000000e+00> : vector<256x24xf32>
    %dot_general3A_298 = tpu.matmul %select_n3A_296, %get3A_12, %dot_general3A_297 {dimension_numbers = #tpu.dot_dimension_numbers<[1], [0], [0], [1], [0, 0, 1, 1], [], []>, transpose_lhs_hint = false} : vector<256x128xf32>, vector<128x24xf32>, vector<256x24xf32> -> vector<256x24xf32>
    %add3A_299 = vector.broadcast %get3A_15 : vector<1x24xf32> to vector<256x24xf32>
    %add3A_300 = arith.addf %dot_general3A_298, %add3A_299 : vector<256x24xf32>
    %ge3A_301 = arith.constant 0.000000e+00 : f32
    %ge3A_302 = vector.broadcast %ge3A_301 : f32 to vector<256x24xf32>
    %ge3A_303 = arith.cmpf oge, %add3A_300, %ge3A_302 : vector<256x24xf32>
    %mul3A_304 = arith.constant 2.000000e-01 : f32
    %mul3A_305 = vector.broadcast %mul3A_304 : f32 to vector<256x24xf32>
    %mul3A_306 = arith.mulf %mul3A_305, %add3A_300 : vector<256x24xf32>
    %select_n3A_307 = arith.select %ge3A_303, %add3A_300, %mul3A_306 : vector<256x24xi1>, vector<256x24xf32>
    %max3A_308 = arith.maximumf %max3A_272, %select_n3A_307 : vector<256x24xf32>
    %get3A_309 = arith.constant 8 : index
    %get3A_310 = arith.constant 0 : index
    %get3A_311 = arith.constant 0 : index
    %get3A_312 = vector.load %arg2[%get3A_309, %get3A_310, %get3A_311] : memref<20x256x128xf32, #tpu.memory_space<vmem>>, vector<1x256x128xf32>
    %get3A_313 = vector.shape_cast %get3A_312 : vector<1x256x128xf32> to vector<256x128xf32>
    %add3A_314 = arith.addf %get3A_313, %add3A_23 : vector<256x128xf32>
    %ge3A_315 = arith.constant 0.000000e+00 : f32
    %ge3A_316 = vector.broadcast %ge3A_315 : f32 to vector<256x128xf32>
    %ge3A_317 = arith.cmpf oge, %add3A_314, %ge3A_316 : vector<256x128xf32>
    %mul3A_318 = arith.constant 2.000000e-01 : f32
    %mul3A_319 = vector.broadcast %mul3A_318 : f32 to vector<256x128xf32>
    %mul3A_320 = arith.mulf %mul3A_319, %add3A_314 : vector<256x128xf32>
    %select_n3A_321 = arith.select %ge3A_317, %add3A_314, %mul3A_320 : vector<256x128xi1>, vector<256x128xf32>
    %dot_general3A_322 = arith.constant dense<0.000000e+00> : vector<256x128xf32>
    %dot_general3A_323 = tpu.matmul %select_n3A_321, %get3A_6, %dot_general3A_322 {dimension_numbers = #tpu.dot_dimension_numbers<[1], [0], [0], [1], [0, 0, 1, 1], [], []>, transpose_lhs_hint = false} : vector<256x128xf32>, vector<128x128xf32>, vector<256x128xf32> -> vector<256x128xf32>
    %add3A_324 = vector.broadcast %get3A_9 : vector<1x128xf32> to vector<256x128xf32>
    %add3A_325 = arith.addf %dot_general3A_323, %add3A_324 : vector<256x128xf32>
    %ge3A_326 = arith.constant 0.000000e+00 : f32
    %ge3A_327 = vector.broadcast %ge3A_326 : f32 to vector<256x128xf32>
    %ge3A_328 = arith.cmpf oge, %add3A_325, %ge3A_327 : vector<256x128xf32>
    %mul3A_329 = arith.constant 2.000000e-01 : f32
    %mul3A_330 = vector.broadcast %mul3A_329 : f32 to vector<256x128xf32>
    %mul3A_331 = arith.mulf %mul3A_330, %add3A_325 : vector<256x128xf32>
    %select_n3A_332 = arith.select %ge3A_328, %add3A_325, %mul3A_331 : vector<256x128xi1>, vector<256x128xf32>
    %dot_general3A_333 = arith.constant dense<0.000000e+00> : vector<256x24xf32>
    %dot_general3A_334 = tpu.matmul %select_n3A_332, %get3A_12, %dot_general3A_333 {dimension_numbers = #tpu.dot_dimension_numbers<[1], [0], [0], [1], [0, 0, 1, 1], [], []>, transpose_lhs_hint = false} : vector<256x128xf32>, vector<128x24xf32>, vector<256x24xf32> -> vector<256x24xf32>
    %add3A_335 = vector.broadcast %get3A_15 : vector<1x24xf32> to vector<256x24xf32>
    %add3A_336 = arith.addf %dot_general3A_334, %add3A_335 : vector<256x24xf32>
    %ge3A_337 = arith.constant 0.000000e+00 : f32
    %ge3A_338 = vector.broadcast %ge3A_337 : f32 to vector<256x24xf32>
    %ge3A_339 = arith.cmpf oge, %add3A_336, %ge3A_338 : vector<256x24xf32>
    %mul3A_340 = arith.constant 2.000000e-01 : f32
    %mul3A_341 = vector.broadcast %mul3A_340 : f32 to vector<256x24xf32>
    %mul3A_342 = arith.mulf %mul3A_341, %add3A_336 : vector<256x24xf32>
    %select_n3A_343 = arith.select %ge3A_339, %add3A_336, %mul3A_342 : vector<256x24xi1>, vector<256x24xf32>
    %max3A_344 = arith.maximumf %max3A_308, %select_n3A_343 : vector<256x24xf32>
    %get3A_345 = arith.constant 9 : index
    %get3A_346 = arith.constant 0 : index
    %get3A_347 = arith.constant 0 : index
    %get3A_348 = vector.load %arg2[%get3A_345, %get3A_346, %get3A_347] : memref<20x256x128xf32, #tpu.memory_space<vmem>>, vector<1x256x128xf32>
    %get3A_349 = vector.shape_cast %get3A_348 : vector<1x256x128xf32> to vector<256x128xf32>
    %add3A_350 = arith.addf %get3A_349, %add3A_23 : vector<256x128xf32>
    %ge3A_351 = arith.constant 0.000000e+00 : f32
    %ge3A_352 = vector.broadcast %ge3A_351 : f32 to vector<256x128xf32>
    %ge3A_353 = arith.cmpf oge, %add3A_350, %ge3A_352 : vector<256x128xf32>
    %mul3A_354 = arith.constant 2.000000e-01 : f32
    %mul3A_355 = vector.broadcast %mul3A_354 : f32 to vector<256x128xf32>
    %mul3A_356 = arith.mulf %mul3A_355, %add3A_350 : vector<256x128xf32>
    %select_n3A_357 = arith.select %ge3A_353, %add3A_350, %mul3A_356 : vector<256x128xi1>, vector<256x128xf32>
    %dot_general3A_358 = arith.constant dense<0.000000e+00> : vector<256x128xf32>
    %dot_general3A_359 = tpu.matmul %select_n3A_357, %get3A_6, %dot_general3A_358 {dimension_numbers = #tpu.dot_dimension_numbers<[1], [0], [0], [1], [0, 0, 1, 1], [], []>, transpose_lhs_hint = false} : vector<256x128xf32>, vector<128x128xf32>, vector<256x128xf32> -> vector<256x128xf32>
    %add3A_360 = vector.broadcast %get3A_9 : vector<1x128xf32> to vector<256x128xf32>
    %add3A_361 = arith.addf %dot_general3A_359, %add3A_360 : vector<256x128xf32>
    %ge3A_362 = arith.constant 0.000000e+00 : f32
    %ge3A_363 = vector.broadcast %ge3A_362 : f32 to vector<256x128xf32>
    %ge3A_364 = arith.cmpf oge, %add3A_361, %ge3A_363 : vector<256x128xf32>
    %mul3A_365 = arith.constant 2.000000e-01 : f32
    %mul3A_366 = vector.broadcast %mul3A_365 : f32 to vector<256x128xf32>
    %mul3A_367 = arith.mulf %mul3A_366, %add3A_361 : vector<256x128xf32>
    %select_n3A_368 = arith.select %ge3A_364, %add3A_361, %mul3A_367 : vector<256x128xi1>, vector<256x128xf32>
    %dot_general3A_369 = arith.constant dense<0.000000e+00> : vector<256x24xf32>
    %dot_general3A_370 = tpu.matmul %select_n3A_368, %get3A_12, %dot_general3A_369 {dimension_numbers = #tpu.dot_dimension_numbers<[1], [0], [0], [1], [0, 0, 1, 1], [], []>, transpose_lhs_hint = false} : vector<256x128xf32>, vector<128x24xf32>, vector<256x24xf32> -> vector<256x24xf32>
    %add3A_371 = vector.broadcast %get3A_15 : vector<1x24xf32> to vector<256x24xf32>
    %add3A_372 = arith.addf %dot_general3A_370, %add3A_371 : vector<256x24xf32>
    %ge3A_373 = arith.constant 0.000000e+00 : f32
    %ge3A_374 = vector.broadcast %ge3A_373 : f32 to vector<256x24xf32>
    %ge3A_375 = arith.cmpf oge, %add3A_372, %ge3A_374 : vector<256x24xf32>
    %mul3A_376 = arith.constant 2.000000e-01 : f32
    %mul3A_377 = vector.broadcast %mul3A_376 : f32 to vector<256x24xf32>
    %mul3A_378 = arith.mulf %mul3A_377, %add3A_372 : vector<256x24xf32>
    %select_n3A_379 = arith.select %ge3A_375, %add3A_372, %mul3A_378 : vector<256x24xi1>, vector<256x24xf32>
    %max3A_380 = arith.maximumf %max3A_344, %select_n3A_379 : vector<256x24xf32>
    %get3A_381 = arith.constant 10 : index
    %get3A_382 = arith.constant 0 : index
    %get3A_383 = arith.constant 0 : index
    %get3A_384 = vector.load %arg2[%get3A_381, %get3A_382, %get3A_383] : memref<20x256x128xf32, #tpu.memory_space<vmem>>, vector<1x256x128xf32>
    %get3A_385 = vector.shape_cast %get3A_384 : vector<1x256x128xf32> to vector<256x128xf32>
    %add3A_386 = arith.addf %get3A_385, %add3A_23 : vector<256x128xf32>
    %ge3A_387 = arith.constant 0.000000e+00 : f32
    %ge3A_388 = vector.broadcast %ge3A_387 : f32 to vector<256x128xf32>
    %ge3A_389 = arith.cmpf oge, %add3A_386, %ge3A_388 : vector<256x128xf32>
    %mul3A_390 = arith.constant 2.000000e-01 : f32
    %mul3A_391 = vector.broadcast %mul3A_390 : f32 to vector<256x128xf32>
    %mul3A_392 = arith.mulf %mul3A_391, %add3A_386 : vector<256x128xf32>
    %select_n3A_393 = arith.select %ge3A_389, %add3A_386, %mul3A_392 : vector<256x128xi1>, vector<256x128xf32>
    %dot_general3A_394 = arith.constant dense<0.000000e+00> : vector<256x128xf32>
    %dot_general3A_395 = tpu.matmul %select_n3A_393, %get3A_6, %dot_general3A_394 {dimension_numbers = #tpu.dot_dimension_numbers<[1], [0], [0], [1], [0, 0, 1, 1], [], []>, transpose_lhs_hint = false} : vector<256x128xf32>, vector<128x128xf32>, vector<256x128xf32> -> vector<256x128xf32>
    %add3A_396 = vector.broadcast %get3A_9 : vector<1x128xf32> to vector<256x128xf32>
    %add3A_397 = arith.addf %dot_general3A_395, %add3A_396 : vector<256x128xf32>
    %ge3A_398 = arith.constant 0.000000e+00 : f32
    %ge3A_399 = vector.broadcast %ge3A_398 : f32 to vector<256x128xf32>
    %ge3A_400 = arith.cmpf oge, %add3A_397, %ge3A_399 : vector<256x128xf32>
    %mul3A_401 = arith.constant 2.000000e-01 : f32
    %mul3A_402 = vector.broadcast %mul3A_401 : f32 to vector<256x128xf32>
    %mul3A_403 = arith.mulf %mul3A_402, %add3A_397 : vector<256x128xf32>
    %select_n3A_404 = arith.select %ge3A_400, %add3A_397, %mul3A_403 : vector<256x128xi1>, vector<256x128xf32>
    %dot_general3A_405 = arith.constant dense<0.000000e+00> : vector<256x24xf32>
    %dot_general3A_406 = tpu.matmul %select_n3A_404, %get3A_12, %dot_general3A_405 {dimension_numbers = #tpu.dot_dimension_numbers<[1], [0], [0], [1], [0, 0, 1, 1], [], []>, transpose_lhs_hint = false} : vector<256x128xf32>, vector<128x24xf32>, vector<256x24xf32> -> vector<256x24xf32>
    %add3A_407 = vector.broadcast %get3A_15 : vector<1x24xf32> to vector<256x24xf32>
    %add3A_408 = arith.addf %dot_general3A_406, %add3A_407 : vector<256x24xf32>
    %ge3A_409 = arith.constant 0.000000e+00 : f32
    %ge3A_410 = vector.broadcast %ge3A_409 : f32 to vector<256x24xf32>
    %ge3A_411 = arith.cmpf oge, %add3A_408, %ge3A_410 : vector<256x24xf32>
    %mul3A_412 = arith.constant 2.000000e-01 : f32
    %mul3A_413 = vector.broadcast %mul3A_412 : f32 to vector<256x24xf32>
    %mul3A_414 = arith.mulf %mul3A_413, %add3A_408 : vector<256x24xf32>
    %select_n3A_415 = arith.select %ge3A_411, %add3A_408, %mul3A_414 : vector<256x24xi1>, vector<256x24xf32>
    %max3A_416 = arith.maximumf %max3A_380, %select_n3A_415 : vector<256x24xf32>
    %get3A_417 = arith.constant 11 : index
    %get3A_418 = arith.constant 0 : index
    %get3A_419 = arith.constant 0 : index
    %get3A_420 = vector.load %arg2[%get3A_417, %get3A_418, %get3A_419] : memref<20x256x128xf32, #tpu.memory_space<vmem>>, vector<1x256x128xf32>
    %get3A_421 = vector.shape_cast %get3A_420 : vector<1x256x128xf32> to vector<256x128xf32>
    %add3A_422 = arith.addf %get3A_421, %add3A_23 : vector<256x128xf32>
    %ge3A_423 = arith.constant 0.000000e+00 : f32
    %ge3A_424 = vector.broadcast %ge3A_423 : f32 to vector<256x128xf32>
    %ge3A_425 = arith.cmpf oge, %add3A_422, %ge3A_424 : vector<256x128xf32>
    %mul3A_426 = arith.constant 2.000000e-01 : f32
    %mul3A_427 = vector.broadcast %mul3A_426 : f32 to vector<256x128xf32>
    %mul3A_428 = arith.mulf %mul3A_427, %add3A_422 : vector<256x128xf32>
    %select_n3A_429 = arith.select %ge3A_425, %add3A_422, %mul3A_428 : vector<256x128xi1>, vector<256x128xf32>
    %dot_general3A_430 = arith.constant dense<0.000000e+00> : vector<256x128xf32>
    %dot_general3A_431 = tpu.matmul %select_n3A_429, %get3A_6, %dot_general3A_430 {dimension_numbers = #tpu.dot_dimension_numbers<[1], [0], [0], [1], [0, 0, 1, 1], [], []>, transpose_lhs_hint = false} : vector<256x128xf32>, vector<128x128xf32>, vector<256x128xf32> -> vector<256x128xf32>
    %add3A_432 = vector.broadcast %get3A_9 : vector<1x128xf32> to vector<256x128xf32>
    %add3A_433 = arith.addf %dot_general3A_431, %add3A_432 : vector<256x128xf32>
    %ge3A_434 = arith.constant 0.000000e+00 : f32
    %ge3A_435 = vector.broadcast %ge3A_434 : f32 to vector<256x128xf32>
    %ge3A_436 = arith.cmpf oge, %add3A_433, %ge3A_435 : vector<256x128xf32>
    %mul3A_437 = arith.constant 2.000000e-01 : f32
    %mul3A_438 = vector.broadcast %mul3A_437 : f32 to vector<256x128xf32>
    %mul3A_439 = arith.mulf %mul3A_438, %add3A_433 : vector<256x128xf32>
    %select_n3A_440 = arith.select %ge3A_436, %add3A_433, %mul3A_439 : vector<256x128xi1>, vector<256x128xf32>
    %dot_general3A_441 = arith.constant dense<0.000000e+00> : vector<256x24xf32>
    %dot_general3A_442 = tpu.matmul %select_n3A_440, %get3A_12, %dot_general3A_441 {dimension_numbers = #tpu.dot_dimension_numbers<[1], [0], [0], [1], [0, 0, 1, 1], [], []>, transpose_lhs_hint = false} : vector<256x128xf32>, vector<128x24xf32>, vector<256x24xf32> -> vector<256x24xf32>
    %add3A_443 = vector.broadcast %get3A_15 : vector<1x24xf32> to vector<256x24xf32>
    %add3A_444 = arith.addf %dot_general3A_442, %add3A_443 : vector<256x24xf32>
    %ge3A_445 = arith.constant 0.000000e+00 : f32
    %ge3A_446 = vector.broadcast %ge3A_445 : f32 to vector<256x24xf32>
    %ge3A_447 = arith.cmpf oge, %add3A_444, %ge3A_446 : vector<256x24xf32>
    %mul3A_448 = arith.constant 2.000000e-01 : f32
    %mul3A_449 = vector.broadcast %mul3A_448 : f32 to vector<256x24xf32>
    %mul3A_450 = arith.mulf %mul3A_449, %add3A_444 : vector<256x24xf32>
    %select_n3A_451 = arith.select %ge3A_447, %add3A_444, %mul3A_450 : vector<256x24xi1>, vector<256x24xf32>
    %max3A_452 = arith.maximumf %max3A_416, %select_n3A_451 : vector<256x24xf32>
    %get3A_453 = arith.constant 12 : index
    %get3A_454 = arith.constant 0 : index
    %get3A_455 = arith.constant 0 : index
    %get3A_456 = vector.load %arg2[%get3A_453, %get3A_454, %get3A_455] : memref<20x256x128xf32, #tpu.memory_space<vmem>>, vector<1x256x128xf32>
    %get3A_457 = vector.shape_cast %get3A_456 : vector<1x256x128xf32> to vector<256x128xf32>
    %add3A_458 = arith.addf %get3A_457, %add3A_23 : vector<256x128xf32>
    %ge3A_459 = arith.constant 0.000000e+00 : f32
    %ge3A_460 = vector.broadcast %ge3A_459 : f32 to vector<256x128xf32>
    %ge3A_461 = arith.cmpf oge, %add3A_458, %ge3A_460 : vector<256x128xf32>
    %mul3A_462 = arith.constant 2.000000e-01 : f32
    %mul3A_463 = vector.broadcast %mul3A_462 : f32 to vector<256x128xf32>
    %mul3A_464 = arith.mulf %mul3A_463, %add3A_458 : vector<256x128xf32>
    %select_n3A_465 = arith.select %ge3A_461, %add3A_458, %mul3A_464 : vector<256x128xi1>, vector<256x128xf32>
    %dot_general3A_466 = arith.constant dense<0.000000e+00> : vector<256x128xf32>
    %dot_general3A_467 = tpu.matmul %select_n3A_465, %get3A_6, %dot_general3A_466 {dimension_numbers = #tpu.dot_dimension_numbers<[1], [0], [0], [1], [0, 0, 1, 1], [], []>, transpose_lhs_hint = false} : vector<256x128xf32>, vector<128x128xf32>, vector<256x128xf32> -> vector<256x128xf32>
    %add3A_468 = vector.broadcast %get3A_9 : vector<1x128xf32> to vector<256x128xf32>
    %add3A_469 = arith.addf %dot_general3A_467, %add3A_468 : vector<256x128xf32>
    %ge3A_470 = arith.constant 0.000000e+00 : f32
    %ge3A_471 = vector.broadcast %ge3A_470 : f32 to vector<256x128xf32>
    %ge3A_472 = arith.cmpf oge, %add3A_469, %ge3A_471 : vector<256x128xf32>
    %mul3A_473 = arith.constant 2.000000e-01 : f32
    %mul3A_474 = vector.broadcast %mul3A_473 : f32 to vector<256x128xf32>
    %mul3A_475 = arith.mulf %mul3A_474, %add3A_469 : vector<256x128xf32>
    %select_n3A_476 = arith.select %ge3A_472, %add3A_469, %mul3A_475 : vector<256x128xi1>, vector<256x128xf32>
    %dot_general3A_477 = arith.constant dense<0.000000e+00> : vector<256x24xf32>
    %dot_general3A_478 = tpu.matmul %select_n3A_476, %get3A_12, %dot_general3A_477 {dimension_numbers = #tpu.dot_dimension_numbers<[1], [0], [0], [1], [0, 0, 1, 1], [], []>, transpose_lhs_hint = false} : vector<256x128xf32>, vector<128x24xf32>, vector<256x24xf32> -> vector<256x24xf32>
    %add3A_479 = vector.broadcast %get3A_15 : vector<1x24xf32> to vector<256x24xf32>
    %add3A_480 = arith.addf %dot_general3A_478, %add3A_479 : vector<256x24xf32>
    %ge3A_481 = arith.constant 0.000000e+00 : f32
    %ge3A_482 = vector.broadcast %ge3A_481 : f32 to vector<256x24xf32>
    %ge3A_483 = arith.cmpf oge, %add3A_480, %ge3A_482 : vector<256x24xf32>
    %mul3A_484 = arith.constant 2.000000e-01 : f32
    %mul3A_485 = vector.broadcast %mul3A_484 : f32 to vector<256x24xf32>
    %mul3A_486 = arith.mulf %mul3A_485, %add3A_480 : vector<256x24xf32>
    %select_n3A_487 = arith.select %ge3A_483, %add3A_480, %mul3A_486 : vector<256x24xi1>, vector<256x24xf32>
    %max3A_488 = arith.maximumf %max3A_452, %select_n3A_487 : vector<256x24xf32>
    %get3A_489 = arith.constant 13 : index
    %get3A_490 = arith.constant 0 : index
    %get3A_491 = arith.constant 0 : index
    %get3A_492 = vector.load %arg2[%get3A_489, %get3A_490, %get3A_491] : memref<20x256x128xf32, #tpu.memory_space<vmem>>, vector<1x256x128xf32>
    %get3A_493 = vector.shape_cast %get3A_492 : vector<1x256x128xf32> to vector<256x128xf32>
    %add3A_494 = arith.addf %get3A_493, %add3A_23 : vector<256x128xf32>
    %ge3A_495 = arith.constant 0.000000e+00 : f32
    %ge3A_496 = vector.broadcast %ge3A_495 : f32 to vector<256x128xf32>
    %ge3A_497 = arith.cmpf oge, %add3A_494, %ge3A_496 : vector<256x128xf32>
    %mul3A_498 = arith.constant 2.000000e-01 : f32
    %mul3A_499 = vector.broadcast %mul3A_498 : f32 to vector<256x128xf32>
    %mul3A_500 = arith.mulf %mul3A_499, %add3A_494 : vector<256x128xf32>
    %select_n3A_501 = arith.select %ge3A_497, %add3A_494, %mul3A_500 : vector<256x128xi1>, vector<256x128xf32>
    %dot_general3A_502 = arith.constant dense<0.000000e+00> : vector<256x128xf32>
    %dot_general3A_503 = tpu.matmul %select_n3A_501, %get3A_6, %dot_general3A_502 {dimension_numbers = #tpu.dot_dimension_numbers<[1], [0], [0], [1], [0, 0, 1, 1], [], []>, transpose_lhs_hint = false} : vector<256x128xf32>, vector<128x128xf32>, vector<256x128xf32> -> vector<256x128xf32>
    %add3A_504 = vector.broadcast %get3A_9 : vector<1x128xf32> to vector<256x128xf32>
    %add3A_505 = arith.addf %dot_general3A_503, %add3A_504 : vector<256x128xf32>
    %ge3A_506 = arith.constant 0.000000e+00 : f32
    %ge3A_507 = vector.broadcast %ge3A_506 : f32 to vector<256x128xf32>
    %ge3A_508 = arith.cmpf oge, %add3A_505, %ge3A_507 : vector<256x128xf32>
    %mul3A_509 = arith.constant 2.000000e-01 : f32
    %mul3A_510 = vector.broadcast %mul3A_509 : f32 to vector<256x128xf32>
    %mul3A_511 = arith.mulf %mul3A_510, %add3A_505 : vector<256x128xf32>
    %select_n3A_512 = arith.select %ge3A_508, %add3A_505, %mul3A_511 : vector<256x128xi1>, vector<256x128xf32>
    %dot_general3A_513 = arith.constant dense<0.000000e+00> : vector<256x24xf32>
    %dot_general3A_514 = tpu.matmul %select_n3A_512, %get3A_12, %dot_general3A_513 {dimension_numbers = #tpu.dot_dimension_numbers<[1], [0], [0], [1], [0, 0, 1, 1], [], []>, transpose_lhs_hint = false} : vector<256x128xf32>, vector<128x24xf32>, vector<256x24xf32> -> vector<256x24xf32>
    %add3A_515 = vector.broadcast %get3A_15 : vector<1x24xf32> to vector<256x24xf32>
    %add3A_516 = arith.addf %dot_general3A_514, %add3A_515 : vector<256x24xf32>
    %ge3A_517 = arith.constant 0.000000e+00 : f32
    %ge3A_518 = vector.broadcast %ge3A_517 : f32 to vector<256x24xf32>
    %ge3A_519 = arith.cmpf oge, %add3A_516, %ge3A_518 : vector<256x24xf32>
    %mul3A_520 = arith.constant 2.000000e-01 : f32
    %mul3A_521 = vector.broadcast %mul3A_520 : f32 to vector<256x24xf32>
    %mul3A_522 = arith.mulf %mul3A_521, %add3A_516 : vector<256x24xf32>
    %select_n3A_523 = arith.select %ge3A_519, %add3A_516, %mul3A_522 : vector<256x24xi1>, vector<256x24xf32>
    %max3A_524 = arith.maximumf %max3A_488, %select_n3A_523 : vector<256x24xf32>
    %get3A_525 = arith.constant 14 : index
    %get3A_526 = arith.constant 0 : index
    %get3A_527 = arith.constant 0 : index
    %get3A_528 = vector.load %arg2[%get3A_525, %get3A_526, %get3A_527] : memref<20x256x128xf32, #tpu.memory_space<vmem>>, vector<1x256x128xf32>
    %get3A_529 = vector.shape_cast %get3A_528 : vector<1x256x128xf32> to vector<256x128xf32>
    %add3A_530 = arith.addf %get3A_529, %add3A_23 : vector<256x128xf32>
    %ge3A_531 = arith.constant 0.000000e+00 : f32
    %ge3A_532 = vector.broadcast %ge3A_531 : f32 to vector<256x128xf32>
    %ge3A_533 = arith.cmpf oge, %add3A_530, %ge3A_532 : vector<256x128xf32>
    %mul3A_534 = arith.constant 2.000000e-01 : f32
    %mul3A_535 = vector.broadcast %mul3A_534 : f32 to vector<256x128xf32>
    %mul3A_536 = arith.mulf %mul3A_535, %add3A_530 : vector<256x128xf32>
    %select_n3A_537 = arith.select %ge3A_533, %add3A_530, %mul3A_536 : vector<256x128xi1>, vector<256x128xf32>
    %dot_general3A_538 = arith.constant dense<0.000000e+00> : vector<256x128xf32>
    %dot_general3A_539 = tpu.matmul %select_n3A_537, %get3A_6, %dot_general3A_538 {dimension_numbers = #tpu.dot_dimension_numbers<[1], [0], [0], [1], [0, 0, 1, 1], [], []>, transpose_lhs_hint = false} : vector<256x128xf32>, vector<128x128xf32>, vector<256x128xf32> -> vector<256x128xf32>
    %add3A_540 = vector.broadcast %get3A_9 : vector<1x128xf32> to vector<256x128xf32>
    %add3A_541 = arith.addf %dot_general3A_539, %add3A_540 : vector<256x128xf32>
    %ge3A_542 = arith.constant 0.000000e+00 : f32
    %ge3A_543 = vector.broadcast %ge3A_542 : f32 to vector<256x128xf32>
    %ge3A_544 = arith.cmpf oge, %add3A_541, %ge3A_543 : vector<256x128xf32>
    %mul3A_545 = arith.constant 2.000000e-01 : f32
    %mul3A_546 = vector.broadcast %mul3A_545 : f32 to vector<256x128xf32>
    %mul3A_547 = arith.mulf %mul3A_546, %add3A_541 : vector<256x128xf32>
    %select_n3A_548 = arith.select %ge3A_544, %add3A_541, %mul3A_547 : vector<256x128xi1>, vector<256x128xf32>
    %dot_general3A_549 = arith.constant dense<0.000000e+00> : vector<256x24xf32>
    %dot_general3A_550 = tpu.matmul %select_n3A_548, %get3A_12, %dot_general3A_549 {dimension_numbers = #tpu.dot_dimension_numbers<[1], [0], [0], [1], [0, 0, 1, 1], [], []>, transpose_lhs_hint = false} : vector<256x128xf32>, vector<128x24xf32>, vector<256x24xf32> -> vector<256x24xf32>
    %add3A_551 = vector.broadcast %get3A_15 : vector<1x24xf32> to vector<256x24xf32>
    %add3A_552 = arith.addf %dot_general3A_550, %add3A_551 : vector<256x24xf32>
    %ge3A_553 = arith.constant 0.000000e+00 : f32
    %ge3A_554 = vector.broadcast %ge3A_553 : f32 to vector<256x24xf32>
    %ge3A_555 = arith.cmpf oge, %add3A_552, %ge3A_554 : vector<256x24xf32>
    %mul3A_556 = arith.constant 2.000000e-01 : f32
    %mul3A_557 = vector.broadcast %mul3A_556 : f32 to vector<256x24xf32>
    %mul3A_558 = arith.mulf %mul3A_557, %add3A_552 : vector<256x24xf32>
    %select_n3A_559 = arith.select %ge3A_555, %add3A_552, %mul3A_558 : vector<256x24xi1>, vector<256x24xf32>
    %max3A_560 = arith.maximumf %max3A_524, %select_n3A_559 : vector<256x24xf32>
    %get3A_561 = arith.constant 15 : index
    %get3A_562 = arith.constant 0 : index
    %get3A_563 = arith.constant 0 : index
    %get3A_564 = vector.load %arg2[%get3A_561, %get3A_562, %get3A_563] : memref<20x256x128xf32, #tpu.memory_space<vmem>>, vector<1x256x128xf32>
    %get3A_565 = vector.shape_cast %get3A_564 : vector<1x256x128xf32> to vector<256x128xf32>
    %add3A_566 = arith.addf %get3A_565, %add3A_23 : vector<256x128xf32>
    %ge3A_567 = arith.constant 0.000000e+00 : f32
    %ge3A_568 = vector.broadcast %ge3A_567 : f32 to vector<256x128xf32>
    %ge3A_569 = arith.cmpf oge, %add3A_566, %ge3A_568 : vector<256x128xf32>
    %mul3A_570 = arith.constant 2.000000e-01 : f32
    %mul3A_571 = vector.broadcast %mul3A_570 : f32 to vector<256x128xf32>
    %mul3A_572 = arith.mulf %mul3A_571, %add3A_566 : vector<256x128xf32>
    %select_n3A_573 = arith.select %ge3A_569, %add3A_566, %mul3A_572 : vector<256x128xi1>, vector<256x128xf32>
    %dot_general3A_574 = arith.constant dense<0.000000e+00> : vector<256x128xf32>
    %dot_general3A_575 = tpu.matmul %select_n3A_573, %get3A_6, %dot_general3A_574 {dimension_numbers = #tpu.dot_dimension_numbers<[1], [0], [0], [1], [0, 0, 1, 1], [], []>, transpose_lhs_hint = false} : vector<256x128xf32>, vector<128x128xf32>, vector<256x128xf32> -> vector<256x128xf32>
    %add3A_576 = vector.broadcast %get3A_9 : vector<1x128xf32> to vector<256x128xf32>
    %add3A_577 = arith.addf %dot_general3A_575, %add3A_576 : vector<256x128xf32>
    %ge3A_578 = arith.constant 0.000000e+00 : f32
    %ge3A_579 = vector.broadcast %ge3A_578 : f32 to vector<256x128xf32>
    %ge3A_580 = arith.cmpf oge, %add3A_577, %ge3A_579 : vector<256x128xf32>
    %mul3A_581 = arith.constant 2.000000e-01 : f32
    %mul3A_582 = vector.broadcast %mul3A_581 : f32 to vector<256x128xf32>
    %mul3A_583 = arith.mulf %mul3A_582, %add3A_577 : vector<256x128xf32>
    %select_n3A_584 = arith.select %ge3A_580, %add3A_577, %mul3A_583 : vector<256x128xi1>, vector<256x128xf32>
    %dot_general3A_585 = arith.constant dense<0.000000e+00> : vector<256x24xf32>
    %dot_general3A_586 = tpu.matmul %select_n3A_584, %get3A_12, %dot_general3A_585 {dimension_numbers = #tpu.dot_dimension_numbers<[1], [0], [0], [1], [0, 0, 1, 1], [], []>, transpose_lhs_hint = false} : vector<256x128xf32>, vector<128x24xf32>, vector<256x24xf32> -> vector<256x24xf32>
    %add3A_587 = vector.broadcast %get3A_15 : vector<1x24xf32> to vector<256x24xf32>
    %add3A_588 = arith.addf %dot_general3A_586, %add3A_587 : vector<256x24xf32>
    %ge3A_589 = arith.constant 0.000000e+00 : f32
    %ge3A_590 = vector.broadcast %ge3A_589 : f32 to vector<256x24xf32>
    %ge3A_591 = arith.cmpf oge, %add3A_588, %ge3A_590 : vector<256x24xf32>
    %mul3A_592 = arith.constant 2.000000e-01 : f32
    %mul3A_593 = vector.broadcast %mul3A_592 : f32 to vector<256x24xf32>
    %mul3A_594 = arith.mulf %mul3A_593, %add3A_588 : vector<256x24xf32>
    %select_n3A_595 = arith.select %ge3A_591, %add3A_588, %mul3A_594 : vector<256x24xi1>, vector<256x24xf32>
    %max3A_596 = arith.maximumf %max3A_560, %select_n3A_595 : vector<256x24xf32>
    %get3A_597 = arith.constant 16 : index
    %get3A_598 = arith.constant 0 : index
    %get3A_599 = arith.constant 0 : index
    %get3A_600 = vector.load %arg2[%get3A_597, %get3A_598, %get3A_599] : memref<20x256x128xf32, #tpu.memory_space<vmem>>, vector<1x256x128xf32>
    %get3A_601 = vector.shape_cast %get3A_600 : vector<1x256x128xf32> to vector<256x128xf32>
    %add3A_602 = arith.addf %get3A_601, %add3A_23 : vector<256x128xf32>
    %ge3A_603 = arith.constant 0.000000e+00 : f32
    %ge3A_604 = vector.broadcast %ge3A_603 : f32 to vector<256x128xf32>
    %ge3A_605 = arith.cmpf oge, %add3A_602, %ge3A_604 : vector<256x128xf32>
    %mul3A_606 = arith.constant 2.000000e-01 : f32
    %mul3A_607 = vector.broadcast %mul3A_606 : f32 to vector<256x128xf32>
    %mul3A_608 = arith.mulf %mul3A_607, %add3A_602 : vector<256x128xf32>
    %select_n3A_609 = arith.select %ge3A_605, %add3A_602, %mul3A_608 : vector<256x128xi1>, vector<256x128xf32>
    %dot_general3A_610 = arith.constant dense<0.000000e+00> : vector<256x128xf32>
    %dot_general3A_611 = tpu.matmul %select_n3A_609, %get3A_6, %dot_general3A_610 {dimension_numbers = #tpu.dot_dimension_numbers<[1], [0], [0], [1], [0, 0, 1, 1], [], []>, transpose_lhs_hint = false} : vector<256x128xf32>, vector<128x128xf32>, vector<256x128xf32> -> vector<256x128xf32>
    %add3A_612 = vector.broadcast %get3A_9 : vector<1x128xf32> to vector<256x128xf32>
    %add3A_613 = arith.addf %dot_general3A_611, %add3A_612 : vector<256x128xf32>
    %ge3A_614 = arith.constant 0.000000e+00 : f32
    %ge3A_615 = vector.broadcast %ge3A_614 : f32 to vector<256x128xf32>
    %ge3A_616 = arith.cmpf oge, %add3A_613, %ge3A_615 : vector<256x128xf32>
    %mul3A_617 = arith.constant 2.000000e-01 : f32
    %mul3A_618 = vector.broadcast %mul3A_617 : f32 to vector<256x128xf32>
    %mul3A_619 = arith.mulf %mul3A_618, %add3A_613 : vector<256x128xf32>
    %select_n3A_620 = arith.select %ge3A_616, %add3A_613, %mul3A_619 : vector<256x128xi1>, vector<256x128xf32>
    %dot_general3A_621 = arith.constant dense<0.000000e+00> : vector<256x24xf32>
    %dot_general3A_622 = tpu.matmul %select_n3A_620, %get3A_12, %dot_general3A_621 {dimension_numbers = #tpu.dot_dimension_numbers<[1], [0], [0], [1], [0, 0, 1, 1], [], []>, transpose_lhs_hint = false} : vector<256x128xf32>, vector<128x24xf32>, vector<256x24xf32> -> vector<256x24xf32>
    %add3A_623 = vector.broadcast %get3A_15 : vector<1x24xf32> to vector<256x24xf32>
    %add3A_624 = arith.addf %dot_general3A_622, %add3A_623 : vector<256x24xf32>
    %ge3A_625 = arith.constant 0.000000e+00 : f32
    %ge3A_626 = vector.broadcast %ge3A_625 : f32 to vector<256x24xf32>
    %ge3A_627 = arith.cmpf oge, %add3A_624, %ge3A_626 : vector<256x24xf32>
    %mul3A_628 = arith.constant 2.000000e-01 : f32
    %mul3A_629 = vector.broadcast %mul3A_628 : f32 to vector<256x24xf32>
    %mul3A_630 = arith.mulf %mul3A_629, %add3A_624 : vector<256x24xf32>
    %select_n3A_631 = arith.select %ge3A_627, %add3A_624, %mul3A_630 : vector<256x24xi1>, vector<256x24xf32>
    %max3A_632 = arith.maximumf %max3A_596, %select_n3A_631 : vector<256x24xf32>
    %get3A_633 = arith.constant 17 : index
    %get3A_634 = arith.constant 0 : index
    %get3A_635 = arith.constant 0 : index
    %get3A_636 = vector.load %arg2[%get3A_633, %get3A_634, %get3A_635] : memref<20x256x128xf32, #tpu.memory_space<vmem>>, vector<1x256x128xf32>
    %get3A_637 = vector.shape_cast %get3A_636 : vector<1x256x128xf32> to vector<256x128xf32>
    %add3A_638 = arith.addf %get3A_637, %add3A_23 : vector<256x128xf32>
    %ge3A_639 = arith.constant 0.000000e+00 : f32
    %ge3A_640 = vector.broadcast %ge3A_639 : f32 to vector<256x128xf32>
    %ge3A_641 = arith.cmpf oge, %add3A_638, %ge3A_640 : vector<256x128xf32>
    %mul3A_642 = arith.constant 2.000000e-01 : f32
    %mul3A_643 = vector.broadcast %mul3A_642 : f32 to vector<256x128xf32>
    %mul3A_644 = arith.mulf %mul3A_643, %add3A_638 : vector<256x128xf32>
    %select_n3A_645 = arith.select %ge3A_641, %add3A_638, %mul3A_644 : vector<256x128xi1>, vector<256x128xf32>
    %dot_general3A_646 = arith.constant dense<0.000000e+00> : vector<256x128xf32>
    %dot_general3A_647 = tpu.matmul %select_n3A_645, %get3A_6, %dot_general3A_646 {dimension_numbers = #tpu.dot_dimension_numbers<[1], [0], [0], [1], [0, 0, 1, 1], [], []>, transpose_lhs_hint = false} : vector<256x128xf32>, vector<128x128xf32>, vector<256x128xf32> -> vector<256x128xf32>
    %add3A_648 = vector.broadcast %get3A_9 : vector<1x128xf32> to vector<256x128xf32>
    %add3A_649 = arith.addf %dot_general3A_647, %add3A_648 : vector<256x128xf32>
    %ge3A_650 = arith.constant 0.000000e+00 : f32
    %ge3A_651 = vector.broadcast %ge3A_650 : f32 to vector<256x128xf32>
    %ge3A_652 = arith.cmpf oge, %add3A_649, %ge3A_651 : vector<256x128xf32>
    %mul3A_653 = arith.constant 2.000000e-01 : f32
    %mul3A_654 = vector.broadcast %mul3A_653 : f32 to vector<256x128xf32>
    %mul3A_655 = arith.mulf %mul3A_654, %add3A_649 : vector<256x128xf32>
    %select_n3A_656 = arith.select %ge3A_652, %add3A_649, %mul3A_655 : vector<256x128xi1>, vector<256x128xf32>
    %dot_general3A_657 = arith.constant dense<0.000000e+00> : vector<256x24xf32>
    %dot_general3A_658 = tpu.matmul %select_n3A_656, %get3A_12, %dot_general3A_657 {dimension_numbers = #tpu.dot_dimension_numbers<[1], [0], [0], [1], [0, 0, 1, 1], [], []>, transpose_lhs_hint = false} : vector<256x128xf32>, vector<128x24xf32>, vector<256x24xf32> -> vector<256x24xf32>
    %add3A_659 = vector.broadcast %get3A_15 : vector<1x24xf32> to vector<256x24xf32>
    %add3A_660 = arith.addf %dot_general3A_658, %add3A_659 : vector<256x24xf32>
    %ge3A_661 = arith.constant 0.000000e+00 : f32
    %ge3A_662 = vector.broadcast %ge3A_661 : f32 to vector<256x24xf32>
    %ge3A_663 = arith.cmpf oge, %add3A_660, %ge3A_662 : vector<256x24xf32>
    %mul3A_664 = arith.constant 2.000000e-01 : f32
    %mul3A_665 = vector.broadcast %mul3A_664 : f32 to vector<256x24xf32>
    %mul3A_666 = arith.mulf %mul3A_665, %add3A_660 : vector<256x24xf32>
    %select_n3A_667 = arith.select %ge3A_663, %add3A_660, %mul3A_666 : vector<256x24xi1>, vector<256x24xf32>
    %max3A_668 = arith.maximumf %max3A_632, %select_n3A_667 : vector<256x24xf32>
    %get3A_669 = arith.constant 18 : index
    %get3A_670 = arith.constant 0 : index
    %get3A_671 = arith.constant 0 : index
    %get3A_672 = vector.load %arg2[%get3A_669, %get3A_670, %get3A_671] : memref<20x256x128xf32, #tpu.memory_space<vmem>>, vector<1x256x128xf32>
    %get3A_673 = vector.shape_cast %get3A_672 : vector<1x256x128xf32> to vector<256x128xf32>
    %add3A_674 = arith.addf %get3A_673, %add3A_23 : vector<256x128xf32>
    %ge3A_675 = arith.constant 0.000000e+00 : f32
    %ge3A_676 = vector.broadcast %ge3A_675 : f32 to vector<256x128xf32>
    %ge3A_677 = arith.cmpf oge, %add3A_674, %ge3A_676 : vector<256x128xf32>
    %mul3A_678 = arith.constant 2.000000e-01 : f32
    %mul3A_679 = vector.broadcast %mul3A_678 : f32 to vector<256x128xf32>
    %mul3A_680 = arith.mulf %mul3A_679, %add3A_674 : vector<256x128xf32>
    %select_n3A_681 = arith.select %ge3A_677, %add3A_674, %mul3A_680 : vector<256x128xi1>, vector<256x128xf32>
    %dot_general3A_682 = arith.constant dense<0.000000e+00> : vector<256x128xf32>
    %dot_general3A_683 = tpu.matmul %select_n3A_681, %get3A_6, %dot_general3A_682 {dimension_numbers = #tpu.dot_dimension_numbers<[1], [0], [0], [1], [0, 0, 1, 1], [], []>, transpose_lhs_hint = false} : vector<256x128xf32>, vector<128x128xf32>, vector<256x128xf32> -> vector<256x128xf32>
    %add3A_684 = vector.broadcast %get3A_9 : vector<1x128xf32> to vector<256x128xf32>
    %add3A_685 = arith.addf %dot_general3A_683, %add3A_684 : vector<256x128xf32>
    %ge3A_686 = arith.constant 0.000000e+00 : f32
    %ge3A_687 = vector.broadcast %ge3A_686 : f32 to vector<256x128xf32>
    %ge3A_688 = arith.cmpf oge, %add3A_685, %ge3A_687 : vector<256x128xf32>
    %mul3A_689 = arith.constant 2.000000e-01 : f32
    %mul3A_690 = vector.broadcast %mul3A_689 : f32 to vector<256x128xf32>
    %mul3A_691 = arith.mulf %mul3A_690, %add3A_685 : vector<256x128xf32>
    %select_n3A_692 = arith.select %ge3A_688, %add3A_685, %mul3A_691 : vector<256x128xi1>, vector<256x128xf32>
    %dot_general3A_693 = arith.constant dense<0.000000e+00> : vector<256x24xf32>
    %dot_general3A_694 = tpu.matmul %select_n3A_692, %get3A_12, %dot_general3A_693 {dimension_numbers = #tpu.dot_dimension_numbers<[1], [0], [0], [1], [0, 0, 1, 1], [], []>, transpose_lhs_hint = false} : vector<256x128xf32>, vector<128x24xf32>, vector<256x24xf32> -> vector<256x24xf32>
    %add3A_695 = vector.broadcast %get3A_15 : vector<1x24xf32> to vector<256x24xf32>
    %add3A_696 = arith.addf %dot_general3A_694, %add3A_695 : vector<256x24xf32>
    %ge3A_697 = arith.constant 0.000000e+00 : f32
    %ge3A_698 = vector.broadcast %ge3A_697 : f32 to vector<256x24xf32>
    %ge3A_699 = arith.cmpf oge, %add3A_696, %ge3A_698 : vector<256x24xf32>
    %mul3A_700 = arith.constant 2.000000e-01 : f32
    %mul3A_701 = vector.broadcast %mul3A_700 : f32 to vector<256x24xf32>
    %mul3A_702 = arith.mulf %mul3A_701, %add3A_696 : vector<256x24xf32>
    %select_n3A_703 = arith.select %ge3A_699, %add3A_696, %mul3A_702 : vector<256x24xi1>, vector<256x24xf32>
    %max3A_704 = arith.maximumf %max3A_668, %select_n3A_703 : vector<256x24xf32>
    %get3A_705 = arith.constant 19 : index
    %get3A_706 = arith.constant 0 : index
    %get3A_707 = arith.constant 0 : index
    %get3A_708 = vector.load %arg2[%get3A_705, %get3A_706, %get3A_707] : memref<20x256x128xf32, #tpu.memory_space<vmem>>, vector<1x256x128xf32>
    %get3A_709 = vector.shape_cast %get3A_708 : vector<1x256x128xf32> to vector<256x128xf32>
    %add3A_710 = arith.addf %get3A_709, %add3A_23 : vector<256x128xf32>
    %ge3A_711 = arith.constant 0.000000e+00 : f32
    %ge3A_712 = vector.broadcast %ge3A_711 : f32 to vector<256x128xf32>
    %ge3A_713 = arith.cmpf oge, %add3A_710, %ge3A_712 : vector<256x128xf32>
    %mul3A_714 = arith.constant 2.000000e-01 : f32
    %mul3A_715 = vector.broadcast %mul3A_714 : f32 to vector<256x128xf32>
    %mul3A_716 = arith.mulf %mul3A_715, %add3A_710 : vector<256x128xf32>
    %select_n3A_717 = arith.select %ge3A_713, %add3A_710, %mul3A_716 : vector<256x128xi1>, vector<256x128xf32>
    %dot_general3A_718 = arith.constant dense<0.000000e+00> : vector<256x128xf32>
    %dot_general3A_719 = tpu.matmul %select_n3A_717, %get3A_6, %dot_general3A_718 {dimension_numbers = #tpu.dot_dimension_numbers<[1], [0], [0], [1], [0, 0, 1, 1], [], []>, transpose_lhs_hint = false} : vector<256x128xf32>, vector<128x128xf32>, vector<256x128xf32> -> vector<256x128xf32>
    %add3A_720 = vector.broadcast %get3A_9 : vector<1x128xf32> to vector<256x128xf32>
    %add3A_721 = arith.addf %dot_general3A_719, %add3A_720 : vector<256x128xf32>
    %ge3A_722 = arith.constant 0.000000e+00 : f32
    %ge3A_723 = vector.broadcast %ge3A_722 : f32 to vector<256x128xf32>
    %ge3A_724 = arith.cmpf oge, %add3A_721, %ge3A_723 : vector<256x128xf32>
    %mul3A_725 = arith.constant 2.000000e-01 : f32
    %mul3A_726 = vector.broadcast %mul3A_725 : f32 to vector<256x128xf32>
    %mul3A_727 = arith.mulf %mul3A_726, %add3A_721 : vector<256x128xf32>
    %select_n3A_728 = arith.select %ge3A_724, %add3A_721, %mul3A_727 : vector<256x128xi1>, vector<256x128xf32>
    %dot_general3A_729 = arith.constant dense<0.000000e+00> : vector<256x24xf32>
    %dot_general3A_730 = tpu.matmul %select_n3A_728, %get3A_12, %dot_general3A_729 {dimension_numbers = #tpu.dot_dimension_numbers<[1], [0], [0], [1], [0, 0, 1, 1], [], []>, transpose_lhs_hint = false} : vector<256x128xf32>, vector<128x24xf32>, vector<256x24xf32> -> vector<256x24xf32>
    %add3A_731 = vector.broadcast %get3A_15 : vector<1x24xf32> to vector<256x24xf32>
    %add3A_732 = arith.addf %dot_general3A_730, %add3A_731 : vector<256x24xf32>
    %ge3A_733 = arith.constant 0.000000e+00 : f32
    %ge3A_734 = vector.broadcast %ge3A_733 : f32 to vector<256x24xf32>
    %ge3A_735 = arith.cmpf oge, %add3A_732, %ge3A_734 : vector<256x24xf32>
    %mul3A_736 = arith.constant 2.000000e-01 : f32
    %mul3A_737 = vector.broadcast %mul3A_736 : f32 to vector<256x24xf32>
    %mul3A_738 = arith.mulf %mul3A_737, %add3A_732 : vector<256x24xf32>
    %select_n3A_739 = arith.select %ge3A_735, %add3A_732, %mul3A_738 : vector<256x24xi1>, vector<256x24xf32>
    %max3A_740 = arith.maximumf %max3A_704, %select_n3A_739 : vector<256x24xf32>
    %get3A_741 = arith.constant 0 : index
    %get3A_742 = arith.constant 0 : index
    %get3A_743 = vector.load %arg10[%get3A_741, %get3A_742] : memref<3x128xf32, #tpu.memory_space<vmem>>, vector<3x128xf32>
    %dot_general3A_744 = arith.constant dense<0.000000e+00> : vector<256x128xf32>
    %dot_general3A_745 = tpu.matmul %get3A_3, %get3A_743, %dot_general3A_744 {dimension_numbers = #tpu.dot_dimension_numbers<[1], [0], [0], [1], [0, 0, 1, 1], [], []>, transpose_lhs_hint = false} : vector<256x3xf32>, vector<3x128xf32>, vector<256x128xf32> -> vector<256x128xf32>
    %get3A_746 = arith.constant 0 : index
    %get3A_747 = arith.constant 0 : index
    %get3A_748 = vector.load %arg11[%get3A_746, %get3A_747] : memref<1x128xf32, #tpu.memory_space<vmem>>, vector<1x128xf32>
    %add3A_749 = vector.broadcast %get3A_748 : vector<1x128xf32> to vector<256x128xf32>
    %add3A_750 = arith.addf %dot_general3A_745, %add3A_749 : vector<256x128xf32>
    %get3A_751 = arith.constant 0 : index
    %get3A_752 = arith.constant 0 : index
    %get3A_753 = arith.constant 0 : index
    %get3A_754 = vector.load %arg12[%get3A_751, %get3A_752, %get3A_753] : memref<5x24x128xf32, #tpu.memory_space<vmem>>, vector<1x24x128xf32>
    %get3A_755 = vector.shape_cast %get3A_754 : vector<1x24x128xf32> to vector<24x128xf32>
    %dot_general3A_756 = arith.constant dense<0.000000e+00> : vector<256x128xf32>
    %dot_general3A_757 = tpu.matmul %max3A_740, %get3A_755, %dot_general3A_756 {dimension_numbers = #tpu.dot_dimension_numbers<[1], [0], [0], [1], [0, 0, 1, 1], [], []>, transpose_lhs_hint = false} : vector<256x24xf32>, vector<24x128xf32>, vector<256x128xf32> -> vector<256x128xf32>
    %add3A_758 = arith.addf %add3A_750, %dot_general3A_757 : vector<256x128xf32>
    %get3A_759 = arith.constant 0 : index
    %get3A_760 = arith.constant 0 : index
    %get3A_761 = arith.constant 0 : index
    %get3A_762 = vector.load %arg13[%get3A_759, %get3A_760, %get3A_761] : memref<5x1x128xf32, #tpu.memory_space<vmem>>, vector<1x1x128xf32>
    %get3A_763 = vector.shape_cast %get3A_762 : vector<1x1x128xf32> to vector<1x128xf32>
    %add3A_764 = vector.broadcast %get3A_763 : vector<1x128xf32> to vector<256x128xf32>
    %add3A_765 = arith.addf %add3A_758, %add3A_764 : vector<256x128xf32>
    %max3A_766 = arith.constant 0.000000e+00 : f32
    %max3A_767 = vector.broadcast %max3A_766 : f32 to vector<256x128xf32>
    %max3A_768 = arith.maximumf %add3A_765, %max3A_767 : vector<256x128xf32>
    %get3A_769 = arith.constant 0 : index
    %get3A_770 = arith.constant 0 : index
    %get3A_771 = arith.constant 0 : index
    %get3A_772 = vector.load %arg14[%get3A_769, %get3A_770, %get3A_771] : memref<5x128x128xf32, #tpu.memory_space<vmem>>, vector<1x128x128xf32>
    %get3A_773 = vector.shape_cast %get3A_772 : vector<1x128x128xf32> to vector<128x128xf32>
    %dot_general3A_774 = arith.constant dense<0.000000e+00> : vector<256x128xf32>
    %dot_general3A_775 = tpu.matmul %max3A_768, %get3A_773, %dot_general3A_774 {dimension_numbers = #tpu.dot_dimension_numbers<[1], [0], [0], [1], [0, 0, 1, 1], [], []>, transpose_lhs_hint = false} : vector<256x128xf32>, vector<128x128xf32>, vector<256x128xf32> -> vector<256x128xf32>
    %get3A_776 = arith.constant 0 : index
    %get3A_777 = arith.constant 0 : index
    %get3A_778 = arith.constant 0 : index
    %get3A_779 = vector.load %arg15[%get3A_776, %get3A_777, %get3A_778] : memref<5x1x128xf32, #tpu.memory_space<vmem>>, vector<1x1x128xf32>
    %get3A_780 = vector.shape_cast %get3A_779 : vector<1x1x128xf32> to vector<1x128xf32>
    %add3A_781 = vector.broadcast %get3A_780 : vector<1x128xf32> to vector<256x128xf32>
    %add3A_782 = arith.addf %dot_general3A_775, %add3A_781 : vector<256x128xf32>
    %max3A_783 = arith.constant 0.000000e+00 : f32
    %max3A_784 = vector.broadcast %max3A_783 : f32 to vector<256x128xf32>
    %max3A_785 = arith.maximumf %add3A_782, %max3A_784 : vector<256x128xf32>
    %get3A_786 = arith.constant 0 : index
    %get3A_787 = arith.constant 0 : index
    %get3A_788 = arith.constant 0 : index
    %get3A_789 = vector.load %arg16[%get3A_786, %get3A_787, %get3A_788] : memref<5x128x128xf32, #tpu.memory_space<vmem>>, vector<1x128x128xf32>
    %get3A_790 = vector.shape_cast %get3A_789 : vector<1x128x128xf32> to vector<128x128xf32>
    %dot_general3A_791 = arith.constant dense<0.000000e+00> : vector<256x128xf32>
    %dot_general3A_792 = tpu.matmul %max3A_785, %get3A_790, %dot_general3A_791 {dimension_numbers = #tpu.dot_dimension_numbers<[1], [0], [0], [1], [0, 0, 1, 1], [], []>, transpose_lhs_hint = false} : vector<256x128xf32>, vector<128x128xf32>, vector<256x128xf32> -> vector<256x128xf32>
    %get3A_793 = arith.constant 0 : index
    %get3A_794 = arith.constant 0 : index
    %get3A_795 = arith.constant 0 : index
    %get3A_796 = vector.load %arg17[%get3A_793, %get3A_794, %get3A_795] : memref<5x1x128xf32, #tpu.memory_space<vmem>>, vector<1x1x128xf32>
    %get3A_797 = vector.shape_cast %get3A_796 : vector<1x1x128xf32> to vector<1x128xf32>
    %add3A_798 = vector.broadcast %get3A_797 : vector<1x128xf32> to vector<256x128xf32>
    %add3A_799 = arith.addf %dot_general3A_792, %add3A_798 : vector<256x128xf32>
    %add3A_800 = arith.addf %add3A_765, %add3A_799 : vector<256x128xf32>
    %get3A_801 = arith.constant 1 : index
    %get3A_802 = arith.constant 0 : index
    %get3A_803 = arith.constant 0 : index
    %get3A_804 = vector.load %arg12[%get3A_801, %get3A_802, %get3A_803] : memref<5x24x128xf32, #tpu.memory_space<vmem>>, vector<1x24x128xf32>
    %get3A_805 = vector.shape_cast %get3A_804 : vector<1x24x128xf32> to vector<24x128xf32>
    %dot_general3A_806 = arith.constant dense<0.000000e+00> : vector<256x128xf32>
    %dot_general3A_807 = tpu.matmul %max3A_740, %get3A_805, %dot_general3A_806 {dimension_numbers = #tpu.dot_dimension_numbers<[1], [0], [0], [1], [0, 0, 1, 1], [], []>, transpose_lhs_hint = false} : vector<256x24xf32>, vector<24x128xf32>, vector<256x128xf32> -> vector<256x128xf32>
    %add3A_808 = arith.addf %add3A_800, %dot_general3A_807 : vector<256x128xf32>
    %get3A_809 = arith.constant 1 : index
    %get3A_810 = arith.constant 0 : index
    %get3A_811 = arith.constant 0 : index
    %get3A_812 = vector.load %arg13[%get3A_809, %get3A_810, %get3A_811] : memref<5x1x128xf32, #tpu.memory_space<vmem>>, vector<1x1x128xf32>
    %get3A_813 = vector.shape_cast %get3A_812 : vector<1x1x128xf32> to vector<1x128xf32>
    %add3A_814 = vector.broadcast %get3A_813 : vector<1x128xf32> to vector<256x128xf32>
    %add3A_815 = arith.addf %add3A_808, %add3A_814 : vector<256x128xf32>
    %max3A_816 = arith.constant 0.000000e+00 : f32
    %max3A_817 = vector.broadcast %max3A_816 : f32 to vector<256x128xf32>
    %max3A_818 = arith.maximumf %add3A_815, %max3A_817 : vector<256x128xf32>
    %get3A_819 = arith.constant 1 : index
    %get3A_820 = arith.constant 0 : index
    %get3A_821 = arith.constant 0 : index
    %get3A_822 = vector.load %arg14[%get3A_819, %get3A_820, %get3A_821] : memref<5x128x128xf32, #tpu.memory_space<vmem>>, vector<1x128x128xf32>
    %get3A_823 = vector.shape_cast %get3A_822 : vector<1x128x128xf32> to vector<128x128xf32>
    %dot_general3A_824 = arith.constant dense<0.000000e+00> : vector<256x128xf32>
    %dot_general3A_825 = tpu.matmul %max3A_818, %get3A_823, %dot_general3A_824 {dimension_numbers = #tpu.dot_dimension_numbers<[1], [0], [0], [1], [0, 0, 1, 1], [], []>, transpose_lhs_hint = false} : vector<256x128xf32>, vector<128x128xf32>, vector<256x128xf32> -> vector<256x128xf32>
    %get3A_826 = arith.constant 1 : index
    %get3A_827 = arith.constant 0 : index
    %get3A_828 = arith.constant 0 : index
    %get3A_829 = vector.load %arg15[%get3A_826, %get3A_827, %get3A_828] : memref<5x1x128xf32, #tpu.memory_space<vmem>>, vector<1x1x128xf32>
    %get3A_830 = vector.shape_cast %get3A_829 : vector<1x1x128xf32> to vector<1x128xf32>
    %add3A_831 = vector.broadcast %get3A_830 : vector<1x128xf32> to vector<256x128xf32>
    %add3A_832 = arith.addf %dot_general3A_825, %add3A_831 : vector<256x128xf32>
    %max3A_833 = arith.constant 0.000000e+00 : f32
    %max3A_834 = vector.broadcast %max3A_833 : f32 to vector<256x128xf32>
    %max3A_835 = arith.maximumf %add3A_832, %max3A_834 : vector<256x128xf32>
    %get3A_836 = arith.constant 1 : index
    %get3A_837 = arith.constant 0 : index
    %get3A_838 = arith.constant 0 : index
    %get3A_839 = vector.load %arg16[%get3A_836, %get3A_837, %get3A_838] : memref<5x128x128xf32, #tpu.memory_space<vmem>>, vector<1x128x128xf32>
    %get3A_840 = vector.shape_cast %get3A_839 : vector<1x128x128xf32> to vector<128x128xf32>
    %dot_general3A_841 = arith.constant dense<0.000000e+00> : vector<256x128xf32>
    %dot_general3A_842 = tpu.matmul %max3A_835, %get3A_840, %dot_general3A_841 {dimension_numbers = #tpu.dot_dimension_numbers<[1], [0], [0], [1], [0, 0, 1, 1], [], []>, transpose_lhs_hint = false} : vector<256x128xf32>, vector<128x128xf32>, vector<256x128xf32> -> vector<256x128xf32>
    %get3A_843 = arith.constant 1 : index
    %get3A_844 = arith.constant 0 : index
    %get3A_845 = arith.constant 0 : index
    %get3A_846 = vector.load %arg17[%get3A_843, %get3A_844, %get3A_845] : memref<5x1x128xf32, #tpu.memory_space<vmem>>, vector<1x1x128xf32>
    %get3A_847 = vector.shape_cast %get3A_846 : vector<1x1x128xf32> to vector<1x128xf32>
    %add3A_848 = vector.broadcast %get3A_847 : vector<1x128xf32> to vector<256x128xf32>
    %add3A_849 = arith.addf %dot_general3A_842, %add3A_848 : vector<256x128xf32>
    %add3A_850 = arith.addf %add3A_815, %add3A_849 : vector<256x128xf32>
    %get3A_851 = arith.constant 2 : index
    %get3A_852 = arith.constant 0 : index
    %get3A_853 = arith.constant 0 : index
    %get3A_854 = vector.load %arg12[%get3A_851, %get3A_852, %get3A_853] : memref<5x24x128xf32, #tpu.memory_space<vmem>>, vector<1x24x128xf32>
    %get3A_855 = vector.shape_cast %get3A_854 : vector<1x24x128xf32> to vector<24x128xf32>
    %dot_general3A_856 = arith.constant dense<0.000000e+00> : vector<256x128xf32>
    %dot_general3A_857 = tpu.matmul %max3A_740, %get3A_855, %dot_general3A_856 {dimension_numbers = #tpu.dot_dimension_numbers<[1], [0], [0], [1], [0, 0, 1, 1], [], []>, transpose_lhs_hint = false} : vector<256x24xf32>, vector<24x128xf32>, vector<256x128xf32> -> vector<256x128xf32>
    %add3A_858 = arith.addf %add3A_850, %dot_general3A_857 : vector<256x128xf32>
    %get3A_859 = arith.constant 2 : index
    %get3A_860 = arith.constant 0 : index
    %get3A_861 = arith.constant 0 : index
    %get3A_862 = vector.load %arg13[%get3A_859, %get3A_860, %get3A_861] : memref<5x1x128xf32, #tpu.memory_space<vmem>>, vector<1x1x128xf32>
    %get3A_863 = vector.shape_cast %get3A_862 : vector<1x1x128xf32> to vector<1x128xf32>
    %add3A_864 = vector.broadcast %get3A_863 : vector<1x128xf32> to vector<256x128xf32>
    %add3A_865 = arith.addf %add3A_858, %add3A_864 : vector<256x128xf32>
    %max3A_866 = arith.constant 0.000000e+00 : f32
    %max3A_867 = vector.broadcast %max3A_866 : f32 to vector<256x128xf32>
    %max3A_868 = arith.maximumf %add3A_865, %max3A_867 : vector<256x128xf32>
    %get3A_869 = arith.constant 2 : index
    %get3A_870 = arith.constant 0 : index
    %get3A_871 = arith.constant 0 : index
    %get3A_872 = vector.load %arg14[%get3A_869, %get3A_870, %get3A_871] : memref<5x128x128xf32, #tpu.memory_space<vmem>>, vector<1x128x128xf32>
    %get3A_873 = vector.shape_cast %get3A_872 : vector<1x128x128xf32> to vector<128x128xf32>
    %dot_general3A_874 = arith.constant dense<0.000000e+00> : vector<256x128xf32>
    %dot_general3A_875 = tpu.matmul %max3A_868, %get3A_873, %dot_general3A_874 {dimension_numbers = #tpu.dot_dimension_numbers<[1], [0], [0], [1], [0, 0, 1, 1], [], []>, transpose_lhs_hint = false} : vector<256x128xf32>, vector<128x128xf32>, vector<256x128xf32> -> vector<256x128xf32>
    %get3A_876 = arith.constant 2 : index
    %get3A_877 = arith.constant 0 : index
    %get3A_878 = arith.constant 0 : index
    %get3A_879 = vector.load %arg15[%get3A_876, %get3A_877, %get3A_878] : memref<5x1x128xf32, #tpu.memory_space<vmem>>, vector<1x1x128xf32>
    %get3A_880 = vector.shape_cast %get3A_879 : vector<1x1x128xf32> to vector<1x128xf32>
    %add3A_881 = vector.broadcast %get3A_880 : vector<1x128xf32> to vector<256x128xf32>
    %add3A_882 = arith.addf %dot_general3A_875, %add3A_881 : vector<256x128xf32>
    %max3A_883 = arith.constant 0.000000e+00 : f32
    %max3A_884 = vector.broadcast %max3A_883 : f32 to vector<256x128xf32>
    %max3A_885 = arith.maximumf %add3A_882, %max3A_884 : vector<256x128xf32>
    %get3A_886 = arith.constant 2 : index
    %get3A_887 = arith.constant 0 : index
    %get3A_888 = arith.constant 0 : index
    %get3A_889 = vector.load %arg16[%get3A_886, %get3A_887, %get3A_888] : memref<5x128x128xf32, #tpu.memory_space<vmem>>, vector<1x128x128xf32>
    %get3A_890 = vector.shape_cast %get3A_889 : vector<1x128x128xf32> to vector<128x128xf32>
    %dot_general3A_891 = arith.constant dense<0.000000e+00> : vector<256x128xf32>
    %dot_general3A_892 = tpu.matmul %max3A_885, %get3A_890, %dot_general3A_891 {dimension_numbers = #tpu.dot_dimension_numbers<[1], [0], [0], [1], [0, 0, 1, 1], [], []>, transpose_lhs_hint = false} : vector<256x128xf32>, vector<128x128xf32>, vector<256x128xf32> -> vector<256x128xf32>
    %get3A_893 = arith.constant 2 : index
    %get3A_894 = arith.constant 0 : index
    %get3A_895 = arith.constant 0 : index
    %get3A_896 = vector.load %arg17[%get3A_893, %get3A_894, %get3A_895] : memref<5x1x128xf32, #tpu.memory_space<vmem>>, vector<1x1x128xf32>
    %get3A_897 = vector.shape_cast %get3A_896 : vector<1x1x128xf32> to vector<1x128xf32>
    %add3A_898 = vector.broadcast %get3A_897 : vector<1x128xf32> to vector<256x128xf32>
    %add3A_899 = arith.addf %dot_general3A_892, %add3A_898 : vector<256x128xf32>
    %add3A_900 = arith.addf %add3A_865, %add3A_899 : vector<256x128xf32>
    %get3A_901 = arith.constant 3 : index
    %get3A_902 = arith.constant 0 : index
    %get3A_903 = arith.constant 0 : index
    %get3A_904 = vector.load %arg12[%get3A_901, %get3A_902, %get3A_903] : memref<5x24x128xf32, #tpu.memory_space<vmem>>, vector<1x24x128xf32>
    %get3A_905 = vector.shape_cast %get3A_904 : vector<1x24x128xf32> to vector<24x128xf32>
    %dot_general3A_906 = arith.constant dense<0.000000e+00> : vector<256x128xf32>
    %dot_general3A_907 = tpu.matmul %max3A_740, %get3A_905, %dot_general3A_906 {dimension_numbers = #tpu.dot_dimension_numbers<[1], [0], [0], [1], [0, 0, 1, 1], [], []>, transpose_lhs_hint = false} : vector<256x24xf32>, vector<24x128xf32>, vector<256x128xf32> -> vector<256x128xf32>
    %add3A_908 = arith.addf %add3A_900, %dot_general3A_907 : vector<256x128xf32>
    %get3A_909 = arith.constant 3 : index
    %get3A_910 = arith.constant 0 : index
    %get3A_911 = arith.constant 0 : index
    %get3A_912 = vector.load %arg13[%get3A_909, %get3A_910, %get3A_911] : memref<5x1x128xf32, #tpu.memory_space<vmem>>, vector<1x1x128xf32>
    %get3A_913 = vector.shape_cast %get3A_912 : vector<1x1x128xf32> to vector<1x128xf32>
    %add3A_914 = vector.broadcast %get3A_913 : vector<1x128xf32> to vector<256x128xf32>
    %add3A_915 = arith.addf %add3A_908, %add3A_914 : vector<256x128xf32>
    %max3A_916 = arith.constant 0.000000e+00 : f32
    %max3A_917 = vector.broadcast %max3A_916 : f32 to vector<256x128xf32>
    %max3A_918 = arith.maximumf %add3A_915, %max3A_917 : vector<256x128xf32>
    %get3A_919 = arith.constant 3 : index
    %get3A_920 = arith.constant 0 : index
    %get3A_921 = arith.constant 0 : index
    %get3A_922 = vector.load %arg14[%get3A_919, %get3A_920, %get3A_921] : memref<5x128x128xf32, #tpu.memory_space<vmem>>, vector<1x128x128xf32>
    %get3A_923 = vector.shape_cast %get3A_922 : vector<1x128x128xf32> to vector<128x128xf32>
    %dot_general3A_924 = arith.constant dense<0.000000e+00> : vector<256x128xf32>
    %dot_general3A_925 = tpu.matmul %max3A_918, %get3A_923, %dot_general3A_924 {dimension_numbers = #tpu.dot_dimension_numbers<[1], [0], [0], [1], [0, 0, 1, 1], [], []>, transpose_lhs_hint = false} : vector<256x128xf32>, vector<128x128xf32>, vector<256x128xf32> -> vector<256x128xf32>
    %get3A_926 = arith.constant 3 : index
    %get3A_927 = arith.constant 0 : index
    %get3A_928 = arith.constant 0 : index
    %get3A_929 = vector.load %arg15[%get3A_926, %get3A_927, %get3A_928] : memref<5x1x128xf32, #tpu.memory_space<vmem>>, vector<1x1x128xf32>
    %get3A_930 = vector.shape_cast %get3A_929 : vector<1x1x128xf32> to vector<1x128xf32>
    %add3A_931 = vector.broadcast %get3A_930 : vector<1x128xf32> to vector<256x128xf32>
    %add3A_932 = arith.addf %dot_general3A_925, %add3A_931 : vector<256x128xf32>
    %max3A_933 = arith.constant 0.000000e+00 : f32
    %max3A_934 = vector.broadcast %max3A_933 : f32 to vector<256x128xf32>
    %max3A_935 = arith.maximumf %add3A_932, %max3A_934 : vector<256x128xf32>
    %get3A_936 = arith.constant 3 : index
    %get3A_937 = arith.constant 0 : index
    %get3A_938 = arith.constant 0 : index
    %get3A_939 = vector.load %arg16[%get3A_936, %get3A_937, %get3A_938] : memref<5x128x128xf32, #tpu.memory_space<vmem>>, vector<1x128x128xf32>
    %get3A_940 = vector.shape_cast %get3A_939 : vector<1x128x128xf32> to vector<128x128xf32>
    %dot_general3A_941 = arith.constant dense<0.000000e+00> : vector<256x128xf32>
    %dot_general3A_942 = tpu.matmul %max3A_935, %get3A_940, %dot_general3A_941 {dimension_numbers = #tpu.dot_dimension_numbers<[1], [0], [0], [1], [0, 0, 1, 1], [], []>, transpose_lhs_hint = false} : vector<256x128xf32>, vector<128x128xf32>, vector<256x128xf32> -> vector<256x128xf32>
    %get3A_943 = arith.constant 3 : index
    %get3A_944 = arith.constant 0 : index
    %get3A_945 = arith.constant 0 : index
    %get3A_946 = vector.load %arg17[%get3A_943, %get3A_944, %get3A_945] : memref<5x1x128xf32, #tpu.memory_space<vmem>>, vector<1x1x128xf32>
    %get3A_947 = vector.shape_cast %get3A_946 : vector<1x1x128xf32> to vector<1x128xf32>
    %add3A_948 = vector.broadcast %get3A_947 : vector<1x128xf32> to vector<256x128xf32>
    %add3A_949 = arith.addf %dot_general3A_942, %add3A_948 : vector<256x128xf32>
    %add3A_950 = arith.addf %add3A_915, %add3A_949 : vector<256x128xf32>
    %get3A_951 = arith.constant 4 : index
    %get3A_952 = arith.constant 0 : index
    %get3A_953 = arith.constant 0 : index
    %get3A_954 = vector.load %arg12[%get3A_951, %get3A_952, %get3A_953] : memref<5x24x128xf32, #tpu.memory_space<vmem>>, vector<1x24x128xf32>
    %get3A_955 = vector.shape_cast %get3A_954 : vector<1x24x128xf32> to vector<24x128xf32>
    %dot_general3A_956 = arith.constant dense<0.000000e+00> : vector<256x128xf32>
    %dot_general3A_957 = tpu.matmul %max3A_740, %get3A_955, %dot_general3A_956 {dimension_numbers = #tpu.dot_dimension_numbers<[1], [0], [0], [1], [0, 0, 1, 1], [], []>, transpose_lhs_hint = false} : vector<256x24xf32>, vector<24x128xf32>, vector<256x128xf32> -> vector<256x128xf32>
    %add3A_958 = arith.addf %add3A_950, %dot_general3A_957 : vector<256x128xf32>
    %get3A_959 = arith.constant 4 : index
    %get3A_960 = arith.constant 0 : index
    %get3A_961 = arith.constant 0 : index
    %get3A_962 = vector.load %arg13[%get3A_959, %get3A_960, %get3A_961] : memref<5x1x128xf32, #tpu.memory_space<vmem>>, vector<1x1x128xf32>
    %get3A_963 = vector.shape_cast %get3A_962 : vector<1x1x128xf32> to vector<1x128xf32>
    %add3A_964 = vector.broadcast %get3A_963 : vector<1x128xf32> to vector<256x128xf32>
    %add3A_965 = arith.addf %add3A_958, %add3A_964 : vector<256x128xf32>
    %max3A_966 = arith.constant 0.000000e+00 : f32
    %max3A_967 = vector.broadcast %max3A_966 : f32 to vector<256x128xf32>
    %max3A_968 = arith.maximumf %add3A_965, %max3A_967 : vector<256x128xf32>
    %get3A_969 = arith.constant 4 : index
    %get3A_970 = arith.constant 0 : index
    %get3A_971 = arith.constant 0 : index
    %get3A_972 = vector.load %arg14[%get3A_969, %get3A_970, %get3A_971] : memref<5x128x128xf32, #tpu.memory_space<vmem>>, vector<1x128x128xf32>
    %get3A_973 = vector.shape_cast %get3A_972 : vector<1x128x128xf32> to vector<128x128xf32>
    %dot_general3A_974 = arith.constant dense<0.000000e+00> : vector<256x128xf32>
    %dot_general3A_975 = tpu.matmul %max3A_968, %get3A_973, %dot_general3A_974 {dimension_numbers = #tpu.dot_dimension_numbers<[1], [0], [0], [1], [0, 0, 1, 1], [], []>, transpose_lhs_hint = false} : vector<256x128xf32>, vector<128x128xf32>, vector<256x128xf32> -> vector<256x128xf32>
    %get3A_976 = arith.constant 4 : index
    %get3A_977 = arith.constant 0 : index
    %get3A_978 = arith.constant 0 : index
    %get3A_979 = vector.load %arg15[%get3A_976, %get3A_977, %get3A_978] : memref<5x1x128xf32, #tpu.memory_space<vmem>>, vector<1x1x128xf32>
    %get3A_980 = vector.shape_cast %get3A_979 : vector<1x1x128xf32> to vector<1x128xf32>
    %add3A_981 = vector.broadcast %get3A_980 : vector<1x128xf32> to vector<256x128xf32>
    %add3A_982 = arith.addf %dot_general3A_975, %add3A_981 : vector<256x128xf32>
    %max3A_983 = arith.constant 0.000000e+00 : f32
    %max3A_984 = vector.broadcast %max3A_983 : f32 to vector<256x128xf32>
    %max3A_985 = arith.maximumf %add3A_982, %max3A_984 : vector<256x128xf32>
    %get3A_986 = arith.constant 4 : index
    %get3A_987 = arith.constant 0 : index
    %get3A_988 = arith.constant 0 : index
    %get3A_989 = vector.load %arg16[%get3A_986, %get3A_987, %get3A_988] : memref<5x128x128xf32, #tpu.memory_space<vmem>>, vector<1x128x128xf32>
    %get3A_990 = vector.shape_cast %get3A_989 : vector<1x128x128xf32> to vector<128x128xf32>
    %dot_general3A_991 = arith.constant dense<0.000000e+00> : vector<256x128xf32>
    %dot_general3A_992 = tpu.matmul %max3A_985, %get3A_990, %dot_general3A_991 {dimension_numbers = #tpu.dot_dimension_numbers<[1], [0], [0], [1], [0, 0, 1, 1], [], []>, transpose_lhs_hint = false} : vector<256x128xf32>, vector<128x128xf32>, vector<256x128xf32> -> vector<256x128xf32>
    %get3A_993 = arith.constant 4 : index
    %get3A_994 = arith.constant 0 : index
    %get3A_995 = arith.constant 0 : index
    %get3A_996 = vector.load %arg17[%get3A_993, %get3A_994, %get3A_995] : memref<5x1x128xf32, #tpu.memory_space<vmem>>, vector<1x1x128xf32>
    %get3A_997 = vector.shape_cast %get3A_996 : vector<1x1x128xf32> to vector<1x128xf32>
    %add3A_998 = vector.broadcast %get3A_997 : vector<1x128xf32> to vector<256x128xf32>
    %add3A_999 = arith.addf %dot_general3A_992, %add3A_998 : vector<256x128xf32>
    %add3A_1000 = arith.addf %add3A_965, %add3A_999 : vector<256x128xf32>
    %max3A_1001 = arith.constant 0.000000e+00 : f32
    %max3A_1002 = vector.broadcast %max3A_1001 : f32 to vector<256x128xf32>
    %max3A_1003 = arith.maximumf %add3A_1000, %max3A_1002 : vector<256x128xf32>
    %get3A_1004 = arith.constant 0 : index
    %get3A_1005 = arith.constant 0 : index
    %get3A_1006 = vector.load %arg18[%get3A_1004, %get3A_1005] : memref<1x128xf32, #tpu.memory_space<vmem>>, vector<1x128xf32>
    %mul3A_1007 = vector.broadcast %get3A_1006 : vector<1x128xf32> to vector<256x128xf32>
    %mul3A_1008 = arith.mulf %max3A_1003, %mul3A_1007 : vector<256x128xf32>
    %reduce_sum3A = arith.constant dense<0.000000e+00> : vector<256xf32>
    %reduce_sum3A_1009 = vector.multi_reduction <add>, %mul3A_1008, %reduce_sum3A [1] : vector<256x128xf32> to vector<256xf32>
    %broadcast_in_dim3A_1010 = vector.shape_cast %reduce_sum3A_1009 : vector<256xf32> to vector<256x1xf32>
    %get3A_1011 = arith.constant 0 : index
    %get3A_1012 = arith.constant 0 : index
    %get3A_1013 = vector.load %arg19[%get3A_1011, %get3A_1012] : memref<1x1xf32, #tpu.memory_space<vmem>>, vector<1x1xf32>
    %add3A_1014 = vector.broadcast %get3A_1013 : vector<1x1xf32> to vector<256x1xf32>
    %add3A_1015 = arith.addf %broadcast_in_dim3A_1010, %add3A_1014 : vector<256x1xf32>
    %swap3A = arith.constant 0 : index
    %swap3A_1016 = arith.constant 0 : index
    %swap3A_1017 = arith.constant 0 : index
    %swap3A_1018 = arith.constant 0 : index
    %swap3A_1019 = vector.load %arg20[%swap3A, %swap3A_1016, %swap3A_1017, %swap3A_1018] : memref<1x1x256x1xf32, #tpu.memory_space<vmem>>, vector<1x1x256x1xf32>
    %swap3A_1020 = vector.shape_cast %swap3A_1019 : vector<1x1x256x1xf32> to vector<256x1xf32>
    %swap3A_1021 = vector.shape_cast %add3A_1015 : vector<256x1xf32> to vector<1x1x256x1xf32>
    tpu.vector_store %arg20[%swap3A, %swap3A_1016, %swap3A_1017, %swap3A_1018], %swap3A_1021 {strides = array<i32>} : memref<1x1x256x1xf32, #tpu.memory_space<vmem>>, vector<1x1x256x1xf32>,
    return
  }
  func.func @transform_0(%arg0: i32, %arg1: i32) -> (i32, i32, i32) {
    %mul3A = arith.constant 4 : i32
    %mul3A_0 = arith.muli %arg0, %mul3A : i32
    %add3A = arith.addi %mul3A_0, %arg1 : i32
    %c0_i32 = arith.constant 0 : i32
    %c0_i32_1 = arith.constant 0 : i32
    %c0_i32_2 = arith.constant 0 : i32
    return %add3A, %c0_i32, %c0_i32_1 : i32, i32, i32
  }
  func.func @transform_1(%arg0: i32, %arg1: i32) -> (i32, i32, i32) {
    %c0_i32 = arith.constant 0 : i32
    %c0_i32_0 = arith.constant 0 : i32
    return %arg0, %arg1, %c0_i32 : i32, i32, i32
  }
  func.func @transform_2(%arg0: i32, %arg1: i32) -> (i32, i32) {
    %c0_i32 = arith.constant 0 : i32
    %c0_i32_0 = arith.constant 0 : i32
    %c0_i32_1 = arith.constant 0 : i32
    return %c0_i32, %c0_i32_0 : i32, i32
  }
  func.func @transform_3(%arg0: i32, %arg1: i32) -> (i32, i32) {
    %c0_i32 = arith.constant 0 : i32
    %c0_i32_0 = arith.constant 0 : i32
    %c0_i32_1 = arith.constant 0 : i32
    return %c0_i32, %c0_i32_0 : i32, i32
  }
  func.func @transform_4(%arg0: i32, %arg1: i32) -> (i32, i32) {
    %c0_i32 = arith.constant 0 : i32
    %c0_i32_0 = arith.constant 0 : i32
    %c0_i32_1 = arith.constant 0 : i32
    return %c0_i32, %c0_i32_0 : i32, i32
  }
  func.func @transform_5(%arg0: i32, %arg1: i32) -> (i32, i32) {
    %c0_i32 = arith.constant 0 : i32
    %c0_i32_0 = arith.constant 0 : i32
    %c0_i32_1 = arith.constant 0 : i32
    return %c0_i32, %c0_i32_0 : i32, i32
  }
  func.func @transform_6(%arg0: i32, %arg1: i32) -> (i32, i32) {
    %c0_i32 = arith.constant 0 : i32
    %c0_i32_0 = arith.constant 0 : i32
    %c0_i32_1 = arith.constant 0 : i32
    return %c0_i32, %c0_i32_0 : i32, i32
  }
  func.func @transform_7(%arg0: i32, %arg1: i32) -> (i32, i32) {
    %c0_i32 = arith.constant 0 : i32
    %c0_i32_0 = arith.constant 0 : i32
    %c0_i32_1 = arith.constant 0 : i32
    return %c0_i32, %c0_i32_0 : i32, i32
  }
  func.func @transform_8(%arg0: i32, %arg1: i32) -> (i32, i32) {
    %c0_i32 = arith.constant 0 : i32
    %c0_i32_0 = arith.constant 0 : i32
    %c0_i32_1 = arith.constant 0 : i32
    return %c0_i32, %c0_i32_0 : i32, i32
  }
  func.func @transform_9(%arg0: i32, %arg1: i32) -> (i32, i32) {
    %c0_i32 = arith.constant 0 : i32
    %c0_i32_0 = arith.constant 0 : i32
    %c0_i32_1 = arith.constant 0 : i32
    return %c0_i32, %c0_i32_0 : i32, i32
  }
  func.func @transform_10(%arg0: i32, %arg1: i32) -> (i32, i32, i32) {
    %c0_i32 = arith.constant 0 : i32
    %c0_i32_0 = arith.constant 0 : i32
    %c0_i32_1 = arith.constant 0 : i32
    %c0_i32_2 = arith.constant 0 : i32
    return %c0_i32, %c0_i32_0, %c0_i32_1 : i32, i32, i32
  }
  func.func @transform_11(%arg0: i32, %arg1: i32) -> (i32, i32, i32) {
    %c0_i32 = arith.constant 0 : i32
    %c0_i32_0 = arith.constant 0 : i32
    %c0_i32_1 = arith.constant 0 : i32
    %c0_i32_2 = arith.constant 0 : i32
    return %c0_i32, %c0_i32_0, %c0_i32_1 : i32, i32, i32
  }
  func.func @transform_12(%arg0: i32, %arg1: i32) -> (i32, i32, i32) {
    %c0_i32 = arith.constant 0 : i32
    %c0_i32_0 = arith.constant 0 : i32
    %c0_i32_1 = arith.constant 0 : i32
    %c0_i32_2 = arith.constant 0 : i32
    return %c0_i32, %c0_i32_0, %c0_i32_1 : i32, i32, i32
  }
  func.func @transform_13(%arg0: i32, %arg1: i32) -> (i32, i32, i32) {
    %c0_i32 = arith.constant 0 : i32
    %c0_i32_0 = arith.constant 0 : i32
    %c0_i32_1 = arith.constant 0 : i32
    %c0_i32_2 = arith.constant 0 : i32
    return %c0_i32, %c0_i32_0, %c0_i32_1 : i32, i32, i32
  }
  func.func @transform_14(%arg0: i32, %arg1: i32) -> (i32, i32, i32) {
    %c0_i32 = arith.constant 0 : i32
    %c0_i32_0 = arith.constant 0 : i32
    %c0_i32_1 = arith.constant 0 : i32
    %c0_i32_2 = arith.constant 0 : i32
    return %c0_i32, %c0_i32_0, %c0_i32_1 : i32, i32, i32
  }
  func.func @transform_15(%arg0: i32, %arg1: i32) -> (i32, i32, i32) {
    %c0_i32 = arith.constant 0 : i32
    %c0_i32_0 = arith.constant 0 : i32
    %c0_i32_1 = arith.constant 0 : i32
    %c0_i32_2 = arith.constant 0 : i32
    return %c0_i32, %c0_i32_0, %c0_i32_1 : i32, i32, i32
  }
  func.func @transform_16(%arg0: i32, %arg1: i32) -> (i32, i32) {
    %c0_i32 = arith.constant 0 : i32
    %c0_i32_0 = arith.constant 0 : i32
    %c0_i32_1 = arith.constant 0 : i32
    return %c0_i32, %c0_i32_0 : i32, i32
  }
  func.func @transform_17(%arg0: i32, %arg1: i32) -> (i32, i32) {
    %c0_i32 = arith.constant 0 : i32
    %c0_i32_0 = arith.constant 0 : i32
    %c0_i32_1 = arith.constant 0 : i32
    return %c0_i32, %c0_i32_0 : i32, i32
  }
  func.func @transform_18(%arg0: i32, %arg1: i32) -> (i32, i32, i32, i32) {
    %c0_i32 = arith.constant 0 : i32
    %c0_i32_0 = arith.constant 0 : i32
    %c0_i32_1 = arith.constant 0 : i32
    return %arg0, %arg1, %c0_i32, %c0_i32_0 : i32, i32, i32, i32
  }
}

module attributes {stable_mosaic.version = 14 : i64} {
  func.func @_decode_kernel(%arg0: i32, %arg1: i32, %arg2: memref<20x256x128xf32, #tpu.memory_space<vmem>>, %arg3: memref<1x256x3xf32, #tpu.memory_space<vmem>>, %arg4: memref<3x128xf32, #tpu.memory_space<vmem>>, %arg5: memref<1x128xf32, #tpu.memory_space<vmem>>, %arg6: memref<128x128xf32, #tpu.memory_space<vmem>>, %arg7: memref<1x128xf32, #tpu.memory_space<vmem>>, %arg8: memref<128x24xf32, #tpu.memory_space<vmem>>, %arg9: memref<1x24xf32, #tpu.memory_space<vmem>>, %arg10: memref<3x128xf32, #tpu.memory_space<vmem>>, %arg11: memref<1x128xf32, #tpu.memory_space<vmem>>, %arg12: memref<5x24x128xf32, #tpu.memory_space<vmem>>, %arg13: memref<5x1x128xf32, #tpu.memory_space<vmem>>, %arg14: memref<5x128x128xf32, #tpu.memory_space<vmem>>, %arg15: memref<5x1x128xf32, #tpu.memory_space<vmem>>, %arg16: memref<5x128x128xf32, #tpu.memory_space<vmem>>, %arg17: memref<5x1x128xf32, #tpu.memory_space<vmem>>, %arg18: memref<1x128xf32, #tpu.memory_space<vmem>>, %arg19: memref<1x1xf32, #tpu.memory_space<vmem>>, %arg20: memref<1x1x256x1xf32, #tpu.memory_space<vmem>>) attributes {dimension_semantics = [#tpu.dimension_semantics<arbitrary>, #tpu.dimension_semantics<arbitrary>], iteration_bounds = array<i64: 2, 16>, scalar_prefetch = 0 : i64, scratch_operands = 0 : i64, tpu.core_type = #tpu.core_type<tc>, window_params = [{transform_indices = @transform_0, window_bounds = array<i64: 20, 256, 128>}, {transform_indices = @transform_1, window_bounds = array<i64: 1, 256, 3>}, {pipeline_mode = #tpu.pipeline_mode<synchronous>, transform_indices = @transform_2, window_bounds = array<i64: 3, 128>}, {pipeline_mode = #tpu.pipeline_mode<synchronous>, transform_indices = @transform_3, window_bounds = array<i64: 1, 128>}, {pipeline_mode = #tpu.pipeline_mode<synchronous>, transform_indices = @transform_4, window_bounds = array<i64: 128, 128>}, {pipeline_mode = #tpu.pipeline_mode<synchronous>, transform_indices = @transform_5, window_bounds = array<i64: 1, 128>}, {pipeline_mode = #tpu.pipeline_mode<synchronous>, transform_indices = @transform_6, window_bounds = array<i64: 128, 24>}, {pipeline_mode = #tpu.pipeline_mode<synchronous>, transform_indices = @transform_7, window_bounds = array<i64: 1, 24>}, {pipeline_mode = #tpu.pipeline_mode<synchronous>, transform_indices = @transform_8, window_bounds = array<i64: 3, 128>}, {pipeline_mode = #tpu.pipeline_mode<synchronous>, transform_indices = @transform_9, window_bounds = array<i64: 1, 128>}, {pipeline_mode = #tpu.pipeline_mode<synchronous>, transform_indices = @transform_10, window_bounds = array<i64: 5, 24, 128>}, {pipeline_mode = #tpu.pipeline_mode<synchronous>, transform_indices = @transform_11, window_bounds = array<i64: 5, 1, 128>}, {pipeline_mode = #tpu.pipeline_mode<synchronous>, transform_indices = @transform_12, window_bounds = array<i64: 5, 128, 128>}, {pipeline_mode = #tpu.pipeline_mode<synchronous>, transform_indices = @transform_13, window_bounds = array<i64: 5, 1, 128>}, {pipeline_mode = #tpu.pipeline_mode<synchronous>, transform_indices = @transform_14, window_bounds = array<i64: 5, 128, 128>}, {pipeline_mode = #tpu.pipeline_mode<synchronous>, transform_indices = @transform_15, window_bounds = array<i64: 5, 1, 128>}, {pipeline_mode = #tpu.pipeline_mode<synchronous>, transform_indices = @transform_16, window_bounds = array<i64: 1, 128>}, {pipeline_mode = #tpu.pipeline_mode<synchronous>, transform_indices = @transform_17, window_bounds = array<i64: 1, 1>}, {transform_indices = @transform_18, window_bounds = array<i64: 1, 1, 256, 1>}]} {
    %get3A = arith.constant 0 : index
    %get3A_0 = arith.constant 0 : index
    %get3A_1 = arith.constant 0 : index
    %get3A_2 = vector.load %arg3[%get3A, %get3A_0, %get3A_1] : memref<1x256x3xf32, #tpu.memory_space<vmem>>, vector<1x256x3xf32>
    %get3A_3 = vector.shape_cast %get3A_2 : vector<1x256x3xf32> to vector<256x3xf32>
    %get3A_4 = arith.constant 0 : index
    %get3A_5 = arith.constant 0 : index
    %get3A_6 = vector.load %arg6[%get3A_4, %get3A_5] : memref<128x128xf32, #tpu.memory_space<vmem>>, vector<128x128xf32>
    %get3A_7 = arith.constant 0 : index
    %get3A_8 = arith.constant 0 : index
    %get3A_9 = vector.load %arg7[%get3A_7, %get3A_8] : memref<1x128xf32, #tpu.memory_space<vmem>>, vector<1x128xf32>
    %get3A_10 = arith.constant 0 : index
    %get3A_11 = arith.constant 0 : index
    %get3A_12 = vector.load %arg8[%get3A_10, %get3A_11] : memref<128x24xf32, #tpu.memory_space<vmem>>, vector<128x24xf32>
    %get3A_13 = arith.constant 0 : index
    %get3A_14 = arith.constant 0 : index
    %get3A_15 = vector.load %arg9[%get3A_13, %get3A_14] : memref<1x24xf32, #tpu.memory_space<vmem>>, vector<1x24xf32>
    %get3A_16 = arith.constant 0 : index
    %get3A_17 = arith.constant 0 : index
    %get3A_18 = vector.load %arg4[%get3A_16, %get3A_17] : memref<3x128xf32, #tpu.memory_space<vmem>>, vector<3x128xf32>
    %dot_general3A = arith.constant dense<0.000000e+00> : vector<256x128xf32>
    %dot_general3A_19 = tpu.matmul %get3A_3, %get3A_18, %dot_general3A {dimension_numbers = #tpu.dot_dimension_numbers<[1], [0], [0], [1], [0, 0, 1, 1], [], []>, transpose_lhs_hint = false} : vector<256x3xf32>, vector<3x128xf32>, vector<256x128xf32> -> vector<256x128xf32>
    %get3A_20 = arith.constant 0 : index
    %get3A_21 = arith.constant 0 : index
    %get3A_22 = vector.load %arg5[%get3A_20, %get3A_21] : memref<1x128xf32, #tpu.memory_space<vmem>>, vector<1x128xf32>
    %add3A = vector.broadcast %get3A_22 : vector<1x128xf32> to vector<256x128xf32>
    %add3A_23 = arith.addf %dot_general3A_19, %add3A : vector<256x128xf32>
    %broadcast_in_dim3A = arith.constant 0xFF800000 : f32
    %broadcast_in_dim3A_24 = vector.broadcast %broadcast_in_dim3A : f32 to vector<256x24xf32>
    %get3A_25 = arith.constant 0 : index
    %get3A_26 = arith.constant 0 : index
    %get3A_27 = arith.constant 0 : index
    %get3A_28 = vector.load %arg2[%get3A_25, %get3A_26, %get3A_27] : memref<20x256x128xf32, #tpu.memory_space<vmem>>, vector<1x256x128xf32>
    %get3A_29 = vector.shape_cast %get3A_28 : vector<1x256x128xf32> to vector<256x128xf32>
    %add3A_30 = arith.addf %get3A_29, %add3A_23 : vector<256x128xf32>
    %ge3A = arith.constant 0.000000e+00 : f32
    %ge3A_31 = vector.broadcast %ge3A : f32 to vector<256x128xf32>
    %ge3A_32 = arith.cmpf oge, %add3A_30, %ge3A_31 : vector<256x128xf32>
    %mul3A = arith.constant 2.000000e-01 : f32
    %mul3A_33 = vector.broadcast %mul3A : f32 to vector<256x128xf32>
    %mul3A_34 = arith.mulf %mul3A_33, %add3A_30 : vector<256x128xf32>
    %select_n3A = arith.select %ge3A_32, %add3A_30, %mul3A_34 : vector<256x128xi1>, vector<256x128xf32>
    %dot_general3A_35 = arith.constant dense<0.000000e+00> : vector<256x128xf32>
    %dot_general3A_36 = tpu.matmul %select_n3A, %get3A_6, %dot_general3A_35 {dimension_numbers = #tpu.dot_dimension_numbers<[1], [0], [0], [1], [0, 0, 1, 1], [], []>, transpose_lhs_hint = false} : vector<256x128xf32>, vector<128x128xf32>, vector<256x128xf32> -> vector<256x128xf32>
    %add3A_37 = vector.broadcast %get3A_9 : vector<1x128xf32> to vector<256x128xf32>
    %add3A_38 = arith.addf %dot_general3A_36, %add3A_37 : vector<256x128xf32>
    %ge3A_39 = arith.constant 0.000000e+00 : f32
    %ge3A_40 = vector.broadcast %ge3A_39 : f32 to vector<256x128xf32>
    %ge3A_41 = arith.cmpf oge, %add3A_38, %ge3A_40 : vector<256x128xf32>
    %mul3A_42 = arith.constant 2.000000e-01 : f32
    %mul3A_43 = vector.broadcast %mul3A_42 : f32 to vector<256x128xf32>
    %mul3A_44 = arith.mulf %mul3A_43, %add3A_38 : vector<256x128xf32>
    %select_n3A_45 = arith.select %ge3A_41, %add3A_38, %mul3A_44 : vector<256x128xi1>, vector<256x128xf32>
    %dot_general3A_46 = arith.constant dense<0.000000e+00> : vector<256x24xf32>
    %dot_general3A_47 = tpu.matmul %select_n3A_45, %get3A_12, %dot_general3A_46 {dimension_numbers = #tpu.dot_dimension_numbers<[1], [0], [0], [1], [0, 0, 1, 1], [], []>, transpose_lhs_hint = false} : vector<256x128xf32>, vector<128x24xf32>, vector<256x24xf32> -> vector<256x24xf32>
    %add3A_48 = vector.broadcast %get3A_15 : vector<1x24xf32> to vector<256x24xf32>
    %add3A_49 = arith.addf %dot_general3A_47, %add3A_48 : vector<256x24xf32>
    %ge3A_50 = arith.constant 0.000000e+00 : f32
    %ge3A_51 = vector.broadcast %ge3A_50 : f32 to vector<256x24xf32>
    %ge3A_52 = arith.cmpf oge, %add3A_49, %ge3A_51 : vector<256x24xf32>
    %mul3A_53 = arith.constant 2.000000e-01 : f32
    %mul3A_54 = vector.broadcast %mul3A_53 : f32 to vector<256x24xf32>
    %mul3A_55 = arith.mulf %mul3A_54, %add3A_49 : vector<256x24xf32>
    %select_n3A_56 = arith.select %ge3A_52, %add3A_49, %mul3A_55 : vector<256x24xi1>, vector<256x24xf32>
    %max3A = arith.maximumf %broadcast_in_dim3A_24, %select_n3A_56 : vector<256x24xf32>
    %get3A_57 = arith.constant 1 : index
    %get3A_58 = arith.constant 0 : index
    %get3A_59 = arith.constant 0 : index
    %get3A_60 = vector.load %arg2[%get3A_57, %get3A_58, %get3A_59] : memref<20x256x128xf32, #tpu.memory_space<vmem>>, vector<1x256x128xf32>
    %get3A_61 = vector.shape_cast %get3A_60 : vector<1x256x128xf32> to vector<256x128xf32>
    %add3A_62 = arith.addf %get3A_61, %add3A_23 : vector<256x128xf32>
    %ge3A_63 = arith.constant 0.000000e+00 : f32
    %ge3A_64 = vector.broadcast %ge3A_63 : f32 to vector<256x128xf32>
    %ge3A_65 = arith.cmpf oge, %add3A_62, %ge3A_64 : vector<256x128xf32>
    %mul3A_66 = arith.constant 2.000000e-01 : f32
    %mul3A_67 = vector.broadcast %mul3A_66 : f32 to vector<256x128xf32>
    %mul3A_68 = arith.mulf %mul3A_67, %add3A_62 : vector<256x128xf32>
    %select_n3A_69 = arith.select %ge3A_65, %add3A_62, %mul3A_68 : vector<256x128xi1>, vector<256x128xf32>
    %dot_general3A_70 = arith.constant dense<0.000000e+00> : vector<256x128xf32>
    %dot_general3A_71 = tpu.matmul %select_n3A_69, %get3A_6, %dot_general3A_70 {dimension_numbers = #tpu.dot_dimension_numbers<[1], [0], [0], [1], [0, 0, 1, 1], [], []>, transpose_lhs_hint = false} : vector<256x128xf32>, vector<128x128xf32>, vector<256x128xf32> -> vector<256x128xf32>
    %add3A_72 = vector.broadcast %get3A_9 : vector<1x128xf32> to vector<256x128xf32>
    %add3A_73 = arith.addf %dot_general3A_71, %add3A_72 : vector<256x128xf32>
    %ge3A_74 = arith.constant 0.000000e+00 : f32
    %ge3A_75 = vector.broadcast %ge3A_74 : f32 to vector<256x128xf32>
    %ge3A_76 = arith.cmpf oge, %add3A_73, %ge3A_75 : vector<256x128xf32>
    %mul3A_77 = arith.constant 2.000000e-01 : f32
    %mul3A_78 = vector.broadcast %mul3A_77 : f32 to vector<256x128xf32>
    %mul3A_79 = arith.mulf %mul3A_78, %add3A_73 : vector<256x128xf32>
    %select_n3A_80 = arith.select %ge3A_76, %add3A_73, %mul3A_79 : vector<256x128xi1>, vector<256x128xf32>
    %dot_general3A_81 = arith.constant dense<0.000000e+00> : vector<256x24xf32>
    %dot_general3A_82 = tpu.matmul %select_n3A_80, %get3A_12, %dot_general3A_81 {dimension_numbers = #tpu.dot_dimension_numbers<[1], [0], [0], [1], [0, 0, 1, 1], [], []>, transpose_lhs_hint = false} : vector<256x128xf32>, vector<128x24xf32>, vector<256x24xf32> -> vector<256x24xf32>
    %add3A_83 = vector.broadcast %get3A_15 : vector<1x24xf32> to vector<256x24xf32>
    %add3A_84 = arith.addf %dot_general3A_82, %add3A_83 : vector<256x24xf32>
    %ge3A_85 = arith.constant 0.000000e+00 : f32
    %ge3A_86 = vector.broadcast %ge3A_85 : f32 to vector<256x24xf32>
    %ge3A_87 = arith.cmpf oge, %add3A_84, %ge3A_86 : vector<256x24xf32>
    %mul3A_88 = arith.constant 2.000000e-01 : f32
    %mul3A_89 = vector.broadcast %mul3A_88 : f32 to vector<256x24xf32>
    %mul3A_90 = arith.mulf %mul3A_89, %add3A_84 : vector<256x24xf32>
    %select_n3A_91 = arith.select %ge3A_87, %add3A_84, %mul3A_90 : vector<256x24xi1>, vector<256x24xf32>
    %max3A_92 = arith.maximumf %max3A, %select_n3A_91 : vector<256x24xf32>
    %get3A_93 = arith.constant 2 : index
    %get3A_94 = arith.constant 0 : index
    %get3A_95 = arith.constant 0 : index
    %get3A_96 = vector.load %arg2[%get3A_93, %get3A_94, %get3A_95] : memref<20x256x128xf32, #tpu.memory_space<vmem>>, vector<1x256x128xf32>
    %get3A_97 = vector.shape_cast %get3A_96 : vector<1x256x128xf32> to vector<256x128xf32>
    %add3A_98 = arith.addf %get3A_97, %add3A_23 : vector<256x128xf32>
    %ge3A_99 = arith.constant 0.000000e+00 : f32
    %ge3A_100 = vector.broadcast %ge3A_99 : f32 to vector<256x128xf32>
    %ge3A_101 = arith.cmpf oge, %add3A_98, %ge3A_100 : vector<256x128xf32>
    %mul3A_102 = arith.constant 2.000000e-01 : f32
    %mul3A_103 = vector.broadcast %mul3A_102 : f32 to vector<256x128xf32>
    %mul3A_104 = arith.mulf %mul3A_103, %add3A_98 : vector<256x128xf32>
    %select_n3A_105 = arith.select %ge3A_101, %add3A_98, %mul3A_104 : vector<256x128xi1>, vector<256x128xf32>
    %dot_general3A_106 = arith.constant dense<0.000000e+00> : vector<256x128xf32>
    %dot_general3A_107 = tpu.matmul %select_n3A_105, %get3A_6, %dot_general3A_106 {dimension_numbers = #tpu.dot_dimension_numbers<[1], [0], [0], [1], [0, 0, 1, 1], [], []>, transpose_lhs_hint = false} : vector<256x128xf32>, vector<128x128xf32>, vector<256x128xf32> -> vector<256x128xf32>
    %add3A_108 = vector.broadcast %get3A_9 : vector<1x128xf32> to vector<256x128xf32>
    %add3A_109 = arith.addf %dot_general3A_107, %add3A_108 : vector<256x128xf32>
    %ge3A_110 = arith.constant 0.000000e+00 : f32
    %ge3A_111 = vector.broadcast %ge3A_110 : f32 to vector<256x128xf32>
    %ge3A_112 = arith.cmpf oge, %add3A_109, %ge3A_111 : vector<256x128xf32>
    %mul3A_113 = arith.constant 2.000000e-01 : f32
    %mul3A_114 = vector.broadcast %mul3A_113 : f32 to vector<256x128xf32>
    %mul3A_115 = arith.mulf %mul3A_114, %add3A_109 : vector<256x128xf32>
    %select_n3A_116 = arith.select %ge3A_112, %add3A_109, %mul3A_115 : vector<256x128xi1>, vector<256x128xf32>
    %dot_general3A_117 = arith.constant dense<0.000000e+00> : vector<256x24xf32>
    %dot_general3A_118 = tpu.matmul %select_n3A_116, %get3A_12, %dot_general3A_117 {dimension_numbers = #tpu.dot_dimension_numbers<[1], [0], [0], [1], [0, 0, 1, 1], [], []>, transpose_lhs_hint = false} : vector<256x128xf32>, vector<128x24xf32>, vector<256x24xf32> -> vector<256x24xf32>
    %add3A_119 = vector.broadcast %get3A_15 : vector<1x24xf32> to vector<256x24xf32>
    %add3A_120 = arith.addf %dot_general3A_118, %add3A_119 : vector<256x24xf32>
    %ge3A_121 = arith.constant 0.000000e+00 : f32
    %ge3A_122 = vector.broadcast %ge3A_121 : f32 to vector<256x24xf32>
    %ge3A_123 = arith.cmpf oge, %add3A_120, %ge3A_122 : vector<256x24xf32>
    %mul3A_124 = arith.constant 2.000000e-01 : f32
    %mul3A_125 = vector.broadcast %mul3A_124 : f32 to vector<256x24xf32>
    %mul3A_126 = arith.mulf %mul3A_125, %add3A_120 : vector<256x24xf32>
    %select_n3A_127 = arith.select %ge3A_123, %add3A_120, %mul3A_126 : vector<256x24xi1>, vector<256x24xf32>
    %max3A_128 = arith.maximumf %max3A_92, %select_n3A_127 : vector<256x24xf32>
    %get3A_129 = arith.constant 3 : index
    %get3A_130 = arith.constant 0 : index
    %get3A_131 = arith.constant 0 : index
    %get3A_132 = vector.load %arg2[%get3A_129, %get3A_130, %get3A_131] : memref<20x256x128xf32, #tpu.memory_space<vmem>>, vector<1x256x128xf32>
    %get3A_133 = vector.shape_cast %get3A_132 : vector<1x256x128xf32> to vector<256x128xf32>
    %add3A_134 = arith.addf %get3A_133, %add3A_23 : vector<256x128xf32>
    %ge3A_135 = arith.constant 0.000000e+00 : f32
    %ge3A_136 = vector.broadcast %ge3A_135 : f32 to vector<256x128xf32>
    %ge3A_137 = arith.cmpf oge, %add3A_134, %ge3A_136 : vector<256x128xf32>
    %mul3A_138 = arith.constant 2.000000e-01 : f32
    %mul3A_139 = vector.broadcast %mul3A_138 : f32 to vector<256x128xf32>
    %mul3A_140 = arith.mulf %mul3A_139, %add3A_134 : vector<256x128xf32>
    %select_n3A_141 = arith.select %ge3A_137, %add3A_134, %mul3A_140 : vector<256x128xi1>, vector<256x128xf32>
    %dot_general3A_142 = arith.constant dense<0.000000e+00> : vector<256x128xf32>
    %dot_general3A_143 = tpu.matmul %select_n3A_141, %get3A_6, %dot_general3A_142 {dimension_numbers = #tpu.dot_dimension_numbers<[1], [0], [0], [1], [0, 0, 1, 1], [], []>, transpose_lhs_hint = false} : vector<256x128xf32>, vector<128x128xf32>, vector<256x128xf32> -> vector<256x128xf32>
    %add3A_144 = vector.broadcast %get3A_9 : vector<1x128xf32> to vector<256x128xf32>
    %add3A_145 = arith.addf %dot_general3A_143, %add3A_144 : vector<256x128xf32>
    %ge3A_146 = arith.constant 0.000000e+00 : f32
    %ge3A_147 = vector.broadcast %ge3A_146 : f32 to vector<256x128xf32>
    %ge3A_148 = arith.cmpf oge, %add3A_145, %ge3A_147 : vector<256x128xf32>
    %mul3A_149 = arith.constant 2.000000e-01 : f32
    %mul3A_150 = vector.broadcast %mul3A_149 : f32 to vector<256x128xf32>
    %mul3A_151 = arith.mulf %mul3A_150, %add3A_145 : vector<256x128xf32>
    %select_n3A_152 = arith.select %ge3A_148, %add3A_145, %mul3A_151 : vector<256x128xi1>, vector<256x128xf32>
    %dot_general3A_153 = arith.constant dense<0.000000e+00> : vector<256x24xf32>
    %dot_general3A_154 = tpu.matmul %select_n3A_152, %get3A_12, %dot_general3A_153 {dimension_numbers = #tpu.dot_dimension_numbers<[1], [0], [0], [1], [0, 0, 1, 1], [], []>, transpose_lhs_hint = false} : vector<256x128xf32>, vector<128x24xf32>, vector<256x24xf32> -> vector<256x24xf32>
    %add3A_155 = vector.broadcast %get3A_15 : vector<1x24xf32> to vector<256x24xf32>
    %add3A_156 = arith.addf %dot_general3A_154, %add3A_155 : vector<256x24xf32>
    %ge3A_157 = arith.constant 0.000000e+00 : f32
    %ge3A_158 = vector.broadcast %ge3A_157 : f32 to vector<256x24xf32>
    %ge3A_159 = arith.cmpf oge, %add3A_156, %ge3A_158 : vector<256x24xf32>
    %mul3A_160 = arith.constant 2.000000e-01 : f32
    %mul3A_161 = vector.broadcast %mul3A_160 : f32 to vector<256x24xf32>
    %mul3A_162 = arith.mulf %mul3A_161, %add3A_156 : vector<256x24xf32>
    %select_n3A_163 = arith.select %ge3A_159, %add3A_156, %mul3A_162 : vector<256x24xi1>, vector<256x24xf32>
    %max3A_164 = arith.maximumf %max3A_128, %select_n3A_163 : vector<256x24xf32>
    %get3A_165 = arith.constant 4 : index
    %get3A_166 = arith.constant 0 : index
    %get3A_167 = arith.constant 0 : index
    %get3A_168 = vector.load %arg2[%get3A_165, %get3A_166, %get3A_167] : memref<20x256x128xf32, #tpu.memory_space<vmem>>, vector<1x256x128xf32>
    %get3A_169 = vector.shape_cast %get3A_168 : vector<1x256x128xf32> to vector<256x128xf32>
    %add3A_170 = arith.addf %get3A_169, %add3A_23 : vector<256x128xf32>
    %ge3A_171 = arith.constant 0.000000e+00 : f32
    %ge3A_172 = vector.broadcast %ge3A_171 : f32 to vector<256x128xf32>
    %ge3A_173 = arith.cmpf oge, %add3A_170, %ge3A_172 : vector<256x128xf32>
    %mul3A_174 = arith.constant 2.000000e-01 : f32
    %mul3A_175 = vector.broadcast %mul3A_174 : f32 to vector<256x128xf32>
    %mul3A_176 = arith.mulf %mul3A_175, %add3A_170 : vector<256x128xf32>
    %select_n3A_177 = arith.select %ge3A_173, %add3A_170, %mul3A_176 : vector<256x128xi1>, vector<256x128xf32>
    %dot_general3A_178 = arith.constant dense<0.000000e+00> : vector<256x128xf32>
    %dot_general3A_179 = tpu.matmul %select_n3A_177, %get3A_6, %dot_general3A_178 {dimension_numbers = #tpu.dot_dimension_numbers<[1], [0], [0], [1], [0, 0, 1, 1], [], []>, transpose_lhs_hint = false} : vector<256x128xf32>, vector<128x128xf32>, vector<256x128xf32> -> vector<256x128xf32>
    %add3A_180 = vector.broadcast %get3A_9 : vector<1x128xf32> to vector<256x128xf32>
    %add3A_181 = arith.addf %dot_general3A_179, %add3A_180 : vector<256x128xf32>
    %ge3A_182 = arith.constant 0.000000e+00 : f32
    %ge3A_183 = vector.broadcast %ge3A_182 : f32 to vector<256x128xf32>
    %ge3A_184 = arith.cmpf oge, %add3A_181, %ge3A_183 : vector<256x128xf32>
    %mul3A_185 = arith.constant 2.000000e-01 : f32
    %mul3A_186 = vector.broadcast %mul3A_185 : f32 to vector<256x128xf32>
    %mul3A_187 = arith.mulf %mul3A_186, %add3A_181 : vector<256x128xf32>
    %select_n3A_188 = arith.select %ge3A_184, %add3A_181, %mul3A_187 : vector<256x128xi1>, vector<256x128xf32>
    %dot_general3A_189 = arith.constant dense<0.000000e+00> : vector<256x24xf32>
    %dot_general3A_190 = tpu.matmul %select_n3A_188, %get3A_12, %dot_general3A_189 {dimension_numbers = #tpu.dot_dimension_numbers<[1], [0], [0], [1], [0, 0, 1, 1], [], []>, transpose_lhs_hint = false} : vector<256x128xf32>, vector<128x24xf32>, vector<256x24xf32> -> vector<256x24xf32>
    %add3A_191 = vector.broadcast %get3A_15 : vector<1x24xf32> to vector<256x24xf32>
    %add3A_192 = arith.addf %dot_general3A_190, %add3A_191 : vector<256x24xf32>
    %ge3A_193 = arith.constant 0.000000e+00 : f32
    %ge3A_194 = vector.broadcast %ge3A_193 : f32 to vector<256x24xf32>
    %ge3A_195 = arith.cmpf oge, %add3A_192, %ge3A_194 : vector<256x24xf32>
    %mul3A_196 = arith.constant 2.000000e-01 : f32
    %mul3A_197 = vector.broadcast %mul3A_196 : f32 to vector<256x24xf32>
    %mul3A_198 = arith.mulf %mul3A_197, %add3A_192 : vector<256x24xf32>
    %select_n3A_199 = arith.select %ge3A_195, %add3A_192, %mul3A_198 : vector<256x24xi1>, vector<256x24xf32>
    %max3A_200 = arith.maximumf %max3A_164, %select_n3A_199 : vector<256x24xf32>
    %get3A_201 = arith.constant 5 : index
    %get3A_202 = arith.constant 0 : index
    %get3A_203 = arith.constant 0 : index
    %get3A_204 = vector.load %arg2[%get3A_201, %get3A_202, %get3A_203] : memref<20x256x128xf32, #tpu.memory_space<vmem>>, vector<1x256x128xf32>
    %get3A_205 = vector.shape_cast %get3A_204 : vector<1x256x128xf32> to vector<256x128xf32>
    %add3A_206 = arith.addf %get3A_205, %add3A_23 : vector<256x128xf32>
    %ge3A_207 = arith.constant 0.000000e+00 : f32
    %ge3A_208 = vector.broadcast %ge3A_207 : f32 to vector<256x128xf32>
    %ge3A_209 = arith.cmpf oge, %add3A_206, %ge3A_208 : vector<256x128xf32>
    %mul3A_210 = arith.constant 2.000000e-01 : f32
    %mul3A_211 = vector.broadcast %mul3A_210 : f32 to vector<256x128xf32>
    %mul3A_212 = arith.mulf %mul3A_211, %add3A_206 : vector<256x128xf32>
    %select_n3A_213 = arith.select %ge3A_209, %add3A_206, %mul3A_212 : vector<256x128xi1>, vector<256x128xf32>
    %dot_general3A_214 = arith.constant dense<0.000000e+00> : vector<256x128xf32>
    %dot_general3A_215 = tpu.matmul %select_n3A_213, %get3A_6, %dot_general3A_214 {dimension_numbers = #tpu.dot_dimension_numbers<[1], [0], [0], [1], [0, 0, 1, 1], [], []>, transpose_lhs_hint = false} : vector<256x128xf32>, vector<128x128xf32>, vector<256x128xf32> -> vector<256x128xf32>
    %add3A_216 = vector.broadcast %get3A_9 : vector<1x128xf32> to vector<256x128xf32>
    %add3A_217 = arith.addf %dot_general3A_215, %add3A_216 : vector<256x128xf32>
    %ge3A_218 = arith.constant 0.000000e+00 : f32
    %ge3A_219 = vector.broadcast %ge3A_218 : f32 to vector<256x128xf32>
    %ge3A_220 = arith.cmpf oge, %add3A_217, %ge3A_219 : vector<256x128xf32>
    %mul3A_221 = arith.constant 2.000000e-01 : f32
    %mul3A_222 = vector.broadcast %mul3A_221 : f32 to vector<256x128xf32>
    %mul3A_223 = arith.mulf %mul3A_222, %add3A_217 : vector<256x128xf32>
    %select_n3A_224 = arith.select %ge3A_220, %add3A_217, %mul3A_223 : vector<256x128xi1>, vector<256x128xf32>
    %dot_general3A_225 = arith.constant dense<0.000000e+00> : vector<256x24xf32>
    %dot_general3A_226 = tpu.matmul %select_n3A_224, %get3A_12, %dot_general3A_225 {dimension_numbers = #tpu.dot_dimension_numbers<[1], [0], [0], [1], [0, 0, 1, 1], [], []>, transpose_lhs_hint = false} : vector<256x128xf32>, vector<128x24xf32>, vector<256x24xf32> -> vector<256x24xf32>
    %add3A_227 = vector.broadcast %get3A_15 : vector<1x24xf32> to vector<256x24xf32>
    %add3A_228 = arith.addf %dot_general3A_226, %add3A_227 : vector<256x24xf32>
    %ge3A_229 = arith.constant 0.000000e+00 : f32
    %ge3A_230 = vector.broadcast %ge3A_229 : f32 to vector<256x24xf32>
    %ge3A_231 = arith.cmpf oge, %add3A_228, %ge3A_230 : vector<256x24xf32>
    %mul3A_232 = arith.constant 2.000000e-01 : f32
    %mul3A_233 = vector.broadcast %mul3A_232 : f32 to vector<256x24xf32>
    %mul3A_234 = arith.mulf %mul3A_233, %add3A_228 : vector<256x24xf32>
    %select_n3A_235 = arith.select %ge3A_231, %add3A_228, %mul3A_234 : vector<256x24xi1>, vector<256x24xf32>
    %max3A_236 = arith.maximumf %max3A_200, %select_n3A_235 : vector<256x24xf32>
    %get3A_237 = arith.constant 6 : index
    %get3A_238 = arith.constant 0 : index
    %get3A_239 = arith.constant 0 : index
    %get3A_240 = vector.load %arg2[%get3A_237, %get3A_238, %get3A_239] : memref<20x256x128xf32, #tpu.memory_space<vmem>>, vector<1x256x128xf32>
    %get3A_241 = vector.shape_cast %get3A_240 : vector<1x256x128xf32> to vector<256x128xf32>
    %add3A_242 = arith.addf %get3A_241, %add3A_23 : vector<256x128xf32>
    %ge3A_243 = arith.constant 0.000000e+00 : f32
    %ge3A_244 = vector.broadcast %ge3A_243 : f32 to vector<256x128xf32>
    %ge3A_245 = arith.cmpf oge, %add3A_242, %ge3A_244 : vector<256x128xf32>
    %mul3A_246 = arith.constant 2.000000e-01 : f32
    %mul3A_247 = vector.broadcast %mul3A_246 : f32 to vector<256x128xf32>
    %mul3A_248 = arith.mulf %mul3A_247, %add3A_242 : vector<256x128xf32>
    %select_n3A_249 = arith.select %ge3A_245, %add3A_242, %mul3A_248 : vector<256x128xi1>, vector<256x128xf32>
    %dot_general3A_250 = arith.constant dense<0.000000e+00> : vector<256x128xf32>
    %dot_general3A_251 = tpu.matmul %select_n3A_249, %get3A_6, %dot_general3A_250 {dimension_numbers = #tpu.dot_dimension_numbers<[1], [0], [0], [1], [0, 0, 1, 1], [], []>, transpose_lhs_hint = false} : vector<256x128xf32>, vector<128x128xf32>, vector<256x128xf32> -> vector<256x128xf32>
    %add3A_252 = vector.broadcast %get3A_9 : vector<1x128xf32> to vector<256x128xf32>
    %add3A_253 = arith.addf %dot_general3A_251, %add3A_252 : vector<256x128xf32>
    %ge3A_254 = arith.constant 0.000000e+00 : f32
    %ge3A_255 = vector.broadcast %ge3A_254 : f32 to vector<256x128xf32>
    %ge3A_256 = arith.cmpf oge, %add3A_253, %ge3A_255 : vector<256x128xf32>
    %mul3A_257 = arith.constant 2.000000e-01 : f32
    %mul3A_258 = vector.broadcast %mul3A_257 : f32 to vector<256x128xf32>
    %mul3A_259 = arith.mulf %mul3A_258, %add3A_253 : vector<256x128xf32>
    %select_n3A_260 = arith.select %ge3A_256, %add3A_253, %mul3A_259 : vector<256x128xi1>, vector<256x128xf32>
    %dot_general3A_261 = arith.constant dense<0.000000e+00> : vector<256x24xf32>
    %dot_general3A_262 = tpu.matmul %select_n3A_260, %get3A_12, %dot_general3A_261 {dimension_numbers = #tpu.dot_dimension_numbers<[1], [0], [0], [1], [0, 0, 1, 1], [], []>, transpose_lhs_hint = false} : vector<256x128xf32>, vector<128x24xf32>, vector<256x24xf32> -> vector<256x24xf32>
    %add3A_263 = vector.broadcast %get3A_15 : vector<1x24xf32> to vector<256x24xf32>
    %add3A_264 = arith.addf %dot_general3A_262, %add3A_263 : vector<256x24xf32>
    %ge3A_265 = arith.constant 0.000000e+00 : f32
    %ge3A_266 = vector.broadcast %ge3A_265 : f32 to vector<256x24xf32>
    %ge3A_267 = arith.cmpf oge, %add3A_264, %ge3A_266 : vector<256x24xf32>
    %mul3A_268 = arith.constant 2.000000e-01 : f32
    %mul3A_269 = vector.broadcast %mul3A_268 : f32 to vector<256x24xf32>
    %mul3A_270 = arith.mulf %mul3A_269, %add3A_264 : vector<256x24xf32>
    %select_n3A_271 = arith.select %ge3A_267, %add3A_264, %mul3A_270 : vector<256x24xi1>, vector<256x24xf32>
    %max3A_272 = arith.maximumf %max3A_236, %select_n3A_271 : vector<256x24xf32>
    %get3A_273 = arith.constant 7 : index
    %get3A_274 = arith.constant 0 : index
    %get3A_275 = arith.constant 0 : index
    %get3A_276 = vector.load %arg2[%get3A_273, %get3A_274, %get3A_275] : memref<20x256x128xf32, #tpu.memory_space<vmem>>, vector<1x256x128xf32>
    %get3A_277 = vector.shape_cast %get3A_276 : vector<1x256x128xf32> to vector<256x128xf32>
    %add3A_278 = arith.addf %get3A_277, %add3A_23 : vector<256x128xf32>
    %ge3A_279 = arith.constant 0.000000e+00 : f32
    %ge3A_280 = vector.broadcast %ge3A_279 : f32 to vector<256x128xf32>
    %ge3A_281 = arith.cmpf oge, %add3A_278, %ge3A_280 : vector<256x128xf32>
    %mul3A_282 = arith.constant 2.000000e-01 : f32
    %mul3A_283 = vector.broadcast %mul3A_282 : f32 to vector<256x128xf32>
    %mul3A_284 = arith.mulf %mul3A_283, %add3A_278 : vector<256x128xf32>
    %select_n3A_285 = arith.select %ge3A_281, %add3A_278, %mul3A_284 : vector<256x128xi1>, vector<256x128xf32>
    %dot_general3A_286 = arith.constant dense<0.000000e+00> : vector<256x128xf32>
    %dot_general3A_287 = tpu.matmul %select_n3A_285, %get3A_6, %dot_general3A_286 {dimension_numbers = #tpu.dot_dimension_numbers<[1], [0], [0], [1], [0, 0, 1, 1], [], []>, transpose_lhs_hint = false} : vector<256x128xf32>, vector<128x128xf32>, vector<256x128xf32> -> vector<256x128xf32>
    %add3A_288 = vector.broadcast %get3A_9 : vector<1x128xf32> to vector<256x128xf32>
    %add3A_289 = arith.addf %dot_general3A_287, %add3A_288 : vector<256x128xf32>
    %ge3A_290 = arith.constant 0.000000e+00 : f32
    %ge3A_291 = vector.broadcast %ge3A_290 : f32 to vector<256x128xf32>
    %ge3A_292 = arith.cmpf oge, %add3A_289, %ge3A_291 : vector<256x128xf32>
    %mul3A_293 = arith.constant 2.000000e-01 : f32
    %mul3A_294 = vector.broadcast %mul3A_293 : f32 to vector<256x128xf32>
    %mul3A_295 = arith.mulf %mul3A_294, %add3A_289 : vector<256x128xf32>
    %select_n3A_296 = arith.select %ge3A_292, %add3A_289, %mul3A_295 : vector<256x128xi1>, vector<256x128xf32>
    %dot_general3A_297 = arith.constant dense<0.000000e+00> : vector<256x24xf32>
    %dot_general3A_298 = tpu.matmul %select_n3A_296, %get3A_12, %dot_general3A_297 {dimension_numbers = #tpu.dot_dimension_numbers<[1], [0], [0], [1], [0, 0, 1, 1], [], []>, transpose_lhs_hint = false} : vector<256x128xf32>, vector<128x24xf32>, vector<256x24xf32> -> vector<256x24xf32>
    %add3A_299 = vector.broadcast %get3A_15 : vector<1x24xf32> to vector<256x24xf32>
    %add3A_300 = arith.addf %dot_general3A_298, %add3A_299 : vector<256x24xf32>
    %ge3A_301 = arith.constant 0.000000e+00 : f32
    %ge3A_302 = vector.broadcast %ge3A_301 : f32 to vector<256x24xf32>
    %ge3A_303 = arith.cmpf oge, %add3A_300, %ge3A_302 : vector<256x24xf32>
    %mul3A_304 = arith.constant 2.000000e-01 : f32
    %mul3A_305 = vector.broadcast %mul3A_304 : f32 to vector<256x24xf32>
    %mul3A_306 = arith.mulf %mul3A_305, %add3A_300 : vector<256x24xf32>
    %select_n3A_307 = arith.select %ge3A_303, %add3A_300, %mul3A_306 : vector<256x24xi1>, vector<256x24xf32>
    %max3A_308 = arith.maximumf %max3A_272, %select_n3A_307 : vector<256x24xf32>
    %get3A_309 = arith.constant 8 : index
    %get3A_310 = arith.constant 0 : index
    %get3A_311 = arith.constant 0 : index
    %get3A_312 = vector.load %arg2[%get3A_309, %get3A_310, %get3A_311] : memref<20x256x128xf32, #tpu.memory_space<vmem>>, vector<1x256x128xf32>
    %get3A_313 = vector.shape_cast %get3A_312 : vector<1x256x128xf32> to vector<256x128xf32>
    %add3A_314 = arith.addf %get3A_313, %add3A_23 : vector<256x128xf32>
    %ge3A_315 = arith.constant 0.000000e+00 : f32
    %ge3A_316 = vector.broadcast %ge3A_315 : f32 to vector<256x128xf32>
    %ge3A_317 = arith.cmpf oge, %add3A_314, %ge3A_316 : vector<256x128xf32>
    %mul3A_318 = arith.constant 2.000000e-01 : f32
    %mul3A_319 = vector.broadcast %mul3A_318 : f32 to vector<256x128xf32>
    %mul3A_320 = arith.mulf %mul3A_319, %add3A_314 : vector<256x128xf32>
    %select_n3A_321 = arith.select %ge3A_317, %add3A_314, %mul3A_320 : vector<256x128xi1>, vector<256x128xf32>
    %dot_general3A_322 = arith.constant dense<0.000000e+00> : vector<256x128xf32>
    %dot_general3A_323 = tpu.matmul %select_n3A_321, %get3A_6, %dot_general3A_322 {dimension_numbers = #tpu.dot_dimension_numbers<[1], [0], [0], [1], [0, 0, 1, 1], [], []>, transpose_lhs_hint = false} : vector<256x128xf32>, vector<128x128xf32>, vector<256x128xf32> -> vector<256x128xf32>
    %add3A_324 = vector.broadcast %get3A_9 : vector<1x128xf32> to vector<256x128xf32>
    %add3A_325 = arith.addf %dot_general3A_323, %add3A_324 : vector<256x128xf32>
    %ge3A_326 = arith.constant 0.000000e+00 : f32
    %ge3A_327 = vector.broadcast %ge3A_326 : f32 to vector<256x128xf32>
    %ge3A_328 = arith.cmpf oge, %add3A_325, %ge3A_327 : vector<256x128xf32>
    %mul3A_329 = arith.constant 2.000000e-01 : f32
    %mul3A_330 = vector.broadcast %mul3A_329 : f32 to vector<256x128xf32>
    %mul3A_331 = arith.mulf %mul3A_330, %add3A_325 : vector<256x128xf32>
    %select_n3A_332 = arith.select %ge3A_328, %add3A_325, %mul3A_331 : vector<256x128xi1>, vector<256x128xf32>
    %dot_general3A_333 = arith.constant dense<0.000000e+00> : vector<256x24xf32>
    %dot_general3A_334 = tpu.matmul %select_n3A_332, %get3A_12, %dot_general3A_333 {dimension_numbers = #tpu.dot_dimension_numbers<[1], [0], [0], [1], [0, 0, 1, 1], [], []>, transpose_lhs_hint = false} : vector<256x128xf32>, vector<128x24xf32>, vector<256x24xf32> -> vector<256x24xf32>
    %add3A_335 = vector.broadcast %get3A_15 : vector<1x24xf32> to vector<256x24xf32>
    %add3A_336 = arith.addf %dot_general3A_334, %add3A_335 : vector<256x24xf32>
    %ge3A_337 = arith.constant 0.000000e+00 : f32
    %ge3A_338 = vector.broadcast %ge3A_337 : f32 to vector<256x24xf32>
    %ge3A_339 = arith.cmpf oge, %add3A_336, %ge3A_338 : vector<256x24xf32>
    %mul3A_340 = arith.constant 2.000000e-01 : f32
    %mul3A_341 = vector.broadcast %mul3A_340 : f32 to vector<256x24xf32>
    %mul3A_342 = arith.mulf %mul3A_341, %add3A_336 : vector<256x24xf32>
    %select_n3A_343 = arith.select %ge3A_339, %add3A_336, %mul3A_342 : vector<256x24xi1>, vector<256x24xf32>
    %max3A_344 = arith.maximumf %max3A_308, %select_n3A_343 : vector<256x24xf32>
    %get3A_345 = arith.constant 9 : index
    %get3A_346 = arith.constant 0 : index
    %get3A_347 = arith.constant 0 : index
    %get3A_348 = vector.load %arg2[%get3A_345, %get3A_346, %get3A_347] : memref<20x256x128xf32, #tpu.memory_space<vmem>>, vector<1x256x128xf32>
    %get3A_349 = vector.shape_cast %get3A_348 : vector<1x256x128xf32> to vector<256x128xf32>
    %add3A_350 = arith.addf %get3A_349, %add3A_23 : vector<256x128xf32>
    %ge3A_351 = arith.constant 0.000000e+00 : f32
    %ge3A_352 = vector.broadcast %ge3A_351 : f32 to vector<256x128xf32>
    %ge3A_353 = arith.cmpf oge, %add3A_350, %ge3A_352 : vector<256x128xf32>
    %mul3A_354 = arith.constant 2.000000e-01 : f32
    %mul3A_355 = vector.broadcast %mul3A_354 : f32 to vector<256x128xf32>
    %mul3A_356 = arith.mulf %mul3A_355, %add3A_350 : vector<256x128xf32>
    %select_n3A_357 = arith.select %ge3A_353, %add3A_350, %mul3A_356 : vector<256x128xi1>, vector<256x128xf32>
    %dot_general3A_358 = arith.constant dense<0.000000e+00> : vector<256x128xf32>
    %dot_general3A_359 = tpu.matmul %select_n3A_357, %get3A_6, %dot_general3A_358 {dimension_numbers = #tpu.dot_dimension_numbers<[1], [0], [0], [1], [0, 0, 1, 1], [], []>, transpose_lhs_hint = false} : vector<256x128xf32>, vector<128x128xf32>, vector<256x128xf32> -> vector<256x128xf32>
    %add3A_360 = vector.broadcast %get3A_9 : vector<1x128xf32> to vector<256x128xf32>
    %add3A_361 = arith.addf %dot_general3A_359, %add3A_360 : vector<256x128xf32>
    %ge3A_362 = arith.constant 0.000000e+00 : f32
    %ge3A_363 = vector.broadcast %ge3A_362 : f32 to vector<256x128xf32>
    %ge3A_364 = arith.cmpf oge, %add3A_361, %ge3A_363 : vector<256x128xf32>
    %mul3A_365 = arith.constant 2.000000e-01 : f32
    %mul3A_366 = vector.broadcast %mul3A_365 : f32 to vector<256x128xf32>
    %mul3A_367 = arith.mulf %mul3A_366, %add3A_361 : vector<256x128xf32>
    %select_n3A_368 = arith.select %ge3A_364, %add3A_361, %mul3A_367 : vector<256x128xi1>, vector<256x128xf32>
    %dot_general3A_369 = arith.constant dense<0.000000e+00> : vector<256x24xf32>
    %dot_general3A_370 = tpu.matmul %select_n3A_368, %get3A_12, %dot_general3A_369 {dimension_numbers = #tpu.dot_dimension_numbers<[1], [0], [0], [1], [0, 0, 1, 1], [], []>, transpose_lhs_hint = false} : vector<256x128xf32>, vector<128x24xf32>, vector<256x24xf32> -> vector<256x24xf32>
    %add3A_371 = vector.broadcast %get3A_15 : vector<1x24xf32> to vector<256x24xf32>
    %add3A_372 = arith.addf %dot_general3A_370, %add3A_371 : vector<256x24xf32>
    %ge3A_373 = arith.constant 0.000000e+00 : f32
    %ge3A_374 = vector.broadcast %ge3A_373 : f32 to vector<256x24xf32>
    %ge3A_375 = arith.cmpf oge, %add3A_372, %ge3A_374 : vector<256x24xf32>
    %mul3A_376 = arith.constant 2.000000e-01 : f32
    %mul3A_377 = vector.broadcast %mul3A_376 : f32 to vector<256x24xf32>
    %mul3A_378 = arith.mulf %mul3A_377, %add3A_372 : vector<256x24xf32>
    %select_n3A_379 = arith.select %ge3A_375, %add3A_372, %mul3A_378 : vector<256x24xi1>, vector<256x24xf32>
    %max3A_380 = arith.maximumf %max3A_344, %select_n3A_379 : vector<256x24xf32>
    %get3A_381 = arith.constant 10 : index
    %get3A_382 = arith.constant 0 : index
    %get3A_383 = arith.constant 0 : index
    %get3A_384 = vector.load %arg2[%get3A_381, %get3A_382, %get3A_383] : memref<20x256x128xf32, #tpu.memory_space<vmem>>, vector<1x256x128xf32>
    %get3A_385 = vector.shape_cast %get3A_384 : vector<1x256x128xf32> to vector<256x128xf32>
    %add3A_386 = arith.addf %get3A_385, %add3A_23 : vector<256x128xf32>
    %ge3A_387 = arith.constant 0.000000e+00 : f32
    %ge3A_388 = vector.broadcast %ge3A_387 : f32 to vector<256x128xf32>
    %ge3A_389 = arith.cmpf oge, %add3A_386, %ge3A_388 : vector<256x128xf32>
    %mul3A_390 = arith.constant 2.000000e-01 : f32
    %mul3A_391 = vector.broadcast %mul3A_390 : f32 to vector<256x128xf32>
    %mul3A_392 = arith.mulf %mul3A_391, %add3A_386 : vector<256x128xf32>
    %select_n3A_393 = arith.select %ge3A_389, %add3A_386, %mul3A_392 : vector<256x128xi1>, vector<256x128xf32>
    %dot_general3A_394 = arith.constant dense<0.000000e+00> : vector<256x128xf32>
    %dot_general3A_395 = tpu.matmul %select_n3A_393, %get3A_6, %dot_general3A_394 {dimension_numbers = #tpu.dot_dimension_numbers<[1], [0], [0], [1], [0, 0, 1, 1], [], []>, transpose_lhs_hint = false} : vector<256x128xf32>, vector<128x128xf32>, vector<256x128xf32> -> vector<256x128xf32>
    %add3A_396 = vector.broadcast %get3A_9 : vector<1x128xf32> to vector<256x128xf32>
    %add3A_397 = arith.addf %dot_general3A_395, %add3A_396 : vector<256x128xf32>
    %ge3A_398 = arith.constant 0.000000e+00 : f32
    %ge3A_399 = vector.broadcast %ge3A_398 : f32 to vector<256x128xf32>
    %ge3A_400 = arith.cmpf oge, %add3A_397, %ge3A_399 : vector<256x128xf32>
    %mul3A_401 = arith.constant 2.000000e-01 : f32
    %mul3A_402 = vector.broadcast %mul3A_401 : f32 to vector<256x128xf32>
    %mul3A_403 = arith.mulf %mul3A_402, %add3A_397 : vector<256x128xf32>
    %select_n3A_404 = arith.select %ge3A_400, %add3A_397, %mul3A_403 : vector<256x128xi1>, vector<256x128xf32>
    %dot_general3A_405 = arith.constant dense<0.000000e+00> : vector<256x24xf32>
    %dot_general3A_406 = tpu.matmul %select_n3A_404, %get3A_12, %dot_general3A_405 {dimension_numbers = #tpu.dot_dimension_numbers<[1], [0], [0], [1], [0, 0, 1, 1], [], []>, transpose_lhs_hint = false} : vector<256x128xf32>, vector<128x24xf32>, vector<256x24xf32> -> vector<256x24xf32>
    %add3A_407 = vector.broadcast %get3A_15 : vector<1x24xf32> to vector<256x24xf32>
    %add3A_408 = arith.addf %dot_general3A_406, %add3A_407 : vector<256x24xf32>
    %ge3A_409 = arith.constant 0.000000e+00 : f32
    %ge3A_410 = vector.broadcast %ge3A_409 : f32 to vector<256x24xf32>
    %ge3A_411 = arith.cmpf oge, %add3A_408, %ge3A_410 : vector<256x24xf32>
    %mul3A_412 = arith.constant 2.000000e-01 : f32
    %mul3A_413 = vector.broadcast %mul3A_412 : f32 to vector<256x24xf32>
    %mul3A_414 = arith.mulf %mul3A_413, %add3A_408 : vector<256x24xf32>
    %select_n3A_415 = arith.select %ge3A_411, %add3A_408, %mul3A_414 : vector<256x24xi1>, vector<256x24xf32>
    %max3A_416 = arith.maximumf %max3A_380, %select_n3A_415 : vector<256x24xf32>
    %get3A_417 = arith.constant 11 : index
    %get3A_418 = arith.constant 0 : index
    %get3A_419 = arith.constant 0 : index
    %get3A_420 = vector.load %arg2[%get3A_417, %get3A_418, %get3A_419] : memref<20x256x128xf32, #tpu.memory_space<vmem>>, vector<1x256x128xf32>
    %get3A_421 = vector.shape_cast %get3A_420 : vector<1x256x128xf32> to vector<256x128xf32>
    %add3A_422 = arith.addf %get3A_421, %add3A_23 : vector<256x128xf32>
    %ge3A_423 = arith.constant 0.000000e+00 : f32
    %ge3A_424 = vector.broadcast %ge3A_423 : f32 to vector<256x128xf32>
    %ge3A_425 = arith.cmpf oge, %add3A_422, %ge3A_424 : vector<256x128xf32>
    %mul3A_426 = arith.constant 2.000000e-01 : f32
    %mul3A_427 = vector.broadcast %mul3A_426 : f32 to vector<256x128xf32>
    %mul3A_428 = arith.mulf %mul3A_427, %add3A_422 : vector<256x128xf32>
    %select_n3A_429 = arith.select %ge3A_425, %add3A_422, %mul3A_428 : vector<256x128xi1>, vector<256x128xf32>
    %dot_general3A_430 = arith.constant dense<0.000000e+00> : vector<256x128xf32>
    %dot_general3A_431 = tpu.matmul %select_n3A_429, %get3A_6, %dot_general3A_430 {dimension_numbers = #tpu.dot_dimension_numbers<[1], [0], [0], [1], [0, 0, 1, 1], [], []>, transpose_lhs_hint = false} : vector<256x128xf32>, vector<128x128xf32>, vector<256x128xf32> -> vector<256x128xf32>
    %add3A_432 = vector.broadcast %get3A_9 : vector<1x128xf32> to vector<256x128xf32>
    %add3A_433 = arith.addf %dot_general3A_431, %add3A_432 : vector<256x128xf32>
    %ge3A_434 = arith.constant 0.000000e+00 : f32
    %ge3A_435 = vector.broadcast %ge3A_434 : f32 to vector<256x128xf32>
    %ge3A_436 = arith.cmpf oge, %add3A_433, %ge3A_435 : vector<256x128xf32>
    %mul3A_437 = arith.constant 2.000000e-01 : f32
    %mul3A_438 = vector.broadcast %mul3A_437 : f32 to vector<256x128xf32>
    %mul3A_439 = arith.mulf %mul3A_438, %add3A_433 : vector<256x128xf32>
    %select_n3A_440 = arith.select %ge3A_436, %add3A_433, %mul3A_439 : vector<256x128xi1>, vector<256x128xf32>
    %dot_general3A_441 = arith.constant dense<0.000000e+00> : vector<256x24xf32>
    %dot_general3A_442 = tpu.matmul %select_n3A_440, %get3A_12, %dot_general3A_441 {dimension_numbers = #tpu.dot_dimension_numbers<[1], [0], [0], [1], [0, 0, 1, 1], [], []>, transpose_lhs_hint = false} : vector<256x128xf32>, vector<128x24xf32>, vector<256x24xf32> -> vector<256x24xf32>
    %add3A_443 = vector.broadcast %get3A_15 : vector<1x24xf32> to vector<256x24xf32>
    %add3A_444 = arith.addf %dot_general3A_442, %add3A_443 : vector<256x24xf32>
    %ge3A_445 = arith.constant 0.000000e+00 : f32
    %ge3A_446 = vector.broadcast %ge3A_445 : f32 to vector<256x24xf32>
    %ge3A_447 = arith.cmpf oge, %add3A_444, %ge3A_446 : vector<256x24xf32>
    %mul3A_448 = arith.constant 2.000000e-01 : f32
    %mul3A_449 = vector.broadcast %mul3A_448 : f32 to vector<256x24xf32>
    %mul3A_450 = arith.mulf %mul3A_449, %add3A_444 : vector<256x24xf32>
    %select_n3A_451 = arith.select %ge3A_447, %add3A_444, %mul3A_450 : vector<256x24xi1>, vector<256x24xf32>
    %max3A_452 = arith.maximumf %max3A_416, %select_n3A_451 : vector<256x24xf32>
    %get3A_453 = arith.constant 12 : index
    %get3A_454 = arith.constant 0 : index
    %get3A_455 = arith.constant 0 : index
    %get3A_456 = vector.load %arg2[%get3A_453, %get3A_454, %get3A_455] : memref<20x256x128xf32, #tpu.memory_space<vmem>>, vector<1x256x128xf32>
    %get3A_457 = vector.shape_cast %get3A_456 : vector<1x256x128xf32> to vector<256x128xf32>
    %add3A_458 = arith.addf %get3A_457, %add3A_23 : vector<256x128xf32>
    %ge3A_459 = arith.constant 0.000000e+00 : f32
    %ge3A_460 = vector.broadcast %ge3A_459 : f32 to vector<256x128xf32>
    %ge3A_461 = arith.cmpf oge, %add3A_458, %ge3A_460 : vector<256x128xf32>
    %mul3A_462 = arith.constant 2.000000e-01 : f32
    %mul3A_463 = vector.broadcast %mul3A_462 : f32 to vector<256x128xf32>
    %mul3A_464 = arith.mulf %mul3A_463, %add3A_458 : vector<256x128xf32>
    %select_n3A_465 = arith.select %ge3A_461, %add3A_458, %mul3A_464 : vector<256x128xi1>, vector<256x128xf32>
    %dot_general3A_466 = arith.constant dense<0.000000e+00> : vector<256x128xf32>
    %dot_general3A_467 = tpu.matmul %select_n3A_465, %get3A_6, %dot_general3A_466 {dimension_numbers = #tpu.dot_dimension_numbers<[1], [0], [0], [1], [0, 0, 1, 1], [], []>, transpose_lhs_hint = false} : vector<256x128xf32>, vector<128x128xf32>, vector<256x128xf32> -> vector<256x128xf32>
    %add3A_468 = vector.broadcast %get3A_9 : vector<1x128xf32> to vector<256x128xf32>
    %add3A_469 = arith.addf %dot_general3A_467, %add3A_468 : vector<256x128xf32>
    %ge3A_470 = arith.constant 0.000000e+00 : f32
    %ge3A_471 = vector.broadcast %ge3A_470 : f32 to vector<256x128xf32>
    %ge3A_472 = arith.cmpf oge, %add3A_469, %ge3A_471 : vector<256x128xf32>
    %mul3A_473 = arith.constant 2.000000e-01 : f32
    %mul3A_474 = vector.broadcast %mul3A_473 : f32 to vector<256x128xf32>
    %mul3A_475 = arith.mulf %mul3A_474, %add3A_469 : vector<256x128xf32>
    %select_n3A_476 = arith.select %ge3A_472, %add3A_469, %mul3A_475 : vector<256x128xi1>, vector<256x128xf32>
    %dot_general3A_477 = arith.constant dense<0.000000e+00> : vector<256x24xf32>
    %dot_general3A_478 = tpu.matmul %select_n3A_476, %get3A_12, %dot_general3A_477 {dimension_numbers = #tpu.dot_dimension_numbers<[1], [0], [0], [1], [0, 0, 1, 1], [], []>, transpose_lhs_hint = false} : vector<256x128xf32>, vector<128x24xf32>, vector<256x24xf32> -> vector<256x24xf32>
    %add3A_479 = vector.broadcast %get3A_15 : vector<1x24xf32> to vector<256x24xf32>
    %add3A_480 = arith.addf %dot_general3A_478, %add3A_479 : vector<256x24xf32>
    %ge3A_481 = arith.constant 0.000000e+00 : f32
    %ge3A_482 = vector.broadcast %ge3A_481 : f32 to vector<256x24xf32>
    %ge3A_483 = arith.cmpf oge, %add3A_480, %ge3A_482 : vector<256x24xf32>
    %mul3A_484 = arith.constant 2.000000e-01 : f32
    %mul3A_485 = vector.broadcast %mul3A_484 : f32 to vector<256x24xf32>
    %mul3A_486 = arith.mulf %mul3A_485, %add3A_480 : vector<256x24xf32>
    %select_n3A_487 = arith.select %ge3A_483, %add3A_480, %mul3A_486 : vector<256x24xi1>, vector<256x24xf32>
    %max3A_488 = arith.maximumf %max3A_452, %select_n3A_487 : vector<256x24xf32>
    %get3A_489 = arith.constant 13 : index
    %get3A_490 = arith.constant 0 : index
    %get3A_491 = arith.constant 0 : index
    %get3A_492 = vector.load %arg2[%get3A_489, %get3A_490, %get3A_491] : memref<20x256x128xf32, #tpu.memory_space<vmem>>, vector<1x256x128xf32>
    %get3A_493 = vector.shape_cast %get3A_492 : vector<1x256x128xf32> to vector<256x128xf32>
    %add3A_494 = arith.addf %get3A_493, %add3A_23 : vector<256x128xf32>
    %ge3A_495 = arith.constant 0.000000e+00 : f32
    %ge3A_496 = vector.broadcast %ge3A_495 : f32 to vector<256x128xf32>
    %ge3A_497 = arith.cmpf oge, %add3A_494, %ge3A_496 : vector<256x128xf32>
    %mul3A_498 = arith.constant 2.000000e-01 : f32
    %mul3A_499 = vector.broadcast %mul3A_498 : f32 to vector<256x128xf32>
    %mul3A_500 = arith.mulf %mul3A_499, %add3A_494 : vector<256x128xf32>
    %select_n3A_501 = arith.select %ge3A_497, %add3A_494, %mul3A_500 : vector<256x128xi1>, vector<256x128xf32>
    %dot_general3A_502 = arith.constant dense<0.000000e+00> : vector<256x128xf32>
    %dot_general3A_503 = tpu.matmul %select_n3A_501, %get3A_6, %dot_general3A_502 {dimension_numbers = #tpu.dot_dimension_numbers<[1], [0], [0], [1], [0, 0, 1, 1], [], []>, transpose_lhs_hint = false} : vector<256x128xf32>, vector<128x128xf32>, vector<256x128xf32> -> vector<256x128xf32>
    %add3A_504 = vector.broadcast %get3A_9 : vector<1x128xf32> to vector<256x128xf32>
    %add3A_505 = arith.addf %dot_general3A_503, %add3A_504 : vector<256x128xf32>
    %ge3A_506 = arith.constant 0.000000e+00 : f32
    %ge3A_507 = vector.broadcast %ge3A_506 : f32 to vector<256x128xf32>
    %ge3A_508 = arith.cmpf oge, %add3A_505, %ge3A_507 : vector<256x128xf32>
    %mul3A_509 = arith.constant 2.000000e-01 : f32
    %mul3A_510 = vector.broadcast %mul3A_509 : f32 to vector<256x128xf32>
    %mul3A_511 = arith.mulf %mul3A_510, %add3A_505 : vector<256x128xf32>
    %select_n3A_512 = arith.select %ge3A_508, %add3A_505, %mul3A_511 : vector<256x128xi1>, vector<256x128xf32>
    %dot_general3A_513 = arith.constant dense<0.000000e+00> : vector<256x24xf32>
    %dot_general3A_514 = tpu.matmul %select_n3A_512, %get3A_12, %dot_general3A_513 {dimension_numbers = #tpu.dot_dimension_numbers<[1], [0], [0], [1], [0, 0, 1, 1], [], []>, transpose_lhs_hint = false} : vector<256x128xf32>, vector<128x24xf32>, vector<256x24xf32> -> vector<256x24xf32>
    %add3A_515 = vector.broadcast %get3A_15 : vector<1x24xf32> to vector<256x24xf32>
    %add3A_516 = arith.addf %dot_general3A_514, %add3A_515 : vector<256x24xf32>
    %ge3A_517 = arith.constant 0.000000e+00 : f32
    %ge3A_518 = vector.broadcast %ge3A_517 : f32 to vector<256x24xf32>
    %ge3A_519 = arith.cmpf oge, %add3A_516, %ge3A_518 : vector<256x24xf32>
    %mul3A_520 = arith.constant 2.000000e-01 : f32
    %mul3A_521 = vector.broadcast %mul3A_520 : f32 to vector<256x24xf32>
    %mul3A_522 = arith.mulf %mul3A_521, %add3A_516 : vector<256x24xf32>
    %select_n3A_523 = arith.select %ge3A_519, %add3A_516, %mul3A_522 : vector<256x24xi1>, vector<256x24xf32>
    %max3A_524 = arith.maximumf %max3A_488, %select_n3A_523 : vector<256x24xf32>
    %get3A_525 = arith.constant 14 : index
    %get3A_526 = arith.constant 0 : index
    %get3A_527 = arith.constant 0 : index
    %get3A_528 = vector.load %arg2[%get3A_525, %get3A_526, %get3A_527] : memref<20x256x128xf32, #tpu.memory_space<vmem>>, vector<1x256x128xf32>
    %get3A_529 = vector.shape_cast %get3A_528 : vector<1x256x128xf32> to vector<256x128xf32>
    %add3A_530 = arith.addf %get3A_529, %add3A_23 : vector<256x128xf32>
    %ge3A_531 = arith.constant 0.000000e+00 : f32
    %ge3A_532 = vector.broadcast %ge3A_531 : f32 to vector<256x128xf32>
    %ge3A_533 = arith.cmpf oge, %add3A_530, %ge3A_532 : vector<256x128xf32>
    %mul3A_534 = arith.constant 2.000000e-01 : f32
    %mul3A_535 = vector.broadcast %mul3A_534 : f32 to vector<256x128xf32>
    %mul3A_536 = arith.mulf %mul3A_535, %add3A_530 : vector<256x128xf32>
    %select_n3A_537 = arith.select %ge3A_533, %add3A_530, %mul3A_536 : vector<256x128xi1>, vector<256x128xf32>
    %dot_general3A_538 = arith.constant dense<0.000000e+00> : vector<256x128xf32>
    %dot_general3A_539 = tpu.matmul %select_n3A_537, %get3A_6, %dot_general3A_538 {dimension_numbers = #tpu.dot_dimension_numbers<[1], [0], [0], [1], [0, 0, 1, 1], [], []>, transpose_lhs_hint = false} : vector<256x128xf32>, vector<128x128xf32>, vector<256x128xf32> -> vector<256x128xf32>
    %add3A_540 = vector.broadcast %get3A_9 : vector<1x128xf32> to vector<256x128xf32>
    %add3A_541 = arith.addf %dot_general3A_539, %add3A_540 : vector<256x128xf32>
    %ge3A_542 = arith.constant 0.000000e+00 : f32
    %ge3A_543 = vector.broadcast %ge3A_542 : f32 to vector<256x128xf32>
    %ge3A_544 = arith.cmpf oge, %add3A_541, %ge3A_543 : vector<256x128xf32>
    %mul3A_545 = arith.constant 2.000000e-01 : f32
    %mul3A_546 = vector.broadcast %mul3A_545 : f32 to vector<256x128xf32>
    %mul3A_547 = arith.mulf %mul3A_546, %add3A_541 : vector<256x128xf32>
    %select_n3A_548 = arith.select %ge3A_544, %add3A_541, %mul3A_547 : vector<256x128xi1>, vector<256x128xf32>
    %dot_general3A_549 = arith.constant dense<0.000000e+00> : vector<256x24xf32>
    %dot_general3A_550 = tpu.matmul %select_n3A_548, %get3A_12, %dot_general3A_549 {dimension_numbers = #tpu.dot_dimension_numbers<[1], [0], [0], [1], [0, 0, 1, 1], [], []>, transpose_lhs_hint = false} : vector<256x128xf32>, vector<128x24xf32>, vector<256x24xf32> -> vector<256x24xf32>
    %add3A_551 = vector.broadcast %get3A_15 : vector<1x24xf32> to vector<256x24xf32>
    %add3A_552 = arith.addf %dot_general3A_550, %add3A_551 : vector<256x24xf32>
    %ge3A_553 = arith.constant 0.000000e+00 : f32
    %ge3A_554 = vector.broadcast %ge3A_553 : f32 to vector<256x24xf32>
    %ge3A_555 = arith.cmpf oge, %add3A_552, %ge3A_554 : vector<256x24xf32>
    %mul3A_556 = arith.constant 2.000000e-01 : f32
    %mul3A_557 = vector.broadcast %mul3A_556 : f32 to vector<256x24xf32>
    %mul3A_558 = arith.mulf %mul3A_557, %add3A_552 : vector<256x24xf32>
    %select_n3A_559 = arith.select %ge3A_555, %add3A_552, %mul3A_558 : vector<256x24xi1>, vector<256x24xf32>
    %max3A_560 = arith.maximumf %max3A_524, %select_n3A_559 : vector<256x24xf32>
    %get3A_561 = arith.constant 15 : index
    %get3A_562 = arith.constant 0 : index
    %get3A_563 = arith.constant 0 : index
    %get3A_564 = vector.load %arg2[%get3A_561, %get3A_562, %get3A_563] : memref<20x256x128xf32, #tpu.memory_space<vmem>>, vector<1x256x128xf32>
    %get3A_565 = vector.shape_cast %get3A_564 : vector<1x256x128xf32> to vector<256x128xf32>
    %add3A_566 = arith.addf %get3A_565, %add3A_23 : vector<256x128xf32>
    %ge3A_567 = arith.constant 0.000000e+00 : f32
    %ge3A_568 = vector.broadcast %ge3A_567 : f32 to vector<256x128xf32>
    %ge3A_569 = arith.cmpf oge, %add3A_566, %ge3A_568 : vector<256x128xf32>
    %mul3A_570 = arith.constant 2.000000e-01 : f32
    %mul3A_571 = vector.broadcast %mul3A_570 : f32 to vector<256x128xf32>
    %mul3A_572 = arith.mulf %mul3A_571, %add3A_566 : vector<256x128xf32>
    %select_n3A_573 = arith.select %ge3A_569, %add3A_566, %mul3A_572 : vector<256x128xi1>, vector<256x128xf32>
    %dot_general3A_574 = arith.constant dense<0.000000e+00> : vector<256x128xf32>
    %dot_general3A_575 = tpu.matmul %select_n3A_573, %get3A_6, %dot_general3A_574 {dimension_numbers = #tpu.dot_dimension_numbers<[1], [0], [0], [1], [0, 0, 1, 1], [], []>, transpose_lhs_hint = false} : vector<256x128xf32>, vector<128x128xf32>, vector<256x128xf32> -> vector<256x128xf32>
    %add3A_576 = vector.broadcast %get3A_9 : vector<1x128xf32> to vector<256x128xf32>
    %add3A_577 = arith.addf %dot_general3A_575, %add3A_576 : vector<256x128xf32>
    %ge3A_578 = arith.constant 0.000000e+00 : f32
    %ge3A_579 = vector.broadcast %ge3A_578 : f32 to vector<256x128xf32>
    %ge3A_580 = arith.cmpf oge, %add3A_577, %ge3A_579 : vector<256x128xf32>
    %mul3A_581 = arith.constant 2.000000e-01 : f32
    %mul3A_582 = vector.broadcast %mul3A_581 : f32 to vector<256x128xf32>
    %mul3A_583 = arith.mulf %mul3A_582, %add3A_577 : vector<256x128xf32>
    %select_n3A_584 = arith.select %ge3A_580, %add3A_577, %mul3A_583 : vector<256x128xi1>, vector<256x128xf32>
    %dot_general3A_585 = arith.constant dense<0.000000e+00> : vector<256x24xf32>
    %dot_general3A_586 = tpu.matmul %select_n3A_584, %get3A_12, %dot_general3A_585 {dimension_numbers = #tpu.dot_dimension_numbers<[1], [0], [0], [1], [0, 0, 1, 1], [], []>, transpose_lhs_hint = false} : vector<256x128xf32>, vector<128x24xf32>, vector<256x24xf32> -> vector<256x24xf32>
    %add3A_587 = vector.broadcast %get3A_15 : vector<1x24xf32> to vector<256x24xf32>
    %add3A_588 = arith.addf %dot_general3A_586, %add3A_587 : vector<256x24xf32>
    %ge3A_589 = arith.constant 0.000000e+00 : f32
    %ge3A_590 = vector.broadcast %ge3A_589 : f32 to vector<256x24xf32>
    %ge3A_591 = arith.cmpf oge, %add3A_588, %ge3A_590 : vector<256x24xf32>
    %mul3A_592 = arith.constant 2.000000e-01 : f32
    %mul3A_593 = vector.broadcast %mul3A_592 : f32 to vector<256x24xf32>
    %mul3A_594 = arith.mulf %mul3A_593, %add3A_588 : vector<256x24xf32>
    %select_n3A_595 = arith.select %ge3A_591, %add3A_588, %mul3A_594 : vector<256x24xi1>, vector<256x24xf32>
    %max3A_596 = arith.maximumf %max3A_560, %select_n3A_595 : vector<256x24xf32>
    %get3A_597 = arith.constant 16 : index
    %get3A_598 = arith.constant 0 : index
    %get3A_599 = arith.constant 0 : index
    %get3A_600 = vector.load %arg2[%get3A_597, %get3A_598, %get3A_599] : memref<20x256x128xf32, #tpu.memory_space<vmem>>, vector<1x256x128xf32>
    %get3A_601 = vector.shape_cast %get3A_600 : vector<1x256x128xf32> to vector<256x128xf32>
    %add3A_602 = arith.addf %get3A_601, %add3A_23 : vector<256x128xf32>
    %ge3A_603 = arith.constant 0.000000e+00 : f32
    %ge3A_604 = vector.broadcast %ge3A_603 : f32 to vector<256x128xf32>
    %ge3A_605 = arith.cmpf oge, %add3A_602, %ge3A_604 : vector<256x128xf32>
    %mul3A_606 = arith.constant 2.000000e-01 : f32
    %mul3A_607 = vector.broadcast %mul3A_606 : f32 to vector<256x128xf32>
    %mul3A_608 = arith.mulf %mul3A_607, %add3A_602 : vector<256x128xf32>
    %select_n3A_609 = arith.select %ge3A_605, %add3A_602, %mul3A_608 : vector<256x128xi1>, vector<256x128xf32>
    %dot_general3A_610 = arith.constant dense<0.000000e+00> : vector<256x128xf32>
    %dot_general3A_611 = tpu.matmul %select_n3A_609, %get3A_6, %dot_general3A_610 {dimension_numbers = #tpu.dot_dimension_numbers<[1], [0], [0], [1], [0, 0, 1, 1], [], []>, transpose_lhs_hint = false} : vector<256x128xf32>, vector<128x128xf32>, vector<256x128xf32> -> vector<256x128xf32>
    %add3A_612 = vector.broadcast %get3A_9 : vector<1x128xf32> to vector<256x128xf32>
    %add3A_613 = arith.addf %dot_general3A_611, %add3A_612 : vector<256x128xf32>
    %ge3A_614 = arith.constant 0.000000e+00 : f32
    %ge3A_615 = vector.broadcast %ge3A_614 : f32 to vector<256x128xf32>
    %ge3A_616 = arith.cmpf oge, %add3A_613, %ge3A_615 : vector<256x128xf32>
    %mul3A_617 = arith.constant 2.000000e-01 : f32
    %mul3A_618 = vector.broadcast %mul3A_617 : f32 to vector<256x128xf32>
    %mul3A_619 = arith.mulf %mul3A_618, %add3A_613 : vector<256x128xf32>
    %select_n3A_620 = arith.select %ge3A_616, %add3A_613, %mul3A_619 : vector<256x128xi1>, vector<256x128xf32>
    %dot_general3A_621 = arith.constant dense<0.000000e+00> : vector<256x24xf32>
    %dot_general3A_622 = tpu.matmul %select_n3A_620, %get3A_12, %dot_general3A_621 {dimension_numbers = #tpu.dot_dimension_numbers<[1], [0], [0], [1], [0, 0, 1, 1], [], []>, transpose_lhs_hint = false} : vector<256x128xf32>, vector<128x24xf32>, vector<256x24xf32> -> vector<256x24xf32>
    %add3A_623 = vector.broadcast %get3A_15 : vector<1x24xf32> to vector<256x24xf32>
    %add3A_624 = arith.addf %dot_general3A_622, %add3A_623 : vector<256x24xf32>
    %ge3A_625 = arith.constant 0.000000e+00 : f32
    %ge3A_626 = vector.broadcast %ge3A_625 : f32 to vector<256x24xf32>
    %ge3A_627 = arith.cmpf oge, %add3A_624, %ge3A_626 : vector<256x24xf32>
    %mul3A_628 = arith.constant 2.000000e-01 : f32
    %mul3A_629 = vector.broadcast %mul3A_628 : f32 to vector<256x24xf32>
    %mul3A_630 = arith.mulf %mul3A_629, %add3A_624 : vector<256x24xf32>
    %select_n3A_631 = arith.select %ge3A_627, %add3A_624, %mul3A_630 : vector<256x24xi1>, vector<256x24xf32>
    %max3A_632 = arith.maximumf %max3A_596, %select_n3A_631 : vector<256x24xf32>
    %get3A_633 = arith.constant 17 : index
    %get3A_634 = arith.constant 0 : index
    %get3A_635 = arith.constant 0 : index
    %get3A_636 = vector.load %arg2[%get3A_633, %get3A_634, %get3A_635] : memref<20x256x128xf32, #tpu.memory_space<vmem>>, vector<1x256x128xf32>
    %get3A_637 = vector.shape_cast %get3A_636 : vector<1x256x128xf32> to vector<256x128xf32>
    %add3A_638 = arith.addf %get3A_637, %add3A_23 : vector<256x128xf32>
    %ge3A_639 = arith.constant 0.000000e+00 : f32
    %ge3A_640 = vector.broadcast %ge3A_639 : f32 to vector<256x128xf32>
    %ge3A_641 = arith.cmpf oge, %add3A_638, %ge3A_640 : vector<256x128xf32>
    %mul3A_642 = arith.constant 2.000000e-01 : f32
    %mul3A_643 = vector.broadcast %mul3A_642 : f32 to vector<256x128xf32>
    %mul3A_644 = arith.mulf %mul3A_643, %add3A_638 : vector<256x128xf32>
    %select_n3A_645 = arith.select %ge3A_641, %add3A_638, %mul3A_644 : vector<256x128xi1>, vector<256x128xf32>
    %dot_general3A_646 = arith.constant dense<0.000000e+00> : vector<256x128xf32>
    %dot_general3A_647 = tpu.matmul %select_n3A_645, %get3A_6, %dot_general3A_646 {dimension_numbers = #tpu.dot_dimension_numbers<[1], [0], [0], [1], [0, 0, 1, 1], [], []>, transpose_lhs_hint = false} : vector<256x128xf32>, vector<128x128xf32>, vector<256x128xf32> -> vector<256x128xf32>
    %add3A_648 = vector.broadcast %get3A_9 : vector<1x128xf32> to vector<256x128xf32>
    %add3A_649 = arith.addf %dot_general3A_647, %add3A_648 : vector<256x128xf32>
    %ge3A_650 = arith.constant 0.000000e+00 : f32
    %ge3A_651 = vector.broadcast %ge3A_650 : f32 to vector<256x128xf32>
    %ge3A_652 = arith.cmpf oge, %add3A_649, %ge3A_651 : vector<256x128xf32>
    %mul3A_653 = arith.constant 2.000000e-01 : f32
    %mul3A_654 = vector.broadcast %mul3A_653 : f32 to vector<256x128xf32>
    %mul3A_655 = arith.mulf %mul3A_654, %add3A_649 : vector<256x128xf32>
    %select_n3A_656 = arith.select %ge3A_652, %add3A_649, %mul3A_655 : vector<256x128xi1>, vector<256x128xf32>
    %dot_general3A_657 = arith.constant dense<0.000000e+00> : vector<256x24xf32>
    %dot_general3A_658 = tpu.matmul %select_n3A_656, %get3A_12, %dot_general3A_657 {dimension_numbers = #tpu.dot_dimension_numbers<[1], [0], [0], [1], [0, 0, 1, 1], [], []>, transpose_lhs_hint = false} : vector<256x128xf32>, vector<128x24xf32>, vector<256x24xf32> -> vector<256x24xf32>
    %add3A_659 = vector.broadcast %get3A_15 : vector<1x24xf32> to vector<256x24xf32>
    %add3A_660 = arith.addf %dot_general3A_658, %add3A_659 : vector<256x24xf32>
    %ge3A_661 = arith.constant 0.000000e+00 : f32
    %ge3A_662 = vector.broadcast %ge3A_661 : f32 to vector<256x24xf32>
    %ge3A_663 = arith.cmpf oge, %add3A_660, %ge3A_662 : vector<256x24xf32>
    %mul3A_664 = arith.constant 2.000000e-01 : f32
    %mul3A_665 = vector.broadcast %mul3A_664 : f32 to vector<256x24xf32>
    %mul3A_666 = arith.mulf %mul3A_665, %add3A_660 : vector<256x24xf32>
    %select_n3A_667 = arith.select %ge3A_663, %add3A_660, %mul3A_666 : vector<256x24xi1>, vector<256x24xf32>
    %max3A_668 = arith.maximumf %max3A_632, %select_n3A_667 : vector<256x24xf32>
    %get3A_669 = arith.constant 18 : index
    %get3A_670 = arith.constant 0 : index
    %get3A_671 = arith.constant 0 : index
    %get3A_672 = vector.load %arg2[%get3A_669, %get3A_670, %get3A_671] : memref<20x256x128xf32, #tpu.memory_space<vmem>>, vector<1x256x128xf32>
    %get3A_673 = vector.shape_cast %get3A_672 : vector<1x256x128xf32> to vector<256x128xf32>
    %add3A_674 = arith.addf %get3A_673, %add3A_23 : vector<256x128xf32>
    %ge3A_675 = arith.constant 0.000000e+00 : f32
    %ge3A_676 = vector.broadcast %ge3A_675 : f32 to vector<256x128xf32>
    %ge3A_677 = arith.cmpf oge, %add3A_674, %ge3A_676 : vector<256x128xf32>
    %mul3A_678 = arith.constant 2.000000e-01 : f32
    %mul3A_679 = vector.broadcast %mul3A_678 : f32 to vector<256x128xf32>
    %mul3A_680 = arith.mulf %mul3A_679, %add3A_674 : vector<256x128xf32>
    %select_n3A_681 = arith.select %ge3A_677, %add3A_674, %mul3A_680 : vector<256x128xi1>, vector<256x128xf32>
    %dot_general3A_682 = arith.constant dense<0.000000e+00> : vector<256x128xf32>
    %dot_general3A_683 = tpu.matmul %select_n3A_681, %get3A_6, %dot_general3A_682 {dimension_numbers = #tpu.dot_dimension_numbers<[1], [0], [0], [1], [0, 0, 1, 1], [], []>, transpose_lhs_hint = false} : vector<256x128xf32>, vector<128x128xf32>, vector<256x128xf32> -> vector<256x128xf32>
    %add3A_684 = vector.broadcast %get3A_9 : vector<1x128xf32> to vector<256x128xf32>
    %add3A_685 = arith.addf %dot_general3A_683, %add3A_684 : vector<256x128xf32>
    %ge3A_686 = arith.constant 0.000000e+00 : f32
    %ge3A_687 = vector.broadcast %ge3A_686 : f32 to vector<256x128xf32>
    %ge3A_688 = arith.cmpf oge, %add3A_685, %ge3A_687 : vector<256x128xf32>
    %mul3A_689 = arith.constant 2.000000e-01 : f32
    %mul3A_690 = vector.broadcast %mul3A_689 : f32 to vector<256x128xf32>
    %mul3A_691 = arith.mulf %mul3A_690, %add3A_685 : vector<256x128xf32>
    %select_n3A_692 = arith.select %ge3A_688, %add3A_685, %mul3A_691 : vector<256x128xi1>, vector<256x128xf32>
    %dot_general3A_693 = arith.constant dense<0.000000e+00> : vector<256x24xf32>
    %dot_general3A_694 = tpu.matmul %select_n3A_692, %get3A_12, %dot_general3A_693 {dimension_numbers = #tpu.dot_dimension_numbers<[1], [0], [0], [1], [0, 0, 1, 1], [], []>, transpose_lhs_hint = false} : vector<256x128xf32>, vector<128x24xf32>, vector<256x24xf32> -> vector<256x24xf32>
    %add3A_695 = vector.broadcast %get3A_15 : vector<1x24xf32> to vector<256x24xf32>
    %add3A_696 = arith.addf %dot_general3A_694, %add3A_695 : vector<256x24xf32>
    %ge3A_697 = arith.constant 0.000000e+00 : f32
    %ge3A_698 = vector.broadcast %ge3A_697 : f32 to vector<256x24xf32>
    %ge3A_699 = arith.cmpf oge, %add3A_696, %ge3A_698 : vector<256x24xf32>
    %mul3A_700 = arith.constant 2.000000e-01 : f32
    %mul3A_701 = vector.broadcast %mul3A_700 : f32 to vector<256x24xf32>
    %mul3A_702 = arith.mulf %mul3A_701, %add3A_696 : vector<256x24xf32>
    %select_n3A_703 = arith.select %ge3A_699, %add3A_696, %mul3A_702 : vector<256x24xi1>, vector<256x24xf32>
    %max3A_704 = arith.maximumf %max3A_668, %select_n3A_703 : vector<256x24xf32>
    %get3A_705 = arith.constant 19 : index
    %get3A_706 = arith.constant 0 : index
    %get3A_707 = arith.constant 0 : index
    %get3A_708 = vector.load %arg2[%get3A_705, %get3A_706, %get3A_707] : memref<20x256x128xf32, #tpu.memory_space<vmem>>, vector<1x256x128xf32>
    %get3A_709 = vector.shape_cast %get3A_708 : vector<1x256x128xf32> to vector<256x128xf32>
    %add3A_710 = arith.addf %get3A_709, %add3A_23 : vector<256x128xf32>
    %ge3A_711 = arith.constant 0.000000e+00 : f32
    %ge3A_712 = vector.broadcast %ge3A_711 : f32 to vector<256x128xf32>
    %ge3A_713 = arith.cmpf oge, %add3A_710, %ge3A_712 : vector<256x128xf32>
    %mul3A_714 = arith.constant 2.000000e-01 : f32
    %mul3A_715 = vector.broadcast %mul3A_714 : f32 to vector<256x128xf32>
    %mul3A_716 = arith.mulf %mul3A_715, %add3A_710 : vector<256x128xf32>
    %select_n3A_717 = arith.select %ge3A_713, %add3A_710, %mul3A_716 : vector<256x128xi1>, vector<256x128xf32>
    %dot_general3A_718 = arith.constant dense<0.000000e+00> : vector<256x128xf32>
    %dot_general3A_719 = tpu.matmul %select_n3A_717, %get3A_6, %dot_general3A_718 {dimension_numbers = #tpu.dot_dimension_numbers<[1], [0], [0], [1], [0, 0, 1, 1], [], []>, transpose_lhs_hint = false} : vector<256x128xf32>, vector<128x128xf32>, vector<256x128xf32> -> vector<256x128xf32>
    %add3A_720 = vector.broadcast %get3A_9 : vector<1x128xf32> to vector<256x128xf32>
    %add3A_721 = arith.addf %dot_general3A_719, %add3A_720 : vector<256x128xf32>
    %ge3A_722 = arith.constant 0.000000e+00 : f32
    %ge3A_723 = vector.broadcast %ge3A_722 : f32 to vector<256x128xf32>
    %ge3A_724 = arith.cmpf oge, %add3A_721, %ge3A_723 : vector<256x128xf32>
    %mul3A_725 = arith.constant 2.000000e-01 : f32
    %mul3A_726 = vector.broadcast %mul3A_725 : f32 to vector<256x128xf32>
    %mul3A_727 = arith.mulf %mul3A_726, %add3A_721 : vector<256x128xf32>
    %select_n3A_728 = arith.select %ge3A_724, %add3A_721, %mul3A_727 : vector<256x128xi1>, vector<256x128xf32>
    %dot_general3A_729 = arith.constant dense<0.000000e+00> : vector<256x24xf32>
    %dot_general3A_730 = tpu.matmul %select_n3A_728, %get3A_12, %dot_general3A_729 {dimension_numbers = #tpu.dot_dimension_numbers<[1], [0], [0], [1], [0, 0, 1, 1], [], []>, transpose_lhs_hint = false} : vector<256x128xf32>, vector<128x24xf32>, vector<256x24xf32> -> vector<256x24xf32>
    %add3A_731 = vector.broadcast %get3A_15 : vector<1x24xf32> to vector<256x24xf32>
    %add3A_732 = arith.addf %dot_general3A_730, %add3A_731 : vector<256x24xf32>
    %ge3A_733 = arith.constant 0.000000e+00 : f32
    %ge3A_734 = vector.broadcast %ge3A_733 : f32 to vector<256x24xf32>
    %ge3A_735 = arith.cmpf oge, %add3A_732, %ge3A_734 : vector<256x24xf32>
    %mul3A_736 = arith.constant 2.000000e-01 : f32
    %mul3A_737 = vector.broadcast %mul3A_736 : f32 to vector<256x24xf32>
    %mul3A_738 = arith.mulf %mul3A_737, %add3A_732 : vector<256x24xf32>
    %select_n3A_739 = arith.select %ge3A_735, %add3A_732, %mul3A_738 : vector<256x24xi1>, vector<256x24xf32>
    %max3A_740 = arith.maximumf %max3A_704, %select_n3A_739 : vector<256x24xf32>
    %get3A_741 = arith.constant 0 : index
    %get3A_742 = arith.constant 0 : index
    %get3A_743 = vector.load %arg10[%get3A_741, %get3A_742] : memref<3x128xf32, #tpu.memory_space<vmem>>, vector<3x128xf32>
    %dot_general3A_744 = arith.constant dense<0.000000e+00> : vector<256x128xf32>
    %dot_general3A_745 = tpu.matmul %get3A_3, %get3A_743, %dot_general3A_744 {dimension_numbers = #tpu.dot_dimension_numbers<[1], [0], [0], [1], [0, 0, 1, 1], [], []>, transpose_lhs_hint = false} : vector<256x3xf32>, vector<3x128xf32>, vector<256x128xf32> -> vector<256x128xf32>
    %get3A_746 = arith.constant 0 : index
    %get3A_747 = arith.constant 0 : index
    %get3A_748 = vector.load %arg11[%get3A_746, %get3A_747] : memref<1x128xf32, #tpu.memory_space<vmem>>, vector<1x128xf32>
    %add3A_749 = vector.broadcast %get3A_748 : vector<1x128xf32> to vector<256x128xf32>
    %add3A_750 = arith.addf %dot_general3A_745, %add3A_749 : vector<256x128xf32>
    %get3A_751 = arith.constant 0 : index
    %get3A_752 = arith.constant 0 : index
    %get3A_753 = arith.constant 0 : index
    %get3A_754 = vector.load %arg12[%get3A_751, %get3A_752, %get3A_753] : memref<5x24x128xf32, #tpu.memory_space<vmem>>, vector<1x24x128xf32>
    %get3A_755 = vector.shape_cast %get3A_754 : vector<1x24x128xf32> to vector<24x128xf32>
    %dot_general3A_756 = arith.constant dense<0.000000e+00> : vector<256x128xf32>
    %dot_general3A_757 = tpu.matmul %max3A_740, %get3A_755, %dot_general3A_756 {dimension_numbers = #tpu.dot_dimension_numbers<[1], [0], [0], [1], [0, 0, 1, 1], [], []>, transpose_lhs_hint = false} : vector<256x24xf32>, vector<24x128xf32>, vector<256x128xf32> -> vector<256x128xf32>
    %add3A_758 = arith.addf %add3A_750, %dot_general3A_757 : vector<256x128xf32>
    %get3A_759 = arith.constant 0 : index
    %get3A_760 = arith.constant 0 : index
    %get3A_761 = arith.constant 0 : index
    %get3A_762 = vector.load %arg13[%get3A_759, %get3A_760, %get3A_761] : memref<5x1x128xf32, #tpu.memory_space<vmem>>, vector<1x1x128xf32>
    %get3A_763 = vector.shape_cast %get3A_762 : vector<1x1x128xf32> to vector<1x128xf32>
    %add3A_764 = vector.broadcast %get3A_763 : vector<1x128xf32> to vector<256x128xf32>
    %add3A_765 = arith.addf %add3A_758, %add3A_764 : vector<256x128xf32>
    %max3A_766 = arith.constant 0.000000e+00 : f32
    %max3A_767 = vector.broadcast %max3A_766 : f32 to vector<256x128xf32>
    %max3A_768 = arith.maximumf %add3A_765, %max3A_767 : vector<256x128xf32>
    %get3A_769 = arith.constant 0 : index
    %get3A_770 = arith.constant 0 : index
    %get3A_771 = arith.constant 0 : index
    %get3A_772 = vector.load %arg14[%get3A_769, %get3A_770, %get3A_771] : memref<5x128x128xf32, #tpu.memory_space<vmem>>, vector<1x128x128xf32>
    %get3A_773 = vector.shape_cast %get3A_772 : vector<1x128x128xf32> to vector<128x128xf32>
    %dot_general3A_774 = arith.constant dense<0.000000e+00> : vector<256x128xf32>
    %dot_general3A_775 = tpu.matmul %max3A_768, %get3A_773, %dot_general3A_774 {dimension_numbers = #tpu.dot_dimension_numbers<[1], [0], [0], [1], [0, 0, 1, 1], [], []>, transpose_lhs_hint = false} : vector<256x128xf32>, vector<128x128xf32>, vector<256x128xf32> -> vector<256x128xf32>
    %get3A_776 = arith.constant 0 : index
    %get3A_777 = arith.constant 0 : index
    %get3A_778 = arith.constant 0 : index
    %get3A_779 = vector.load %arg15[%get3A_776, %get3A_777, %get3A_778] : memref<5x1x128xf32, #tpu.memory_space<vmem>>, vector<1x1x128xf32>
    %get3A_780 = vector.shape_cast %get3A_779 : vector<1x1x128xf32> to vector<1x128xf32>
    %add3A_781 = vector.broadcast %get3A_780 : vector<1x128xf32> to vector<256x128xf32>
    %add3A_782 = arith.addf %dot_general3A_775, %add3A_781 : vector<256x128xf32>
    %max3A_783 = arith.constant 0.000000e+00 : f32
    %max3A_784 = vector.broadcast %max3A_783 : f32 to vector<256x128xf32>
    %max3A_785 = arith.maximumf %add3A_782, %max3A_784 : vector<256x128xf32>
    %get3A_786 = arith.constant 0 : index
    %get3A_787 = arith.constant 0 : index
    %get3A_788 = arith.constant 0 : index
    %get3A_789 = vector.load %arg16[%get3A_786, %get3A_787, %get3A_788] : memref<5x128x128xf32, #tpu.memory_space<vmem>>, vector<1x128x128xf32>
    %get3A_790 = vector.shape_cast %get3A_789 : vector<1x128x128xf32> to vector<128x128xf32>
    %dot_general3A_791 = arith.constant dense<0.000000e+00> : vector<256x128xf32>
    %dot_general3A_792 = tpu.matmul %max3A_785, %get3A_790, %dot_general3A_791 {dimension_numbers = #tpu.dot_dimension_numbers<[1], [0], [0], [1], [0, 0, 1, 1], [], []>, transpose_lhs_hint = false} : vector<256x128xf32>, vector<128x128xf32>, vector<256x128xf32> -> vector<256x128xf32>
    %get3A_793 = arith.constant 0 : index
    %get3A_794 = arith.constant 0 : index
    %get3A_795 = arith.constant 0 : index
    %get3A_796 = vector.load %arg17[%get3A_793, %get3A_794, %get3A_795] : memref<5x1x128xf32, #tpu.memory_space<vmem>>, vector<1x1x128xf32>
    %get3A_797 = vector.shape_cast %get3A_796 : vector<1x1x128xf32> to vector<1x128xf32>
    %add3A_798 = vector.broadcast %get3A_797 : vector<1x128xf32> to vector<256x128xf32>
    %add3A_799 = arith.addf %dot_general3A_792, %add3A_798 : vector<256x128xf32>
    %add3A_800 = arith.addf %add3A_765, %add3A_799 : vector<256x128xf32>
    %get3A_801 = arith.constant 1 : index
    %get3A_802 = arith.constant 0 : index
    %get3A_803 = arith.constant 0 : index
    %get3A_804 = vector.load %arg12[%get3A_801, %get3A_802, %get3A_803] : memref<5x24x128xf32, #tpu.memory_space<vmem>>, vector<1x24x128xf32>
    %get3A_805 = vector.shape_cast %get3A_804 : vector<1x24x128xf32> to vector<24x128xf32>
    %dot_general3A_806 = arith.constant dense<0.000000e+00> : vector<256x128xf32>
    %dot_general3A_807 = tpu.matmul %max3A_740, %get3A_805, %dot_general3A_806 {dimension_numbers = #tpu.dot_dimension_numbers<[1], [0], [0], [1], [0, 0, 1, 1], [], []>, transpose_lhs_hint = false} : vector<256x24xf32>, vector<24x128xf32>, vector<256x128xf32> -> vector<256x128xf32>
    %add3A_808 = arith.addf %add3A_800, %dot_general3A_807 : vector<256x128xf32>
    %get3A_809 = arith.constant 1 : index
    %get3A_810 = arith.constant 0 : index
    %get3A_811 = arith.constant 0 : index
    %get3A_812 = vector.load %arg13[%get3A_809, %get3A_810, %get3A_811] : memref<5x1x128xf32, #tpu.memory_space<vmem>>, vector<1x1x128xf32>
    %get3A_813 = vector.shape_cast %get3A_812 : vector<1x1x128xf32> to vector<1x128xf32>
    %add3A_814 = vector.broadcast %get3A_813 : vector<1x128xf32> to vector<256x128xf32>
    %add3A_815 = arith.addf %add3A_808, %add3A_814 : vector<256x128xf32>
    %max3A_816 = arith.constant 0.000000e+00 : f32
    %max3A_817 = vector.broadcast %max3A_816 : f32 to vector<256x128xf32>
    %max3A_818 = arith.maximumf %add3A_815, %max3A_817 : vector<256x128xf32>
    %get3A_819 = arith.constant 1 : index
    %get3A_820 = arith.constant 0 : index
    %get3A_821 = arith.constant 0 : index
    %get3A_822 = vector.load %arg14[%get3A_819, %get3A_820, %get3A_821] : memref<5x128x128xf32, #tpu.memory_space<vmem>>, vector<1x128x128xf32>
    %get3A_823 = vector.shape_cast %get3A_822 : vector<1x128x128xf32> to vector<128x128xf32>
    %dot_general3A_824 = arith.constant dense<0.000000e+00> : vector<256x128xf32>
    %dot_general3A_825 = tpu.matmul %max3A_818, %get3A_823, %dot_general3A_824 {dimension_numbers = #tpu.dot_dimension_numbers<[1], [0], [0], [1], [0, 0, 1, 1], [], []>, transpose_lhs_hint = false} : vector<256x128xf32>, vector<128x128xf32>, vector<256x128xf32> -> vector<256x128xf32>
    %get3A_826 = arith.constant 1 : index
    %get3A_827 = arith.constant 0 : index
    %get3A_828 = arith.constant 0 : index
    %get3A_829 = vector.load %arg15[%get3A_826, %get3A_827, %get3A_828] : memref<5x1x128xf32, #tpu.memory_space<vmem>>, vector<1x1x128xf32>
    %get3A_830 = vector.shape_cast %get3A_829 : vector<1x1x128xf32> to vector<1x128xf32>
    %add3A_831 = vector.broadcast %get3A_830 : vector<1x128xf32> to vector<256x128xf32>
    %add3A_832 = arith.addf %dot_general3A_825, %add3A_831 : vector<256x128xf32>
    %max3A_833 = arith.constant 0.000000e+00 : f32
    %max3A_834 = vector.broadcast %max3A_833 : f32 to vector<256x128xf32>
    %max3A_835 = arith.maximumf %add3A_832, %max3A_834 : vector<256x128xf32>
    %get3A_836 = arith.constant 1 : index
    %get3A_837 = arith.constant 0 : index
    %get3A_838 = arith.constant 0 : index
    %get3A_839 = vector.load %arg16[%get3A_836, %get3A_837, %get3A_838] : memref<5x128x128xf32, #tpu.memory_space<vmem>>, vector<1x128x128xf32>
    %get3A_840 = vector.shape_cast %get3A_839 : vector<1x128x128xf32> to vector<128x128xf32>
    %dot_general3A_841 = arith.constant dense<0.000000e+00> : vector<256x128xf32>
    %dot_general3A_842 = tpu.matmul %max3A_835, %get3A_840, %dot_general3A_841 {dimension_numbers = #tpu.dot_dimension_numbers<[1], [0], [0], [1], [0, 0, 1, 1], [], []>, transpose_lhs_hint = false} : vector<256x128xf32>, vector<128x128xf32>, vector<256x128xf32> -> vector<256x128xf32>
    %get3A_843 = arith.constant 1 : index
    %get3A_844 = arith.constant 0 : index
    %get3A_845 = arith.constant 0 : index
    %get3A_846 = vector.load %arg17[%get3A_843, %get3A_844, %get3A_845] : memref<5x1x128xf32, #tpu.memory_space<vmem>>, vector<1x1x128xf32>
    %get3A_847 = vector.shape_cast %get3A_846 : vector<1x1x128xf32> to vector<1x128xf32>
    %add3A_848 = vector.broadcast %get3A_847 : vector<1x128xf32> to vector<256x128xf32>
    %add3A_849 = arith.addf %dot_general3A_842, %add3A_848 : vector<256x128xf32>
    %add3A_850 = arith.addf %add3A_815, %add3A_849 : vector<256x128xf32>
    %get3A_851 = arith.constant 2 : index
    %get3A_852 = arith.constant 0 : index
    %get3A_853 = arith.constant 0 : index
    %get3A_854 = vector.load %arg12[%get3A_851, %get3A_852, %get3A_853] : memref<5x24x128xf32, #tpu.memory_space<vmem>>, vector<1x24x128xf32>
    %get3A_855 = vector.shape_cast %get3A_854 : vector<1x24x128xf32> to vector<24x128xf32>
    %dot_general3A_856 = arith.constant dense<0.000000e+00> : vector<256x128xf32>
    %dot_general3A_857 = tpu.matmul %max3A_740, %get3A_855, %dot_general3A_856 {dimension_numbers = #tpu.dot_dimension_numbers<[1], [0], [0], [1], [0, 0, 1, 1], [], []>, transpose_lhs_hint = false} : vector<256x24xf32>, vector<24x128xf32>, vector<256x128xf32> -> vector<256x128xf32>
    %add3A_858 = arith.addf %add3A_850, %dot_general3A_857 : vector<256x128xf32>
    %get3A_859 = arith.constant 2 : index
    %get3A_860 = arith.constant 0 : index
    %get3A_861 = arith.constant 0 : index
    %get3A_862 = vector.load %arg13[%get3A_859, %get3A_860, %get3A_861] : memref<5x1x128xf32, #tpu.memory_space<vmem>>, vector<1x1x128xf32>
    %get3A_863 = vector.shape_cast %get3A_862 : vector<1x1x128xf32> to vector<1x128xf32>
    %add3A_864 = vector.broadcast %get3A_863 : vector<1x128xf32> to vector<256x128xf32>
    %add3A_865 = arith.addf %add3A_858, %add3A_864 : vector<256x128xf32>
    %max3A_866 = arith.constant 0.000000e+00 : f32
    %max3A_867 = vector.broadcast %max3A_866 : f32 to vector<256x128xf32>
    %max3A_868 = arith.maximumf %add3A_865, %max3A_867 : vector<256x128xf32>
    %get3A_869 = arith.constant 2 : index
    %get3A_870 = arith.constant 0 : index
    %get3A_871 = arith.constant 0 : index
    %get3A_872 = vector.load %arg14[%get3A_869, %get3A_870, %get3A_871] : memref<5x128x128xf32, #tpu.memory_space<vmem>>, vector<1x128x128xf32>
    %get3A_873 = vector.shape_cast %get3A_872 : vector<1x128x128xf32> to vector<128x128xf32>
    %dot_general3A_874 = arith.constant dense<0.000000e+00> : vector<256x128xf32>
    %dot_general3A_875 = tpu.matmul %max3A_868, %get3A_873, %dot_general3A_874 {dimension_numbers = #tpu.dot_dimension_numbers<[1], [0], [0], [1], [0, 0, 1, 1], [], []>, transpose_lhs_hint = false} : vector<256x128xf32>, vector<128x128xf32>, vector<256x128xf32> -> vector<256x128xf32>
    %get3A_876 = arith.constant 2 : index
    %get3A_877 = arith.constant 0 : index
    %get3A_878 = arith.constant 0 : index
    %get3A_879 = vector.load %arg15[%get3A_876, %get3A_877, %get3A_878] : memref<5x1x128xf32, #tpu.memory_space<vmem>>, vector<1x1x128xf32>
    %get3A_880 = vector.shape_cast %get3A_879 : vector<1x1x128xf32> to vector<1x128xf32>
    %add3A_881 = vector.broadcast %get3A_880 : vector<1x128xf32> to vector<256x128xf32>
    %add3A_882 = arith.addf %dot_general3A_875, %add3A_881 : vector<256x128xf32>
    %max3A_883 = arith.constant 0.000000e+00 : f32
    %max3A_884 = vector.broadcast %max3A_883 : f32 to vector<256x128xf32>
    %max3A_885 = arith.maximumf %add3A_882, %max3A_884 : vector<256x128xf32>
    %get3A_886 = arith.constant 2 : index
    %get3A_887 = arith.constant 0 : index
    %get3A_888 = arith.constant 0 : index
    %get3A_889 = vector.load %arg16[%get3A_886, %get3A_887, %get3A_888] : memref<5x128x128xf32, #tpu.memory_space<vmem>>, vector<1x128x128xf32>
    %get3A_890 = vector.shape_cast %get3A_889 : vector<1x128x128xf32> to vector<128x128xf32>
    %dot_general3A_891 = arith.constant dense<0.000000e+00> : vector<256x128xf32>
    %dot_general3A_892 = tpu.matmul %max3A_885, %get3A_890, %dot_general3A_891 {dimension_numbers = #tpu.dot_dimension_numbers<[1], [0], [0], [1], [0, 0, 1, 1], [], []>, transpose_lhs_hint = false} : vector<256x128xf32>, vector<128x128xf32>, vector<256x128xf32> -> vector<256x128xf32>
    %get3A_893 = arith.constant 2 : index
    %get3A_894 = arith.constant 0 : index
    %get3A_895 = arith.constant 0 : index
    %get3A_896 = vector.load %arg17[%get3A_893, %get3A_894, %get3A_895] : memref<5x1x128xf32, #tpu.memory_space<vmem>>, vector<1x1x128xf32>
    %get3A_897 = vector.shape_cast %get3A_896 : vector<1x1x128xf32> to vector<1x128xf32>
    %add3A_898 = vector.broadcast %get3A_897 : vector<1x128xf32> to vector<256x128xf32>
    %add3A_899 = arith.addf %dot_general3A_892, %add3A_898 : vector<256x128xf32>
    %add3A_900 = arith.addf %add3A_865, %add3A_899 : vector<256x128xf32>
    %get3A_901 = arith.constant 3 : index
    %get3A_902 = arith.constant 0 : index
    %get3A_903 = arith.constant 0 : index
    %get3A_904 = vector.load %arg12[%get3A_901, %get3A_902, %get3A_903] : memref<5x24x128xf32, #tpu.memory_space<vmem>>, vector<1x24x128xf32>
    %get3A_905 = vector.shape_cast %get3A_904 : vector<1x24x128xf32> to vector<24x128xf32>
    %dot_general3A_906 = arith.constant dense<0.000000e+00> : vector<256x128xf32>
    %dot_general3A_907 = tpu.matmul %max3A_740, %get3A_905, %dot_general3A_906 {dimension_numbers = #tpu.dot_dimension_numbers<[1], [0], [0], [1], [0, 0, 1, 1], [], []>, transpose_lhs_hint = false} : vector<256x24xf32>, vector<24x128xf32>, vector<256x128xf32> -> vector<256x128xf32>
    %add3A_908 = arith.addf %add3A_900, %dot_general3A_907 : vector<256x128xf32>
    %get3A_909 = arith.constant 3 : index
    %get3A_910 = arith.constant 0 : index
    %get3A_911 = arith.constant 0 : index
    %get3A_912 = vector.load %arg13[%get3A_909, %get3A_910, %get3A_911] : memref<5x1x128xf32, #tpu.memory_space<vmem>>, vector<1x1x128xf32>
    %get3A_913 = vector.shape_cast %get3A_912 : vector<1x1x128xf32> to vector<1x128xf32>
    %add3A_914 = vector.broadcast %get3A_913 : vector<1x128xf32> to vector<256x128xf32>
    %add3A_915 = arith.addf %add3A_908, %add3A_914 : vector<256x128xf32>
    %max3A_916 = arith.constant 0.000000e+00 : f32
    %max3A_917 = vector.broadcast %max3A_916 : f32 to vector<256x128xf32>
    %max3A_918 = arith.maximumf %add3A_915, %max3A_917 : vector<256x128xf32>
    %get3A_919 = arith.constant 3 : index
    %get3A_920 = arith.constant 0 : index
    %get3A_921 = arith.constant 0 : index
    %get3A_922 = vector.load %arg14[%get3A_919, %get3A_920, %get3A_921] : memref<5x128x128xf32, #tpu.memory_space<vmem>>, vector<1x128x128xf32>
    %get3A_923 = vector.shape_cast %get3A_922 : vector<1x128x128xf32> to vector<128x128xf32>
    %dot_general3A_924 = arith.constant dense<0.000000e+00> : vector<256x128xf32>
    %dot_general3A_925 = tpu.matmul %max3A_918, %get3A_923, %dot_general3A_924 {dimension_numbers = #tpu.dot_dimension_numbers<[1], [0], [0], [1], [0, 0, 1, 1], [], []>, transpose_lhs_hint = false} : vector<256x128xf32>, vector<128x128xf32>, vector<256x128xf32> -> vector<256x128xf32>
    %get3A_926 = arith.constant 3 : index
    %get3A_927 = arith.constant 0 : index
    %get3A_928 = arith.constant 0 : index
    %get3A_929 = vector.load %arg15[%get3A_926, %get3A_927, %get3A_928] : memref<5x1x128xf32, #tpu.memory_space<vmem>>, vector<1x1x128xf32>
    %get3A_930 = vector.shape_cast %get3A_929 : vector<1x1x128xf32> to vector<1x128xf32>
    %add3A_931 = vector.broadcast %get3A_930 : vector<1x128xf32> to vector<256x128xf32>
    %add3A_932 = arith.addf %dot_general3A_925, %add3A_931 : vector<256x128xf32>
    %max3A_933 = arith.constant 0.000000e+00 : f32
    %max3A_934 = vector.broadcast %max3A_933 : f32 to vector<256x128xf32>
    %max3A_935 = arith.maximumf %add3A_932, %max3A_934 : vector<256x128xf32>
    %get3A_936 = arith.constant 3 : index
    %get3A_937 = arith.constant 0 : index
    %get3A_938 = arith.constant 0 : index
    %get3A_939 = vector.load %arg16[%get3A_936, %get3A_937, %get3A_938] : memref<5x128x128xf32, #tpu.memory_space<vmem>>, vector<1x128x128xf32>
    %get3A_940 = vector.shape_cast %get3A_939 : vector<1x128x128xf32> to vector<128x128xf32>
    %dot_general3A_941 = arith.constant dense<0.000000e+00> : vector<256x128xf32>
    %dot_general3A_942 = tpu.matmul %max3A_935, %get3A_940, %dot_general3A_941 {dimension_numbers = #tpu.dot_dimension_numbers<[1], [0], [0], [1], [0, 0, 1, 1], [], []>, transpose_lhs_hint = false} : vector<256x128xf32>, vector<128x128xf32>, vector<256x128xf32> -> vector<256x128xf32>
    %get3A_943 = arith.constant 3 : index
    %get3A_944 = arith.constant 0 : index
    %get3A_945 = arith.constant 0 : index
    %get3A_946 = vector.load %arg17[%get3A_943, %get3A_944, %get3A_945] : memref<5x1x128xf32, #tpu.memory_space<vmem>>, vector<1x1x128xf32>
    %get3A_947 = vector.shape_cast %get3A_946 : vector<1x1x128xf32> to vector<1x128xf32>
    %add3A_948 = vector.broadcast %get3A_947 : vector<1x128xf32> to vector<256x128xf32>
    %add3A_949 = arith.addf %dot_general3A_942, %add3A_948 : vector<256x128xf32>
    %add3A_950 = arith.addf %add3A_915, %add3A_949 : vector<256x128xf32>
    %get3A_951 = arith.constant 4 : index
    %get3A_952 = arith.constant 0 : index
    %get3A_953 = arith.constant 0 : index
    %get3A_954 = vector.load %arg12[%get3A_951, %get3A_952, %get3A_953] : memref<5x24x128xf32, #tpu.memory_space<vmem>>, vector<1x24x128xf32>
    %get3A_955 = vector.shape_cast %get3A_954 : vector<1x24x128xf32> to vector<24x128xf32>
    %dot_general3A_956 = arith.constant dense<0.000000e+00> : vector<256x128xf32>
    %dot_general3A_957 = tpu.matmul %max3A_740, %get3A_955, %dot_general3A_956 {dimension_numbers = #tpu.dot_dimension_numbers<[1], [0], [0], [1], [0, 0, 1, 1], [], []>, transpose_lhs_hint = false} : vector<256x24xf32>, vector<24x128xf32>, vector<256x128xf32> -> vector<256x128xf32>
    %add3A_958 = arith.addf %add3A_950, %dot_general3A_957 : vector<256x128xf32>
    %get3A_959 = arith.constant 4 : index
    %get3A_960 = arith.constant 0 : index
    %get3A_961 = arith.constant 0 : index
    %get3A_962 = vector.load %arg13[%get3A_959, %get3A_960, %get3A_961] : memref<5x1x128xf32, #tpu.memory_space<vmem>>, vector<1x1x128xf32>
    %get3A_963 = vector.shape_cast %get3A_962 : vector<1x1x128xf32> to vector<1x128xf32>
    %add3A_964 = vector.broadcast %get3A_963 : vector<1x128xf32> to vector<256x128xf32>
    %add3A_965 = arith.addf %add3A_958, %add3A_964 : vector<256x128xf32>
    %max3A_966 = arith.constant 0.000000e+00 : f32
    %max3A_967 = vector.broadcast %max3A_966 : f32 to vector<256x128xf32>
    %max3A_968 = arith.maximumf %add3A_965, %max3A_967 : vector<256x128xf32>
    %get3A_969 = arith.constant 4 : index
    %get3A_970 = arith.constant 0 : index
    %get3A_971 = arith.constant 0 : index
    %get3A_972 = vector.load %arg14[%get3A_969, %get3A_970, %get3A_971] : memref<5x128x128xf32, #tpu.memory_space<vmem>>, vector<1x128x128xf32>
    %get3A_973 = vector.shape_cast %get3A_972 : vector<1x128x128xf32> to vector<128x128xf32>
    %dot_general3A_974 = arith.constant dense<0.000000e+00> : vector<256x128xf32>
    %dot_general3A_975 = tpu.matmul %max3A_968, %get3A_973, %dot_general3A_974 {dimension_numbers = #tpu.dot_dimension_numbers<[1], [0], [0], [1], [0, 0, 1, 1], [], []>, transpose_lhs_hint = false} : vector<256x128xf32>, vector<128x128xf32>, vector<256x128xf32> -> vector<256x128xf32>
    %get3A_976 = arith.constant 4 : index
    %get3A_977 = arith.constant 0 : index
    %get3A_978 = arith.constant 0 : index
    %get3A_979 = vector.load %arg15[%get3A_976, %get3A_977, %get3A_978] : memref<5x1x128xf32, #tpu.memory_space<vmem>>, vector<1x1x128xf32>
    %get3A_980 = vector.shape_cast %get3A_979 : vector<1x1x128xf32> to vector<1x128xf32>
    %add3A_981 = vector.broadcast %get3A_980 : vector<1x128xf32> to vector<256x128xf32>
    %add3A_982 = arith.addf %dot_general3A_975, %add3A_981 : vector<256x128xf32>
    %max3A_983 = arith.constant 0.000000e+00 : f32
    %max3A_984 = vector.broadcast %max3A_983 : f32 to vector<256x128xf32>
    %max3A_985 = arith.maximumf %add3A_982, %max3A_984 : vector<256x128xf32>
    %get3A_986 = arith.constant 4 : index
    %get3A_987 = arith.constant 0 : index
    %get3A_988 = arith.constant 0 : index
    %get3A_989 = vector.load %arg16[%get3A_986, %get3A_987, %get3A_988] : memref<5x128x128xf32, #tpu.memory_space<vmem>>, vector<1x128x128xf32>
    %get3A_990 = vector.shape_cast %get3A_989 : vector<1x128x128xf32> to vector<128x128xf32>
    %dot_general3A_991 = arith.constant dense<0.000000e+00> : vector<256x128xf32>
    %dot_general3A_992 = tpu.matmul %max3A_985, %get3A_990, %dot_general3A_991 {dimension_numbers = #tpu.dot_dimension_numbers<[1], [0], [0], [1], [0, 0, 1, 1], [], []>, transpose_lhs_hint = false} : vector<256x128xf32>, vector<128x128xf32>, vector<256x128xf32> -> vector<256x128xf32>
    %get3A_993 = arith.constant 4 : index
    %get3A_994 = arith.constant 0 : index
    %get3A_995 = arith.constant 0 : index
    %get3A_996 = vector.load %arg17[%get3A_993, %get3A_994, %get3A_995] : memref<5x1x128xf32, #tpu.memory_space<vmem>>, vector<1x1x128xf32>
    %get3A_997 = vector.shape_cast %get3A_996 : vector<1x1x128xf32> to vector<1x128xf32>
    %add3A_998 = vector.broadcast %get3A_997 : vector<1x128xf32> to vector<256x128xf32>
    %add3A_999 = arith.addf %dot_general3A_992, %add3A_998 : vector<256x128xf32>
    %add3A_1000 = arith.addf %add3A_965, %add3A_999 : vector<256x128xf32>
    %max3A_1001 = arith.constant 0.000000e+00 : f32
    %max3A_1002 = vector.broadcast %max3A_1001 : f32 to vector<256x128xf32>
    %max3A_1003 = arith.maximumf %add3A_1000, %max3A_1002 : vector<256x128xf32>
    %get3A_1004 = arith.constant 0 : index
    %get3A_1005 = arith.constant 0 : index
    %get3A_1006 = vector.load %arg18[%get3A_1004, %get3A_1005] : memref<1x128xf32, #tpu.memory_space<vmem>>, vector<1x128xf32>
    %mul3A_1007 = vector.broadcast %get3A_1006 : vector<1x128xf32> to vector<256x128xf32>
    %mul3A_1008 = arith.mulf %max3A_1003, %mul3A_1007 : vector<256x128xf32>
    %reduce_sum3A = arith.constant dense<0.000000e+00> : vector<256xf32>
    %reduce_sum3A_1009 = vector.multi_reduction <add>, %mul3A_1008, %reduce_sum3A [1] : vector<256x128xf32> to vector<256xf32>
    %broadcast_in_dim3A_1010 = vector.shape_cast %reduce_sum3A_1009 : vector<256xf32> to vector<256x1xf32>
    %get3A_1011 = arith.constant 0 : index
    %get3A_1012 = arith.constant 0 : index
    %get3A_1013 = vector.load %arg19[%get3A_1011, %get3A_1012] : memref<1x1xf32, #tpu.memory_space<vmem>>, vector<1x1xf32>
    %add3A_1014 = vector.broadcast %get3A_1013 : vector<1x1xf32> to vector<256x1xf32>
    %add3A_1015 = arith.addf %broadcast_in_dim3A_1010, %add3A_1014 : vector<256x1xf32>
    %swap3A = arith.constant 0 : index
    %swap3A_1016 = arith.constant 0 : index
    %swap3A_1017 = arith.constant 0 : index
    %swap3A_1018 = arith.constant 0 : index
    %swap3A_1019 = vector.load %arg20[%swap3A, %swap3A_1016, %swap3A_1017, %swap3A_1018] : memref<1x1x256x1xf32, #tpu.memory_space<vmem>>, vector<1x1x256x1xf32>
    %swap3A_1020 = vector.shape_cast %swap3A_1019 : vector<1x1x256x1xf32> to vector<256x1xf32>
    %swap3A_1021 = vector.shape_cast %add3A_1015 : vector<256x1xf32> to vector<1x1x256x1xf32>
    tpu.vector_store %arg20[%swap3A, %swap3A_1016, %swap3A_1017, %swap3A_1018], %swap3A_1021 {strides = array<i32>} : memref<1x1x256x1xf32, #tpu.memory_space<vmem>>, vector<1x1x256x1xf32>,
    return
  }
  func.func @transform_0(%arg0: i32, %arg1: i32) -> (i32, i32, i32) {
    %mul3A = arith.constant 16 : i32
    %mul3A_0 = arith.muli %arg0, %mul3A : i32
    %add3A = arith.addi %mul3A_0, %arg1 : i32
    %c0_i32 = arith.constant 0 : i32
    %c0_i32_1 = arith.constant 0 : i32
    %c0_i32_2 = arith.constant 0 : i32
    return %add3A, %c0_i32, %c0_i32_1 : i32, i32, i32
  }
  func.func @transform_1(%arg0: i32, %arg1: i32) -> (i32, i32, i32) {
    %c0_i32 = arith.constant 0 : i32
    %c0_i32_0 = arith.constant 0 : i32
    return %arg0, %arg1, %c0_i32 : i32, i32, i32
  }
  func.func @transform_2(%arg0: i32, %arg1: i32) -> (i32, i32) {
    %c0_i32 = arith.constant 0 : i32
    %c0_i32_0 = arith.constant 0 : i32
    %c0_i32_1 = arith.constant 0 : i32
    return %c0_i32, %c0_i32_0 : i32, i32
  }
  func.func @transform_3(%arg0: i32, %arg1: i32) -> (i32, i32) {
    %c0_i32 = arith.constant 0 : i32
    %c0_i32_0 = arith.constant 0 : i32
    %c0_i32_1 = arith.constant 0 : i32
    return %c0_i32, %c0_i32_0 : i32, i32
  }
  func.func @transform_4(%arg0: i32, %arg1: i32) -> (i32, i32) {
    %c0_i32 = arith.constant 0 : i32
    %c0_i32_0 = arith.constant 0 : i32
    %c0_i32_1 = arith.constant 0 : i32
    return %c0_i32, %c0_i32_0 : i32, i32
  }
  func.func @transform_5(%arg0: i32, %arg1: i32) -> (i32, i32) {
    %c0_i32 = arith.constant 0 : i32
    %c0_i32_0 = arith.constant 0 : i32
    %c0_i32_1 = arith.constant 0 : i32
    return %c0_i32, %c0_i32_0 : i32, i32
  }
  func.func @transform_6(%arg0: i32, %arg1: i32) -> (i32, i32) {
    %c0_i32 = arith.constant 0 : i32
    %c0_i32_0 = arith.constant 0 : i32
    %c0_i32_1 = arith.constant 0 : i32
    return %c0_i32, %c0_i32_0 : i32, i32
  }
  func.func @transform_7(%arg0: i32, %arg1: i32) -> (i32, i32) {
    %c0_i32 = arith.constant 0 : i32
    %c0_i32_0 = arith.constant 0 : i32
    %c0_i32_1 = arith.constant 0 : i32
    return %c0_i32, %c0_i32_0 : i32, i32
  }
  func.func @transform_8(%arg0: i32, %arg1: i32) -> (i32, i32) {
    %c0_i32 = arith.constant 0 : i32
    %c0_i32_0 = arith.constant 0 : i32
    %c0_i32_1 = arith.constant 0 : i32
    return %c0_i32, %c0_i32_0 : i32, i32
  }
  func.func @transform_9(%arg0: i32, %arg1: i32) -> (i32, i32) {
    %c0_i32 = arith.constant 0 : i32
    %c0_i32_0 = arith.constant 0 : i32
    %c0_i32_1 = arith.constant 0 : i32
    return %c0_i32, %c0_i32_0 : i32, i32
  }
  func.func @transform_10(%arg0: i32, %arg1: i32) -> (i32, i32, i32) {
    %c0_i32 = arith.constant 0 : i32
    %c0_i32_0 = arith.constant 0 : i32
    %c0_i32_1 = arith.constant 0 : i32
    %c0_i32_2 = arith.constant 0 : i32
    return %c0_i32, %c0_i32_0, %c0_i32_1 : i32, i32, i32
  }
  func.func @transform_11(%arg0: i32, %arg1: i32) -> (i32, i32, i32) {
    %c0_i32 = arith.constant 0 : i32
    %c0_i32_0 = arith.constant 0 : i32
    %c0_i32_1 = arith.constant 0 : i32
    %c0_i32_2 = arith.constant 0 : i32
    return %c0_i32, %c0_i32_0, %c0_i32_1 : i32, i32, i32
  }
  func.func @transform_12(%arg0: i32, %arg1: i32) -> (i32, i32, i32) {
    %c0_i32 = arith.constant 0 : i32
    %c0_i32_0 = arith.constant 0 : i32
    %c0_i32_1 = arith.constant 0 : i32
    %c0_i32_2 = arith.constant 0 : i32
    return %c0_i32, %c0_i32_0, %c0_i32_1 : i32, i32, i32
  }
  func.func @transform_13(%arg0: i32, %arg1: i32) -> (i32, i32, i32) {
    %c0_i32 = arith.constant 0 : i32
    %c0_i32_0 = arith.constant 0 : i32
    %c0_i32_1 = arith.constant 0 : i32
    %c0_i32_2 = arith.constant 0 : i32
    return %c0_i32, %c0_i32_0, %c0_i32_1 : i32, i32, i32
  }
  func.func @transform_14(%arg0: i32, %arg1: i32) -> (i32, i32, i32) {
    %c0_i32 = arith.constant 0 : i32
    %c0_i32_0 = arith.constant 0 : i32
    %c0_i32_1 = arith.constant 0 : i32
    %c0_i32_2 = arith.constant 0 : i32
    return %c0_i32, %c0_i32_0, %c0_i32_1 : i32, i32, i32
  }
  func.func @transform_15(%arg0: i32, %arg1: i32) -> (i32, i32, i32) {
    %c0_i32 = arith.constant 0 : i32
    %c0_i32_0 = arith.constant 0 : i32
    %c0_i32_1 = arith.constant 0 : i32
    %c0_i32_2 = arith.constant 0 : i32
    return %c0_i32, %c0_i32_0, %c0_i32_1 : i32, i32, i32
  }
  func.func @transform_16(%arg0: i32, %arg1: i32) -> (i32, i32) {
    %c0_i32 = arith.constant 0 : i32
    %c0_i32_0 = arith.constant 0 : i32
    %c0_i32_1 = arith.constant 0 : i32
    return %c0_i32, %c0_i32_0 : i32, i32
  }
  func.func @transform_17(%arg0: i32, %arg1: i32) -> (i32, i32) {
    %c0_i32 = arith.constant 0 : i32
    %c0_i32_0 = arith.constant 0 : i32
    %c0_i32_1 = arith.constant 0 : i32
    return %c0_i32, %c0_i32_0 : i32, i32
  }
  func.func @transform_18(%arg0: i32, %arg1: i32) -> (i32, i32, i32, i32) {
    %c0_i32 = arith.constant 0 : i32
    %c0_i32_0 = arith.constant 0 : i32
    %c0_i32_1 = arith.constant 0 : i32
    return %arg0, %arg1, %c0_i32, %c0_i32_0 : i32, i32, i32, i32
  }
}

</mosaic_0001>

<sc_bundles>
// kernel: kernel.15.cloned.1.call-start
scs
__scs_entry_jumppad:
0x0: {  	(pc) =	sbr.rel $0x88, $3  }
0x1: {  	(tag) =	ssettag $0x0;
	lr =	simm.s32 $0x1  }
0x2: {  	[smem:$0x3F85] =	sst lr;
	_ =	strace $0xD0000000  }
0x3: {  	_ = 	snop  }
0x4: {  	_ = 	snop  }
0x5: {  	_ = 	snop  }
0x6: {  	_ = 	snop  }
0x7: {  	_ = 	snop  }
__scs_overlays_trampoline_lowered:
0x8: {  	[smem:$0x3F94] =	sst s0  }
0x9: {  	[smem:$0x3F95] =	sst s1  }
0xa: {  	[smem:$0x3F96] =	sst s2  }
0xb: {  	[smem:$0x3F97] =	sst s3  }
0xc: {  	[smem:$0x3F98] =	sst s4  }
0xd: {  	[smem:$0x3F99] =	sst s5  }
0xe: {  	[smem:$0x3F9A] =	sst s6  }
0xf: {  	[smem:$0x3F9B] =	sst s7  }
0x10: {  	[smem:$0x3F9C] =	sst s8  }
0x11: {  	[smem:$0x3F9D] =	sst s9;
	s0 =	simm.s32 @!p0 $0x0  }
0x12: {  	s1 =	sld [smem:$0x3F83];
	s0 =	simm.s32 @p0 $0x1  }
0x13: {  	[smem:$0x3F9E] =	sst s0;
	s0 =	simm.s32 @!p1 $0x0  }
0x14: {  	s2 =	sld [smem:$0x3F82];
	s0 =	simm.s32 @p1 $0x1  }
0x15: {  	[smem:$0x3F9F] =	sst s0;
	s0 =	simm.s32 @!p2 $0x0  }
0x16: {  	s3 =	sld [smem:$0x3FDB];
	s0 =	simm.s32 @p2 $0x1  }
0x17: {  	s4 =	simm.s32 $0x1BF5;
	[smem:$0x3FA1] =	sst s0  }
0x18: {  	s0 =	sld [smem:$0x3F84];
	_ =	swait.ge [sflag:s4], $0x0  }
0x19: {  	s7 =	sld [smem:$0x3F85]  }
0x1a: {  	s8 =	sadd.s32 $0xFFFFE003, lr  }
0x1b: {  	s9 =	sadd.s32 $0xFFFFFEF7, lr;
	s5 =	simm.s32 $0xFFFFFFFF;
	p2 =	slt.u32 s8, $0xFFFFF086  }
0x1c: {  	p1 =	slt.u32 s9, $0xF7A;
	s5 =	simm.s32 @!p2 $0x0  }
0x1d: {  	s5 =	simm.s32 @p1 $0x1;
	p0 =	seq.s32 s7, s2  }
0x1e: {  	s7 =	smul.u32 @!p0 $0xF7A, s2;
	p2 =	seq.s32 @!p0 s5, $0x0  }
0x1f: {  	s9 =	smul.u32 $0xF7A, s1;
	s8 =	simm.s32 @!p0 $0x1BF5;
	p2 =	por !p2, p0  }
0x20: {  	[sflag:s8] =	ssyncset.s32 @!p0 $0xFFFFF086;
	s6 =	sadd.s32 @!p0 s3, s7;
	s7 =	simm.s32 @!p0 $0x108  }
0x21: {  	s3 =	sadd.s32 s3, s9;
	s6 =	sadd.s32 @!p0 $0x88, s6;
	s7 =	simm.s32 @p2 $0x1082  }
0x22: {  	[simem:s7], [sflag:s8] =	dma.local @!p0 [hbm:s6], $0xF7A  }
0x23: {  	s9 =	sor.u32 $0xD0000000, s2;
	s6 =	simm.s32 $0x108;
	_ =	swait.ge @!p0 [sflag:s8], $0x0  }
0x24: {  	s3 =	sadd.s32 $0x88, s3;
	s6 =	simm.s32 @!p1 $0x1082;
	[sflag:s4] =	ssyncset.s32 $0xFFFFF086  }
0x25: {  	[simem:s6], [sflag:s4] =	dma.local [hbm:s3], $0xF7A  }
0x26: {  	[smem:$0x3F85] =	sst s1;
	(tag) =	ssettag s2;
	_ =	strace s9  }
0x27: {  	s1 =	sld [smem:$0x3F95]  }
0x28: {  	s2 =	sld [smem:$0x3F96]  }
0x29: {  	s4 =	sld [smem:$0x3F98]  }
0x2a: {  	p0 =	seq.s32 s5, $0x0;
	s5 =	sld [smem:$0x3F99]  }
0x2b: {  	s6 =	sld [smem:$0x3F9A]  }
0x2c: {  	s7 =	sld [smem:$0x3F9B]  }
0x2d: {  	s3 =	simm.s32 $0x108;
	s8 =	sld [smem:$0x3F9C]  }
0x2e: {  	s3 =	simm.s32 @!p0 $0x1082;
	s9 =	sld [smem:$0x3F9D]  }
0x2f: {  	lr =	sadd.s32 s0, s3;
	s0 =	sld [smem:$0x3F94]  }
0x30: {  	s3 =	sld [smem:$0x3F97]  }
0x31: {  	[smem:$0x3FA0] =	sst s10  }
0x32: {  	s10 =	sld [smem:$0x3F9E];
	_ =	sdelay $0x3  }
0x33: {  	p0 =	seq.s32 s10, $0x1;
	s10 =	sld [smem:$0x3FA0];
	_ =	sdelay $0x3  }
0x34: {  	[smem:$0x3FA0] =	sst s10  }
0x35: {  	s10 =	sld [smem:$0x3F9F];
	_ =	sdelay $0x3  }
0x36: {  	p1 =	seq.s32 s10, $0x1;
	s10 =	sld [smem:$0x3FA0];
	_ =	sdelay $0x3  }
0x37: {  	[smem:$0x3FA0] =	sst s10  }
0x38: {  	s10 =	sld [smem:$0x3FA1]  }
0x39: {  	_ = 	snop;
	(pc) =	sbr.ind lr, $3  }
0x3a: {  	_ = 	snop  }
0x3b: {  	_ = 	snop  }
0x3c: {  	p2 =	seq.s32 s10, $0x1;
	s10 =	sld [smem:$0x3FA0]  }
0x3d: {  	_ =	shalt  }
0x3e: {  	_ =	shalt  }
0x3f: {  	_ =	shalt  }
0x40: {  	_ =	shalt  }
0x41: {  	_ =	shalt  }
0x42: {  	_ =	shalt  }
0x43: {  	_ =	shalt  }
0x44: {  	_ =	shalt  }
0x45: {  	_ =	shalt  }
0x46: {  	_ =	shalt  }
0x47: {  	_ =	shalt  }
0x48: {  	_ =	shalt  }
0x49: {  	_ =	shalt  }
0x4a: {  	_ =	shalt  }
0x4b: {  	_ =	shalt  }
0x4c: {  	_ =	shalt  }
0x4d: {  	_ =	shalt  }
0x4e: {  	_ =	shalt  }
0x4f: {  	_ =	shalt  }
0x50: {  	_ =	shalt  }
0x51: {  	_ =	shalt  }
0x52: {  	_ =	shalt  }
0x53: {  	_ =	shalt  }
0x54: {  	_ =	shalt  }
0x55: {  	_ =	shalt  }
0x56: {  	_ =	shalt  }
0x57: {  	_ =	shalt  }
0x58: {  	_ =	shalt  }
0x59: {  	_ =	shalt  }
0x5a: {  	_ =	shalt  }
0x5b: {  	_ =	shalt  }
0x5c: {  	_ =	shalt  }
0x5d: {  	_ =	shalt  }
0x5e: {  	_ =	shalt  }
0x5f: {  	_ =	shalt  }
0x60: {  	_ =	shalt  }
0x61: {  	_ =	shalt  }
0x62: {  	_ =	shalt  }
0x63: {  	_ =	shalt  }
0x64: {  	_ =	shalt  }
0x65: {  	_ =	shalt  }
0x66: {  	_ =	shalt  }
0x67: {  	_ =	shalt  }
0x68: {  	_ =	shalt  }
0x69: {  	_ =	shalt  }
0x6a: {  	_ =	shalt  }
0x6b: {  	_ =	shalt  }
0x6c: {  	_ =	shalt  }
0x6d: {  	_ =	shalt  }
0x6e: {  	_ =	shalt  }
0x6f: {  	_ =	shalt  }
0x70: {  	_ =	shalt  }
0x71: {  	_ =	shalt  }
0x72: {  	_ =	shalt  }
0x73: {  	_ =	shalt  }
0x74: {  	_ =	shalt  }
0x75: {  	_ =	shalt  }
0x76: {  	_ =	shalt  }
0x77: {  	_ =	shalt  }
0x78: {  	_ =	shalt  }
0x79: {  	_ =	shalt  }
0x7a: {  	_ =	shalt  }
0x7b: {  	_ =	shalt  }
0x7c: {  	_ =	shalt  }
0x7d: {  	_ =	shalt  }
0x7e: {  	_ =	shalt  }
0x7f: {  	_ =	shalt  }
0x80: {  	_ =	shalt  }
0x81: {  	_ =	shalt  }
0x82: {  	_ =	shalt  }
0x83: {  	_ =	shalt  }
0x84: {  	_ =	shalt  }
0x85: {  	_ =	shalt  }
0x86: {  	_ =	shalt  }
0x87: {  	_ =	shalt  }
.Lfunc_end0:
.L_simem_size_0:
called_computation_lowered:
.L_overlay_start_0:
0x88: {  	s2 =	sld [smem:$0x3FD9]  }
0x89: {  	s3 =	sld [smem:$0x3FFE];
	_ =	sdelay $0x1  }
0x8a: {  	s1 =	srdreg.scid  }
0x8b: {  	s0 =	sand.u32 $0x1, s1  }
0x8c: {  	s16 =	sshll.u32 s0, $0xA;
	s2 =	sadd.s32 s3, s2  }
0x8d: {  	s2 =	sadd.s32 s2, s16  }
0x8e: {  	[smem:$0x3FAC] =	sst s2  }
0x8f: {  	_ = 	snop  }
0x90: {  	(tm) =	ssettm $0x1  }
0x91: {  	s17 =	sld [smem:$0x3FFB];
	_ =	sdelay $0x3  }
0x92: {  	_ =	strace s17  }
0x93: {  	s2 =	sld [smem:$0x3FFC];
	_ =	sdelay $0x3  }
0x94: {  	_ =	strace s2  }
0x95: {  	s2 =	sld [smem:$0x3FFD];
	_ =	sdelay $0x3  }
0x96: {  	_ =	strace s2  }
0x97: {  	_ =	strace $0x8FFFFFFF  }
0x98: {  	s18 =	sld [smem:$0x3FDB];
	_ =	sdelay $0x1  }
0x99: {  	s19 =	simm.s32 $_scs_section_size  }
0x9a: {  	s4 =	simm.s32 $_size__tile_overlayer_lowered;
	s5 =	simm.s32 $_tile_overlayer_lowered  }
0x9b: {  	s22 =	simm.s32 $0x1BFF;
	s21 =	sshll.u32 s5, $0x1;
	s2 =	sadd.s32 s19, s18  }
0x9c: {  	s6 =	simm.s32 $0x0;
	s20 =	sshll.u32 s4, $0x1;
	s4 =	sadd.s32 s21, s2  }
0x9d: {  	[timem:s6], [sflag:s22] =	dma.local [hbm:s4], s20  }
0x9e: {  	_ =	swait.ge [sflag:s22], s20  }
0x9f: {  	s3 =	ssub.s32 $0x0, s20;
	[sflag:s22] =	ssyncset.done $0x0  }
0xa0: {  	[sflag:s22] =	ssyncadd.s32 s3;
	_ =	sdelay $0x1  }
0xa1: {  	s23 =	simm.s32 $0x1B8B  }
0xa2: {  	_ =	swait.ge [sflag:s23], $0x1  }
0xa3: {  	[sflag:s23] =	ssyncset.done $0x0  }
0xa4: {  	s25 =	simm.s32 $0x1B8E;
	s24 =	sld [smem:$0x3FFE];
	[sflag:s23] =	ssyncadd.s32 $0xFFFFFFFF  }
0xa5: {  	s26 =	simm.s32 $execute0_lowered;
	[smem:$0x3FD2] =	sst s25  }
0xa6: {  	s4 =	sshll.u32 s26, $0x1;
	_ =	strace $0x80000046;
	[dreg:$0x1] =	wrdreg $0xFFFFFFFF  }
0xa7: {  	s28 =	simm.s32 $_size_execute0_lowered;
	s2 =	sadd.s32 s2, s4;
	[dreg:$0x0] =	wrdreg $0x0  }
0xa8: {  	s4 =	sshll.u32 s28, $0x1;
	[dreg:$0x2] =	wrdreg s2  }
0xa9: {  	[dreg:$0x3] =	wrdreg s4  }
0xaa: {  	[dreg:$0x4] =	wrdreg $0xC0  }
0xab: {  	_ =	task [dreg:s6], $0x5FFFF  }
0xac: {  	[dreg:$0x1] =	wrdreg $0xFFFFFFFF  }
0xad: {  	[dreg:$0x0] =	wrdreg $0x60  }
0xae: {  	[dreg:$0x2] =	wrdreg s24  }
0xaf: {  	[dreg:$0x3] =	wrdreg $0x9  }
0xb0: {  	_ =	task.clear_ibuf [dreg:s6], $0x4FFFF;
	_ =	strace $0x90000046  }
0xb1: {  	s29 =	simm.s32 $0x9;
	_ =	strace $0x80000048  }
0xb2: {  	_ =	swait.ge [sflag:s29], $0x1  }
0xb3: {  	[sflag:s29] =	ssyncadd.s32 $0xFFFFFFFF  }
0xb4: {  	_ =	strace $0x90000048  }
0xb5: {  	_ =	sfence  }
0xb6: {  	s30 =	sld [smem:$0x0];
	_ =	sdelay $0x2  }
0xb7: {  	s31 =	sshll.u32 s1, $0xD;
	s1 =	sshrl.u32 s1, $0x2  }
0xb8: {  	s3 =	sand.u32 $0x4000, s31;
	s1 =	sadd.s32 s1, s30  }
0xb9: {  	s0 =	sor.u32 s3, s0;
	s1 =	sshll.u32 s1, $0x11  }
0xba: {  	s0 =	sor.u32 s1, s0  }
0xbb: {  	s0 =	sadd.s32 $0x8F2B, s0  }
0xbc: {  	[sflag:s0] =	ssyncadd.remote.s32 $0x1  }
0xbd: {  	_ =	sfence.sel $0xFFFF  }
0xbe: {  	[dreg:$0x0] =	wrdreg $0xFFFFFFFF;
	(pc) =	sbr.abs _section_cstart, $3  }
0xbf: {  	[dreg:$0x1] =	wrdreg $0xFFFFFFFF  }
0xc0: {  	_ =	task.clear_ibuf [dreg:s6], $0x2FFFF;
	_ =	strace $0x9FFFFFFF  }
0xc1: {  	(tm) =	ssettm $0x7FFFFFFF  }
tec
execute0_lowered:
.L_overlay_start_1:
0x0: {  	(tag) =	ssettag $0x1  }
0x1: {  	s0 =	srdreg.scid  }
0x2: {  	s2 =	stileid.u32;
	s1 =	rddreg [dreg:$0x0]  }
0x3: {  	s28 =	simm.s32 $0x3;
	s16 =	simm.s32 $0x80;
	s10 =	simm.s32 $0x500  }
0x4: {  	s11 =	simm.s32 $0x4500;
	s29 =	simm.s32 $0x100;
	s12 =	simm.s32 $0x8500  }
0x5: {  	s30 =	simm.s32 $0x180;
	s13 =	simm.s32 $0xC500;
	s31 =	simm.s32 $0x200  }
0x6: {  	s14 =	simm.s32 $0x10500;
	s15 =	simm.s32 $0x1;
	p0 =	por $0x0, $0x0  }
0x7: {  	s22 =	simm.s32 $0x280;
	s23 =	simm.s32 $0x300;
	s24 =	simm.s32 $0x380  }
0x8: {  	s0 =	sand.u32 $0x1, s0;
	s3 =	sshll.u32 s2, $0x1;
	s2 =	simm.s32 $0x0  }
0x9: {  	s7 =	sadd.s32 $0x63E00, s1;
	s25 =	sadd.s32 $0x64600, s1;
	s26 =	sadd.s32 $0x64E00, s1  }
0xa: {  	s8 =	sadd.s32 $0x65600, s1;
	s4 =	sor.u32 s0, s3;
	[smem:$0x7FF] =	sst s2  }
0xb: {  	s0 =	ssub.s32 $0x2, s0;
	s3 =	sadd.s32 $0x53E00, s1;
	s5 =	smul.u32 $0xA0, s4  }
0xc: {  	_ =	strace $0x80000047;
	s6 =	sshrl.u32 s0, $0x1;
	s4 =	smul.u32 $0x5000, s4  }
0xd: {  	s0 =	ssub.s32 s0, s6;
	s5 =	sadd.s32 s5, s1;
	s1 =	sadd.s32 $0x65E00, s1  }
0xe: {  	s0 =	smax.u32 s0, $0x1;
	s17 =	sadd.s32 s7, s4;
	s18 =	sadd.s32 s4, s25  }
0xf: {  	s19 =	sadd.s32 s4, s26;
	s20 =	sadd.s32 s4, s8;
	p1 =	sne.s32 s0, $0x1  }
.Ltmp0:
0x10: {  	s9 =	sadd.s32 $0x2800, s4;
	s5 =	sadd.s32 $0x52A00, s5;
	(pc) =	sbr.rel @!p1 .LBB2_3-.Ltmp0, $4  }
0x11: {  	s21 =	sadd.s32 s4, s1;
	s4 =	sadd.s32 s7, s9;
	s6 =	sadd.s32 s9, s26  }
0x12: {  	s7 =	sadd.s32 s9, s8;
	s8 =	sadd.s32 s9, s1;
	s1 =	sadd.s32 $0xFFFFFFFF, s0  }
0x13: {  	s26 =	simm.s32 $0x480;
	[dreg:$0x2] =	wrdreg s5;
	s5 =	sadd.s32 s9, s25  }
0x14: {  	s9 =	simm.s32 $0x2;
	s25 =	simm.s32 $0x400;
	s0 =	rddreg [dreg:$0x2]  }
0x15: {  	[tilespmem:s2], [sflag:$0x3] =	stream.linear.gather [hbm4b:s0+s2], $0x500, $0x38;
	[tilespmem:$0x14500] =	vst v63  }
0x16: {  	_ =	swait.ge [sflag:s28], $0x500  }
0x17: {  	[sflag:s28] =	ssyncset.done $0x0  }
0x18: {  	[sflag:s28] =	ssyncadd.s32 $0xFFFFFB00  }
0x19: {  	[tilespmem:s10], [sflag:$0x1] =	stream.indirect.gather [hbm4b:s3+s16], $0x80, s2, s16, $0xb8;
	[tilespmem:$0x14500] =	vst v63  }
0x1a: {  	_ = 	snop  }
0x1b: {  	[tilespmem:s11], [sflag:$0x1] =	stream.indirect.gather [hbm4b:s3+s16], $0x80, s16, s16, $0xb8;
	[tilespmem:$0x14500] =	vst v63  }
0x1c: {  	_ = 	snop  }
0x1d: {  	[tilespmem:s12], [sflag:$0x1] =	stream.indirect.gather [hbm4b:s3+s16], $0x80, s29, s16, $0xb8;
	[tilespmem:$0x14500] =	vst v63  }
0x1e: {  	_ = 	snop  }
0x1f: {  	[tilespmem:s13], [sflag:$0x1] =	stream.indirect.gather [hbm4b:s3+s16], $0x80, s30, s16, $0xb8;
	[tilespmem:$0x14500] =	vst v63  }
0x20: {  	_ = 	snop  }
0x21: {  	[tilespmem:s14], [sflag:$0x1] =	stream.indirect.gather [hbm4b:s3+s16], $0x80, s31, s16, $0xb8;
	[tilespmem:$0x14500] =	vst v63  }
0x22: {  	_ =	swait.ge [sflag:s15], $0x4000  }
0x23: {  	[sflag:s15] =	ssyncset.done $0x0  }
0x24: {  	[sflag:s15] =	ssyncadd.s32 $0xFFFFC000  }
0x25: {  	_ =	swait.ge [sflag:s15], $0x4000  }
0x26: {  	[sflag:s15] =	ssyncset.done $0x0  }
0x27: {  	[sflag:s15] =	ssyncadd.s32 $0xFFFFC000  }
0x28: {  	_ =	swait.ge [sflag:s15], $0x4000  }
0x29: {  	[sflag:s15] =	ssyncset.done $0x0  }
0x2a: {  	[sflag:s15] =	ssyncadd.s32 $0xFFFFC000  }
0x2b: {  	_ =	swait.ge [sflag:s15], $0x4000  }
0x2c: {  	[sflag:s15] =	ssyncset.done $0x0  }
0x2d: {  	[sflag:s15] =	ssyncadd.s32 $0xFFFFC000  }
0x2e: {  	_ =	swait.ge [sflag:s15], $0x4000  }
0x2f: {  	[sflag:s15] =	ssyncset.done $0x0  }
0x30: {  	[sflag:s15] =	ssyncadd.s32 $0xFFFFC000  }
0x31: {  	[hbm4b:s17+s2] =	stream.linear.scatter [tilespmem:s10], [sflag:$0x2], $0x4000, $0x38;
	[tilespmem:$0x14500] =	vst v63  }
0x32: {  	_ = 	snop  }
0x33: {  	[hbm4b:s18+s2] =	stream.linear.scatter [tilespmem:s11], [sflag:$0x2], $0x4000, $0x38;
	[tilespmem:$0x14500] =	vst v63  }
0x34: {  	_ = 	snop  }
0x35: {  	[hbm4b:s19+s2] =	stream.linear.scatter [tilespmem:s12], [sflag:$0x2], $0x4000, $0x38;
	[tilespmem:$0x14500] =	vst v63  }
0x36: {  	_ = 	snop  }
0x37: {  	[hbm4b:s20+s2] =	stream.linear.scatter [tilespmem:s13], [sflag:$0x2], $0x4000, $0x38;
	[tilespmem:$0x14500] =	vst v63  }
0x38: {  	_ = 	snop  }
0x39: {  	[hbm4b:s21+s2] =	stream.linear.scatter [tilespmem:s14], [sflag:$0x2], $0x4000, $0x38;
	[tilespmem:$0x14500] =	vst v63  }
0x3a: {  	_ =	swait.ge [sflag:s9], $0x4000  }
0x3b: {  	[sflag:s9] =	ssyncset.done $0x0  }
0x3c: {  	[sflag:s9] =	ssyncadd.s32 $0xFFFFC000  }
0x3d: {  	_ =	swait.ge [sflag:s9], $0x4000  }
0x3e: {  	[sflag:s9] =	ssyncset.done $0x0  }
0x3f: {  	[sflag:s9] =	ssyncadd.s32 $0xFFFFC000  }
0x40: {  	_ =	swait.ge [sflag:s9], $0x4000  }
0x41: {  	[sflag:s9] =	ssyncset.done $0x0  }
0x42: {  	[sflag:s9] =	ssyncadd.s32 $0xFFFFC000  }
0x43: {  	_ =	swait.ge [sflag:s9], $0x4000  }
0x44: {  	[sflag:s9] =	ssyncset.done $0x0  }
0x45: {  	[sflag:s9] =	ssyncadd.s32 $0xFFFFC000  }
0x46: {  	_ =	swait.ge [sflag:s9], $0x4000  }
0x47: {  	[sflag:s9] =	ssyncset.done $0x0  }
0x48: {  	[sflag:s9] =	ssyncadd.s32 $0xFFFFC000  }
0x49: {  	[tilespmem:s10], [sflag:$0x1] =	stream.indirect.gather [hbm4b:s3+s16], $0x80, s22, s16, $0xb8;
	[tilespmem:$0x14500] =	vst v63  }
0x4a: {  	_ = 	snop  }
0x4b: {  	[tilespmem:s11], [sflag:$0x1] =	stream.indirect.gather [hbm4b:s3+s16], $0x80, s23, s16, $0xb8;
	[tilespmem:$0x14500] =	vst v63  }
0x4c: {  	_ = 	snop  }
0x4d: {  	[tilespmem:s12], [sflag:$0x1] =	stream.indirect.gather [hbm4b:s3+s16], $0x80, s24, s16, $0xb8;
	[tilespmem:$0x14500] =	vst v63  }
0x4e: {  	_ = 	snop  }
0x4f: {  	[tilespmem:s13], [sflag:$0x1] =	stream.indirect.gather [hbm4b:s3+s16], $0x80, s25, s16, $0xb8;
	[tilespmem:$0x14500] =	vst v63  }
0x50: {  	_ = 	snop  }
0x51: {  	[tilespmem:s14], [sflag:$0x1] =	stream.indirect.gather [hbm4b:s3+s16], $0x80, s26, s16, $0xb8;
	[tilespmem:$0x14500] =	vst v63  }
0x52: {  	_ =	swait.ge [sflag:s15], $0x4000  }
0x53: {  	[sflag:s15] =	ssyncset.done $0x0  }
0x54: {  	[sflag:s15] =	ssyncadd.s32 $0xFFFFC000  }
0x55: {  	_ =	swait.ge [sflag:s15], $0x4000  }
0x56: {  	[sflag:s15] =	ssyncset.done $0x0  }
0x57: {  	[sflag:s15] =	ssyncadd.s32 $0xFFFFC000  }
0x58: {  	_ =	swait.ge [sflag:s15], $0x4000  }
0x59: {  	[sflag:s15] =	ssyncset.done $0x0  }
0x5a: {  	[sflag:s15] =	ssyncadd.s32 $0xFFFFC000  }
0x5b: {  	_ =	swait.ge [sflag:s15], $0x4000  }
0x5c: {  	[sflag:s15] =	ssyncset.done $0x0  }
0x5d: {  	[sflag:s15] =	ssyncadd.s32 $0xFFFFC000  }
0x5e: {  	_ =	swait.ge [sflag:s15], $0x4000  }
0x5f: {  	[sflag:s15] =	ssyncset.done $0x0  }
0x60: {  	[sflag:s15] =	ssyncadd.s32 $0xFFFFC000  }
0x61: {  	[hbm4b:s4+s2] =	stream.linear.scatter [tilespmem:s10], [sflag:$0x2], $0x4000, $0x38;
	[tilespmem:$0x14500] =	vst v63  }
0x62: {  	_ = 	snop  }
0x63: {  	[hbm4b:s5+s2] =	stream.linear.scatter [tilespmem:s11], [sflag:$0x2], $0x4000, $0x38;
	[tilespmem:$0x14500] =	vst v63  }
0x64: {  	_ = 	snop  }
0x65: {  	[hbm4b:s6+s2] =	stream.linear.scatter [tilespmem:s12], [sflag:$0x2], $0x4000, $0x38;
	[tilespmem:$0x14500] =	vst v63  }
0x66: {  	_ = 	snop  }
0x67: {  	[hbm4b:s7+s2] =	stream.linear.scatter [tilespmem:s13], [sflag:$0x2], $0x4000, $0x38;
	[tilespmem:$0x14500] =	vst v63  }
0x68: {  	_ = 	snop  }
0x69: {  	[hbm4b:s8+s2] =	stream.linear.scatter [tilespmem:s14], [sflag:$0x2], $0x4000, $0x38;
	[tilespmem:$0x14500] =	vst v63  }
0x6a: {  	_ =	swait.ge [sflag:s9], $0x4000  }
0x6b: {  	[sflag:s9] =	ssyncset.done $0x0  }
0x6c: {  	[sflag:s9] =	ssyncadd.s32 $0xFFFFC000  }
0x6d: {  	_ =	swait.ge [sflag:s9], $0x4000  }
0x6e: {  	[sflag:s9] =	ssyncset.done $0x0  }
0x6f: {  	[sflag:s9] =	ssyncadd.s32 $0xFFFFC000  }
0x70: {  	_ =	swait.ge [sflag:s9], $0x4000  }
0x71: {  	[sflag:s9] =	ssyncset.done $0x0  }
0x72: {  	p1 =	sne.s32 s1, $0x1;
	[sflag:s9] =	ssyncadd.s32 $0xFFFFC000  }
.Ltmp1:
0x73: {  	_ =	swait.ge [sflag:s9], $0x4000;
	(pc) =	sbr.rel @!p1 .LBB2_3-.Ltmp1, $4  }
0x74: {  	[sflag:s9] =	ssyncset.done $0x0  }
0x75: {  	[sflag:s9] =	ssyncadd.s32 $0xFFFFC000  }
0x76: {  	s1 =	sadd.s32 $0xFFFFFFFF, s1;
	_ =	swait.ge [sflag:s9], $0x4000  }
0x77: {  	p0 =	por $0x1, $0x1;
	s0 =	rddreg [dreg:$0x2];
	[sflag:s9] =	ssyncset.done $0x0  }
.LBB2_2:
0x78: {  	[sflag:s9] =	ssyncadd.s32 $0xFFFFC000  }
0x79: {  	[tilespmem:s2], [sflag:$0x3] =	stream.linear.gather [hbm4b:s0+s2], $0x500, $0x38;
	[tilespmem:$0x14500] =	vst v63  }
0x7a: {  	_ =	swait.ge [sflag:s28], $0x500  }
0x7b: {  	[sflag:s28] =	ssyncset.done $0x0  }
0x7c: {  	[sflag:s28] =	ssyncadd.s32 $0xFFFFFB00  }
0x7d: {  	[tilespmem:s10], [sflag:$0x1] =	stream.indirect.gather [hbm4b:s3+s16], $0x80, s2, s16, $0xb8;
	[tilespmem:$0x14500] =	vst v63  }
0x7e: {  	_ = 	snop  }
0x7f: {  	[tilespmem:s11], [sflag:$0x1] =	stream.indirect.gather [hbm4b:s3+s16], $0x80, s16, s16, $0xb8;
	[tilespmem:$0x14500] =	vst v63  }
0x80: {  	_ = 	snop  }
0x81: {  	[tilespmem:s12], [sflag:$0x1] =	stream.indirect.gather [hbm4b:s3+s16], $0x80, s29, s16, $0xb8;
	[tilespmem:$0x14500] =	vst v63  }
0x82: {  	_ = 	snop  }
0x83: {  	[tilespmem:s13], [sflag:$0x1] =	stream.indirect.gather [hbm4b:s3+s16], $0x80, s30, s16, $0xb8;
	[tilespmem:$0x14500] =	vst v63  }
0x84: {  	_ = 	snop  }
0x85: {  	[tilespmem:s14], [sflag:$0x1] =	stream.indirect.gather [hbm4b:s3+s16], $0x80, s31, s16, $0xb8;
	[tilespmem:$0x14500] =	vst v63  }
0x86: {  	_ =	swait.ge [sflag:s15], $0x4000  }
0x87: {  	[sflag:s15] =	ssyncset.done $0x0  }
0x88: {  	[sflag:s15] =	ssyncadd.s32 $0xFFFFC000  }
0x89: {  	_ =	swait.ge [sflag:s15], $0x4000  }
0x8a: {  	[sflag:s15] =	ssyncset.done $0x0  }
0x8b: {  	[sflag:s15] =	ssyncadd.s32 $0xFFFFC000  }
0x8c: {  	_ =	swait.ge [sflag:s15], $0x4000  }
0x8d: {  	[sflag:s15] =	ssyncset.done $0x0  }
0x8e: {  	[sflag:s15] =	ssyncadd.s32 $0xFFFFC000  }
0x8f: {  	_ =	swait.ge [sflag:s15], $0x4000  }
0x90: {  	[sflag:s15] =	ssyncset.done $0x0  }
0x91: {  	[sflag:s15] =	ssyncadd.s32 $0xFFFFC000  }
0x92: {  	_ =	swait.ge [sflag:s15], $0x4000  }
0x93: {  	[sflag:s15] =	ssyncset.done $0x0  }
0x94: {  	[sflag:s15] =	ssyncadd.s32 $0xFFFFC000  }
0x95: {  	[hbm4b:s17+s2] =	stream.linear.scatter [tilespmem:s10], [sflag:$0x2], $0x4000, $0x38;
	[tilespmem:$0x14500] =	vst v63  }
0x96: {  	_ = 	snop  }
0x97: {  	[hbm4b:s18+s2] =	stream.linear.scatter [tilespmem:s11], [sflag:$0x2], $0x4000, $0x38;
	[tilespmem:$0x14500] =	vst v63  }
0x98: {  	_ = 	snop  }
0x99: {  	[hbm4b:s19+s2] =	stream.linear.scatter [tilespmem:s12], [sflag:$0x2], $0x4000, $0x38;
	[tilespmem:$0x14500] =	vst v63  }
0x9a: {  	_ = 	snop  }
0x9b: {  	[hbm4b:s20+s2] =	stream.linear.scatter [tilespmem:s13], [sflag:$0x2], $0x4000, $0x38;
	[tilespmem:$0x14500] =	vst v63  }
0x9c: {  	_ = 	snop  }
0x9d: {  	[hbm4b:s21+s2] =	stream.linear.scatter [tilespmem:s14], [sflag:$0x2], $0x4000, $0x38;
	[tilespmem:$0x14500] =	vst v63  }
0x9e: {  	_ =	swait.ge [sflag:s9], $0x4000  }
0x9f: {  	[sflag:s9] =	ssyncset.done $0x0  }
0xa0: {  	[sflag:s9] =	ssyncadd.s32 $0xFFFFC000  }
0xa1: {  	_ =	swait.ge [sflag:s9], $0x4000  }
0xa2: {  	[sflag:s9] =	ssyncset.done $0x0  }
0xa3: {  	[sflag:s9] =	ssyncadd.s32 $0xFFFFC000  }
0xa4: {  	_ =	swait.ge [sflag:s9], $0x4000  }
0xa5: {  	[sflag:s9] =	ssyncset.done $0x0  }
0xa6: {  	[sflag:s9] =	ssyncadd.s32 $0xFFFFC000  }
0xa7: {  	_ =	swait.ge [sflag:s9], $0x4000  }
0xa8: {  	[sflag:s9] =	ssyncset.done $0x0  }
0xa9: {  	[sflag:s9] =	ssyncadd.s32 $0xFFFFC000  }
0xaa: {  	_ =	swait.ge [sflag:s9], $0x4000  }
0xab: {  	[sflag:s9] =	ssyncset.done $0x0  }
0xac: {  	[sflag:s9] =	ssyncadd.s32 $0xFFFFC000  }
0xad: {  	[tilespmem:s10], [sflag:$0x1] =	stream.indirect.gather [hbm4b:s3+s16], $0x80, s22, s16, $0xb8;
	[tilespmem:$0x14500] =	vst v63  }
0xae: {  	_ = 	snop  }
0xaf: {  	[tilespmem:s11], [sflag:$0x1] =	stream.indirect.gather [hbm4b:s3+s16], $0x80, s23, s16, $0xb8;
	[tilespmem:$0x14500] =	vst v63  }
0xb0: {  	_ = 	snop  }
0xb1: {  	[tilespmem:s12], [sflag:$0x1] =	stream.indirect.gather [hbm4b:s3+s16], $0x80, s24, s16, $0xb8;
	[tilespmem:$0x14500] =	vst v63  }
0xb2: {  	_ = 	snop  }
0xb3: {  	[tilespmem:s13], [sflag:$0x1] =	stream.indirect.gather [hbm4b:s3+s16], $0x80, s25, s16, $0xb8;
	[tilespmem:$0x14500] =	vst v63  }
0xb4: {  	_ = 	snop  }
0xb5: {  	[tilespmem:s14], [sflag:$0x1] =	stream.indirect.gather [hbm4b:s3+s16], $0x80, s26, s16, $0xb8;
	[tilespmem:$0x14500] =	vst v63  }
0xb6: {  	_ =	swait.ge [sflag:s15], $0x4000  }
0xb7: {  	[sflag:s15] =	ssyncset.done $0x0  }
0xb8: {  	[sflag:s15] =	ssyncadd.s32 $0xFFFFC000  }
0xb9: {  	_ =	swait.ge [sflag:s15], $0x4000  }
0xba: {  	[sflag:s15] =	ssyncset.done $0x0  }
0xbb: {  	[sflag:s15] =	ssyncadd.s32 $0xFFFFC000  }
0xbc: {  	_ =	swait.ge [sflag:s15], $0x4000  }
0xbd: {  	[sflag:s15] =	ssyncset.done $0x0  }
0xbe: {  	[sflag:s15] =	ssyncadd.s32 $0xFFFFC000  }
0xbf: {  	_ =	swait.ge [sflag:s15], $0x4000  }
0xc0: {  	[sflag:s15] =	ssyncset.done $0x0  }
0xc1: {  	[sflag:s15] =	ssyncadd.s32 $0xFFFFC000  }
0xc2: {  	_ =	swait.ge [sflag:s15], $0x4000  }
0xc3: {  	[sflag:s15] =	ssyncset.done $0x0  }
0xc4: {  	[sflag:s15] =	ssyncadd.s32 $0xFFFFC000  }
0xc5: {  	[hbm4b:s4+s2] =	stream.linear.scatter [tilespmem:s10], [sflag:$0x2], $0x4000, $0x38;
	[tilespmem:$0x14500] =	vst v63  }
0xc6: {  	_ = 	snop  }
0xc7: {  	[hbm4b:s5+s2] =	stream.linear.scatter [tilespmem:s11], [sflag:$0x2], $0x4000, $0x38;
	[tilespmem:$0x14500] =	vst v63  }
0xc8: {  	_ = 	snop  }
0xc9: {  	[hbm4b:s6+s2] =	stream.linear.scatter [tilespmem:s12], [sflag:$0x2], $0x4000, $0x38;
	[tilespmem:$0x14500] =	vst v63  }
0xca: {  	_ = 	snop  }
0xcb: {  	[hbm4b:s7+s2] =	stream.linear.scatter [tilespmem:s13], [sflag:$0x2], $0x4000, $0x38;
	[tilespmem:$0x14500] =	vst v63  }
0xcc: {  	_ = 	snop  }
0xcd: {  	[hbm4b:s8+s2] =	stream.linear.scatter [tilespmem:s14], [sflag:$0x2], $0x4000, $0x38;
	[tilespmem:$0x14500] =	vst v63  }
0xce: {  	_ =	swait.ge [sflag:s9], $0x4000  }
0xcf: {  	[sflag:s9] =	ssyncset.done $0x0  }
0xd0: {  	[sflag:s9] =	ssyncadd.s32 $0xFFFFC000  }
0xd1: {  	_ =	swait.ge [sflag:s9], $0x4000  }
0xd2: {  	[sflag:s9] =	ssyncset.done $0x0  }
0xd3: {  	[sflag:s9] =	ssyncadd.s32 $0xFFFFC000  }
0xd4: {  	_ =	swait.ge [sflag:s9], $0x4000  }
0xd5: {  	[sflag:s9] =	ssyncset.done $0x0  }
0xd6: {  	p1 =	sne.s32 s1, $0x1;
	[sflag:s9] =	ssyncadd.s32 $0xFFFFC000  }
.Ltmp2:
0xd7: {  	_ =	swait.ge [sflag:s9], $0x4000;
	(pc) =	sbr.rel @p1 .LBB2_2-.Ltmp2, $4  }
0xd8: {  	[sflag:s9] =	ssyncset.done $0x0  }
0xd9: {  	[sflag:s9] =	ssyncadd.s32 $0xFFFFC000  }
0xda: {  	_ =	swait.ge [sflag:s9], $0x4000  }
0xdb: {  	s1 =	sadd.s32 $0xFFFFFFFF, s1;
	s0 =	rddreg [dreg:$0x2];
	[sflag:s9] =	ssyncset.done $0x0  }
.LBB2_3:
0xdc: {  	[sflag:s9] =	ssyncadd.s32 @p0 $0xFFFFC000  }
0xdd: {  	[tilespmem:s2], [sflag:$0x3] =	stream.linear.gather [hbm4b:s0+s2], $0x500, $0x38;
	[tilespmem:$0x14500] =	vst v63  }
0xde: {  	_ =	swait.ge [sflag:s28], $0x500  }
0xdf: {  	[sflag:s28] =	ssyncset.done $0x0  }
0xe0: {  	[sflag:s28] =	ssyncadd.s32 $0xFFFFFB00  }
0xe1: {  	[tilespmem:s10], [sflag:$0x1] =	stream.indirect.gather [hbm4b:s3+s16], $0x80, s2, s16, $0xb8;
	[tilespmem:$0x14500] =	vst v63  }
0xe2: {  	_ = 	snop  }
0xe3: {  	[tilespmem:s11], [sflag:$0x1] =	stream.indirect.gather [hbm4b:s3+s16], $0x80, s16, s16, $0xb8;
	[tilespmem:$0x14500] =	vst v63  }
0xe4: {  	_ = 	snop  }
0xe5: {  	[tilespmem:s12], [sflag:$0x1] =	stream.indirect.gather [hbm4b:s3+s16], $0x80, s29, s16, $0xb8;
	[tilespmem:$0x14500] =	vst v63  }
0xe6: {  	_ = 	snop  }
0xe7: {  	[tilespmem:s13], [sflag:$0x1] =	stream.indirect.gather [hbm4b:s3+s16], $0x80, s30, s16, $0xb8;
	[tilespmem:$0x14500] =	vst v63  }
0xe8: {  	_ = 	snop  }
0xe9: {  	[tilespmem:s14], [sflag:$0x1] =	stream.indirect.gather [hbm4b:s3+s16], $0x80, s31, s16, $0xb8;
	[tilespmem:$0x14500] =	vst v63  }
0xea: {  	_ =	swait.ge [sflag:s15], $0x4000  }
0xeb: {  	[sflag:s15] =	ssyncset.done $0x0  }
0xec: {  	[sflag:s15] =	ssyncadd.s32 $0xFFFFC000  }
0xed: {  	_ =	swait.ge [sflag:s15], $0x4000  }
0xee: {  	[sflag:s15] =	ssyncset.done $0x0  }
0xef: {  	[sflag:s15] =	ssyncadd.s32 $0xFFFFC000  }
0xf0: {  	_ =	swait.ge [sflag:s15], $0x4000  }
0xf1: {  	[sflag:s15] =	ssyncset.done $0x0  }
0xf2: {  	[sflag:s15] =	ssyncadd.s32 $0xFFFFC000  }
0xf3: {  	_ =	swait.ge [sflag:s15], $0x4000  }
0xf4: {  	[sflag:s15] =	ssyncset.done $0x0  }
0xf5: {  	[sflag:s15] =	ssyncadd.s32 $0xFFFFC000  }
0xf6: {  	_ =	swait.ge [sflag:s15], $0x4000  }
0xf7: {  	[sflag:s15] =	ssyncset.done $0x0  }
0xf8: {  	[sflag:s15] =	ssyncadd.s32 $0xFFFFC000  }
0xf9: {  	[hbm4b:s17+s2] =	stream.linear.scatter [tilespmem:s10], [sflag:$0x2], $0x4000, $0x38;
	[tilespmem:$0x14500] =	vst v63  }
0xfa: {  	_ = 	snop  }
0xfb: {  	[hbm4b:s18+s2] =	stream.linear.scatter [tilespmem:s11], [sflag:$0x2], $0x4000, $0x38;
	[tilespmem:$0x14500] =	vst v63  }
0xfc: {  	_ = 	snop  }
0xfd: {  	[hbm4b:s19+s2] =	stream.linear.scatter [tilespmem:s12], [sflag:$0x2], $0x4000, $0x38;
	[tilespmem:$0x14500] =	vst v63  }
0xfe: {  	_ = 	snop  }
0xff: {  	[hbm4b:s20+s2] =	stream.linear.scatter [tilespmem:s13], [sflag:$0x2], $0x4000, $0x38;
	[tilespmem:$0x14500] =	vst v63  }
0x100: {  	_ = 	snop  }
0x101: {  	[hbm4b:s21+s2] =	stream.linear.scatter [tilespmem:s14], [sflag:$0x2], $0x4000, $0x38;
	[tilespmem:$0x14500] =	vst v63  }
0x102: {  	_ =	swait.ge [sflag:s9], $0x4000  }
0x103: {  	[sflag:s9] =	ssyncset.done $0x0  }
0x104: {  	[sflag:s9] =	ssyncadd.s32 $0xFFFFC000  }
0x105: {  	_ =	swait.ge [sflag:s9], $0x4000  }
0x106: {  	[sflag:s9] =	ssyncset.done $0x0  }
0x107: {  	[sflag:s9] =	ssyncadd.s32 $0xFFFFC000  }
0x108: {  	_ =	swait.ge [sflag:s9], $0x4000  }
0x109: {  	[sflag:s9] =	ssyncset.done $0x0  }
0x10a: {  	[sflag:s9] =	ssyncadd.s32 $0xFFFFC000  }
0x10b: {  	_ =	swait.ge [sflag:s9], $0x4000  }
0x10c: {  	[sflag:s9] =	ssyncset.done $0x0  }
0x10d: {  	[sflag:s9] =	ssyncadd.s32 $0xFFFFC000  }
0x10e: {  	_ =	swait.ge [sflag:s9], $0x4000  }
0x10f: {  	[sflag:s9] =	ssyncset.done $0x0  }
0x110: {  	[sflag:s9] =	ssyncadd.s32 $0xFFFFC000  }
0x111: {  	[tilespmem:s10], [sflag:$0x1] =	stream.indirect.gather [hbm4b:s3+s16], $0x80, s22, s16, $0xb8;
	[tilespmem:$0x14500] =	vst v63  }
0x112: {  	_ = 	snop  }
0x113: {  	[tilespmem:s11], [sflag:$0x1] =	stream.indirect.gather [hbm4b:s3+s16], $0x80, s23, s16, $0xb8;
	[tilespmem:$0x14500] =	vst v63  }
0x114: {  	_ = 	snop  }
0x115: {  	[tilespmem:s12], [sflag:$0x1] =	stream.indirect.gather [hbm4b:s3+s16], $0x80, s24, s16, $0xb8;
	[tilespmem:$0x14500] =	vst v63  }
0x116: {  	_ = 	snop  }
0x117: {  	[tilespmem:s13], [sflag:$0x1] =	stream.indirect.gather [hbm4b:s3+s16], $0x80, s25, s16, $0xb8;
	[tilespmem:$0x14500] =	vst v63  }
0x118: {  	_ = 	snop  }
0x119: {  	[tilespmem:s14], [sflag:$0x1] =	stream.indirect.gather [hbm4b:s3+s16], $0x80, s26, s16, $0xb8;
	[tilespmem:$0x14500] =	vst v63  }
0x11a: {  	_ =	swait.ge [sflag:s15], $0x4000  }
0x11b: {  	[sflag:s15] =	ssyncset.done $0x0  }
0x11c: {  	[sflag:s15] =	ssyncadd.s32 $0xFFFFC000  }
0x11d: {  	_ =	swait.ge [sflag:s15], $0x4000  }
0x11e: {  	[sflag:s15] =	ssyncset.done $0x0  }
0x11f: {  	[sflag:s15] =	ssyncadd.s32 $0xFFFFC000  }
0x120: {  	_ =	swait.ge [sflag:s15], $0x4000  }
0x121: {  	[sflag:s15] =	ssyncset.done $0x0  }
0x122: {  	[sflag:s15] =	ssyncadd.s32 $0xFFFFC000  }
0x123: {  	_ =	swait.ge [sflag:s15], $0x4000  }
0x124: {  	[sflag:s15] =	ssyncset.done $0x0  }
0x125: {  	[sflag:s15] =	ssyncadd.s32 $0xFFFFC000  }
0x126: {  	_ =	swait.ge [sflag:s15], $0x4000  }
0x127: {  	[sflag:s15] =	ssyncset.done $0x0  }
0x128: {  	[sflag:s15] =	ssyncadd.s32 $0xFFFFC000  }
0x129: {  	[hbm4b:s4+s2] =	stream.linear.scatter [tilespmem:s10], [sflag:$0x2], $0x4000, $0x38;
	[tilespmem:$0x14500] =	vst v63  }
0x12a: {  	_ = 	snop  }
0x12b: {  	[hbm4b:s5+s2] =	stream.linear.scatter [tilespmem:s11], [sflag:$0x2], $0x4000, $0x38;
	[tilespmem:$0x14500] =	vst v63  }
0x12c: {  	_ = 	snop  }
0x12d: {  	[hbm4b:s6+s2] =	stream.linear.scatter [tilespmem:s12], [sflag:$0x2], $0x4000, $0x38;
	[tilespmem:$0x14500] =	vst v63  }
0x12e: {  	_ = 	snop  }
0x12f: {  	[hbm4b:s7+s2] =	stream.linear.scatter [tilespmem:s13], [sflag:$0x2], $0x4000, $0x38;
	[tilespmem:$0x14500] =	vst v63  }
0x130: {  	_ = 	snop  }
0x131: {  	[hbm4b:s8+s2] =	stream.linear.scatter [tilespmem:s14], [sflag:$0x2], $0x4000, $0x38;
	[tilespmem:$0x14500] =	vst v63  }
0x132: {  	_ =	swait.ge [sflag:s9], $0x4000  }
0x133: {  	[sflag:s9] =	ssyncset.done $0x0  }
0x134: {  	[sflag:s9] =	ssyncadd.s32 $0xFFFFC000  }
0x135: {  	_ =	swait.ge [sflag:s9], $0x4000  }
0x136: {  	[sflag:s9] =	ssyncset.done $0x0  }
0x137: {  	[sflag:s9] =	ssyncadd.s32 $0xFFFFC000  }
0x138: {  	_ =	swait.ge [sflag:s9], $0x4000  }
0x139: {  	[sflag:s9] =	ssyncset.done $0x0  }
0x13a: {  	[sflag:s9] =	ssyncadd.s32 $0xFFFFC000  }
0x13b: {  	_ =	swait.ge [sflag:s9], $0x4000  }
0x13c: {  	[sflag:s9] =	ssyncset.done $0x0  }
0x13d: {  	[sflag:s9] =	ssyncadd.s32 $0xFFFFC000  }
0x13e: {  	_ =	swait.ge [sflag:s9], $0x4000  }
0x13f: {  	[sflag:s9] =	ssyncset.done $0x0  }
0x140: {  	[sflag:s9] =	ssyncadd.s32 $0xFFFFC000  }
0x141: {  	_ =	sfence.sel $0x180000  }
0x142: {  	[bflag:$0x0] =	sbarrier.arrive $0xFFFF  }
0x143: {  	_ =	strace $0x90000047  }
0x144: {  	s31 =	stileid.u32;
	[bflag:$0x2] =	sbarrier.arrive $0xFFFF  }
0x145: {  	p0 =	sne.s32 s31, $0x0;
	s0 =	rddreg [dreg:$0x1]  }
0x146: {  	s0 =	sadd.s32 @!p0 $0x100000, s0  }
0x147: {  	[sflag:s0] =	ssyncadd.tile.s32 @!p0 $0x1;
	_ =	shalt  }
.Lfunc_end2:
_tile_overlayer_lowered:
.L_overlay_start_2:
0x148: {  	(tag) =	ssettag $0x2  }
0x149: {  	s0 =	rddreg [dreg:$0x0];
	s2 =	stileid.u32  }
0x14a: {  	s1 =	rddreg [dreg:$0x1];
	p0 =	sne.s32 s2, $0x0  }
0x14b: {  	s3 =	rddreg [dreg:$0x2];
	[bflag:$0x3] =	sbarrier.arrive $0xFFFF;
	s2 =	simm.s32 @!p0 $0x1C03  }
0x14c: {  	[timem:s3], [sflag:s2] =	dma.local @!p0 [hbm:s0], s1  }
0x14d: {  	s0 =	simm.s32 @!p0 $0x3  }
0x14e: {  	_ =	swait.ge @!p0 [sflag:s0], s1  }
0x14f: {  	s1 =	ssub.s32 @!p0 $0x0, s1;
	[sflag:s0] =	ssyncset.done @!p0 $0x0  }
0x150: {  	[sflag:s0] =	ssyncadd.s32 @!p0 s1  }
0x151: {  	[bflag:$0x3] =	sbarrier.arrive $0xFFFF  }
0x152: {  	_ =	shalt  }

// kernel: kernel.18.cloned.1.call-start
scs
__scs_entry_jumppad:
0x0: {  	(pc) =	sbr.rel $0x88, $3  }
0x1: {  	(tag) =	ssettag $0x0;
	lr =	simm.s32 $0x1  }
0x2: {  	[smem:$0x3F85] =	sst lr;
	_ =	strace $0xD0000000  }
0x3: {  	_ = 	snop  }
0x4: {  	_ = 	snop  }
0x5: {  	_ = 	snop  }
0x6: {  	_ = 	snop  }
0x7: {  	_ = 	snop  }
__scs_overlays_trampoline_lowered:
0x8: {  	[smem:$0x3F94] =	sst s0  }
0x9: {  	[smem:$0x3F95] =	sst s1  }
0xa: {  	[smem:$0x3F96] =	sst s2  }
0xb: {  	[smem:$0x3F97] =	sst s3  }
0xc: {  	[smem:$0x3F98] =	sst s4  }
0xd: {  	[smem:$0x3F99] =	sst s5  }
0xe: {  	[smem:$0x3F9A] =	sst s6  }
0xf: {  	[smem:$0x3F9B] =	sst s7  }
0x10: {  	[smem:$0x3F9C] =	sst s8  }
0x11: {  	[smem:$0x3F9D] =	sst s9;
	s0 =	simm.s32 @!p0 $0x0  }
0x12: {  	s1 =	sld [smem:$0x3F83];
	s0 =	simm.s32 @p0 $0x1  }
0x13: {  	[smem:$0x3F9E] =	sst s0;
	s0 =	simm.s32 @!p1 $0x0  }
0x14: {  	s2 =	sld [smem:$0x3F82];
	s0 =	simm.s32 @p1 $0x1  }
0x15: {  	[smem:$0x3F9F] =	sst s0;
	s0 =	simm.s32 @!p2 $0x0  }
0x16: {  	s3 =	sld [smem:$0x3FDB];
	s0 =	simm.s32 @p2 $0x1  }
0x17: {  	s4 =	simm.s32 $0x1BF5;
	[smem:$0x3FA1] =	sst s0  }
0x18: {  	s0 =	sld [smem:$0x3F84];
	_ =	swait.ge [sflag:s4], $0x0  }
0x19: {  	s7 =	sld [smem:$0x3F85]  }
0x1a: {  	s8 =	sadd.s32 $0xFFFFE003, lr  }
0x1b: {  	s9 =	sadd.s32 $0xFFFFFEF7, lr;
	s5 =	simm.s32 $0xFFFFFFFF;
	p2 =	slt.u32 s8, $0xFFFFF086  }
0x1c: {  	p1 =	slt.u32 s9, $0xF7A;
	s5 =	simm.s32 @!p2 $0x0  }
0x1d: {  	s5 =	simm.s32 @p1 $0x1;
	p0 =	seq.s32 s7, s2  }
0x1e: {  	s7 =	smul.u32 @!p0 $0xF7A, s2;
	p2 =	seq.s32 @!p0 s5, $0x0  }
0x1f: {  	s9 =	smul.u32 $0xF7A, s1;
	s8 =	simm.s32 @!p0 $0x1BF5;
	p2 =	por !p2, p0  }
0x20: {  	[sflag:s8] =	ssyncset.s32 @!p0 $0xFFFFF086;
	s6 =	sadd.s32 @!p0 s3, s7;
	s7 =	simm.s32 @!p0 $0x108  }
0x21: {  	s3 =	sadd.s32 s3, s9;
	s6 =	sadd.s32 @!p0 $0x88, s6;
	s7 =	simm.s32 @p2 $0x1082  }
0x22: {  	[simem:s7], [sflag:s8] =	dma.local @!p0 [hbm:s6], $0xF7A  }
0x23: {  	s9 =	sor.u32 $0xD0000000, s2;
	s6 =	simm.s32 $0x108;
	_ =	swait.ge @!p0 [sflag:s8], $0x0  }
0x24: {  	s3 =	sadd.s32 $0x88, s3;
	s6 =	simm.s32 @!p1 $0x1082;
	[sflag:s4] =	ssyncset.s32 $0xFFFFF086  }
0x25: {  	[simem:s6], [sflag:s4] =	dma.local [hbm:s3], $0xF7A  }
0x26: {  	[smem:$0x3F85] =	sst s1;
	(tag) =	ssettag s2;
	_ =	strace s9  }
0x27: {  	s1 =	sld [smem:$0x3F95]  }
0x28: {  	s2 =	sld [smem:$0x3F96]  }
0x29: {  	s4 =	sld [smem:$0x3F98]  }
0x2a: {  	p0 =	seq.s32 s5, $0x0;
	s5 =	sld [smem:$0x3F99]  }
0x2b: {  	s6 =	sld [smem:$0x3F9A]  }
0x2c: {  	s7 =	sld [smem:$0x3F9B]  }
0x2d: {  	s3 =	simm.s32 $0x108;
	s8 =	sld [smem:$0x3F9C]  }
0x2e: {  	s3 =	simm.s32 @!p0 $0x1082;
	s9 =	sld [smem:$0x3F9D]  }
0x2f: {  	lr =	sadd.s32 s0, s3;
	s0 =	sld [smem:$0x3F94]  }
0x30: {  	s3 =	sld [smem:$0x3F97]  }
0x31: {  	[smem:$0x3FA0] =	sst s10  }
0x32: {  	s10 =	sld [smem:$0x3F9E];
	_ =	sdelay $0x3  }
0x33: {  	p0 =	seq.s32 s10, $0x1;
	s10 =	sld [smem:$0x3FA0];
	_ =	sdelay $0x3  }
0x34: {  	[smem:$0x3FA0] =	sst s10  }
0x35: {  	s10 =	sld [smem:$0x3F9F];
	_ =	sdelay $0x3  }
0x36: {  	p1 =	seq.s32 s10, $0x1;
	s10 =	sld [smem:$0x3FA0];
	_ =	sdelay $0x3  }
0x37: {  	[smem:$0x3FA0] =	sst s10  }
0x38: {  	s10 =	sld [smem:$0x3FA1]  }
0x39: {  	_ = 	snop;
	(pc) =	sbr.ind lr, $3  }
0x3a: {  	_ = 	snop  }
0x3b: {  	_ = 	snop  }
0x3c: {  	p2 =	seq.s32 s10, $0x1;
	s10 =	sld [smem:$0x3FA0]  }
0x3d: {  	_ =	shalt  }
0x3e: {  	_ =	shalt  }
0x3f: {  	_ =	shalt  }
0x40: {  	_ =	shalt  }
0x41: {  	_ =	shalt  }
0x42: {  	_ =	shalt  }
0x43: {  	_ =	shalt  }
0x44: {  	_ =	shalt  }
0x45: {  	_ =	shalt  }
0x46: {  	_ =	shalt  }
0x47: {  	_ =	shalt  }
0x48: {  	_ =	shalt  }
0x49: {  	_ =	shalt  }
0x4a: {  	_ =	shalt  }
0x4b: {  	_ =	shalt  }
0x4c: {  	_ =	shalt  }
0x4d: {  	_ =	shalt  }
0x4e: {  	_ =	shalt  }
0x4f: {  	_ =	shalt  }
0x50: {  	_ =	shalt  }
0x51: {  	_ =	shalt  }
0x52: {  	_ =	shalt  }
0x53: {  	_ =	shalt  }
0x54: {  	_ =	shalt  }
0x55: {  	_ =	shalt  }
0x56: {  	_ =	shalt  }
0x57: {  	_ =	shalt  }
0x58: {  	_ =	shalt  }
0x59: {  	_ =	shalt  }
0x5a: {  	_ =	shalt  }
0x5b: {  	_ =	shalt  }
0x5c: {  	_ =	shalt  }
0x5d: {  	_ =	shalt  }
0x5e: {  	_ =	shalt  }
0x5f: {  	_ =	shalt  }
0x60: {  	_ =	shalt  }
0x61: {  	_ =	shalt  }
0x62: {  	_ =	shalt  }
0x63: {  	_ =	shalt  }
0x64: {  	_ =	shalt  }
0x65: {  	_ =	shalt  }
0x66: {  	_ =	shalt  }
0x67: {  	_ =	shalt  }
0x68: {  	_ =	shalt  }
0x69: {  	_ =	shalt  }
0x6a: {  	_ =	shalt  }
0x6b: {  	_ =	shalt  }
0x6c: {  	_ =	shalt  }
0x6d: {  	_ =	shalt  }
0x6e: {  	_ =	shalt  }
0x6f: {  	_ =	shalt  }
0x70: {  	_ =	shalt  }
0x71: {  	_ =	shalt  }
0x72: {  	_ =	shalt  }
0x73: {  	_ =	shalt  }
0x74: {  	_ =	shalt  }
0x75: {  	_ =	shalt  }
0x76: {  	_ =	shalt  }
0x77: {  	_ =	shalt  }
0x78: {  	_ =	shalt  }
0x79: {  	_ =	shalt  }
0x7a: {  	_ =	shalt  }
0x7b: {  	_ =	shalt  }
0x7c: {  	_ =	shalt  }
0x7d: {  	_ =	shalt  }
0x7e: {  	_ =	shalt  }
0x7f: {  	_ =	shalt  }
0x80: {  	_ =	shalt  }
0x81: {  	_ =	shalt  }
0x82: {  	_ =	shalt  }
0x83: {  	_ =	shalt  }
0x84: {  	_ =	shalt  }
0x85: {  	_ =	shalt  }
0x86: {  	_ =	shalt  }
0x87: {  	_ =	shalt  }
.Lfunc_end0:
.L_simem_size_0:
called_computation.1_lowered:
.L_overlay_start_0:
0x88: {  	s2 =	sld [smem:$0x3FD9]  }
0x89: {  	s3 =	sld [smem:$0x3FFE];
	_ =	sdelay $0x1  }
0x8a: {  	s1 =	srdreg.scid  }
0x8b: {  	s0 =	sand.u32 $0x1, s1  }
0x8c: {  	s17 =	sshll.u32 s0, $0xA;
	s2 =	sadd.s32 s3, s2  }
0x8d: {  	s2 =	sadd.s32 s2, s17  }
0x8e: {  	[smem:$0x3FAC] =	sst s2  }
0x8f: {  	_ = 	snop  }
0x90: {  	(tm) =	ssettm $0x1  }
0x91: {  	s18 =	sld [smem:$0x3FFB];
	_ =	sdelay $0x3  }
0x92: {  	_ =	strace s18  }
0x93: {  	s2 =	sld [smem:$0x3FFC];
	_ =	sdelay $0x3  }
0x94: {  	_ =	strace s2  }
0x95: {  	s2 =	sld [smem:$0x3FFD];
	_ =	sdelay $0x3  }
0x96: {  	_ =	strace s2  }
0x97: {  	_ =	strace $0x8FFFFFFF  }
0x98: {  	s19 =	sld [smem:$0x3FDB];
	_ =	sdelay $0x1  }
0x99: {  	s20 =	simm.s32 $_scs_section_size  }
0x9a: {  	s4 =	simm.s32 $_size__tile_overlayer_lowered;
	s5 =	simm.s32 $_tile_overlayer_lowered  }
0x9b: {  	s6 =	simm.s32 $0x1BFF;
	s21 =	sshll.u32 s5, $0x1;
	s3 =	sadd.s32 s20, s19  }
0x9c: {  	s22 =	simm.s32 $0x0;
	s4 =	sshll.u32 s4, $0x1;
	s5 =	sadd.s32 s21, s3  }
0x9d: {  	[timem:s22], [sflag:s6] =	dma.local [hbm:s5], s4  }
0x9e: {  	_ =	swait.ge [sflag:s6], s4  }
0x9f: {  	s4 =	ssub.s32 $0x0, s4;
	[sflag:s6] =	ssyncset.done $0x0  }
0xa0: {  	[sflag:s6] =	ssyncadd.s32 s4;
	_ =	sdelay $0x1  }
0xa1: {  	s23 =	simm.s32 $0x1B8B  }
0xa2: {  	_ =	swait.ge [sflag:s23], $0x1  }
0xa3: {  	[sflag:s23] =	ssyncset.done $0x0  }
0xa4: {  	[sflag:s23] =	ssyncadd.s32 $0xFFFFFFFF  }
0xa5: {  	s4 =	sld [smem:$0x0]  }
0xa6: {  	s5 =	sand.u32 $0xFFFFFFFE, s1  }
0xa7: {  	p0 =	sne.s32 s1, s5  }
0xa8: {  	s5 =	sshll.u32 @p0 s5, $0xE  }
0xa9: {  	s5 =	sadd.s32 @p0 $0x11B8D, s5;
	s6 =	sshll.u32 @p0 s4, $0x11  }
0xaa: {  	s5 =	sor.u32 @p0 s6, s5  }
0xab: {  	[sflag:s5] =	ssyncadd.remote.s32 @p0 $0x1;
	_ =	sdelay $0x1  }
0xac: {  	s5 =	simm.s32 @p0 $0x1B8D  }
0xad: {  	_ =	swait.eq @p0 [sflag:s5], $0x1  }
0xae: {  	[sflag:s5] =	ssyncadd.s32 @p0 $0xFFFFFFFF  }
0xaf: {  	s6 =	sshll.u32 @!p0 s1, $0xE  }
0xb0: {  	s6 =	sor.u32 @!p0 $0x4000, s6;
	s5 =	simm.s32 @!p0 $0x1B8D  }
0xb1: {  	s4 =	sshll.u32 @!p0 s4, $0x11;
	s6 =	sadd.s32 @!p0 $0x11B8D, s6;
	_ =	swait.eq @!p0 [sflag:s5], $0x1  }
0xb2: {  	s4 =	sor.u32 @!p0 s4, s6;
	[sflag:s5] =	ssyncadd.s32 @!p0 $0xFFFFFFFF  }
0xb3: {  	s25 =	simm.s32 $0x1B8E;
	s24 =	sld [smem:$0x3FFE];
	[sflag:s4] =	ssyncadd.remote.s32 @!p0 $0x1  }
0xb4: {  	s26 =	simm.s32 $execute0_lowered;
	[smem:$0x3FD2] =	sst s25  }
0xb5: {  	s5 =	sshll.u32 s26, $0x1;
	_ =	strace $0x8000004F;
	[dreg:$0x1] =	wrdreg $0xFFFFFFFF  }
0xb6: {  	s28 =	simm.s32 $_size_execute0_lowered;
	s3 =	sadd.s32 s3, s5;
	[dreg:$0x0] =	wrdreg $0x0  }
0xb7: {  	s5 =	sshll.u32 s28, $0x1;
	[dreg:$0x2] =	wrdreg s3  }
0xb8: {  	[dreg:$0x3] =	wrdreg s5  }
0xb9: {  	[dreg:$0x4] =	wrdreg $0xC0  }
0xba: {  	_ =	task [dreg:s22], $0x5FFFF  }
0xbb: {  	[dreg:$0x1] =	wrdreg $0xFFFFFFFF  }
0xbc: {  	[dreg:$0x0] =	wrdreg $0x60  }
0xbd: {  	[dreg:$0x2] =	wrdreg s24  }
0xbe: {  	[dreg:$0x3] =	wrdreg $0xA  }
0xbf: {  	_ =	task.clear_ibuf [dreg:s22], $0x4FFFF;
	_ =	strace $0x9000004F  }
0xc0: {  	s29 =	simm.s32 $0xA;
	_ =	strace $0x80000051  }
0xc1: {  	_ =	swait.ge [sflag:s29], $0x1  }
0xc2: {  	[sflag:s29] =	ssyncadd.s32 $0xFFFFFFFF  }
0xc3: {  	_ =	strace $0x90000051  }
0xc4: {  	_ =	sfence  }
0xc5: {  	s30 =	sld [smem:$0x0];
	_ =	sdelay $0x2  }
0xc6: {  	s31 =	sshll.u32 s1, $0xD;
	s1 =	sshrl.u32 s1, $0x2  }
0xc7: {  	s4 =	sand.u32 $0x4000, s31;
	s1 =	sadd.s32 s1, s30  }
0xc8: {  	s0 =	sor.u32 s4, s0;
	s1 =	sshll.u32 s1, $0x11  }
0xc9: {  	s0 =	sor.u32 s1, s0  }
0xca: {  	s0 =	sadd.s32 $0x8F2B, s0  }
0xcb: {  	[sflag:s0] =	ssyncadd.remote.s32 $0x1  }
0xcc: {  	_ =	sfence.sel $0xFFFF  }
0xcd: {  	[dreg:$0x0] =	wrdreg $0xFFFFFFFF;
	(pc) =	sbr.abs _section_cstart, $3  }
0xce: {  	[dreg:$0x1] =	wrdreg $0xFFFFFFFF  }
0xcf: {  	_ =	task.clear_ibuf [dreg:s22], $0x2FFFF;
	_ =	strace $0x9FFFFFFF  }
0xd0: {  	(tm) =	ssettm $0x7FFFFFFF  }
0xd1: {  	_ =	shalt  }
tec
execute0_lowered:
.L_overlay_start_1:
0x0: {  	(tag) =	ssettag $0x1  }
0x1: {  	s1 =	srdreg.scid  }
0x2: {  	s0 =	stileid.u32;
	s4 =	rddreg [dreg:$0x0];
	s2 =	simm.s32 $0x0  }
0x3: {  	s9 =	simm.s32 $0x1400;
	s10 =	simm.s32 $0x5400;
	s11 =	simm.s32 $0x9400  }
0x4: {  	s12 =	simm.s32 $0xD400;
	s13 =	simm.s32 $0x11400;
	s14 =	simm.s32 $0x1  }
0x5: {  	s15 =	simm.s32 $0x2;
	s16 =	simm.s32 $0x0;
	s5 =	sand.u32 $0x1, s1  }
0x6: {  	s3 =	sshll.u32 s0, $0x1;
	[smem:$0x7FF] =	sst s2;
	s7 =	smul.u32 $0x28000, s0  }
0x7: {  	s3 =	sor.u32 s5, s3;
	s8 =	ssub.s32 $0x2, s5;
	s5 =	smul.u32 $0x14000, s5  }
0x8: {  	s1 =	rddreg [dreg:$0x1];
	_ =	strace $0x80000050;
	s6 =	smul.u32 $0x1400, s3  }
0x9: {  	s3 =	sadd.s32 $0x53E00, s4;
	s7 =	sadd.s32 s7, s4;
	s30 =	sshrl.u32 s8, $0x1  }
0xa: {  	s8 =	ssub.s32 s8, s30;
	s31 =	sadd.s32 s5, s7;
	s6 =	sshrl.u32 s6, $0x3  }
0xb: {  	s7 =	simm.s32 $0x3;
	s5 =	smax.u32 s8, $0x1;
	s6 =	sadd.s32 s6, s4  }
0xc: {  	s8 =	simm.s32 $0x80;
	s4 =	sadd.s32 $0x42A200, s6;
	s6 =	sadd.s32 $0x431200, s31  }
.LBB2_1:
0xd: {  	[tilespmem:s2], [sflag:$0x3] =	stream.linear.gather [hbm4b:s4+s2], $0x1400, $0x38;
	[tilespmem:$0x15400] =	vst v63  }
0xe: {  	_ =	swait.ge [sflag:s7], $0x1400  }
0xf: {  	[sflag:s7] =	ssyncset.done $0x0  }
0x10: {  	s17 =	simm.s32 $0x0;
	[sflag:s7] =	ssyncadd.s32 $0xFFFFEC00  }
0x11: {  	[tilespmem:s9], [sflag:$0x1] =	stream.indirect.gather [hbm4b:s3+s8], $0x80, s17, s8, $0xb8;
	[tilespmem:$0x15400] =	vst v63  }
0x12: {  	s23 =	simm.s32 $0x80  }
0x13: {  	[tilespmem:s10], [sflag:$0x1] =	stream.indirect.gather [hbm4b:s3+s8], $0x80, s23, s8, $0xb8;
	[tilespmem:$0x15400] =	vst v63  }
0x14: {  	s24 =	simm.s32 $0x100  }
0x15: {  	[tilespmem:s11], [sflag:$0x1] =	stream.indirect.gather [hbm4b:s3+s8], $0x80, s24, s8, $0xb8;
	[tilespmem:$0x15400] =	vst v63  }
0x16: {  	s25 =	simm.s32 $0x180  }
0x17: {  	[tilespmem:s12], [sflag:$0x1] =	stream.indirect.gather [hbm4b:s3+s8], $0x80, s25, s8, $0xb8;
	[tilespmem:$0x15400] =	vst v63  }
0x18: {  	s26 =	simm.s32 $0x200  }
0x19: {  	[tilespmem:s13], [sflag:$0x1] =	stream.indirect.gather [hbm4b:s3+s8], $0x80, s26, s8, $0xb8;
	[tilespmem:$0x15400] =	vst v63  }
0x1a: {  	_ =	swait.ge [sflag:s14], $0x4000  }
0x1b: {  	[sflag:s14] =	ssyncset.done $0x0  }
0x1c: {  	[sflag:s14] =	ssyncadd.s32 $0xFFFFC000  }
0x1d: {  	_ =	swait.ge [sflag:s14], $0x4000  }
0x1e: {  	[sflag:s14] =	ssyncset.done $0x0  }
0x1f: {  	[sflag:s14] =	ssyncadd.s32 $0xFFFFC000  }
0x20: {  	_ =	swait.ge [sflag:s14], $0x4000  }
0x21: {  	[sflag:s14] =	ssyncset.done $0x0  }
0x22: {  	[sflag:s14] =	ssyncadd.s32 $0xFFFFC000  }
0x23: {  	_ =	swait.ge [sflag:s14], $0x4000  }
0x24: {  	[sflag:s14] =	ssyncset.done $0x0  }
0x25: {  	[sflag:s14] =	ssyncadd.s32 $0xFFFFC000  }
0x26: {  	_ =	swait.ge [sflag:s14], $0x4000  }
0x27: {  	[sflag:s14] =	ssyncset.done $0x0  }
0x28: {  	s28 =	sadd.s32 $0xFFFFE000, s6;
	[sflag:s14] =	ssyncadd.s32 $0xFFFFC000  }
0x29: {  	[hbm4b:s28+s2] =	stream.linear.scatter [tilespmem:s9], [sflag:$0x2], $0x4000, $0x38;
	[tilespmem:$0x15400] =	vst v63  }
0x2a: {  	s29 =	sadd.s32 $0xFFFFE800, s6  }
0x2b: {  	[hbm4b:s29+s2] =	stream.linear.scatter [tilespmem:s10], [sflag:$0x2], $0x4000, $0x38;
	[tilespmem:$0x15400] =	vst v63  }
0x2c: {  	s30 =	sadd.s32 $0xFFFFF000, s6  }
0x2d: {  	[hbm4b:s30+s2] =	stream.linear.scatter [tilespmem:s11], [sflag:$0x2], $0x4000, $0x38;
	[tilespmem:$0x15400] =	vst v63  }
0x2e: {  	s31 =	sadd.s32 $0xFFFFF800, s6  }
0x2f: {  	[hbm4b:s31+s2] =	stream.linear.scatter [tilespmem:s12], [sflag:$0x2], $0x4000, $0x38;
	[tilespmem:$0x15400] =	vst v63  }
0x30: {  	_ = 	snop  }
0x31: {  	[hbm4b:s6+s2] =	stream.linear.scatter [tilespmem:s13], [sflag:$0x2], $0x4000, $0x38;
	[tilespmem:$0x15400] =	vst v63  }
0x32: {  	_ =	swait.ge [sflag:s15], $0x4000  }
0x33: {  	[sflag:s15] =	ssyncset.done $0x0  }
0x34: {  	[sflag:s15] =	ssyncadd.s32 $0xFFFFC000  }
0x35: {  	_ =	swait.ge [sflag:s15], $0x4000  }
0x36: {  	[sflag:s15] =	ssyncset.done $0x0  }
0x37: {  	[sflag:s15] =	ssyncadd.s32 $0xFFFFC000  }
0x38: {  	_ =	swait.ge [sflag:s15], $0x4000  }
0x39: {  	[sflag:s15] =	ssyncset.done $0x0  }
0x3a: {  	[sflag:s15] =	ssyncadd.s32 $0xFFFFC000  }
0x3b: {  	_ =	swait.ge [sflag:s15], $0x4000  }
0x3c: {  	[sflag:s15] =	ssyncset.done $0x0  }
0x3d: {  	[sflag:s15] =	ssyncadd.s32 $0xFFFFC000  }
0x3e: {  	s18 =	simm.s32 $0xA00;
	_ =	swait.ge [sflag:s15], $0x4000  }
0x3f: {  	s20 =	simm.s32 $0x1400;
	s17 =	sadd.s32 $0x2800, s6;
	[sflag:s15] =	ssyncset.done $0x0  }
.LBB2_2:
0x40: {  	s21 =	sshra.s32 s18, $0x2  }
0x41: {  	[sflag:s15] =	ssyncadd.s32 $0xFFFFC000;
	s18 =	smov.u32 s20;
	s19 =	sadd.s32 $0xA00, s20  }
0x42: {  	[tilespmem:s9], [sflag:$0x1] =	stream.indirect.gather [hbm4b:s3+s8], $0x80, s21, s8, $0xb8;
	[tilespmem:$0x15400] =	vst v63  }
0x43: {  	p0 =	sne.s32 s20, $0x4600;
	s20 =	sadd.s32 $0x80, s21  }
0x44: {  	[tilespmem:s10], [sflag:$0x1] =	stream.indirect.gather [hbm4b:s3+s8], $0x80, s20, s8, $0xb8;
	[tilespmem:$0x15400] =	vst v63  }
0x45: {  	s20 =	sadd.s32 $0x100, s21  }
0x46: {  	[tilespmem:s11], [sflag:$0x1] =	stream.indirect.gather [hbm4b:s3+s8], $0x80, s20, s8, $0xb8;
	[tilespmem:$0x15400] =	vst v63  }
0x47: {  	s20 =	sadd.s32 $0x180, s21  }
0x48: {  	[tilespmem:s12], [sflag:$0x1] =	stream.indirect.gather [hbm4b:s3+s8], $0x80, s20, s8, $0xb8;
	[tilespmem:$0x15400] =	vst v63  }
0x49: {  	s20 =	sadd.s32 $0x200, s21  }
0x4a: {  	[tilespmem:s13], [sflag:$0x1] =	stream.indirect.gather [hbm4b:s3+s8], $0x80, s20, s8, $0xb8;
	[tilespmem:$0x15400] =	vst v63  }
0x4b: {  	_ =	swait.ge [sflag:s14], $0x4000  }
0x4c: {  	[sflag:s14] =	ssyncset.done $0x0  }
0x4d: {  	[sflag:s14] =	ssyncadd.s32 $0xFFFFC000  }
0x4e: {  	_ =	swait.ge [sflag:s14], $0x4000  }
0x4f: {  	[sflag:s14] =	ssyncset.done $0x0  }
0x50: {  	[sflag:s14] =	ssyncadd.s32 $0xFFFFC000  }
0x51: {  	_ =	swait.ge [sflag:s14], $0x4000  }
0x52: {  	[sflag:s14] =	ssyncset.done $0x0  }
0x53: {  	[sflag:s14] =	ssyncadd.s32 $0xFFFFC000  }
0x54: {  	_ =	swait.ge [sflag:s14], $0x4000  }
0x55: {  	[sflag:s14] =	ssyncset.done $0x0  }
0x56: {  	[sflag:s14] =	ssyncadd.s32 $0xFFFFC000  }
0x57: {  	_ =	swait.ge [sflag:s14], $0x4000  }
0x58: {  	[sflag:s14] =	ssyncset.done $0x0  }
0x59: {  	s20 =	sadd.s32 $0xFFFFE000, s17;
	[sflag:s14] =	ssyncadd.s32 $0xFFFFC000  }
0x5a: {  	[hbm4b:s20+s2] =	stream.linear.scatter [tilespmem:s9], [sflag:$0x2], $0x4000, $0x38;
	[tilespmem:$0x15400] =	vst v63  }
0x5b: {  	s20 =	sadd.s32 $0xFFFFE800, s17  }
0x5c: {  	[hbm4b:s20+s2] =	stream.linear.scatter [tilespmem:s10], [sflag:$0x2], $0x4000, $0x38;
	[tilespmem:$0x15400] =	vst v63  }
0x5d: {  	s20 =	sadd.s32 $0xFFFFF000, s17  }
0x5e: {  	[hbm4b:s20+s2] =	stream.linear.scatter [tilespmem:s11], [sflag:$0x2], $0x4000, $0x38;
	[tilespmem:$0x15400] =	vst v63  }
0x5f: {  	s20 =	sadd.s32 $0xFFFFF800, s17  }
0x60: {  	[hbm4b:s20+s2] =	stream.linear.scatter [tilespmem:s12], [sflag:$0x2], $0x4000, $0x38;
	[tilespmem:$0x15400] =	vst v63  }
0x61: {  	_ = 	snop  }
0x62: {  	[hbm4b:s17+s2] =	stream.linear.scatter [tilespmem:s13], [sflag:$0x2], $0x4000, $0x38;
	[tilespmem:$0x15400] =	vst v63  }
0x63: {  	_ =	swait.ge [sflag:s15], $0x4000  }
0x64: {  	[sflag:s15] =	ssyncset.done $0x0  }
0x65: {  	[sflag:s15] =	ssyncadd.s32 $0xFFFFC000  }
0x66: {  	_ =	swait.ge [sflag:s15], $0x4000  }
0x67: {  	[sflag:s15] =	ssyncset.done $0x0  }
0x68: {  	[sflag:s15] =	ssyncadd.s32 $0xFFFFC000  }
0x69: {  	_ =	swait.ge [sflag:s15], $0x4000  }
0x6a: {  	[sflag:s15] =	ssyncset.done $0x0  }
0x6b: {  	[sflag:s15] =	ssyncadd.s32 $0xFFFFC000  }
.Ltmp0:
0x6c: {  	_ =	swait.ge [sflag:s15], $0x4000;
	(pc) =	sbr.rel @p0 .LBB2_2-.Ltmp0, $4  }
0x6d: {  	[sflag:s15] =	ssyncset.done $0x0  }
0x6e: {  	[sflag:s15] =	ssyncadd.s32 $0xFFFFC000  }
0x6f: {  	_ =	swait.ge [sflag:s15], $0x4000  }
0x70: {  	s20 =	smov.u32 s19;
	s17 =	sadd.s32 $0x2800, s17;
	[sflag:s15] =	ssyncset.done $0x0  }
0x71: {  	s18 =	sshra.s32 s18, $0x2;
	[sflag:s15] =	ssyncadd.s32 $0xFFFFC000  }
0x72: {  	[tilespmem:s9], [sflag:$0x1] =	stream.indirect.gather [hbm4b:s3+s8], $0x80, s18, s8, $0xb8;
	[tilespmem:$0x15400] =	vst v63  }
0x73: {  	s19 =	sadd.s32 $0x80, s18  }
0x74: {  	[tilespmem:s10], [sflag:$0x1] =	stream.indirect.gather [hbm4b:s3+s8], $0x80, s19, s8, $0xb8;
	[tilespmem:$0x15400] =	vst v63  }
0x75: {  	s25 =	sadd.s32 $0x100, s18  }
0x76: {  	[tilespmem:s11], [sflag:$0x1] =	stream.indirect.gather [hbm4b:s3+s8], $0x80, s25, s8, $0xb8;
	[tilespmem:$0x15400] =	vst v63  }
0x77: {  	s26 =	sadd.s32 $0x180, s18  }
0x78: {  	[tilespmem:s12], [sflag:$0x1] =	stream.indirect.gather [hbm4b:s3+s8], $0x80, s26, s8, $0xb8;
	[tilespmem:$0x15400] =	vst v63  }
0x79: {  	s18 =	sadd.s32 $0x200, s18  }
0x7a: {  	[tilespmem:s13], [sflag:$0x1] =	stream.indirect.gather [hbm4b:s3+s8], $0x80, s18, s8, $0xb8;
	[tilespmem:$0x15400] =	vst v63  }
0x7b: {  	_ =	swait.ge [sflag:s14], $0x4000  }
0x7c: {  	[sflag:s14] =	ssyncset.done $0x0  }
0x7d: {  	[sflag:s14] =	ssyncadd.s32 $0xFFFFC000  }
0x7e: {  	_ =	swait.ge [sflag:s14], $0x4000  }
0x7f: {  	[sflag:s14] =	ssyncset.done $0x0  }
0x80: {  	[sflag:s14] =	ssyncadd.s32 $0xFFFFC000  }
0x81: {  	_ =	swait.ge [sflag:s14], $0x4000  }
0x82: {  	[sflag:s14] =	ssyncset.done $0x0  }
0x83: {  	[sflag:s14] =	ssyncadd.s32 $0xFFFFC000  }
0x84: {  	_ =	swait.ge [sflag:s14], $0x4000  }
0x85: {  	[sflag:s14] =	ssyncset.done $0x0  }
0x86: {  	[sflag:s14] =	ssyncadd.s32 $0xFFFFC000  }
0x87: {  	_ =	swait.ge [sflag:s14], $0x4000  }
0x88: {  	[sflag:s14] =	ssyncset.done $0x0  }
0x89: {  	s28 =	sadd.s32 $0xFFFFE000, s17;
	[sflag:s14] =	ssyncadd.s32 $0xFFFFC000  }
0x8a: {  	[hbm4b:s28+s2] =	stream.linear.scatter [tilespmem:s9], [sflag:$0x2], $0x4000, $0x38;
	[tilespmem:$0x15400] =	vst v63  }
0x8b: {  	s29 =	sadd.s32 $0xFFFFE800, s17  }
0x8c: {  	[hbm4b:s29+s2] =	stream.linear.scatter [tilespmem:s10], [sflag:$0x2], $0x4000, $0x38;
	[tilespmem:$0x15400] =	vst v63  }
0x8d: {  	s30 =	sadd.s32 $0xFFFFF000, s17  }
0x8e: {  	[hbm4b:s30+s2] =	stream.linear.scatter [tilespmem:s11], [sflag:$0x2], $0x4000, $0x38;
	[tilespmem:$0x15400] =	vst v63  }
0x8f: {  	s31 =	sadd.s32 $0xFFFFF800, s17  }
0x90: {  	[hbm4b:s31+s2] =	stream.linear.scatter [tilespmem:s12], [sflag:$0x2], $0x4000, $0x38;
	[tilespmem:$0x15400] =	vst v63  }
0x91: {  	_ = 	snop  }
0x92: {  	[hbm4b:s17+s2] =	stream.linear.scatter [tilespmem:s13], [sflag:$0x2], $0x4000, $0x38;
	[tilespmem:$0x15400] =	vst v63  }
0x93: {  	_ =	swait.ge [sflag:s15], $0x4000  }
0x94: {  	[sflag:s15] =	ssyncset.done $0x0  }
0x95: {  	[sflag:s15] =	ssyncadd.s32 $0xFFFFC000  }
0x96: {  	_ =	swait.ge [sflag:s15], $0x4000  }
0x97: {  	[sflag:s15] =	ssyncset.done $0x0  }
0x98: {  	[sflag:s15] =	ssyncadd.s32 $0xFFFFC000  }
0x99: {  	_ =	swait.ge [sflag:s15], $0x4000  }
0x9a: {  	[sflag:s15] =	ssyncset.done $0x0  }
0x9b: {  	s16 =	sadd.s32 $0x1, s16;
	[sflag:s15] =	ssyncadd.s32 $0xFFFFC000  }
0x9c: {  	p0 =	sne.s32 s16, s5;
	_ =	swait.ge [sflag:s15], $0x4000  }
.Ltmp1:
0x9d: {  	[sflag:s15] =	ssyncset.done $0x0;
	(pc) =	sbr.rel @p0 .LBB2_1-.Ltmp1, $4  }
0x9e: {  	[sflag:s15] =	ssyncadd.s32 $0xFFFFC000  }
0x9f: {  	_ =	swait.ge [sflag:s15], $0x4000  }
0xa0: {  	[sflag:s15] =	ssyncset.done $0x0  }
0xa1: {  	[sflag:s15] =	ssyncadd.s32 $0xFFFFC000  }
0xa2: {  	_ =	sfence.sel $0x180000  }
0xa3: {  	[bflag:$0x0] =	sbarrier.arrive $0xFFFF  }
0xa4: {  	p0 =	sne.s32 s0, $0x0;
	_ =	strace $0x90000050  }
0xa5: {  	s0 =	sadd.s32 @!p0 $0x100000, s1;
	[bflag:$0x2] =	sbarrier.arrive $0xFFFF  }
0xa6: {  	[sflag:s0] =	ssyncadd.tile.s32 @!p0 $0x1;
	_ =	shalt  }
.Lfunc_end2:
_tile_overlayer_lowered:
.L_overlay_start_2:
0xa7: {  	(tag) =	ssettag $0x2  }
0xa8: {  	s0 =	rddreg [dreg:$0x0];
	s2 =	stileid.u32  }
0xa9: {  	s1 =	rddreg [dreg:$0x1];
	p0 =	sne.s32 s2, $0x0  }
0xaa: {  	s3 =	rddreg [dreg:$0x2];
	[bflag:$0x3] =	sbarrier.arrive $0xFFFF;
	s2 =	simm.s32 @!p0 $0x1C03  }
0xab: {  	[timem:s3], [sflag:s2] =	dma.local @!p0 [hbm:s0], s1  }
0xac: {  	s0 =	simm.s32 @!p0 $0x3  }
0xad: {  	_ =	swait.ge @!p0 [sflag:s0], s1  }
0xae: {  	s1 =	ssub.s32 @!p0 $0x0, s1;
	[sflag:s0] =	ssyncset.done @!p0 $0x0  }
0xaf: {  	[sflag:s0] =	ssyncadd.s32 @!p0 s1  }
0xb0: {  	[bflag:$0x3] =	sbarrier.arrive $0xFFFF  }
0xb1: {  	_ =	shalt  }

// kernel: kernel.21.cloned.1.call-start
scs
__scs_entry_jumppad:
0x0: {  	(pc) =	sbr.rel $0x88, $3  }
0x1: {  	(tag) =	ssettag $0x0;
	lr =	simm.s32 $0x1  }
0x2: {  	[smem:$0x3F85] =	sst lr;
	_ =	strace $0xD0000000  }
0x3: {  	_ = 	snop  }
0x4: {  	_ = 	snop  }
0x5: {  	_ = 	snop  }
0x6: {  	_ = 	snop  }
0x7: {  	_ = 	snop  }
__scs_overlays_trampoline_lowered:
0x8: {  	[smem:$0x3F94] =	sst s0  }
0x9: {  	[smem:$0x3F95] =	sst s1  }
0xa: {  	[smem:$0x3F96] =	sst s2  }
0xb: {  	[smem:$0x3F97] =	sst s3  }
0xc: {  	[smem:$0x3F98] =	sst s4  }
0xd: {  	[smem:$0x3F99] =	sst s5  }
0xe: {  	[smem:$0x3F9A] =	sst s6  }
0xf: {  	[smem:$0x3F9B] =	sst s7  }
0x10: {  	[smem:$0x3F9C] =	sst s8  }
0x11: {  	[smem:$0x3F9D] =	sst s9;
	s0 =	simm.s32 @!p0 $0x0  }
0x12: {  	s1 =	sld [smem:$0x3F83];
	s0 =	simm.s32 @p0 $0x1  }
0x13: {  	[smem:$0x3F9E] =	sst s0;
	s0 =	simm.s32 @!p1 $0x0  }
0x14: {  	s2 =	sld [smem:$0x3F82];
	s0 =	simm.s32 @p1 $0x1  }
0x15: {  	[smem:$0x3F9F] =	sst s0;
	s0 =	simm.s32 @!p2 $0x0  }
0x16: {  	s3 =	sld [smem:$0x3FDB];
	s0 =	simm.s32 @p2 $0x1  }
0x17: {  	s4 =	simm.s32 $0x1BF5;
	[smem:$0x3FA1] =	sst s0  }
0x18: {  	s0 =	sld [smem:$0x3F84];
	_ =	swait.ge [sflag:s4], $0x0  }
0x19: {  	s7 =	sld [smem:$0x3F85]  }
0x1a: {  	s8 =	sadd.s32 $0xFFFFE003, lr  }
0x1b: {  	s9 =	sadd.s32 $0xFFFFFEF7, lr;
	s5 =	simm.s32 $0xFFFFFFFF;
	p2 =	slt.u32 s8, $0xFFFFF086  }
0x1c: {  	p1 =	slt.u32 s9, $0xF7A;
	s5 =	simm.s32 @!p2 $0x0  }
0x1d: {  	s5 =	simm.s32 @p1 $0x1;
	p0 =	seq.s32 s7, s2  }
0x1e: {  	s7 =	smul.u32 @!p0 $0xF7A, s2;
	p2 =	seq.s32 @!p0 s5, $0x0  }
0x1f: {  	s9 =	smul.u32 $0xF7A, s1;
	s8 =	simm.s32 @!p0 $0x1BF5;
	p2 =	por !p2, p0  }
0x20: {  	[sflag:s8] =	ssyncset.s32 @!p0 $0xFFFFF086;
	s6 =	sadd.s32 @!p0 s3, s7;
	s7 =	simm.s32 @!p0 $0x108  }
0x21: {  	s3 =	sadd.s32 s3, s9;
	s6 =	sadd.s32 @!p0 $0x88, s6;
	s7 =	simm.s32 @p2 $0x1082  }
0x22: {  	[simem:s7], [sflag:s8] =	dma.local @!p0 [hbm:s6], $0xF7A  }
0x23: {  	s9 =	sor.u32 $0xD0000000, s2;
	s6 =	simm.s32 $0x108;
	_ =	swait.ge @!p0 [sflag:s8], $0x0  }
0x24: {  	s3 =	sadd.s32 $0x88, s3;
	s6 =	simm.s32 @!p1 $0x1082;
	[sflag:s4] =	ssyncset.s32 $0xFFFFF086  }
0x25: {  	[simem:s6], [sflag:s4] =	dma.local [hbm:s3], $0xF7A  }
0x26: {  	[smem:$0x3F85] =	sst s1;
	(tag) =	ssettag s2;
	_ =	strace s9  }
0x27: {  	s1 =	sld [smem:$0x3F95]  }
0x28: {  	s2 =	sld [smem:$0x3F96]  }
0x29: {  	s4 =	sld [smem:$0x3F98]  }
0x2a: {  	p0 =	seq.s32 s5, $0x0;
	s5 =	sld [smem:$0x3F99]  }
0x2b: {  	s6 =	sld [smem:$0x3F9A]  }
0x2c: {  	s7 =	sld [smem:$0x3F9B]  }
0x2d: {  	s3 =	simm.s32 $0x108;
	s8 =	sld [smem:$0x3F9C]  }
0x2e: {  	s3 =	simm.s32 @!p0 $0x1082;
	s9 =	sld [smem:$0x3F9D]  }
0x2f: {  	lr =	sadd.s32 s0, s3;
	s0 =	sld [smem:$0x3F94]  }
0x30: {  	s3 =	sld [smem:$0x3F97]  }
0x31: {  	[smem:$0x3FA0] =	sst s10  }
0x32: {  	s10 =	sld [smem:$0x3F9E];
	_ =	sdelay $0x3  }
0x33: {  	p0 =	seq.s32 s10, $0x1;
	s10 =	sld [smem:$0x3FA0];
	_ =	sdelay $0x3  }
0x34: {  	[smem:$0x3FA0] =	sst s10  }
0x35: {  	s10 =	sld [smem:$0x3F9F];
	_ =	sdelay $0x3  }
0x36: {  	p1 =	seq.s32 s10, $0x1;
	s10 =	sld [smem:$0x3FA0];
	_ =	sdelay $0x3  }
0x37: {  	[smem:$0x3FA0] =	sst s10  }
0x38: {  	s10 =	sld [smem:$0x3FA1]  }
0x39: {  	_ = 	snop;
	(pc) =	sbr.ind lr, $3  }
0x3a: {  	_ = 	snop  }
0x3b: {  	_ = 	snop  }
0x3c: {  	p2 =	seq.s32 s10, $0x1;
	s10 =	sld [smem:$0x3FA0]  }
0x3d: {  	_ =	shalt  }
0x3e: {  	_ =	shalt  }
0x3f: {  	_ =	shalt  }
0x40: {  	_ =	shalt  }
0x41: {  	_ =	shalt  }
0x42: {  	_ =	shalt  }
0x43: {  	_ =	shalt  }
0x44: {  	_ =	shalt  }
0x45: {  	_ =	shalt  }
0x46: {  	_ =	shalt  }
0x47: {  	_ =	shalt  }
0x48: {  	_ =	shalt  }
0x49: {  	_ =	shalt  }
0x4a: {  	_ =	shalt  }
0x4b: {  	_ =	shalt  }
0x4c: {  	_ =	shalt  }
0x4d: {  	_ =	shalt  }
0x4e: {  	_ =	shalt  }
0x4f: {  	_ =	shalt  }
0x50: {  	_ =	shalt  }
0x51: {  	_ =	shalt  }
0x52: {  	_ =	shalt  }
0x53: {  	_ =	shalt  }
0x54: {  	_ =	shalt  }
0x55: {  	_ =	shalt  }
0x56: {  	_ =	shalt  }
0x57: {  	_ =	shalt  }
0x58: {  	_ =	shalt  }
0x59: {  	_ =	shalt  }
0x5a: {  	_ =	shalt  }
0x5b: {  	_ =	shalt  }
0x5c: {  	_ =	shalt  }
0x5d: {  	_ =	shalt  }
0x5e: {  	_ =	shalt  }
0x5f: {  	_ =	shalt  }
0x60: {  	_ =	shalt  }
0x61: {  	_ =	shalt  }
0x62: {  	_ =	shalt  }
0x63: {  	_ =	shalt  }
0x64: {  	_ =	shalt  }
0x65: {  	_ =	shalt  }
0x66: {  	_ =	shalt  }
0x67: {  	_ =	shalt  }
0x68: {  	_ =	shalt  }
0x69: {  	_ =	shalt  }
0x6a: {  	_ =	shalt  }
0x6b: {  	_ =	shalt  }
0x6c: {  	_ =	shalt  }
0x6d: {  	_ =	shalt  }
0x6e: {  	_ =	shalt  }
0x6f: {  	_ =	shalt  }
0x70: {  	_ =	shalt  }
0x71: {  	_ =	shalt  }
0x72: {  	_ =	shalt  }
0x73: {  	_ =	shalt  }
0x74: {  	_ =	shalt  }
0x75: {  	_ =	shalt  }
0x76: {  	_ =	shalt  }
0x77: {  	_ =	shalt  }
0x78: {  	_ =	shalt  }
0x79: {  	_ =	shalt  }
0x7a: {  	_ =	shalt  }
0x7b: {  	_ =	shalt  }
0x7c: {  	_ =	shalt  }
0x7d: {  	_ =	shalt  }
0x7e: {  	_ =	shalt  }
0x7f: {  	_ =	shalt  }
0x80: {  	_ =	shalt  }
0x81: {  	_ =	shalt  }
0x82: {  	_ =	shalt  }
0x83: {  	_ =	shalt  }
0x84: {  	_ =	shalt  }
0x85: {  	_ =	shalt  }
0x86: {  	_ =	shalt  }
0x87: {  	_ =	shalt  }
.Lfunc_end0:
.L_simem_size_0:
called_computation.2_lowered:
.L_overlay_start_0:
0x88: {  	s2 =	sld [smem:$0x3FD9]  }
0x89: {  	s3 =	sld [smem:$0x3FFE];
	_ =	sdelay $0x1  }
0x8a: {  	s1 =	srdreg.scid  }
0x8b: {  	s0 =	sand.u32 $0x1, s1  }
0x8c: {  	s17 =	sshll.u32 s0, $0xA;
	s2 =	sadd.s32 s3, s2  }
0x8d: {  	s2 =	sadd.s32 s2, s17  }
0x8e: {  	[smem:$0x3FAC] =	sst s2  }
0x8f: {  	_ = 	snop  }
0x90: {  	(tm) =	ssettm $0x1  }
0x91: {  	s18 =	sld [smem:$0x3FFB];
	_ =	sdelay $0x3  }
0x92: {  	_ =	strace s18  }
0x93: {  	s2 =	sld [smem:$0x3FFC];
	_ =	sdelay $0x3  }
0x94: {  	_ =	strace s2  }
0x95: {  	s2 =	sld [smem:$0x3FFD];
	_ =	sdelay $0x3  }
0x96: {  	_ =	strace s2  }
0x97: {  	_ =	strace $0x8FFFFFFF  }
0x98: {  	s19 =	sld [smem:$0x3FDB];
	_ =	sdelay $0x1  }
0x99: {  	s20 =	simm.s32 $_scs_section_size  }
0x9a: {  	s4 =	simm.s32 $_size__tile_overlayer_lowered;
	s5 =	simm.s32 $_tile_overlayer_lowered  }
0x9b: {  	s6 =	simm.s32 $0x1BFF;
	s21 =	sshll.u32 s5, $0x1;
	s3 =	sadd.s32 s20, s19  }
0x9c: {  	s22 =	simm.s32 $0x0;
	s4 =	sshll.u32 s4, $0x1;
	s5 =	sadd.s32 s21, s3  }
0x9d: {  	[timem:s22], [sflag:s6] =	dma.local [hbm:s5], s4  }
0x9e: {  	_ =	swait.ge [sflag:s6], s4  }
0x9f: {  	s4 =	ssub.s32 $0x0, s4;
	[sflag:s6] =	ssyncset.done $0x0  }
0xa0: {  	[sflag:s6] =	ssyncadd.s32 s4;
	_ =	sdelay $0x1  }
0xa1: {  	s23 =	simm.s32 $0x1B8B  }
0xa2: {  	_ =	swait.ge [sflag:s23], $0x1  }
0xa3: {  	[sflag:s23] =	ssyncset.done $0x0  }
0xa4: {  	[sflag:s23] =	ssyncadd.s32 $0xFFFFFFFF  }
0xa5: {  	s4 =	sld [smem:$0x0]  }
0xa6: {  	s5 =	sand.u32 $0xFFFFFFFE, s1  }
0xa7: {  	p0 =	sne.s32 s1, s5  }
0xa8: {  	s5 =	sshll.u32 @p0 s5, $0xE  }
0xa9: {  	s5 =	sadd.s32 @p0 $0x11B8D, s5;
	s6 =	sshll.u32 @p0 s4, $0x11  }
0xaa: {  	s5 =	sor.u32 @p0 s6, s5  }
0xab: {  	[sflag:s5] =	ssyncadd.remote.s32 @p0 $0x1;
	_ =	sdelay $0x1  }
0xac: {  	s5 =	simm.s32 @p0 $0x1B8D  }
0xad: {  	_ =	swait.eq @p0 [sflag:s5], $0x1  }
0xae: {  	[sflag:s5] =	ssyncadd.s32 @p0 $0xFFFFFFFF  }
0xaf: {  	s6 =	sshll.u32 @!p0 s1, $0xE  }
0xb0: {  	s6 =	sor.u32 @!p0 $0x4000, s6;
	s5 =	simm.s32 @!p0 $0x1B8D  }
0xb1: {  	s4 =	sshll.u32 @!p0 s4, $0x11;
	s6 =	sadd.s32 @!p0 $0x11B8D, s6;
	_ =	swait.eq @!p0 [sflag:s5], $0x1  }
0xb2: {  	s4 =	sor.u32 @!p0 s4, s6;
	[sflag:s5] =	ssyncadd.s32 @!p0 $0xFFFFFFFF  }
0xb3: {  	s25 =	simm.s32 $0x1B8E;
	s24 =	sld [smem:$0x3FFE];
	[sflag:s4] =	ssyncadd.remote.s32 @!p0 $0x1  }
0xb4: {  	s26 =	simm.s32 $execute0_lowered;
	[smem:$0x3FD2] =	sst s25  }
0xb5: {  	s5 =	sshll.u32 s26, $0x1;
	_ =	strace $0x8000004C;
	[dreg:$0x1] =	wrdreg $0xFFFFFFFF  }
0xb6: {  	s28 =	simm.s32 $_size_execute0_lowered;
	s3 =	sadd.s32 s3, s5;
	[dreg:$0x0] =	wrdreg $0x0  }
0xb7: {  	s5 =	sshll.u32 s28, $0x1;
	[dreg:$0x2] =	wrdreg s3  }
0xb8: {  	[dreg:$0x3] =	wrdreg s5  }
0xb9: {  	[dreg:$0x4] =	wrdreg $0xC0  }
0xba: {  	_ =	task [dreg:s22], $0x5FFFF  }
0xbb: {  	[dreg:$0x1] =	wrdreg $0xFFFFFFFF  }
0xbc: {  	[dreg:$0x0] =	wrdreg $0x60  }
0xbd: {  	[dreg:$0x2] =	wrdreg s24  }
0xbe: {  	[dreg:$0x3] =	wrdreg $0xB  }
0xbf: {  	_ =	task.clear_ibuf [dreg:s22], $0x4FFFF;
	_ =	strace $0x9000004C  }
0xc0: {  	s29 =	simm.s32 $0xB;
	_ =	strace $0x8000004E  }
0xc1: {  	_ =	swait.ge [sflag:s29], $0x1  }
0xc2: {  	[sflag:s29] =	ssyncadd.s32 $0xFFFFFFFF  }
0xc3: {  	_ =	strace $0x9000004E  }
0xc4: {  	_ =	sfence  }
0xc5: {  	s30 =	sld [smem:$0x0];
	_ =	sdelay $0x2  }
0xc6: {  	s31 =	sshll.u32 s1, $0xD;
	s1 =	sshrl.u32 s1, $0x2  }
0xc7: {  	s4 =	sand.u32 $0x4000, s31;
	s1 =	sadd.s32 s1, s30  }
0xc8: {  	s0 =	sor.u32 s4, s0;
	s1 =	sshll.u32 s1, $0x11  }
0xc9: {  	s0 =	sor.u32 s1, s0  }
0xca: {  	s0 =	sadd.s32 $0x8F2B, s0  }
0xcb: {  	[sflag:s0] =	ssyncadd.remote.s32 $0x1  }
0xcc: {  	_ =	sfence.sel $0xFFFF  }
0xcd: {  	[dreg:$0x0] =	wrdreg $0xFFFFFFFF;
	(pc) =	sbr.abs _section_cstart, $3  }
0xce: {  	[dreg:$0x1] =	wrdreg $0xFFFFFFFF  }
0xcf: {  	_ =	task.clear_ibuf [dreg:s22], $0x2FFFF;
	_ =	strace $0x9FFFFFFF  }
0xd0: {  	(tm) =	ssettm $0x7FFFFFFF  }
0xd1: {  	_ =	shalt  }
tec
execute0_lowered:
.L_overlay_start_1:
0x0: {  	(tag) =	ssettag $0x1  }
0x1: {  	s1 =	srdreg.scid  }
0x2: {  	s0 =	stileid.u32;
	s4 =	rddreg [dreg:$0x0];
	s2 =	simm.s32 $0x0  }
0x3: {  	s9 =	simm.s32 $0x1400;
	s10 =	simm.s32 $0x5400;
	s11 =	simm.s32 $0x9400  }
0x4: {  	s12 =	simm.s32 $0xD400;
	s13 =	simm.s32 $0x11400;
	s14 =	simm.s32 $0x1  }
0x5: {  	s15 =	simm.s32 $0x2;
	s16 =	simm.s32 $0x0;
	s5 =	sand.u32 $0x1, s1  }
0x6: {  	s3 =	sshll.u32 s0, $0x1;
	[smem:$0x7FF] =	sst s2;
	s7 =	smul.u32 $0x28000, s0  }
0x7: {  	s3 =	sor.u32 s5, s3;
	s8 =	ssub.s32 $0x2, s5;
	s5 =	smul.u32 $0x14000, s5  }
0x8: {  	s1 =	rddreg [dreg:$0x1];
	_ =	strace $0x8000004D;
	s6 =	smul.u32 $0x1400, s3  }
0x9: {  	s3 =	sadd.s32 $0x53E00, s4;
	s7 =	sadd.s32 s7, s4;
	s30 =	sshrl.u32 s8, $0x1  }
0xa: {  	s8 =	ssub.s32 s8, s30;
	s31 =	sadd.s32 s5, s7;
	s6 =	sshrl.u32 s6, $0x3  }
0xb: {  	s7 =	simm.s32 $0x3;
	s5 =	smax.u32 s8, $0x1;
	s6 =	sadd.s32 s6, s4  }
0xc: {  	s8 =	simm.s32 $0x80;
	s4 =	sadd.s32 $0x1A5200, s6;
	s6 =	sadd.s32 $0x1AC200, s31  }
.LBB2_1:
0xd: {  	[tilespmem:s2], [sflag:$0x3] =	stream.linear.gather [hbm4b:s4+s2], $0x1400, $0x38;
	[tilespmem:$0x15400] =	vst v63  }
0xe: {  	_ =	swait.ge [sflag:s7], $0x1400  }
0xf: {  	[sflag:s7] =	ssyncset.done $0x0  }
0x10: {  	s17 =	simm.s32 $0x0;
	[sflag:s7] =	ssyncadd.s32 $0xFFFFEC00  }
0x11: {  	[tilespmem:s9], [sflag:$0x1] =	stream.indirect.gather [hbm4b:s3+s8], $0x80, s17, s8, $0xb8;
	[tilespmem:$0x15400] =	vst v63  }
0x12: {  	s23 =	simm.s32 $0x80  }
0x13: {  	[tilespmem:s10], [sflag:$0x1] =	stream.indirect.gather [hbm4b:s3+s8], $0x80, s23, s8, $0xb8;
	[tilespmem:$0x15400] =	vst v63  }
0x14: {  	s24 =	simm.s32 $0x100  }
0x15: {  	[tilespmem:s11], [sflag:$0x1] =	stream.indirect.gather [hbm4b:s3+s8], $0x80, s24, s8, $0xb8;
	[tilespmem:$0x15400] =	vst v63  }
0x16: {  	s25 =	simm.s32 $0x180  }
0x17: {  	[tilespmem:s12], [sflag:$0x1] =	stream.indirect.gather [hbm4b:s3+s8], $0x80, s25, s8, $0xb8;
	[tilespmem:$0x15400] =	vst v63  }
0x18: {  	s26 =	simm.s32 $0x200  }
0x19: {  	[tilespmem:s13], [sflag:$0x1] =	stream.indirect.gather [hbm4b:s3+s8], $0x80, s26, s8, $0xb8;
	[tilespmem:$0x15400] =	vst v63  }
0x1a: {  	_ =	swait.ge [sflag:s14], $0x4000  }
0x1b: {  	[sflag:s14] =	ssyncset.done $0x0  }
0x1c: {  	[sflag:s14] =	ssyncadd.s32 $0xFFFFC000  }
0x1d: {  	_ =	swait.ge [sflag:s14], $0x4000  }
0x1e: {  	[sflag:s14] =	ssyncset.done $0x0  }
0x1f: {  	[sflag:s14] =	ssyncadd.s32 $0xFFFFC000  }
0x20: {  	_ =	swait.ge [sflag:s14], $0x4000  }
0x21: {  	[sflag:s14] =	ssyncset.done $0x0  }
0x22: {  	[sflag:s14] =	ssyncadd.s32 $0xFFFFC000  }
0x23: {  	_ =	swait.ge [sflag:s14], $0x4000  }
0x24: {  	[sflag:s14] =	ssyncset.done $0x0  }
0x25: {  	[sflag:s14] =	ssyncadd.s32 $0xFFFFC000  }
0x26: {  	_ =	swait.ge [sflag:s14], $0x4000  }
0x27: {  	[sflag:s14] =	ssyncset.done $0x0  }
0x28: {  	s28 =	sadd.s32 $0xFFFFE000, s6;
	[sflag:s14] =	ssyncadd.s32 $0xFFFFC000  }
0x29: {  	[hbm4b:s28+s2] =	stream.linear.scatter [tilespmem:s9], [sflag:$0x2], $0x4000, $0x38;
	[tilespmem:$0x15400] =	vst v63  }
0x2a: {  	s29 =	sadd.s32 $0xFFFFE800, s6  }
0x2b: {  	[hbm4b:s29+s2] =	stream.linear.scatter [tilespmem:s10], [sflag:$0x2], $0x4000, $0x38;
	[tilespmem:$0x15400] =	vst v63  }
0x2c: {  	s30 =	sadd.s32 $0xFFFFF000, s6  }
0x2d: {  	[hbm4b:s30+s2] =	stream.linear.scatter [tilespmem:s11], [sflag:$0x2], $0x4000, $0x38;
	[tilespmem:$0x15400] =	vst v63  }
0x2e: {  	s31 =	sadd.s32 $0xFFFFF800, s6  }
0x2f: {  	[hbm4b:s31+s2] =	stream.linear.scatter [tilespmem:s12], [sflag:$0x2], $0x4000, $0x38;
	[tilespmem:$0x15400] =	vst v63  }
0x30: {  	_ = 	snop  }
0x31: {  	[hbm4b:s6+s2] =	stream.linear.scatter [tilespmem:s13], [sflag:$0x2], $0x4000, $0x38;
	[tilespmem:$0x15400] =	vst v63  }
0x32: {  	_ =	swait.ge [sflag:s15], $0x4000  }
0x33: {  	[sflag:s15] =	ssyncset.done $0x0  }
0x34: {  	[sflag:s15] =	ssyncadd.s32 $0xFFFFC000  }
0x35: {  	_ =	swait.ge [sflag:s15], $0x4000  }
0x36: {  	[sflag:s15] =	ssyncset.done $0x0  }
0x37: {  	[sflag:s15] =	ssyncadd.s32 $0xFFFFC000  }
0x38: {  	_ =	swait.ge [sflag:s15], $0x4000  }
0x39: {  	[sflag:s15] =	ssyncset.done $0x0  }
0x3a: {  	[sflag:s15] =	ssyncadd.s32 $0xFFFFC000  }
0x3b: {  	_ =	swait.ge [sflag:s15], $0x4000  }
0x3c: {  	[sflag:s15] =	ssyncset.done $0x0  }
0x3d: {  	[sflag:s15] =	ssyncadd.s32 $0xFFFFC000  }
0x3e: {  	s18 =	simm.s32 $0xA00;
	_ =	swait.ge [sflag:s15], $0x4000  }
0x3f: {  	s20 =	simm.s32 $0x1400;
	s17 =	sadd.s32 $0x2800, s6;
	[sflag:s15] =	ssyncset.done $0x0  }
.LBB2_2:
0x40: {  	s21 =	sshra.s32 s18, $0x2  }
0x41: {  	[sflag:s15] =	ssyncadd.s32 $0xFFFFC000;
	s18 =	smov.u32 s20;
	s19 =	sadd.s32 $0xA00, s20  }
0x42: {  	[tilespmem:s9], [sflag:$0x1] =	stream.indirect.gather [hbm4b:s3+s8], $0x80, s21, s8, $0xb8;
	[tilespmem:$0x15400] =	vst v63  }
0x43: {  	p0 =	sne.s32 s20, $0x4600;
	s20 =	sadd.s32 $0x80, s21  }
0x44: {  	[tilespmem:s10], [sflag:$0x1] =	stream.indirect.gather [hbm4b:s3+s8], $0x80, s20, s8, $0xb8;
	[tilespmem:$0x15400] =	vst v63  }
0x45: {  	s20 =	sadd.s32 $0x100, s21  }
0x46: {  	[tilespmem:s11], [sflag:$0x1] =	stream.indirect.gather [hbm4b:s3+s8], $0x80, s20, s8, $0xb8;
	[tilespmem:$0x15400] =	vst v63  }
0x47: {  	s20 =	sadd.s32 $0x180, s21  }
0x48: {  	[tilespmem:s12], [sflag:$0x1] =	stream.indirect.gather [hbm4b:s3+s8], $0x80, s20, s8, $0xb8;
	[tilespmem:$0x15400] =	vst v63  }
0x49: {  	s20 =	sadd.s32 $0x200, s21  }
0x4a: {  	[tilespmem:s13], [sflag:$0x1] =	stream.indirect.gather [hbm4b:s3+s8], $0x80, s20, s8, $0xb8;
	[tilespmem:$0x15400] =	vst v63  }
0x4b: {  	_ =	swait.ge [sflag:s14], $0x4000  }
0x4c: {  	[sflag:s14] =	ssyncset.done $0x0  }
0x4d: {  	[sflag:s14] =	ssyncadd.s32 $0xFFFFC000  }
0x4e: {  	_ =	swait.ge [sflag:s14], $0x4000  }
0x4f: {  	[sflag:s14] =	ssyncset.done $0x0  }
0x50: {  	[sflag:s14] =	ssyncadd.s32 $0xFFFFC000  }
0x51: {  	_ =	swait.ge [sflag:s14], $0x4000  }
0x52: {  	[sflag:s14] =	ssyncset.done $0x0  }
0x53: {  	[sflag:s14] =	ssyncadd.s32 $0xFFFFC000  }
0x54: {  	_ =	swait.ge [sflag:s14], $0x4000  }
0x55: {  	[sflag:s14] =	ssyncset.done $0x0  }
0x56: {  	[sflag:s14] =	ssyncadd.s32 $0xFFFFC000  }
0x57: {  	_ =	swait.ge [sflag:s14], $0x4000  }
0x58: {  	[sflag:s14] =	ssyncset.done $0x0  }
0x59: {  	s20 =	sadd.s32 $0xFFFFE000, s17;
	[sflag:s14] =	ssyncadd.s32 $0xFFFFC000  }
0x5a: {  	[hbm4b:s20+s2] =	stream.linear.scatter [tilespmem:s9], [sflag:$0x2], $0x4000, $0x38;
	[tilespmem:$0x15400] =	vst v63  }
0x5b: {  	s20 =	sadd.s32 $0xFFFFE800, s17  }
0x5c: {  	[hbm4b:s20+s2] =	stream.linear.scatter [tilespmem:s10], [sflag:$0x2], $0x4000, $0x38;
	[tilespmem:$0x15400] =	vst v63  }
0x5d: {  	s20 =	sadd.s32 $0xFFFFF000, s17  }
0x5e: {  	[hbm4b:s20+s2] =	stream.linear.scatter [tilespmem:s11], [sflag:$0x2], $0x4000, $0x38;
	[tilespmem:$0x15400] =	vst v63  }
0x5f: {  	s20 =	sadd.s32 $0xFFFFF800, s17  }
0x60: {  	[hbm4b:s20+s2] =	stream.linear.scatter [tilespmem:s12], [sflag:$0x2], $0x4000, $0x38;
	[tilespmem:$0x15400] =	vst v63  }
0x61: {  	_ = 	snop  }
0x62: {  	[hbm4b:s17+s2] =	stream.linear.scatter [tilespmem:s13], [sflag:$0x2], $0x4000, $0x38;
	[tilespmem:$0x15400] =	vst v63  }
0x63: {  	_ =	swait.ge [sflag:s15], $0x4000  }
0x64: {  	[sflag:s15] =	ssyncset.done $0x0  }
0x65: {  	[sflag:s15] =	ssyncadd.s32 $0xFFFFC000  }
0x66: {  	_ =	swait.ge [sflag:s15], $0x4000  }
0x67: {  	[sflag:s15] =	ssyncset.done $0x0  }
0x68: {  	[sflag:s15] =	ssyncadd.s32 $0xFFFFC000  }
0x69: {  	_ =	swait.ge [sflag:s15], $0x4000  }
0x6a: {  	[sflag:s15] =	ssyncset.done $0x0  }
0x6b: {  	[sflag:s15] =	ssyncadd.s32 $0xFFFFC000  }
.Ltmp0:
0x6c: {  	_ =	swait.ge [sflag:s15], $0x4000;
	(pc) =	sbr.rel @p0 .LBB2_2-.Ltmp0, $4  }
0x6d: {  	[sflag:s15] =	ssyncset.done $0x0  }
0x6e: {  	[sflag:s15] =	ssyncadd.s32 $0xFFFFC000  }
0x6f: {  	_ =	swait.ge [sflag:s15], $0x4000  }
0x70: {  	s20 =	smov.u32 s19;
	s17 =	sadd.s32 $0x2800, s17;
	[sflag:s15] =	ssyncset.done $0x0  }
0x71: {  	s18 =	sshra.s32 s18, $0x2;
	[sflag:s15] =	ssyncadd.s32 $0xFFFFC000  }
0x72: {  	[tilespmem:s9], [sflag:$0x1] =	stream.indirect.gather [hbm4b:s3+s8], $0x80, s18, s8, $0xb8;
	[tilespmem:$0x15400] =	vst v63  }
0x73: {  	s19 =	sadd.s32 $0x80, s18  }
0x74: {  	[tilespmem:s10], [sflag:$0x1] =	stream.indirect.gather [hbm4b:s3+s8], $0x80, s19, s8, $0xb8;
	[tilespmem:$0x15400] =	vst v63  }
0x75: {  	s25 =	sadd.s32 $0x100, s18  }
0x76: {  	[tilespmem:s11], [sflag:$0x1] =	stream.indirect.gather [hbm4b:s3+s8], $0x80, s25, s8, $0xb8;
	[tilespmem:$0x15400] =	vst v63  }
0x77: {  	s26 =	sadd.s32 $0x180, s18  }
0x78: {  	[tilespmem:s12], [sflag:$0x1] =	stream.indirect.gather [hbm4b:s3+s8], $0x80, s26, s8, $0xb8;
	[tilespmem:$0x15400] =	vst v63  }
0x79: {  	s18 =	sadd.s32 $0x200, s18  }
0x7a: {  	[tilespmem:s13], [sflag:$0x1] =	stream.indirect.gather [hbm4b:s3+s8], $0x80, s18, s8, $0xb8;
	[tilespmem:$0x15400] =	vst v63  }
0x7b: {  	_ =	swait.ge [sflag:s14], $0x4000  }
0x7c: {  	[sflag:s14] =	ssyncset.done $0x0  }
0x7d: {  	[sflag:s14] =	ssyncadd.s32 $0xFFFFC000  }
0x7e: {  	_ =	swait.ge [sflag:s14], $0x4000  }
0x7f: {  	[sflag:s14] =	ssyncset.done $0x0  }
0x80: {  	[sflag:s14] =	ssyncadd.s32 $0xFFFFC000  }
0x81: {  	_ =	swait.ge [sflag:s14], $0x4000  }
0x82: {  	[sflag:s14] =	ssyncset.done $0x0  }
0x83: {  	[sflag:s14] =	ssyncadd.s32 $0xFFFFC000  }
0x84: {  	_ =	swait.ge [sflag:s14], $0x4000  }
0x85: {  	[sflag:s14] =	ssyncset.done $0x0  }
0x86: {  	[sflag:s14] =	ssyncadd.s32 $0xFFFFC000  }
0x87: {  	_ =	swait.ge [sflag:s14], $0x4000  }
0x88: {  	[sflag:s14] =	ssyncset.done $0x0  }
0x89: {  	s28 =	sadd.s32 $0xFFFFE000, s17;
	[sflag:s14] =	ssyncadd.s32 $0xFFFFC000  }
0x8a: {  	[hbm4b:s28+s2] =	stream.linear.scatter [tilespmem:s9], [sflag:$0x2], $0x4000, $0x38;
	[tilespmem:$0x15400] =	vst v63  }
0x8b: {  	s29 =	sadd.s32 $0xFFFFE800, s17  }
0x8c: {  	[hbm4b:s29+s2] =	stream.linear.scatter [tilespmem:s10], [sflag:$0x2], $0x4000, $0x38;
	[tilespmem:$0x15400] =	vst v63  }
0x8d: {  	s30 =	sadd.s32 $0xFFFFF000, s17  }
0x8e: {  	[hbm4b:s30+s2] =	stream.linear.scatter [tilespmem:s11], [sflag:$0x2], $0x4000, $0x38;
	[tilespmem:$0x15400] =	vst v63  }
0x8f: {  	s31 =	sadd.s32 $0xFFFFF800, s17  }
0x90: {  	[hbm4b:s31+s2] =	stream.linear.scatter [tilespmem:s12], [sflag:$0x2], $0x4000, $0x38;
	[tilespmem:$0x15400] =	vst v63  }
0x91: {  	_ = 	snop  }
0x92: {  	[hbm4b:s17+s2] =	stream.linear.scatter [tilespmem:s13], [sflag:$0x2], $0x4000, $0x38;
	[tilespmem:$0x15400] =	vst v63  }
0x93: {  	_ =	swait.ge [sflag:s15], $0x4000  }
0x94: {  	[sflag:s15] =	ssyncset.done $0x0  }
0x95: {  	[sflag:s15] =	ssyncadd.s32 $0xFFFFC000  }
0x96: {  	_ =	swait.ge [sflag:s15], $0x4000  }
0x97: {  	[sflag:s15] =	ssyncset.done $0x0  }
0x98: {  	[sflag:s15] =	ssyncadd.s32 $0xFFFFC000  }
0x99: {  	_ =	swait.ge [sflag:s15], $0x4000  }
0x9a: {  	[sflag:s15] =	ssyncset.done $0x0  }
0x9b: {  	s16 =	sadd.s32 $0x1, s16;
	[sflag:s15] =	ssyncadd.s32 $0xFFFFC000  }
0x9c: {  	p0 =	sne.s32 s16, s5;
	_ =	swait.ge [sflag:s15], $0x4000  }
.Ltmp1:
0x9d: {  	[sflag:s15] =	ssyncset.done $0x0;
	(pc) =	sbr.rel @p0 .LBB2_1-.Ltmp1, $4  }
0x9e: {  	[sflag:s15] =	ssyncadd.s32 $0xFFFFC000  }
0x9f: {  	_ =	swait.ge [sflag:s15], $0x4000  }
0xa0: {  	[sflag:s15] =	ssyncset.done $0x0  }
0xa1: {  	[sflag:s15] =	ssyncadd.s32 $0xFFFFC000  }
0xa2: {  	_ =	sfence.sel $0x180000  }
0xa3: {  	[bflag:$0x0] =	sbarrier.arrive $0xFFFF  }
0xa4: {  	p0 =	sne.s32 s0, $0x0;
	_ =	strace $0x9000004D  }
0xa5: {  	s0 =	sadd.s32 @!p0 $0x100000, s1;
	[bflag:$0x2] =	sbarrier.arrive $0xFFFF  }
0xa6: {  	[sflag:s0] =	ssyncadd.tile.s32 @!p0 $0x1;
	_ =	shalt  }
.Lfunc_end2:
_tile_overlayer_lowered:
.L_overlay_start_2:
0xa7: {  	(tag) =	ssettag $0x2  }
0xa8: {  	s0 =	rddreg [dreg:$0x0];
	s2 =	stileid.u32  }
0xa9: {  	s1 =	rddreg [dreg:$0x1];
	p0 =	sne.s32 s2, $0x0  }
0xaa: {  	s3 =	rddreg [dreg:$0x2];
	[bflag:$0x3] =	sbarrier.arrive $0xFFFF;
	s2 =	simm.s32 @!p0 $0x1C03  }
0xab: {  	[timem:s3], [sflag:s2] =	dma.local @!p0 [hbm:s0], s1  }
0xac: {  	s0 =	simm.s32 @!p0 $0x3  }
0xad: {  	_ =	swait.ge @!p0 [sflag:s0], s1  }
0xae: {  	s1 =	ssub.s32 @!p0 $0x0, s1;
	[sflag:s0] =	ssyncset.done @!p0 $0x0  }
0xaf: {  	[sflag:s0] =	ssyncadd.s32 @!p0 s1  }
0xb0: {  	[bflag:$0x3] =	sbarrier.arrive $0xFFFF  }
0xb1: {  	_ =	shalt  }

// kernel: kernel.24.cloned.1.call-start
scs
__scs_entry_jumppad:
0x0: {  	(pc) =	sbr.rel $0x88, $3  }
0x1: {  	(tag) =	ssettag $0x0;
	lr =	simm.s32 $0x1  }
0x2: {  	[smem:$0x3F85] =	sst lr;
	_ =	strace $0xD0000000  }
0x3: {  	_ = 	snop  }
0x4: {  	_ = 	snop  }
0x5: {  	_ = 	snop  }
0x6: {  	_ = 	snop  }
0x7: {  	_ = 	snop  }
__scs_overlays_trampoline_lowered:
0x8: {  	[smem:$0x3F94] =	sst s0  }
0x9: {  	[smem:$0x3F95] =	sst s1  }
0xa: {  	[smem:$0x3F96] =	sst s2  }
0xb: {  	[smem:$0x3F97] =	sst s3  }
0xc: {  	[smem:$0x3F98] =	sst s4  }
0xd: {  	[smem:$0x3F99] =	sst s5  }
0xe: {  	[smem:$0x3F9A] =	sst s6  }
0xf: {  	[smem:$0x3F9B] =	sst s7  }
0x10: {  	[smem:$0x3F9C] =	sst s8  }
0x11: {  	[smem:$0x3F9D] =	sst s9;
	s0 =	simm.s32 @!p0 $0x0  }
0x12: {  	s1 =	sld [smem:$0x3F83];
	s0 =	simm.s32 @p0 $0x1  }
0x13: {  	[smem:$0x3F9E] =	sst s0;
	s0 =	simm.s32 @!p1 $0x0  }
0x14: {  	s2 =	sld [smem:$0x3F82];
	s0 =	simm.s32 @p1 $0x1  }
0x15: {  	[smem:$0x3F9F] =	sst s0;
	s0 =	simm.s32 @!p2 $0x0  }
0x16: {  	s3 =	sld [smem:$0x3FDB];
	s0 =	simm.s32 @p2 $0x1  }
0x17: {  	s4 =	simm.s32 $0x1BF5;
	[smem:$0x3FA1] =	sst s0  }
0x18: {  	s0 =	sld [smem:$0x3F84];
	_ =	swait.ge [sflag:s4], $0x0  }
0x19: {  	s7 =	sld [smem:$0x3F85]  }
0x1a: {  	s8 =	sadd.s32 $0xFFFFE003, lr  }
0x1b: {  	s9 =	sadd.s32 $0xFFFFFEF7, lr;
	s5 =	simm.s32 $0xFFFFFFFF;
	p2 =	slt.u32 s8, $0xFFFFF086  }
0x1c: {  	p1 =	slt.u32 s9, $0xF7A;
	s5 =	simm.s32 @!p2 $0x0  }
0x1d: {  	s5 =	simm.s32 @p1 $0x1;
	p0 =	seq.s32 s7, s2  }
0x1e: {  	s7 =	smul.u32 @!p0 $0xF7A, s2;
	p2 =	seq.s32 @!p0 s5, $0x0  }
0x1f: {  	s9 =	smul.u32 $0xF7A, s1;
	s8 =	simm.s32 @!p0 $0x1BF5;
	p2 =	por !p2, p0  }
0x20: {  	[sflag:s8] =	ssyncset.s32 @!p0 $0xFFFFF086;
	s6 =	sadd.s32 @!p0 s3, s7;
	s7 =	simm.s32 @!p0 $0x108  }
0x21: {  	s3 =	sadd.s32 s3, s9;
	s6 =	sadd.s32 @!p0 $0x88, s6;
	s7 =	simm.s32 @p2 $0x1082  }
0x22: {  	[simem:s7], [sflag:s8] =	dma.local @!p0 [hbm:s6], $0xF7A  }
0x23: {  	s9 =	sor.u32 $0xD0000000, s2;
	s6 =	simm.s32 $0x108;
	_ =	swait.ge @!p0 [sflag:s8], $0x0  }
0x24: {  	s3 =	sadd.s32 $0x88, s3;
	s6 =	simm.s32 @!p1 $0x1082;
	[sflag:s4] =	ssyncset.s32 $0xFFFFF086  }
0x25: {  	[simem:s6], [sflag:s4] =	dma.local [hbm:s3], $0xF7A  }
0x26: {  	[smem:$0x3F85] =	sst s1;
	(tag) =	ssettag s2;
	_ =	strace s9  }
0x27: {  	s1 =	sld [smem:$0x3F95]  }
0x28: {  	s2 =	sld [smem:$0x3F96]  }
0x29: {  	s4 =	sld [smem:$0x3F98]  }
0x2a: {  	p0 =	seq.s32 s5, $0x0;
	s5 =	sld [smem:$0x3F99]  }
0x2b: {  	s6 =	sld [smem:$0x3F9A]  }
0x2c: {  	s7 =	sld [smem:$0x3F9B]  }
0x2d: {  	s3 =	simm.s32 $0x108;
	s8 =	sld [smem:$0x3F9C]  }
0x2e: {  	s3 =	simm.s32 @!p0 $0x1082;
	s9 =	sld [smem:$0x3F9D]  }
0x2f: {  	lr =	sadd.s32 s0, s3;
	s0 =	sld [smem:$0x3F94]  }
0x30: {  	s3 =	sld [smem:$0x3F97]  }
0x31: {  	[smem:$0x3FA0] =	sst s10  }
0x32: {  	s10 =	sld [smem:$0x3F9E];
	_ =	sdelay $0x3  }
0x33: {  	p0 =	seq.s32 s10, $0x1;
	s10 =	sld [smem:$0x3FA0];
	_ =	sdelay $0x3  }
0x34: {  	[smem:$0x3FA0] =	sst s10  }
0x35: {  	s10 =	sld [smem:$0x3F9F];
	_ =	sdelay $0x3  }
0x36: {  	p1 =	seq.s32 s10, $0x1;
	s10 =	sld [smem:$0x3FA0];
	_ =	sdelay $0x3  }
0x37: {  	[smem:$0x3FA0] =	sst s10  }
0x38: {  	s10 =	sld [smem:$0x3FA1]  }
0x39: {  	_ = 	snop;
	(pc) =	sbr.ind lr, $3  }
0x3a: {  	_ = 	snop  }
0x3b: {  	_ = 	snop  }
0x3c: {  	p2 =	seq.s32 s10, $0x1;
	s10 =	sld [smem:$0x3FA0]  }
0x3d: {  	_ =	shalt  }
0x3e: {  	_ =	shalt  }
0x3f: {  	_ =	shalt  }
0x40: {  	_ =	shalt  }
0x41: {  	_ =	shalt  }
0x42: {  	_ =	shalt  }
0x43: {  	_ =	shalt  }
0x44: {  	_ =	shalt  }
0x45: {  	_ =	shalt  }
0x46: {  	_ =	shalt  }
0x47: {  	_ =	shalt  }
0x48: {  	_ =	shalt  }
0x49: {  	_ =	shalt  }
0x4a: {  	_ =	shalt  }
0x4b: {  	_ =	shalt  }
0x4c: {  	_ =	shalt  }
0x4d: {  	_ =	shalt  }
0x4e: {  	_ =	shalt  }
0x4f: {  	_ =	shalt  }
0x50: {  	_ =	shalt  }
0x51: {  	_ =	shalt  }
0x52: {  	_ =	shalt  }
0x53: {  	_ =	shalt  }
0x54: {  	_ =	shalt  }
0x55: {  	_ =	shalt  }
0x56: {  	_ =	shalt  }
0x57: {  	_ =	shalt  }
0x58: {  	_ =	shalt  }
0x59: {  	_ =	shalt  }
0x5a: {  	_ =	shalt  }
0x5b: {  	_ =	shalt  }
0x5c: {  	_ =	shalt  }
0x5d: {  	_ =	shalt  }
0x5e: {  	_ =	shalt  }
0x5f: {  	_ =	shalt  }
0x60: {  	_ =	shalt  }
0x61: {  	_ =	shalt  }
0x62: {  	_ =	shalt  }
0x63: {  	_ =	shalt  }
0x64: {  	_ =	shalt  }
0x65: {  	_ =	shalt  }
0x66: {  	_ =	shalt  }
0x67: {  	_ =	shalt  }
0x68: {  	_ =	shalt  }
0x69: {  	_ =	shalt  }
0x6a: {  	_ =	shalt  }
0x6b: {  	_ =	shalt  }
0x6c: {  	_ =	shalt  }
0x6d: {  	_ =	shalt  }
0x6e: {  	_ =	shalt  }
0x6f: {  	_ =	shalt  }
0x70: {  	_ =	shalt  }
0x71: {  	_ =	shalt  }
0x72: {  	_ =	shalt  }
0x73: {  	_ =	shalt  }
0x74: {  	_ =	shalt  }
0x75: {  	_ =	shalt  }
0x76: {  	_ =	shalt  }
0x77: {  	_ =	shalt  }
0x78: {  	_ =	shalt  }
0x79: {  	_ =	shalt  }
0x7a: {  	_ =	shalt  }
0x7b: {  	_ =	shalt  }
0x7c: {  	_ =	shalt  }
0x7d: {  	_ =	shalt  }
0x7e: {  	_ =	shalt  }
0x7f: {  	_ =	shalt  }
0x80: {  	_ =	shalt  }
0x81: {  	_ =	shalt  }
0x82: {  	_ =	shalt  }
0x83: {  	_ =	shalt  }
0x84: {  	_ =	shalt  }
0x85: {  	_ =	shalt  }
0x86: {  	_ =	shalt  }
0x87: {  	_ =	shalt  }
.Lfunc_end0:
.L_simem_size_0:
called_computation.3_lowered:
.L_overlay_start_0:
0x88: {  	s2 =	sld [smem:$0x3FD9]  }
0x89: {  	s3 =	sld [smem:$0x3FFE];
	_ =	sdelay $0x1  }
0x8a: {  	s1 =	srdreg.scid  }
0x8b: {  	s0 =	sand.u32 $0x1, s1  }
0x8c: {  	s17 =	sshll.u32 s0, $0xA;
	s2 =	sadd.s32 s3, s2  }
0x8d: {  	s2 =	sadd.s32 s2, s17  }
0x8e: {  	[smem:$0x3FAC] =	sst s2  }
0x8f: {  	_ = 	snop  }
0x90: {  	(tm) =	ssettm $0x1  }
0x91: {  	s18 =	sld [smem:$0x3FFB];
	_ =	sdelay $0x3  }
0x92: {  	_ =	strace s18  }
0x93: {  	s2 =	sld [smem:$0x3FFC];
	_ =	sdelay $0x3  }
0x94: {  	_ =	strace s2  }
0x95: {  	s2 =	sld [smem:$0x3FFD];
	_ =	sdelay $0x3  }
0x96: {  	_ =	strace s2  }
0x97: {  	_ =	strace $0x8FFFFFFF  }
0x98: {  	s19 =	sld [smem:$0x3FDB];
	_ =	sdelay $0x1  }
0x99: {  	s20 =	simm.s32 $_scs_section_size  }
0x9a: {  	s4 =	simm.s32 $_size__tile_overlayer_lowered;
	s5 =	simm.s32 $_tile_overlayer_lowered  }
0x9b: {  	s6 =	simm.s32 $0x1BFF;
	s21 =	sshll.u32 s5, $0x1;
	s3 =	sadd.s32 s20, s19  }
0x9c: {  	s22 =	simm.s32 $0x0;
	s4 =	sshll.u32 s4, $0x1;
	s5 =	sadd.s32 s21, s3  }
0x9d: {  	[timem:s22], [sflag:s6] =	dma.local [hbm:s5], s4  }
0x9e: {  	_ =	swait.ge [sflag:s6], s4  }
0x9f: {  	s4 =	ssub.s32 $0x0, s4;
	[sflag:s6] =	ssyncset.done $0x0  }
0xa0: {  	[sflag:s6] =	ssyncadd.s32 s4;
	_ =	sdelay $0x1  }
0xa1: {  	s23 =	simm.s32 $0x1B8B  }
0xa2: {  	_ =	swait.ge [sflag:s23], $0x1  }
0xa3: {  	[sflag:s23] =	ssyncset.done $0x0  }
0xa4: {  	[sflag:s23] =	ssyncadd.s32 $0xFFFFFFFF  }
0xa5: {  	s4 =	sld [smem:$0x0]  }
0xa6: {  	s5 =	sand.u32 $0xFFFFFFFE, s1  }
0xa7: {  	p0 =	sne.s32 s1, s5  }
0xa8: {  	s5 =	sshll.u32 @p0 s5, $0xE  }
0xa9: {  	s5 =	sadd.s32 @p0 $0x11B8D, s5;
	s6 =	sshll.u32 @p0 s4, $0x11  }
0xaa: {  	s5 =	sor.u32 @p0 s6, s5  }
0xab: {  	[sflag:s5] =	ssyncadd.remote.s32 @p0 $0x1;
	_ =	sdelay $0x1  }
0xac: {  	s5 =	simm.s32 @p0 $0x1B8D  }
0xad: {  	_ =	swait.eq @p0 [sflag:s5], $0x1  }
0xae: {  	[sflag:s5] =	ssyncadd.s32 @p0 $0xFFFFFFFF  }
0xaf: {  	s6 =	sshll.u32 @!p0 s1, $0xE  }
0xb0: {  	s6 =	sor.u32 @!p0 $0x4000, s6;
	s5 =	simm.s32 @!p0 $0x1B8D  }
0xb1: {  	s4 =	sshll.u32 @!p0 s4, $0x11;
	s6 =	sadd.s32 @!p0 $0x11B8D, s6;
	_ =	swait.eq @!p0 [sflag:s5], $0x1  }
0xb2: {  	s4 =	sor.u32 @!p0 s4, s6;
	[sflag:s5] =	ssyncadd.s32 @!p0 $0xFFFFFFFF  }
0xb3: {  	s25 =	simm.s32 $0x1B8E;
	s24 =	sld [smem:$0x3FFE];
	[sflag:s4] =	ssyncadd.remote.s32 @!p0 $0x1  }
0xb4: {  	s26 =	simm.s32 $execute0_lowered;
	[smem:$0x3FD2] =	sst s25  }
0xb5: {  	s5 =	sshll.u32 s26, $0x1;
	_ =	strace $0x80000049;
	[dreg:$0x1] =	wrdreg $0xFFFFFFFF  }
0xb6: {  	s28 =	simm.s32 $_size_execute0_lowered;
	s3 =	sadd.s32 s3, s5;
	[dreg:$0x0] =	wrdreg $0x0  }
0xb7: {  	s5 =	sshll.u32 s28, $0x1;
	[dreg:$0x2] =	wrdreg s3  }
0xb8: {  	[dreg:$0x3] =	wrdreg s5  }
0xb9: {  	[dreg:$0x4] =	wrdreg $0xC0  }
0xba: {  	_ =	task [dreg:s22], $0x5FFFF  }
0xbb: {  	[dreg:$0x1] =	wrdreg $0xFFFFFFFF  }
0xbc: {  	[dreg:$0x0] =	wrdreg $0x60  }
0xbd: {  	[dreg:$0x2] =	wrdreg s24  }
0xbe: {  	[dreg:$0x3] =	wrdreg $0xC  }
0xbf: {  	_ =	task.clear_ibuf [dreg:s22], $0x4FFFF;
	_ =	strace $0x90000049  }
0xc0: {  	s29 =	simm.s32 $0xC;
	_ =	strace $0x8000004B  }
0xc1: {  	_ =	swait.ge [sflag:s29], $0x1  }
0xc2: {  	[sflag:s29] =	ssyncadd.s32 $0xFFFFFFFF  }
0xc3: {  	_ =	strace $0x9000004B  }
0xc4: {  	_ =	sfence  }
0xc5: {  	s30 =	sld [smem:$0x0];
	_ =	sdelay $0x2  }
0xc6: {  	s31 =	sshll.u32 s1, $0xD;
	s1 =	sshrl.u32 s1, $0x2  }
0xc7: {  	s4 =	sand.u32 $0x4000, s31;
	s1 =	sadd.s32 s1, s30  }
0xc8: {  	s0 =	sor.u32 s4, s0;
	s1 =	sshll.u32 s1, $0x11  }
0xc9: {  	s0 =	sor.u32 s1, s0  }
0xca: {  	s0 =	sadd.s32 $0x8F2B, s0  }
0xcb: {  	[sflag:s0] =	ssyncadd.remote.s32 $0x1  }
0xcc: {  	_ =	sfence.sel $0xFFFF  }
0xcd: {  	[dreg:$0x0] =	wrdreg $0xFFFFFFFF;
	(pc) =	sbr.abs _section_cstart, $3  }
0xce: {  	[dreg:$0x1] =	wrdreg $0xFFFFFFFF  }
0xcf: {  	_ =	task.clear_ibuf [dreg:s22], $0x2FFFF;
	_ =	strace $0x9FFFFFFF  }
0xd0: {  	(tm) =	ssettm $0x7FFFFFFF  }
0xd1: {  	_ =	shalt  }
tec
execute0_lowered:
.L_overlay_start_1:
0x0: {  	(tag) =	ssettag $0x1  }
0x1: {  	s0 =	srdreg.scid  }
0x2: {  	s2 =	stileid.u32;
	s1 =	rddreg [dreg:$0x0]  }
0x3: {  	s28 =	simm.s32 $0x3;
	s16 =	simm.s32 $0x80;
	s11 =	simm.s32 $0x4500  }
0x4: {  	s29 =	simm.s32 $0x100;
	s12 =	simm.s32 $0x8500;
	s30 =	simm.s32 $0x180  }
0x5: {  	s13 =	simm.s32 $0xC500;
	s31 =	simm.s32 $0x200;
	s14 =	simm.s32 $0x10500  }
0x6: {  	s15 =	simm.s32 $0x1;
	p0 =	por $0x0, $0x0;
	s22 =	simm.s32 $0x280  }
0x7: {  	s23 =	simm.s32 $0x300;
	s24 =	simm.s32 $0x380;
	s25 =	simm.s32 $0x400  }
0x8: {  	s0 =	sand.u32 $0x1, s0;
	s3 =	sshll.u32 s2, $0x1;
	s6 =	sadd.s32 $0x105200, s1  }
0x9: {  	s2 =	simm.s32 $0x0;
	s8 =	sadd.s32 $0x105A00, s1;
	s26 =	sadd.s32 $0x106200, s1  }
0xa: {  	s9 =	sadd.s32 $0x106A00, s1;
	s4 =	sor.u32 s0, s3;
	[smem:$0x7FF] =	sst s2  }
0xb: {  	s3 =	sadd.s32 $0x53E00, s1;
	s0 =	ssub.s32 $0x2, s0;
	s5 =	smul.u32 $0xA0, s4  }
0xc: {  	_ =	strace $0x8000004A;
	s7 =	sshrl.u32 s0, $0x1;
	s4 =	smul.u32 $0x5000, s4  }
0xd: {  	s0 =	ssub.s32 s0, s7;
	s5 =	sadd.s32 s5, s1;
	s1 =	sadd.s32 $0x107200, s1  }
0xe: {  	s0 =	smax.u32 s0, $0x1;
	s17 =	sadd.s32 s6, s4;
	s18 =	sadd.s32 s4, s8  }
0xf: {  	s19 =	sadd.s32 s4, s26;
	s20 =	sadd.s32 s4, s9;
	p1 =	sne.s32 s0, $0x1  }
.Ltmp0:
0x10: {  	s10 =	sadd.s32 $0x2800, s4;
	s5 =	sadd.s32 $0x103E00, s5;
	(pc) =	sbr.rel @!p1 .LBB2_3-.Ltmp0, $4  }
0x11: {  	s21 =	sadd.s32 s4, s1;
	s4 =	sadd.s32 s6, s10;
	s6 =	sadd.s32 s10, s26  }
0x12: {  	s7 =	sadd.s32 s10, s9;
	s9 =	simm.s32 $0x2;
	s26 =	simm.s32 $0x480  }
0x13: {  	[dreg:$0x2] =	wrdreg s5;
	s5 =	sadd.s32 s10, s8;
	s8 =	sadd.s32 s10, s1  }
0x14: {  	s10 =	simm.s32 $0x500;
	s1 =	sadd.s32 $0xFFFFFFFF, s0;
	s0 =	rddreg [dreg:$0x2]  }
0x15: {  	[tilespmem:s2], [sflag:$0x3] =	stream.linear.gather [hbm4b:s0+s2], $0x500, $0x38;
	[tilespmem:$0x14500] =	vst v63  }
0x16: {  	_ =	swait.ge [sflag:s28], $0x500  }
0x17: {  	[sflag:s28] =	ssyncset.done $0x0  }
0x18: {  	[sflag:s28] =	ssyncadd.s32 $0xFFFFFB00  }
0x19: {  	[tilespmem:s10], [sflag:$0x1] =	stream.indirect.gather [hbm4b:s3+s16], $0x80, s2, s16, $0xb8;
	[tilespmem:$0x14500] =	vst v63  }
0x1a: {  	_ = 	snop  }
0x1b: {  	[tilespmem:s11], [sflag:$0x1] =	stream.indirect.gather [hbm4b:s3+s16], $0x80, s16, s16, $0xb8;
	[tilespmem:$0x14500] =	vst v63  }
0x1c: {  	_ = 	snop  }
0x1d: {  	[tilespmem:s12], [sflag:$0x1] =	stream.indirect.gather [hbm4b:s3+s16], $0x80, s29, s16, $0xb8;
	[tilespmem:$0x14500] =	vst v63  }
0x1e: {  	_ = 	snop  }
0x1f: {  	[tilespmem:s13], [sflag:$0x1] =	stream.indirect.gather [hbm4b:s3+s16], $0x80, s30, s16, $0xb8;
	[tilespmem:$0x14500] =	vst v63  }
0x20: {  	_ = 	snop  }
0x21: {  	[tilespmem:s14], [sflag:$0x1] =	stream.indirect.gather [hbm4b:s3+s16], $0x80, s31, s16, $0xb8;
	[tilespmem:$0x14500] =	vst v63  }
0x22: {  	_ =	swait.ge [sflag:s15], $0x4000  }
0x23: {  	[sflag:s15] =	ssyncset.done $0x0  }
0x24: {  	[sflag:s15] =	ssyncadd.s32 $0xFFFFC000  }
0x25: {  	_ =	swait.ge [sflag:s15], $0x4000  }
0x26: {  	[sflag:s15] =	ssyncset.done $0x0  }
0x27: {  	[sflag:s15] =	ssyncadd.s32 $0xFFFFC000  }
0x28: {  	_ =	swait.ge [sflag:s15], $0x4000  }
0x29: {  	[sflag:s15] =	ssyncset.done $0x0  }
0x2a: {  	[sflag:s15] =	ssyncadd.s32 $0xFFFFC000  }
0x2b: {  	_ =	swait.ge [sflag:s15], $0x4000  }
0x2c: {  	[sflag:s15] =	ssyncset.done $0x0  }
0x2d: {  	[sflag:s15] =	ssyncadd.s32 $0xFFFFC000  }
0x2e: {  	_ =	swait.ge [sflag:s15], $0x4000  }
0x2f: {  	[sflag:s15] =	ssyncset.done $0x0  }
0x30: {  	[sflag:s15] =	ssyncadd.s32 $0xFFFFC000  }
0x31: {  	[hbm4b:s17+s2] =	stream.linear.scatter [tilespmem:s10], [sflag:$0x2], $0x4000, $0x38;
	[tilespmem:$0x14500] =	vst v63  }
0x32: {  	_ = 	snop  }
0x33: {  	[hbm4b:s18+s2] =	stream.linear.scatter [tilespmem:s11], [sflag:$0x2], $0x4000, $0x38;
	[tilespmem:$0x14500] =	vst v63  }
0x34: {  	_ = 	snop  }
0x35: {  	[hbm4b:s19+s2] =	stream.linear.scatter [tilespmem:s12], [sflag:$0x2], $0x4000, $0x38;
	[tilespmem:$0x14500] =	vst v63  }
0x36: {  	_ = 	snop  }
0x37: {  	[hbm4b:s20+s2] =	stream.linear.scatter [tilespmem:s13], [sflag:$0x2], $0x4000, $0x38;
	[tilespmem:$0x14500] =	vst v63  }
0x38: {  	_ = 	snop  }
0x39: {  	[hbm4b:s21+s2] =	stream.linear.scatter [tilespmem:s14], [sflag:$0x2], $0x4000, $0x38;
	[tilespmem:$0x14500] =	vst v63  }
0x3a: {  	_ =	swait.ge [sflag:s9], $0x4000  }
0x3b: {  	[sflag:s9] =	ssyncset.done $0x0  }
0x3c: {  	[sflag:s9] =	ssyncadd.s32 $0xFFFFC000  }
0x3d: {  	_ =	swait.ge [sflag:s9], $0x4000  }
0x3e: {  	[sflag:s9] =	ssyncset.done $0x0  }
0x3f: {  	[sflag:s9] =	ssyncadd.s32 $0xFFFFC000  }
0x40: {  	_ =	swait.ge [sflag:s9], $0x4000  }
0x41: {  	[sflag:s9] =	ssyncset.done $0x0  }
0x42: {  	[sflag:s9] =	ssyncadd.s32 $0xFFFFC000  }
0x43: {  	_ =	swait.ge [sflag:s9], $0x4000  }
0x44: {  	[sflag:s9] =	ssyncset.done $0x0  }
0x45: {  	[sflag:s9] =	ssyncadd.s32 $0xFFFFC000  }
0x46: {  	_ =	swait.ge [sflag:s9], $0x4000  }
0x47: {  	[sflag:s9] =	ssyncset.done $0x0  }
0x48: {  	[sflag:s9] =	ssyncadd.s32 $0xFFFFC000  }
0x49: {  	[tilespmem:s10], [sflag:$0x1] =	stream.indirect.gather [hbm4b:s3+s16], $0x80, s22, s16, $0xb8;
	[tilespmem:$0x14500] =	vst v63  }
0x4a: {  	_ = 	snop  }
0x4b: {  	[tilespmem:s11], [sflag:$0x1] =	stream.indirect.gather [hbm4b:s3+s16], $0x80, s23, s16, $0xb8;
	[tilespmem:$0x14500] =	vst v63  }
0x4c: {  	_ = 	snop  }
0x4d: {  	[tilespmem:s12], [sflag:$0x1] =	stream.indirect.gather [hbm4b:s3+s16], $0x80, s24, s16, $0xb8;
	[tilespmem:$0x14500] =	vst v63  }
0x4e: {  	_ = 	snop  }
0x4f: {  	[tilespmem:s13], [sflag:$0x1] =	stream.indirect.gather [hbm4b:s3+s16], $0x80, s25, s16, $0xb8;
	[tilespmem:$0x14500] =	vst v63  }
0x50: {  	_ = 	snop  }
0x51: {  	[tilespmem:s14], [sflag:$0x1] =	stream.indirect.gather [hbm4b:s3+s16], $0x80, s26, s16, $0xb8;
	[tilespmem:$0x14500] =	vst v63  }
0x52: {  	_ =	swait.ge [sflag:s15], $0x4000  }
0x53: {  	[sflag:s15] =	ssyncset.done $0x0  }
0x54: {  	[sflag:s15] =	ssyncadd.s32 $0xFFFFC000  }
0x55: {  	_ =	swait.ge [sflag:s15], $0x4000  }
0x56: {  	[sflag:s15] =	ssyncset.done $0x0  }
0x57: {  	[sflag:s15] =	ssyncadd.s32 $0xFFFFC000  }
0x58: {  	_ =	swait.ge [sflag:s15], $0x4000  }
0x59: {  	[sflag:s15] =	ssyncset.done $0x0  }
0x5a: {  	[sflag:s15] =	ssyncadd.s32 $0xFFFFC000  }
0x5b: {  	_ =	swait.ge [sflag:s15], $0x4000  }
0x5c: {  	[sflag:s15] =	ssyncset.done $0x0  }
0x5d: {  	[sflag:s15] =	ssyncadd.s32 $0xFFFFC000  }
0x5e: {  	_ =	swait.ge [sflag:s15], $0x4000  }
0x5f: {  	[sflag:s15] =	ssyncset.done $0x0  }
0x60: {  	[sflag:s15] =	ssyncadd.s32 $0xFFFFC000  }
0x61: {  	[hbm4b:s4+s2] =	stream.linear.scatter [tilespmem:s10], [sflag:$0x2], $0x4000, $0x38;
	[tilespmem:$0x14500] =	vst v63  }
0x62: {  	_ = 	snop  }
0x63: {  	[hbm4b:s5+s2] =	stream.linear.scatter [tilespmem:s11], [sflag:$0x2], $0x4000, $0x38;
	[tilespmem:$0x14500] =	vst v63  }
0x64: {  	_ = 	snop  }
0x65: {  	[hbm4b:s6+s2] =	stream.linear.scatter [tilespmem:s12], [sflag:$0x2], $0x4000, $0x38;
	[tilespmem:$0x14500] =	vst v63  }
0x66: {  	_ = 	snop  }
0x67: {  	[hbm4b:s7+s2] =	stream.linear.scatter [tilespmem:s13], [sflag:$0x2], $0x4000, $0x38;
	[tilespmem:$0x14500] =	vst v63  }
0x68: {  	_ = 	snop  }
0x69: {  	[hbm4b:s8+s2] =	stream.linear.scatter [tilespmem:s14], [sflag:$0x2], $0x4000, $0x38;
	[tilespmem:$0x14500] =	vst v63  }
0x6a: {  	_ =	swait.ge [sflag:s9], $0x4000  }
0x6b: {  	[sflag:s9] =	ssyncset.done $0x0  }
0x6c: {  	[sflag:s9] =	ssyncadd.s32 $0xFFFFC000  }
0x6d: {  	_ =	swait.ge [sflag:s9], $0x4000  }
0x6e: {  	[sflag:s9] =	ssyncset.done $0x0  }
0x6f: {  	[sflag:s9] =	ssyncadd.s32 $0xFFFFC000  }
0x70: {  	_ =	swait.ge [sflag:s9], $0x4000  }
0x71: {  	[sflag:s9] =	ssyncset.done $0x0  }
0x72: {  	p1 =	sne.s32 s1, $0x1;
	[sflag:s9] =	ssyncadd.s32 $0xFFFFC000  }
.Ltmp1:
0x73: {  	_ =	swait.ge [sflag:s9], $0x4000;
	(pc) =	sbr.rel @!p1 .LBB2_3-.Ltmp1, $4  }
0x74: {  	[sflag:s9] =	ssyncset.done $0x0  }
0x75: {  	[sflag:s9] =	ssyncadd.s32 $0xFFFFC000  }
0x76: {  	s1 =	sadd.s32 $0xFFFFFFFF, s1;
	_ =	swait.ge [sflag:s9], $0x4000  }
0x77: {  	p0 =	por $0x1, $0x1;
	s0 =	rddreg [dreg:$0x2];
	[sflag:s9] =	ssyncset.done $0x0  }
.LBB2_2:
0x78: {  	[sflag:s9] =	ssyncadd.s32 $0xFFFFC000  }
0x79: {  	[tilespmem:s2], [sflag:$0x3] =	stream.linear.gather [hbm4b:s0+s2], $0x500, $0x38;
	[tilespmem:$0x14500] =	vst v63  }
0x7a: {  	_ =	swait.ge [sflag:s28], $0x500  }
0x7b: {  	[sflag:s28] =	ssyncset.done $0x0  }
0x7c: {  	[sflag:s28] =	ssyncadd.s32 $0xFFFFFB00  }
0x7d: {  	[tilespmem:s10], [sflag:$0x1] =	stream.indirect.gather [hbm4b:s3+s16], $0x80, s2, s16, $0xb8;
	[tilespmem:$0x14500] =	vst v63  }
0x7e: {  	_ = 	snop  }
0x7f: {  	[tilespmem:s11], [sflag:$0x1] =	stream.indirect.gather [hbm4b:s3+s16], $0x80, s16, s16, $0xb8;
	[tilespmem:$0x14500] =	vst v63  }
0x80: {  	_ = 	snop  }
0x81: {  	[tilespmem:s12], [sflag:$0x1] =	stream.indirect.gather [hbm4b:s3+s16], $0x80, s29, s16, $0xb8;
	[tilespmem:$0x14500] =	vst v63  }
0x82: {  	_ = 	snop  }
0x83: {  	[tilespmem:s13], [sflag:$0x1] =	stream.indirect.gather [hbm4b:s3+s16], $0x80, s30, s16, $0xb8;
	[tilespmem:$0x14500] =	vst v63  }
0x84: {  	_ = 	snop  }
0x85: {  	[tilespmem:s14], [sflag:$0x1] =	stream.indirect.gather [hbm4b:s3+s16], $0x80, s31, s16, $0xb8;
	[tilespmem:$0x14500] =	vst v63  }
0x86: {  	_ =	swait.ge [sflag:s15], $0x4000  }
0x87: {  	[sflag:s15] =	ssyncset.done $0x0  }
0x88: {  	[sflag:s15] =	ssyncadd.s32 $0xFFFFC000  }
0x89: {  	_ =	swait.ge [sflag:s15], $0x4000  }
0x8a: {  	[sflag:s15] =	ssyncset.done $0x0  }
0x8b: {  	[sflag:s15] =	ssyncadd.s32 $0xFFFFC000  }
0x8c: {  	_ =	swait.ge [sflag:s15], $0x4000  }
0x8d: {  	[sflag:s15] =	ssyncset.done $0x0  }
0x8e: {  	[sflag:s15] =	ssyncadd.s32 $0xFFFFC000  }
0x8f: {  	_ =	swait.ge [sflag:s15], $0x4000  }
0x90: {  	[sflag:s15] =	ssyncset.done $0x0  }
0x91: {  	[sflag:s15] =	ssyncadd.s32 $0xFFFFC000  }
0x92: {  	_ =	swait.ge [sflag:s15], $0x4000  }
0x93: {  	[sflag:s15] =	ssyncset.done $0x0  }
0x94: {  	[sflag:s15] =	ssyncadd.s32 $0xFFFFC000  }
0x95: {  	[hbm4b:s17+s2] =	stream.linear.scatter [tilespmem:s10], [sflag:$0x2], $0x4000, $0x38;
	[tilespmem:$0x14500] =	vst v63  }
0x96: {  	_ = 	snop  }
0x97: {  	[hbm4b:s18+s2] =	stream.linear.scatter [tilespmem:s11], [sflag:$0x2], $0x4000, $0x38;
	[tilespmem:$0x14500] =	vst v63  }
0x98: {  	_ = 	snop  }
0x99: {  	[hbm4b:s19+s2] =	stream.linear.scatter [tilespmem:s12], [sflag:$0x2], $0x4000, $0x38;
	[tilespmem:$0x14500] =	vst v63  }
0x9a: {  	_ = 	snop  }
0x9b: {  	[hbm4b:s20+s2] =	stream.linear.scatter [tilespmem:s13], [sflag:$0x2], $0x4000, $0x38;
	[tilespmem:$0x14500] =	vst v63  }
0x9c: {  	_ = 	snop  }
0x9d: {  	[hbm4b:s21+s2] =	stream.linear.scatter [tilespmem:s14], [sflag:$0x2], $0x4000, $0x38;
	[tilespmem:$0x14500] =	vst v63  }
0x9e: {  	_ =	swait.ge [sflag:s9], $0x4000  }
0x9f: {  	[sflag:s9] =	ssyncset.done $0x0  }
0xa0: {  	[sflag:s9] =	ssyncadd.s32 $0xFFFFC000  }
0xa1: {  	_ =	swait.ge [sflag:s9], $0x4000  }
0xa2: {  	[sflag:s9] =	ssyncset.done $0x0  }
0xa3: {  	[sflag:s9] =	ssyncadd.s32 $0xFFFFC000  }
0xa4: {  	_ =	swait.ge [sflag:s9], $0x4000  }
0xa5: {  	[sflag:s9] =	ssyncset.done $0x0  }
0xa6: {  	[sflag:s9] =	ssyncadd.s32 $0xFFFFC000  }
0xa7: {  	_ =	swait.ge [sflag:s9], $0x4000  }
0xa8: {  	[sflag:s9] =	ssyncset.done $0x0  }
0xa9: {  	[sflag:s9] =	ssyncadd.s32 $0xFFFFC000  }
0xaa: {  	_ =	swait.ge [sflag:s9], $0x4000  }
0xab: {  	[sflag:s9] =	ssyncset.done $0x0  }
0xac: {  	[sflag:s9] =	ssyncadd.s32 $0xFFFFC000  }
0xad: {  	[tilespmem:s10], [sflag:$0x1] =	stream.indirect.gather [hbm4b:s3+s16], $0x80, s22, s16, $0xb8;
	[tilespmem:$0x14500] =	vst v63  }
0xae: {  	_ = 	snop  }
0xaf: {  	[tilespmem:s11], [sflag:$0x1] =	stream.indirect.gather [hbm4b:s3+s16], $0x80, s23, s16, $0xb8;
	[tilespmem:$0x14500] =	vst v63  }
0xb0: {  	_ = 	snop  }
0xb1: {  	[tilespmem:s12], [sflag:$0x1] =	stream.indirect.gather [hbm4b:s3+s16], $0x80, s24, s16, $0xb8;
	[tilespmem:$0x14500] =	vst v63  }
0xb2: {  	_ = 	snop  }
0xb3: {  	[tilespmem:s13], [sflag:$0x1] =	stream.indirect.gather [hbm4b:s3+s16], $0x80, s25, s16, $0xb8;
	[tilespmem:$0x14500] =	vst v63  }
0xb4: {  	_ = 	snop  }
0xb5: {  	[tilespmem:s14], [sflag:$0x1] =	stream.indirect.gather [hbm4b:s3+s16], $0x80, s26, s16, $0xb8;
	[tilespmem:$0x14500] =	vst v63  }
0xb6: {  	_ =	swait.ge [sflag:s15], $0x4000  }
0xb7: {  	[sflag:s15] =	ssyncset.done $0x0  }
0xb8: {  	[sflag:s15] =	ssyncadd.s32 $0xFFFFC000  }
0xb9: {  	_ =	swait.ge [sflag:s15], $0x4000  }
0xba: {  	[sflag:s15] =	ssyncset.done $0x0  }
0xbb: {  	[sflag:s15] =	ssyncadd.s32 $0xFFFFC000  }
0xbc: {  	_ =	swait.ge [sflag:s15], $0x4000  }
0xbd: {  	[sflag:s15] =	ssyncset.done $0x0  }
0xbe: {  	[sflag:s15] =	ssyncadd.s32 $0xFFFFC000  }
0xbf: {  	_ =	swait.ge [sflag:s15], $0x4000  }
0xc0: {  	[sflag:s15] =	ssyncset.done $0x0  }
0xc1: {  	[sflag:s15] =	ssyncadd.s32 $0xFFFFC000  }
0xc2: {  	_ =	swait.ge [sflag:s15], $0x4000  }
0xc3: {  	[sflag:s15] =	ssyncset.done $0x0  }
0xc4: {  	[sflag:s15] =	ssyncadd.s32 $0xFFFFC000  }
0xc5: {  	[hbm4b:s4+s2] =	stream.linear.scatter [tilespmem:s10], [sflag:$0x2], $0x4000, $0x38;
	[tilespmem:$0x14500] =	vst v63  }
0xc6: {  	_ = 	snop  }
0xc7: {  	[hbm4b:s5+s2] =	stream.linear.scatter [tilespmem:s11], [sflag:$0x2], $0x4000, $0x38;
	[tilespmem:$0x14500] =	vst v63  }
0xc8: {  	_ = 	snop  }
0xc9: {  	[hbm4b:s6+s2] =	stream.linear.scatter [tilespmem:s12], [sflag:$0x2], $0x4000, $0x38;
	[tilespmem:$0x14500] =	vst v63  }
0xca: {  	_ = 	snop  }
0xcb: {  	[hbm4b:s7+s2] =	stream.linear.scatter [tilespmem:s13], [sflag:$0x2], $0x4000, $0x38;
	[tilespmem:$0x14500] =	vst v63  }
0xcc: {  	_ = 	snop  }
0xcd: {  	[hbm4b:s8+s2] =	stream.linear.scatter [tilespmem:s14], [sflag:$0x2], $0x4000, $0x38;
	[tilespmem:$0x14500] =	vst v63  }
0xce: {  	_ =	swait.ge [sflag:s9], $0x4000  }
0xcf: {  	[sflag:s9] =	ssyncset.done $0x0  }
0xd0: {  	[sflag:s9] =	ssyncadd.s32 $0xFFFFC000  }
0xd1: {  	_ =	swait.ge [sflag:s9], $0x4000  }
0xd2: {  	[sflag:s9] =	ssyncset.done $0x0  }
0xd3: {  	[sflag:s9] =	ssyncadd.s32 $0xFFFFC000  }
0xd4: {  	_ =	swait.ge [sflag:s9], $0x4000  }
0xd5: {  	[sflag:s9] =	ssyncset.done $0x0  }
0xd6: {  	p1 =	sne.s32 s1, $0x1;
	[sflag:s9] =	ssyncadd.s32 $0xFFFFC000  }
.Ltmp2:
0xd7: {  	_ =	swait.ge [sflag:s9], $0x4000;
	(pc) =	sbr.rel @p1 .LBB2_2-.Ltmp2, $4  }
0xd8: {  	[sflag:s9] =	ssyncset.done $0x0  }
0xd9: {  	[sflag:s9] =	ssyncadd.s32 $0xFFFFC000  }
0xda: {  	_ =	swait.ge [sflag:s9], $0x4000  }
0xdb: {  	s1 =	sadd.s32 $0xFFFFFFFF, s1;
	s0 =	rddreg [dreg:$0x2];
	[sflag:s9] =	ssyncset.done $0x0  }
.LBB2_3:
0xdc: {  	[sflag:s9] =	ssyncadd.s32 @p0 $0xFFFFC000  }
0xdd: {  	[tilespmem:s2], [sflag:$0x3] =	stream.linear.gather [hbm4b:s0+s2], $0x500, $0x38;
	[tilespmem:$0x14500] =	vst v63  }
0xde: {  	_ =	swait.ge [sflag:s28], $0x500  }
0xdf: {  	[sflag:s28] =	ssyncset.done $0x0  }
0xe0: {  	[sflag:s28] =	ssyncadd.s32 $0xFFFFFB00  }
0xe1: {  	[tilespmem:s10], [sflag:$0x1] =	stream.indirect.gather [hbm4b:s3+s16], $0x80, s2, s16, $0xb8;
	[tilespmem:$0x14500] =	vst v63  }
0xe2: {  	_ = 	snop  }
0xe3: {  	[tilespmem:s11], [sflag:$0x1] =	stream.indirect.gather [hbm4b:s3+s16], $0x80, s16, s16, $0xb8;
	[tilespmem:$0x14500] =	vst v63  }
0xe4: {  	_ = 	snop  }
0xe5: {  	[tilespmem:s12], [sflag:$0x1] =	stream.indirect.gather [hbm4b:s3+s16], $0x80, s29, s16, $0xb8;
	[tilespmem:$0x14500] =	vst v63  }
0xe6: {  	_ = 	snop  }
0xe7: {  	[tilespmem:s13], [sflag:$0x1] =	stream.indirect.gather [hbm4b:s3+s16], $0x80, s30, s16, $0xb8;
	[tilespmem:$0x14500] =	vst v63  }
0xe8: {  	_ = 	snop  }
0xe9: {  	[tilespmem:s14], [sflag:$0x1] =	stream.indirect.gather [hbm4b:s3+s16], $0x80, s31, s16, $0xb8;
	[tilespmem:$0x14500] =	vst v63  }
0xea: {  	_ =	swait.ge [sflag:s15], $0x4000  }
0xeb: {  	[sflag:s15] =	ssyncset.done $0x0  }
0xec: {  	[sflag:s15] =	ssyncadd.s32 $0xFFFFC000  }
0xed: {  	_ =	swait.ge [sflag:s15], $0x4000  }
0xee: {  	[sflag:s15] =	ssyncset.done $0x0  }
0xef: {  	[sflag:s15] =	ssyncadd.s32 $0xFFFFC000  }
0xf0: {  	_ =	swait.ge [sflag:s15], $0x4000  }
0xf1: {  	[sflag:s15] =	ssyncset.done $0x0  }
0xf2: {  	[sflag:s15] =	ssyncadd.s32 $0xFFFFC000  }
0xf3: {  	_ =	swait.ge [sflag:s15], $0x4000  }
0xf4: {  	[sflag:s15] =	ssyncset.done $0x0  }
0xf5: {  	[sflag:s15] =	ssyncadd.s32 $0xFFFFC000  }
0xf6: {  	_ =	swait.ge [sflag:s15], $0x4000  }
0xf7: {  	[sflag:s15] =	ssyncset.done $0x0  }
0xf8: {  	[sflag:s15] =	ssyncadd.s32 $0xFFFFC000  }
0xf9: {  	[hbm4b:s17+s2] =	stream.linear.scatter [tilespmem:s10], [sflag:$0x2], $0x4000, $0x38;
	[tilespmem:$0x14500] =	vst v63  }
0xfa: {  	_ = 	snop  }
0xfb: {  	[hbm4b:s18+s2] =	stream.linear.scatter [tilespmem:s11], [sflag:$0x2], $0x4000, $0x38;
	[tilespmem:$0x14500] =	vst v63  }
0xfc: {  	_ = 	snop  }
0xfd: {  	[hbm4b:s19+s2] =	stream.linear.scatter [tilespmem:s12], [sflag:$0x2], $0x4000, $0x38;
	[tilespmem:$0x14500] =	vst v63  }
0xfe: {  	_ = 	snop  }
0xff: {  	[hbm4b:s20+s2] =	stream.linear.scatter [tilespmem:s13], [sflag:$0x2], $0x4000, $0x38;
	[tilespmem:$0x14500] =	vst v63  }
0x100: {  	_ = 	snop  }
0x101: {  	[hbm4b:s21+s2] =	stream.linear.scatter [tilespmem:s14], [sflag:$0x2], $0x4000, $0x38;
	[tilespmem:$0x14500] =	vst v63  }
0x102: {  	_ =	swait.ge [sflag:s9], $0x4000  }
0x103: {  	[sflag:s9] =	ssyncset.done $0x0  }
0x104: {  	[sflag:s9] =	ssyncadd.s32 $0xFFFFC000  }
0x105: {  	_ =	swait.ge [sflag:s9], $0x4000  }
0x106: {  	[sflag:s9] =	ssyncset.done $0x0  }
0x107: {  	[sflag:s9] =	ssyncadd.s32 $0xFFFFC000  }
0x108: {  	_ =	swait.ge [sflag:s9], $0x4000  }
0x109: {  	[sflag:s9] =	ssyncset.done $0x0  }
0x10a: {  	[sflag:s9] =	ssyncadd.s32 $0xFFFFC000  }
0x10b: {  	_ =	swait.ge [sflag:s9], $0x4000  }
0x10c: {  	[sflag:s9] =	ssyncset.done $0x0  }
0x10d: {  	[sflag:s9] =	ssyncadd.s32 $0xFFFFC000  }
0x10e: {  	_ =	swait.ge [sflag:s9], $0x4000  }
0x10f: {  	[sflag:s9] =	ssyncset.done $0x0  }
0x110: {  	[sflag:s9] =	ssyncadd.s32 $0xFFFFC000  }
0x111: {  	[tilespmem:s10], [sflag:$0x1] =	stream.indirect.gather [hbm4b:s3+s16], $0x80, s22, s16, $0xb8;
	[tilespmem:$0x14500] =	vst v63  }
0x112: {  	_ = 	snop  }
0x113: {  	[tilespmem:s11], [sflag:$0x1] =	stream.indirect.gather [hbm4b:s3+s16], $0x80, s23, s16, $0xb8;
	[tilespmem:$0x14500] =	vst v63  }
0x114: {  	_ = 	snop  }
0x115: {  	[tilespmem:s12], [sflag:$0x1] =	stream.indirect.gather [hbm4b:s3+s16], $0x80, s24, s16, $0xb8;
	[tilespmem:$0x14500] =	vst v63  }
0x116: {  	_ = 	snop  }
0x117: {  	[tilespmem:s13], [sflag:$0x1] =	stream.indirect.gather [hbm4b:s3+s16], $0x80, s25, s16, $0xb8;
	[tilespmem:$0x14500] =	vst v63  }
0x118: {  	_ = 	snop  }
0x119: {  	[tilespmem:s14], [sflag:$0x1] =	stream.indirect.gather [hbm4b:s3+s16], $0x80, s26, s16, $0xb8;
	[tilespmem:$0x14500] =	vst v63  }
0x11a: {  	_ =	swait.ge [sflag:s15], $0x4000  }
0x11b: {  	[sflag:s15] =	ssyncset.done $0x0  }
0x11c: {  	[sflag:s15] =	ssyncadd.s32 $0xFFFFC000  }
0x11d: {  	_ =	swait.ge [sflag:s15], $0x4000  }
0x11e: {  	[sflag:s15] =	ssyncset.done $0x0  }
0x11f: {  	[sflag:s15] =	ssyncadd.s32 $0xFFFFC000  }
0x120: {  	_ =	swait.ge [sflag:s15], $0x4000  }
0x121: {  	[sflag:s15] =	ssyncset.done $0x0  }
0x122: {  	[sflag:s15] =	ssyncadd.s32 $0xFFFFC000  }
0x123: {  	_ =	swait.ge [sflag:s15], $0x4000  }
0x124: {  	[sflag:s15] =	ssyncset.done $0x0  }
0x125: {  	[sflag:s15] =	ssyncadd.s32 $0xFFFFC000  }
0x126: {  	_ =	swait.ge [sflag:s15], $0x4000  }
0x127: {  	[sflag:s15] =	ssyncset.done $0x0  }
0x128: {  	[sflag:s15] =	ssyncadd.s32 $0xFFFFC000  }
0x129: {  	[hbm4b:s4+s2] =	stream.linear.scatter [tilespmem:s10], [sflag:$0x2], $0x4000, $0x38;
	[tilespmem:$0x14500] =	vst v63  }
0x12a: {  	_ = 	snop  }
0x12b: {  	[hbm4b:s5+s2] =	stream.linear.scatter [tilespmem:s11], [sflag:$0x2], $0x4000, $0x38;
	[tilespmem:$0x14500] =	vst v63  }
0x12c: {  	_ = 	snop  }
0x12d: {  	[hbm4b:s6+s2] =	stream.linear.scatter [tilespmem:s12], [sflag:$0x2], $0x4000, $0x38;
	[tilespmem:$0x14500] =	vst v63  }
0x12e: {  	_ = 	snop  }
0x12f: {  	[hbm4b:s7+s2] =	stream.linear.scatter [tilespmem:s13], [sflag:$0x2], $0x4000, $0x38;
	[tilespmem:$0x14500] =	vst v63  }
0x130: {  	_ = 	snop  }
0x131: {  	[hbm4b:s8+s2] =	stream.linear.scatter [tilespmem:s14], [sflag:$0x2], $0x4000, $0x38;
	[tilespmem:$0x14500] =	vst v63  }
0x132: {  	_ =	swait.ge [sflag:s9], $0x4000  }
0x133: {  	[sflag:s9] =	ssyncset.done $0x0  }
0x134: {  	[sflag:s9] =	ssyncadd.s32 $0xFFFFC000  }
0x135: {  	_ =	swait.ge [sflag:s9], $0x4000  }
0x136: {  	[sflag:s9] =	ssyncset.done $0x0  }
0x137: {  	[sflag:s9] =	ssyncadd.s32 $0xFFFFC000  }
0x138: {  	_ =	swait.ge [sflag:s9], $0x4000  }
0x139: {  	[sflag:s9] =	ssyncset.done $0x0  }
0x13a: {  	[sflag:s9] =	ssyncadd.s32 $0xFFFFC000  }
0x13b: {  	_ =	swait.ge [sflag:s9], $0x4000  }
0x13c: {  	[sflag:s9] =	ssyncset.done $0x0  }
0x13d: {  	[sflag:s9] =	ssyncadd.s32 $0xFFFFC000  }
0x13e: {  	_ =	swait.ge [sflag:s9], $0x4000  }
0x13f: {  	[sflag:s9] =	ssyncset.done $0x0  }
0x140: {  	[sflag:s9] =	ssyncadd.s32 $0xFFFFC000  }
0x141: {  	_ =	sfence.sel $0x180000  }
0x142: {  	[bflag:$0x0] =	sbarrier.arrive $0xFFFF  }
0x143: {  	_ =	strace $0x9000004A  }
0x144: {  	s31 =	stileid.u32;
	[bflag:$0x2] =	sbarrier.arrive $0xFFFF  }
0x145: {  	p0 =	sne.s32 s31, $0x0;
	s0 =	rddreg [dreg:$0x1]  }
0x146: {  	s0 =	sadd.s32 @!p0 $0x100000, s0  }
0x147: {  	[sflag:s0] =	ssyncadd.tile.s32 @!p0 $0x1;
	_ =	shalt  }
.Lfunc_end2:
_tile_overlayer_lowered:
.L_overlay_start_2:
0x148: {  	(tag) =	ssettag $0x2  }
0x149: {  	s0 =	rddreg [dreg:$0x0];
	s2 =	stileid.u32  }
0x14a: {  	s1 =	rddreg [dreg:$0x1];
	p0 =	sne.s32 s2, $0x0  }
0x14b: {  	s3 =	rddreg [dreg:$0x2];
	[bflag:$0x3] =	sbarrier.arrive $0xFFFF;
	s2 =	simm.s32 @!p0 $0x1C03  }
0x14c: {  	[timem:s3], [sflag:s2] =	dma.local @!p0 [hbm:s0], s1  }
0x14d: {  	s0 =	simm.s32 @!p0 $0x3  }
0x14e: {  	_ =	swait.ge @!p0 [sflag:s0], s1  }
0x14f: {  	s1 =	ssub.s32 @!p0 $0x0, s1;
	[sflag:s0] =	ssyncset.done @!p0 $0x0  }
0x150: {  	[sflag:s0] =	ssyncadd.s32 @!p0 s1  }
0x151: {  	[bflag:$0x3] =	sbarrier.arrive $0xFFFF  }
0x152: {  	_ =	shalt  }

</sc_bundles>
